<compile_context>
chip_gen: v7x
topology: tpu7x:2x2x1
jax: 0.10.2.dev20260603
libtpu: 0.0.44.dev20260713+nightly
codegen_flags: <defaults>
</compile_context>

<pallas_src>
import functools
import math

import jax
import jax.numpy as jnp
import numpy as np
from jax import lax
from jax.experimental import pallas as pl
from jax.experimental.pallas import tpu as pltpu
from jax.experimental.pallas import tpu_sc as plsc

_VOCAB = 256
_EMB = 128
_N_W = 12
_N_VEC = 4096
_N_DIM = 128
_N_LINK = 12
_NH_F = 256
_B = 4
_MAXOFF = 2048
_TG = 1024
_NTG = _N_VEC // _TG
_TR = 256
_NTR = _N_VEC // _TR
_NWC = _N_LINK + 1
_GW = _N_DIM + _N_W * _NWC
_GP = 384

_SC_NC, _SC_NS = 2, 16
_SC_NW = _SC_NC * _SC_NS
_SC_ROWS = _B * _N_VEC
_SC_PER_W = _SC_ROWS // _SC_NW
_SC_CH = 128
_SC_NCH = _SC_PER_W // _SC_CH


def _make_pe4() -> np.ndarray:
    pe = np.zeros((_B, _EMB), dtype=np.float32)
    position = np.arange(_B, dtype=np.float32)[:, None]
    div_term = np.exp(
        np.arange(0, _EMB, 2, dtype=np.float32) * (-math.log(10000.0) / _EMB)
    )
    pe[:, 0::2] = np.sin(position * div_term)
    pe[:, 1::2] = np.cos(position * div_term)
    return pe


_PE4 = _make_pe4()
_SQRT_HALF = 0.7071067811865476


def _gelu(x):
    return 0.5 * x * (1.0 + jax.lax.erf(x * _SQRT_HALF))


def _tables_body(
    emb_ref,
    gw1_ref,
    gb1_ref,
    gw2_ref,
    gb2_ref,
    fw1_ref,
    fb1_ref,
    fw2_ref,
    fb2_ref,
    pe4_ref,
    cat_ref,
):
    emb = emb_ref[...]
    for b in range(_B):
        di = emb + pe4_ref[b : b + 1, :]
        hg = _gelu(
            jnp.dot(di, gw1_ref[...], preferred_element_type=jnp.float32)
            + gb1_ref[...]
        )
        cat_ref[b * _VOCAB : (b + 1) * _VOCAB, 0:_N_DIM] = (
            jnp.dot(hg, gw2_ref[...], preferred_element_type=jnp.float32)
            + gb2_ref[...]
        )
        for i in range(_N_W):
            w1i = fw1_ref[:, i * _NH_F : (i + 1) * _NH_F]
            hf = _gelu(
                jnp.dot(di, w1i, preferred_element_type=jnp.float32)
                + fb1_ref[:, i * _NH_F : (i + 1) * _NH_F]
            )
            cat_ref[
                b * _VOCAB : (b + 1) * _VOCAB,
                _N_DIM + i * _NWC : _N_DIM + (i + 1) * _NWC,
            ] = (
                jnp.dot(hf, fw2_ref[i], preferred_element_type=jnp.float32)
                + fb2_ref[i]
            )
        cat_ref[b * _VOCAB : (b + 1) * _VOCAB, _GW:_GP] = jnp.zeros(
            (_VOCAB, _GP - _GW), jnp.float32
        )


@functools.partial(
    pl.kernel,
    mesh=plsc.VectorSubcoreMesh(core_axis_name="c", subcore_axis_name="s"),
    out_type=jax.ShapeDtypeStruct((_SC_ROWS, _GP), jnp.float32),
    scratch_types=[
        pltpu.VMEM((_SC_CH,), jnp.int32),
        pltpu.VMEM((_SC_CH, _GP), jnp.float32),
        pltpu.SemaphoreType.DMA,
    ],
)
def _sc_gather(table_hbm, idx_hbm, out_hbm, idx_v, rows_v, sem):
    wid = lax.axis_index("s") * _SC_NC + lax.axis_index("c")
    base = wid * _SC_PER_W
    for c in range(_SC_NCH):
        o = base + c * _SC_CH
        pltpu.sync_copy(idx_hbm.at[pl.ds(o, _SC_CH)], idx_v)
        pltpu.async_copy(table_hbm.at[idx_v], rows_v, sem).wait()
        pltpu.sync_copy(rows_v, out_hbm.at[pl.ds(o, _SC_CH)])


def _spmm_body(
    g_ref,
    fwc_ref,
    out_ref,
    va_ref,
    vb_ref,
):
    vbufs = (va_ref, vb_ref)

    def _init_tile(t, _):
        s = pl.multiple_of(t * _TG, _TG)
        v0 = g_ref[0, pl.ds(s, _TG), 0:_N_DIM]
        va_ref[pl.ds(s, _TG), :] = v0

        @pl.when(s < _MAXOFF)
        def _():
            va_ref[pl.ds(_N_VEC + s, _TG), :] = v0

        return 0

    jax.lax.fori_loop(0, _NTG, _init_tile, 0)

    for r in range(_N_W):
        i = _N_W - 1 - r
        src = vbufs[r % 2]
        dst = vbufs[1 - r % 2]
        c0 = _N_DIM + i * _NWC

        def _round_tile(t, _, src=src, dst=dst, c0=c0):
            s = pl.multiple_of(t * _TR, _TR)
            wb = g_ref[0, pl.ds(s, _TR), c0 : c0 + _NWC]
            ext = src[pl.ds(s, _TR + 64), :]
            v0 = ext[0:_TR, :]
            acc = wb[:, 0:1] * v0
            for k in range(_N_LINK):
                off = 1 << k
                if off <= 64:
                    sh = ext[off : off + _TR, :]
                else:
                    sh = src[pl.ds(s + off, _TR), :]
                acc = acc + wb[:, k + 1 : k + 2] * sh
            acc = acc + v0
            dst[pl.ds(s, _TR), :] = acc

            @pl.when(s < _MAXOFF)
            def _():
                dst[pl.ds(_N_VEC + s, _TR), :] = acc

            return 0

        jax.lax.fori_loop(0, _NTR, _round_tile, 0)

    vfin = vbufs[_N_W % 2]

    def _final_tile(t, carry):
        s = pl.multiple_of(t * _TG, _TG)
        vt = vfin[pl.ds(s, _TG), :]
        s0, s1 = carry
        s0 = s0 + jnp.sum(vt * fwc_ref[0, pl.ds(s, _TG), :])
        s1 = s1 + jnp.sum(vt * fwc_ref[1, pl.ds(s, _TG), :])
        return (s0, s1)

    s0, s1 = jax.lax.fori_loop(
        0, _NTG, _final_tile, (jnp.float32(0.0), jnp.float32(0.0))
    )
    lane = jax.lax.broadcasted_iota(jnp.int32, (1, 1, 128), 2)
    out_ref[...] = jnp.where(lane == 0, s0, jnp.where(lane == 1, s1, 0.0))


def kernel(X, emb, g_w1, g_b1, g_w2, g_b2, fs_w1, fs_b1, fs_w2, fs_b2, final_w, final_b):
    fw1 = jnp.transpose(fs_w1, (1, 0, 2)).reshape(_EMB, _N_W * _NH_F)
    fb1 = fs_b1.reshape(1, _N_W * _NH_F)
    fb2 = fs_b2.reshape(_N_W, 1, _NWC)
    fwc = final_w.T.reshape(2, _N_VEC, _N_DIM)

    cat = pl.pallas_call(
        _tables_body,
        out_shape=jax.ShapeDtypeStruct((_B * _VOCAB, _GP), jnp.float32),
    )(
        emb, g_w1, g_b1.reshape(1, -1), g_w2, g_b2.reshape(1, -1),
        fw1, fb1, fs_w2, fb2, jnp.asarray(_PE4),
    )

    idx = (X + _VOCAB * jnp.arange(_B, dtype=jnp.int32)[:, None]).reshape(-1)
    g = _sc_gather(cat, idx).reshape(_B, _N_VEC, _GP)

    padded = pl.pallas_call(
        _spmm_body,
        grid=(_B,),
        in_specs=[
            pl.BlockSpec((1, _N_VEC, _GP), lambda b: (b, 0, 0)),
            pl.BlockSpec((2, _N_VEC, _N_DIM), lambda b: (0, 0, 0)),
        ],
        out_specs=pl.BlockSpec((1, 1, 128), lambda b: (b, 0, 0)),
        out_shape=jax.ShapeDtypeStruct((_B, 1, 128), jnp.float32),
        scratch_shapes=[
            pltpu.VMEM((_N_VEC + _MAXOFF, _N_DIM), jnp.float32),
            pltpu.VMEM((_N_VEC + _MAXOFF, _N_DIM), jnp.float32),
        ],
    )(g, fwc)
    return padded[:, 0, :2] + final_b[None, :]

# --- scband reference (transcript-rebuilt; emitter-appended) ---
"""Pipeline reference for scband-interaction-module-sparse-char-14267881357943 (READ-ONLY COPY).

The authoritative reference and input builder live on the scoring server;
editing this copy changes nothing except your own understanding.
"""

import itertools, math
import jax, jax.numpy as jnp
import numpy as np

CHAR_VOCAB = 256
EMB = 128
N_CLASS = 2
N_W = 12
N_VEC = 4096
N_DIM = 128
N_LINK = 12
NH_F = 256
NH_V = 256
BATCH = 4


def get_chord_indices_assym(n_vec, n_link):
    rows = list(itertools.chain(*[[i for j in range(n_link + 1)] for i in range(n_vec)]))
    cols = list(itertools.chain(*[[i] + [(i + 2 ** k) % n_vec for k in range(n_link)] for i in range(n_vec)]))
    return np.array(rows, dtype=np.int32), np.array(cols, dtype=np.int32)

ROWS, COLS = get_chord_indices_assym(N_VEC, N_LINK)


def make_pe(max_len, d_model):
    pe = np.zeros((max_len, d_model), dtype=np.float32)
    position = np.arange(max_len, dtype=np.float32)[:, None]
    div_term = np.exp(np.arange(0, d_model, 2, dtype=np.float32) * (-math.log(10000.0) / d_model))
    pe[:, 0::2] = np.sin(position * div_term)
    pe[:, 1::2] = np.cos(position * div_term)
    return jnp.asarray(pe)

PE = make_pe(N_VEC, EMB)


def setup_inputs(seed: int = 0) -> dict:
    key = jax.random.key(seed)
    ks = jax.random.split(key, 12)
    s = 0.02
    return {
        "X": jax.random.randint(ks[0], (BATCH, N_VEC), 0, CHAR_VOCAB, dtype=jnp.int32),
        "emb": jax.random.uniform(ks[1], (CHAR_VOCAB, EMB), minval=-0.1, maxval=0.1, dtype=jnp.float32),
        "g_w1": jax.random.normal(ks[2], (N_DIM, NH_V), dtype=jnp.float32) * s,
        "g_b1": jnp.zeros((NH_V,), jnp.float32),
        "g_w2": jax.random.normal(ks[3], (NH_V, N_DIM), dtype=jnp.float32) * s,
        "g_b2": jnp.zeros((N_DIM,), jnp.float32),
        "fs_w1": jax.random.normal(ks[4], (N_W, N_DIM, NH_F), dtype=jnp.float32) * s,
        "fs_b1": jnp.zeros((N_W, NH_F), jnp.float32),
        "fs_w2": jax.random.normal(ks[5], (N_W, NH_F, N_LINK + 1), dtype=jnp.float32) * s,
        "fs_b2": jnp.zeros((N_W, N_LINK + 1), jnp.float32),
        "final_w": jax.random.normal(ks[6], (N_VEC * N_DIM, N_CLASS), dtype=jnp.float32) * s,
        "final_b": jnp.zeros((N_CLASS,), jnp.float32),
    }


def _spmm(W, V):
    # sparse [n_vec, n_vec] matrix (Chord pattern, per-batch values from W) @ V[b]
    rows = jnp.asarray(ROWS)
    cols = jnp.asarray(COLS)
    Wflat = W.reshape(W.shape[0], -1)  # [B, n_vec*(n_link+1)]
    gathered = V[:, cols, :] * Wflat[:, :, None]  # gather neighbor rows, weight them
    return jax.vmap(lambda g: jax.ops.segment_sum(g, rows, num_segments=N_VEC))(gathered)


def reference(X, emb, g_w1, g_b1, g_w2, g_b2, fs_w1, fs_b1, fs_w2, fs_b2, final_w, final_b):
    Xe = jnp.take(emb, X, axis=0)  # [B, n_vec, emb]
    # faithful to original batch-first indexing of pe (pe[:x.size(0)] -> per-batch offset)
    data = Xe + PE[:Xe.shape[0]][:, None, :]
    # dropout modules are identity in eval mode
    V = jax.nn.gelu(data @ g_w1 + g_b1, approximate=False) @ g_w2 + g_b2
    residual = V
    for i in range(N_W - 1, -1, -1):  # fs[::-1]
        W = jax.nn.gelu(data @ fs_w1[i] + fs_b1[i], approximate=False) @ fs_w2[i] + fs_b2[i]
        V = _spmm(W, V)
        V = V + residual
        residual = V  # residual_every=True
    out = V.reshape(V.shape[0], -1) @ final_w + final_b
    return out

if __name__ == "__main__":
    import jax
    _d = setup_inputs()
    print(jax.jit(kernel)(*tuple(_d.values())))

</pallas_src>

<mosaic_0001>
#map = affine_map<(d0, d1) -> (0, 0)>
#map1 = affine_map<(d0, d1) -> (0)>
module attributes {stable_mosaic.version = 14 : i64} {
  func.func @_sc_gather(%arg0: i32, %arg1: i32, %arg2: memref<1024x384xf32, #tpu.memory_space<hbm>>, %arg3: memref<16384xi32, #tpu.memory_space<hbm>>, %arg4: memref<16384x384xf32, #tpu.memory_space<hbm>>, %arg5: memref<128xi32, #tpu.memory_space<vmem>>, %arg6: memref<128x384xf32, #tpu.memory_space<vmem>>, %arg7: memref<!tpu.dma_semaphore, #tpu.memory_space<semaphore_mem>>) attributes {dimension_semantics = [#tpu.dimension_semantics<core_parallel>, #tpu.dimension_semantics<subcore_parallel>], iteration_bounds = array<i64: 2, 16>, scalar_prefetch = 0 : i64, scratch_operands = 3 : i64, tpu.core_type = #tpu.core_type<sc_vector_subcore>, window_params = [{transform_indices = #map}, {transform_indices = #map1}, {transform_indices = #map}]} {
    %mul3A = arith.constant 2 : i32
    %mul3A_0 = arith.muli %arg1, %mul3A : i32
    %add3A = arith.addi %mul3A_0, %arg0 : i32
    %mul3A_1 = arith.constant 512 : i32
    %mul3A_2 = arith.muli %add3A, %mul3A_1 : i32
    %add3A_3 = arith.constant 0 : i32
    %add3A_4 = arith.addi %mul3A_2, %add3A_3 : i32
    "tpu.region"() ({
      %run_scoped3A = tpu.sem_alloc : memref<!tpu.dma_semaphore, #tpu.memory_space<semaphore_mem>>
      %dma_start3A_33 = tpu.memref_slice %arg3[%add3A_4] : memref<16384xi32, #tpu.memory_space<hbm>> -> memref<128xi32, #tpu.memory_space<hbm>>
      %dma_start3A_34 = tpu.memref_slice %arg3[%add3A_4] : memref<16384xi32, #tpu.memory_space<hbm>> -> memref<128xi32, #tpu.memory_space<hbm>>
      tpu.enqueue_dma source(%dma_start3A_34 : memref<128xi32, #tpu.memory_space<hbm>>) target(%arg5 : memref<128xi32, #tpu.memory_space<vmem>>) target_semaphore(%run_scoped3A : memref<!tpu.dma_semaphore, #tpu.memory_space<semaphore_mem>>)
      %dma_wait3A_35 = tpu.memref_slice %arg3[%add3A_4] : memref<16384xi32, #tpu.memory_space<hbm>> -> memref<128xi32, #tpu.memory_space<hbm>>
      %dma_wait3A_36 = tpu.memref_slice %arg3[%add3A_4] : memref<16384xi32, #tpu.memory_space<hbm>> -> memref<128xi32, #tpu.memory_space<hbm>>
      tpu.wait_dma2 semaphore(%run_scoped3A : memref<!tpu.dma_semaphore, #tpu.memory_space<semaphore_mem>>) src(%dma_wait3A_36 : memref<128xi32, #tpu.memory_space<hbm>>) dst(%arg5 : memref<128xi32, #tpu.memory_space<vmem>>)
      tpu.yield
    }) : () -> ()
    %dma_start3A = arith.constant 0 : i32
    %dma_start3A_5 = arith.constant 0 : i32
    %dma_start3A_6 = tpu.memref_slice %arg2[%dma_start3A, %dma_start3A_5] : memref<1024x384xf32, #tpu.memory_space<hbm>> -> memref<1024x384xf32, #tpu.memory_space<hbm>>
    tpu.enqueue_indirect_dma source(%dma_start3A_6 : memref<1024x384xf32, #tpu.memory_space<hbm>>) target(%arg6 : memref<128x384xf32, #tpu.memory_space<vmem>>) offsets(%arg5 : memref<128xi32, #tpu.memory_space<vmem>>) semaphore(%arg7 : memref<!tpu.dma_semaphore, #tpu.memory_space<semaphore_mem>>)
    %dma_wait3A = arith.constant 0 : i32
    %dma_wait3A_7 = arith.constant 0 : i32
    %dma_wait3A_8 = tpu.memref_slice %arg2[%dma_wait3A, %dma_wait3A_7] : memref<1024x384xf32, #tpu.memory_space<hbm>> -> memref<1024x384xf32, #tpu.memory_space<hbm>>
    tpu.wait_indirect_dma semaphore(%arg7 : memref<!tpu.dma_semaphore, #tpu.memory_space<semaphore_mem>>) src(%dma_wait3A_8 : memref<1024x384xf32, #tpu.memory_space<hbm>>) dst(%arg6 : memref<128x384xf32, #tpu.memory_space<vmem>>)
    "tpu.region"() ({
      %run_scoped3A = tpu.sem_alloc : memref<!tpu.dma_semaphore, #tpu.memory_space<semaphore_mem>>
      %dma_start3A_33 = arith.constant 0 : i32
      %dma_start3A_34 = tpu.memref_slice %arg4[%add3A_4, %dma_start3A_33] : memref<16384x384xf32, #tpu.memory_space<hbm>> -> memref<128x384xf32, #tpu.memory_space<hbm>>
      %dma_start3A_35 = arith.constant 0 : i32
      %dma_start3A_36 = tpu.memref_slice %arg4[%add3A_4, %dma_start3A_35] : memref<16384x384xf32, #tpu.memory_space<hbm>> -> memref<128x384xf32, #tpu.memory_space<hbm>>
      tpu.enqueue_dma source(%arg6 : memref<128x384xf32, #tpu.memory_space<vmem>>) target(%dma_start3A_36 : memref<128x384xf32, #tpu.memory_space<hbm>>) target_semaphore(%run_scoped3A : memref<!tpu.dma_semaphore, #tpu.memory_space<semaphore_mem>>)
      %dma_wait3A_37 = arith.constant 0 : i32
      %dma_wait3A_38 = tpu.memref_slice %arg4[%add3A_4, %dma_wait3A_37] : memref<16384x384xf32, #tpu.memory_space<hbm>> -> memref<128x384xf32, #tpu.memory_space<hbm>>
      %dma_wait3A_39 = arith.constant 0 : i32
      %dma_wait3A_40 = tpu.memref_slice %arg4[%add3A_4, %dma_wait3A_39] : memref<16384x384xf32, #tpu.memory_space<hbm>> -> memref<128x384xf32, #tpu.memory_space<hbm>>
      tpu.wait_dma2 semaphore(%run_scoped3A : memref<!tpu.dma_semaphore, #tpu.memory_space<semaphore_mem>>) src(%arg6 : memref<128x384xf32, #tpu.memory_space<vmem>>) dst(%dma_wait3A_40 : memref<128x384xf32, #tpu.memory_space<hbm>>)
      tpu.yield
    }) : () -> ()
    %add3A_9 = arith.constant 128 : i32
    %add3A_10 = arith.addi %mul3A_2, %add3A_9 : i32
    "tpu.region"() ({
      %run_scoped3A = tpu.sem_alloc : memref<!tpu.dma_semaphore, #tpu.memory_space<semaphore_mem>>
      %dma_start3A_33 = tpu.memref_slice %arg3[%add3A_10] : memref<16384xi32, #tpu.memory_space<hbm>> -> memref<128xi32, #tpu.memory_space<hbm>>
      %dma_start3A_34 = tpu.memref_slice %arg3[%add3A_10] : memref<16384xi32, #tpu.memory_space<hbm>> -> memref<128xi32, #tpu.memory_space<hbm>>
      tpu.enqueue_dma source(%dma_start3A_34 : memref<128xi32, #tpu.memory_space<hbm>>) target(%arg5 : memref<128xi32, #tpu.memory_space<vmem>>) target_semaphore(%run_scoped3A : memref<!tpu.dma_semaphore, #tpu.memory_space<semaphore_mem>>)
      %dma_wait3A_35 = tpu.memref_slice %arg3[%add3A_10] : memref<16384xi32, #tpu.memory_space<hbm>> -> memref<128xi32, #tpu.memory_space<hbm>>
      %dma_wait3A_36 = tpu.memref_slice %arg3[%add3A_10] : memref<16384xi32, #tpu.memory_space<hbm>> -> memref<128xi32, #tpu.memory_space<hbm>>
      tpu.wait_dma2 semaphore(%run_scoped3A : memref<!tpu.dma_semaphore, #tpu.memory_space<semaphore_mem>>) src(%dma_wait3A_36 : memref<128xi32, #tpu.memory_space<hbm>>) dst(%arg5 : memref<128xi32, #tpu.memory_space<vmem>>)
      tpu.yield
    }) : () -> ()
    %dma_start3A_11 = arith.constant 0 : i32
    %dma_start3A_12 = arith.constant 0 : i32
    %dma_start3A_13 = tpu.memref_slice %arg2[%dma_start3A_11, %dma_start3A_12] : memref<1024x384xf32, #tpu.memory_space<hbm>> -> memref<1024x384xf32, #tpu.memory_space<hbm>>
    tpu.enqueue_indirect_dma source(%dma_start3A_13 : memref<1024x384xf32, #tpu.memory_space<hbm>>) target(%arg6 : memref<128x384xf32, #tpu.memory_space<vmem>>) offsets(%arg5 : memref<128xi32, #tpu.memory_space<vmem>>) semaphore(%arg7 : memref<!tpu.dma_semaphore, #tpu.memory_space<semaphore_mem>>)
    %dma_wait3A_14 = arith.constant 0 : i32
    %dma_wait3A_15 = arith.constant 0 : i32
    %dma_wait3A_16 = tpu.memref_slice %arg2[%dma_wait3A_14, %dma_wait3A_15] : memref<1024x384xf32, #tpu.memory_space<hbm>> -> memref<1024x384xf32, #tpu.memory_space<hbm>>
    tpu.wait_indirect_dma semaphore(%arg7 : memref<!tpu.dma_semaphore, #tpu.memory_space<semaphore_mem>>) src(%dma_wait3A_16 : memref<1024x384xf32, #tpu.memory_space<hbm>>) dst(%arg6 : memref<128x384xf32, #tpu.memory_space<vmem>>)
    "tpu.region"() ({
      %run_scoped3A = tpu.sem_alloc : memref<!tpu.dma_semaphore, #tpu.memory_space<semaphore_mem>>
      %dma_start3A_33 = arith.constant 0 : i32
      %dma_start3A_34 = tpu.memref_slice %arg4[%add3A_10, %dma_start3A_33] : memref<16384x384xf32, #tpu.memory_space<hbm>> -> memref<128x384xf32, #tpu.memory_space<hbm>>
      %dma_start3A_35 = arith.constant 0 : i32
      %dma_start3A_36 = tpu.memref_slice %arg4[%add3A_10, %dma_start3A_35] : memref<16384x384xf32, #tpu.memory_space<hbm>> -> memref<128x384xf32, #tpu.memory_space<hbm>>
      tpu.enqueue_dma source(%arg6 : memref<128x384xf32, #tpu.memory_space<vmem>>) target(%dma_start3A_36 : memref<128x384xf32, #tpu.memory_space<hbm>>) target_semaphore(%run_scoped3A : memref<!tpu.dma_semaphore, #tpu.memory_space<semaphore_mem>>)
      %dma_wait3A_37 = arith.constant 0 : i32
      %dma_wait3A_38 = tpu.memref_slice %arg4[%add3A_10, %dma_wait3A_37] : memref<16384x384xf32, #tpu.memory_space<hbm>> -> memref<128x384xf32, #tpu.memory_space<hbm>>
      %dma_wait3A_39 = arith.constant 0 : i32
      %dma_wait3A_40 = tpu.memref_slice %arg4[%add3A_10, %dma_wait3A_39] : memref<16384x384xf32, #tpu.memory_space<hbm>> -> memref<128x384xf32, #tpu.memory_space<hbm>>
      tpu.wait_dma2 semaphore(%run_scoped3A : memref<!tpu.dma_semaphore, #tpu.memory_space<semaphore_mem>>) src(%arg6 : memref<128x384xf32, #tpu.memory_space<vmem>>) dst(%dma_wait3A_40 : memref<128x384xf32, #tpu.memory_space<hbm>>)
      tpu.yield
    }) : () -> ()
    %add3A_17 = arith.constant 256 : i32
    %add3A_18 = arith.addi %mul3A_2, %add3A_17 : i32
    "tpu.region"() ({
      %run_scoped3A = tpu.sem_alloc : memref<!tpu.dma_semaphore, #tpu.memory_space<semaphore_mem>>
      %dma_start3A_33 = tpu.memref_slice %arg3[%add3A_18] : memref<16384xi32, #tpu.memory_space<hbm>> -> memref<128xi32, #tpu.memory_space<hbm>>
      %dma_start3A_34 = tpu.memref_slice %arg3[%add3A_18] : memref<16384xi32, #tpu.memory_space<hbm>> -> memref<128xi32, #tpu.memory_space<hbm>>
      tpu.enqueue_dma source(%dma_start3A_34 : memref<128xi32, #tpu.memory_space<hbm>>) target(%arg5 : memref<128xi32, #tpu.memory_space<vmem>>) target_semaphore(%run_scoped3A : memref<!tpu.dma_semaphore, #tpu.memory_space<semaphore_mem>>)
      %dma_wait3A_35 = tpu.memref_slice %arg3[%add3A_18] : memref<16384xi32, #tpu.memory_space<hbm>> -> memref<128xi32, #tpu.memory_space<hbm>>
      %dma_wait3A_36 = tpu.memref_slice %arg3[%add3A_18] : memref<16384xi32, #tpu.memory_space<hbm>> -> memref<128xi32, #tpu.memory_space<hbm>>
      tpu.wait_dma2 semaphore(%run_scoped3A : memref<!tpu.dma_semaphore, #tpu.memory_space<semaphore_mem>>) src(%dma_wait3A_36 : memref<128xi32, #tpu.memory_space<hbm>>) dst(%arg5 : memref<128xi32, #tpu.memory_space<vmem>>)
      tpu.yield
    }) : () -> ()
    %dma_start3A_19 = arith.constant 0 : i32
    %dma_start3A_20 = arith.constant 0 : i32
    %dma_start3A_21 = tpu.memref_slice %arg2[%dma_start3A_19, %dma_start3A_20] : memref<1024x384xf32, #tpu.memory_space<hbm>> -> memref<1024x384xf32, #tpu.memory_space<hbm>>
    tpu.enqueue_indirect_dma source(%dma_start3A_21 : memref<1024x384xf32, #tpu.memory_space<hbm>>) target(%arg6 : memref<128x384xf32, #tpu.memory_space<vmem>>) offsets(%arg5 : memref<128xi32, #tpu.memory_space<vmem>>) semaphore(%arg7 : memref<!tpu.dma_semaphore, #tpu.memory_space<semaphore_mem>>)
    %dma_wait3A_22 = arith.constant 0 : i32
    %dma_wait3A_23 = arith.constant 0 : i32
    %dma_wait3A_24 = tpu.memref_slice %arg2[%dma_wait3A_22, %dma_wait3A_23] : memref<1024x384xf32, #tpu.memory_space<hbm>> -> memref<1024x384xf32, #tpu.memory_space<hbm>>
    tpu.wait_indirect_dma semaphore(%arg7 : memref<!tpu.dma_semaphore, #tpu.memory_space<semaphore_mem>>) src(%dma_wait3A_24 : memref<1024x384xf32, #tpu.memory_space<hbm>>) dst(%arg6 : memref<128x384xf32, #tpu.memory_space<vmem>>)
    "tpu.region"() ({
      %run_scoped3A = tpu.sem_alloc : memref<!tpu.dma_semaphore, #tpu.memory_space<semaphore_mem>>
      %dma_start3A_33 = arith.constant 0 : i32
      %dma_start3A_34 = tpu.memref_slice %arg4[%add3A_18, %dma_start3A_33] : memref<16384x384xf32, #tpu.memory_space<hbm>> -> memref<128x384xf32, #tpu.memory_space<hbm>>
      %dma_start3A_35 = arith.constant 0 : i32
      %dma_start3A_36 = tpu.memref_slice %arg4[%add3A_18, %dma_start3A_35] : memref<16384x384xf32, #tpu.memory_space<hbm>> -> memref<128x384xf32, #tpu.memory_space<hbm>>
      tpu.enqueue_dma source(%arg6 : memref<128x384xf32, #tpu.memory_space<vmem>>) target(%dma_start3A_36 : memref<128x384xf32, #tpu.memory_space<hbm>>) target_semaphore(%run_scoped3A : memref<!tpu.dma_semaphore, #tpu.memory_space<semaphore_mem>>)
      %dma_wait3A_37 = arith.constant 0 : i32
      %dma_wait3A_38 = tpu.memref_slice %arg4[%add3A_18, %dma_wait3A_37] : memref<16384x384xf32, #tpu.memory_space<hbm>> -> memref<128x384xf32, #tpu.memory_space<hbm>>
      %dma_wait3A_39 = arith.constant 0 : i32
      %dma_wait3A_40 = tpu.memref_slice %arg4[%add3A_18, %dma_wait3A_39] : memref<16384x384xf32, #tpu.memory_space<hbm>> -> memref<128x384xf32, #tpu.memory_space<hbm>>
      tpu.wait_dma2 semaphore(%run_scoped3A : memref<!tpu.dma_semaphore, #tpu.memory_space<semaphore_mem>>) src(%arg6 : memref<128x384xf32, #tpu.memory_space<vmem>>) dst(%dma_wait3A_40 : memref<128x384xf32, #tpu.memory_space<hbm>>)
      tpu.yield
    }) : () -> ()
    %add3A_25 = arith.constant 384 : i32
    %add3A_26 = arith.addi %mul3A_2, %add3A_25 : i32
    "tpu.region"() ({
      %run_scoped3A = tpu.sem_alloc : memref<!tpu.dma_semaphore, #tpu.memory_space<semaphore_mem>>
      %dma_start3A_33 = tpu.memref_slice %arg3[%add3A_26] : memref<16384xi32, #tpu.memory_space<hbm>> -> memref<128xi32, #tpu.memory_space<hbm>>
      %dma_start3A_34 = tpu.memref_slice %arg3[%add3A_26] : memref<16384xi32, #tpu.memory_space<hbm>> -> memref<128xi32, #tpu.memory_space<hbm>>
      tpu.enqueue_dma source(%dma_start3A_34 : memref<128xi32, #tpu.memory_space<hbm>>) target(%arg5 : memref<128xi32, #tpu.memory_space<vmem>>) target_semaphore(%run_scoped3A : memref<!tpu.dma_semaphore, #tpu.memory_space<semaphore_mem>>)
      %dma_wait3A_35 = tpu.memref_slice %arg3[%add3A_26] : memref<16384xi32, #tpu.memory_space<hbm>> -> memref<128xi32, #tpu.memory_space<hbm>>
      %dma_wait3A_36 = tpu.memref_slice %arg3[%add3A_26] : memref<16384xi32, #tpu.memory_space<hbm>> -> memref<128xi32, #tpu.memory_space<hbm>>
      tpu.wait_dma2 semaphore(%run_scoped3A : memref<!tpu.dma_semaphore, #tpu.memory_space<semaphore_mem>>) src(%dma_wait3A_36 : memref<128xi32, #tpu.memory_space<hbm>>) dst(%arg5 : memref<128xi32, #tpu.memory_space<vmem>>)
      tpu.yield
    }) : () -> ()
    %dma_start3A_27 = arith.constant 0 : i32
    %dma_start3A_28 = arith.constant 0 : i32
    %dma_start3A_29 = tpu.memref_slice %arg2[%dma_start3A_27, %dma_start3A_28] : memref<1024x384xf32, #tpu.memory_space<hbm>> -> memref<1024x384xf32, #tpu.memory_space<hbm>>
    tpu.enqueue_indirect_dma source(%dma_start3A_29 : memref<1024x384xf32, #tpu.memory_space<hbm>>) target(%arg6 : memref<128x384xf32, #tpu.memory_space<vmem>>) offsets(%arg5 : memref<128xi32, #tpu.memory_space<vmem>>) semaphore(%arg7 : memref<!tpu.dma_semaphore, #tpu.memory_space<semaphore_mem>>)
    %dma_wait3A_30 = arith.constant 0 : i32
    %dma_wait3A_31 = arith.constant 0 : i32
    %dma_wait3A_32 = tpu.memref_slice %arg2[%dma_wait3A_30, %dma_wait3A_31] : memref<1024x384xf32, #tpu.memory_space<hbm>> -> memref<1024x384xf32, #tpu.memory_space<hbm>>
    tpu.wait_indirect_dma semaphore(%arg7 : memref<!tpu.dma_semaphore, #tpu.memory_space<semaphore_mem>>) src(%dma_wait3A_32 : memref<1024x384xf32, #tpu.memory_space<hbm>>) dst(%arg6 : memref<128x384xf32, #tpu.memory_space<vmem>>)
    "tpu.region"() ({
      %run_scoped3A = tpu.sem_alloc : memref<!tpu.dma_semaphore, #tpu.memory_space<semaphore_mem>>
      %dma_start3A_33 = arith.constant 0 : i32
      %dma_start3A_34 = tpu.memref_slice %arg4[%add3A_26, %dma_start3A_33] : memref<16384x384xf32, #tpu.memory_space<hbm>> -> memref<128x384xf32, #tpu.memory_space<hbm>>
      %dma_start3A_35 = arith.constant 0 : i32
      %dma_start3A_36 = tpu.memref_slice %arg4[%add3A_26, %dma_start3A_35] : memref<16384x384xf32, #tpu.memory_space<hbm>> -> memref<128x384xf32, #tpu.memory_space<hbm>>
      tpu.enqueue_dma source(%arg6 : memref<128x384xf32, #tpu.memory_space<vmem>>) target(%dma_start3A_36 : memref<128x384xf32, #tpu.memory_space<hbm>>) target_semaphore(%run_scoped3A : memref<!tpu.dma_semaphore, #tpu.memory_space<semaphore_mem>>)
      %dma_wait3A_37 = arith.constant 0 : i32
      %dma_wait3A_38 = tpu.memref_slice %arg4[%add3A_26, %dma_wait3A_37] : memref<16384x384xf32, #tpu.memory_space<hbm>> -> memref<128x384xf32, #tpu.memory_space<hbm>>
      %dma_wait3A_39 = arith.constant 0 : i32
      %dma_wait3A_40 = tpu.memref_slice %arg4[%add3A_26, %dma_wait3A_39] : memref<16384x384xf32, #tpu.memory_space<hbm>> -> memref<128x384xf32, #tpu.memory_space<hbm>>
      tpu.wait_dma2 semaphore(%run_scoped3A : memref<!tpu.dma_semaphore, #tpu.memory_space<semaphore_mem>>) src(%arg6 : memref<128x384xf32, #tpu.memory_space<vmem>>) dst(%dma_wait3A_40 : memref<128x384xf32, #tpu.memory_space<hbm>>)
      tpu.yield
    }) : () -> ()
    return
  }
}

module attributes {stable_mosaic.version = 14 : i64} {
  func.func @_spmm_body(%arg0: i32, %arg1: memref<1x4096x384xf32, #tpu.memory_space<vmem>>, %arg2: memref<2x4096x128xf32, #tpu.memory_space<vmem>>, %arg3: memref<1x1x128xf32, #tpu.memory_space<vmem>>, %arg4: memref<6144x128xf32, #tpu.memory_space<vmem>>, %arg5: memref<6144x128xf32, #tpu.memory_space<vmem>>) attributes {dimension_semantics = [#tpu.dimension_semantics<arbitrary>], iteration_bounds = array<i64: 4>, scalar_prefetch = 0 : i64, scratch_operands = 2 : i64, tpu.core_type = #tpu.core_type<tc>, window_params = [{transform_indices = @transform_0, window_bounds = array<i64: 1, 4096, 384>}, {pipeline_mode = #tpu.pipeline_mode<synchronous>, transform_indices = @transform_1, window_bounds = array<i64: 2, 4096, 128>}, {transform_indices = @transform_2, window_bounds = array<i64: 1, 1, 128>}]} {
    %scan3A = arith.constant 0 : i32
    %scan3A_0 = arith.constant 4 : i32
    %scan3A_1 = arith.addi %scan3A, %scan3A_0 : i32
    %scan3A_2 = arith.constant 1 : i32
    scf.for %scan3A_83 = %scan3A to %scan3A_1 step %scan3A_2  : i32 {
      %mul3A = arith.constant 1024 : i32
      %mul3A_84 = arith.muli %scan3A_83, %mul3A : i32
      %multiple_of3A = tpu.assume_multiple %mul3A_84, 1024 : i32
      %get3A = arith.constant 0 : index
      %get3A_85 = arith.index_cast %multiple_of3A : i32 to index
      %get3A_86 = arith.constant 0 : index
      %get3A_87 = vector.load %arg1[%get3A, %get3A_85, %get3A_86] : memref<1x4096x384xf32, #tpu.memory_space<vmem>>, vector<1x1024x128xf32>
      %get3A_88 = vector.shape_cast %get3A_87 : vector<1x1024x128xf32> to vector<1024x128xf32>
      %swap3A_89 = arith.index_cast %multiple_of3A : i32 to index
      %swap3A_90 = arith.constant 0 : index
      %swap3A_91 = vector.load %arg4[%swap3A_89, %swap3A_90] : memref<6144x128xf32, #tpu.memory_space<vmem>>, vector<1024x128xf32>
      tpu.vector_store %arg4[%swap3A_89, %swap3A_90], %get3A_88 {strides = array<i32>} : memref<6144x128xf32, #tpu.memory_space<vmem>>, vector<1024x128xf32>,
      %lt3A = arith.constant 2048 : i32
      %lt3A_92 = arith.cmpi slt, %multiple_of3A, %lt3A : i32
      %convert_element_type3A = arith.extui %lt3A_92 : i1 to i32
      %cond3A = arith.constant 0 : i32
      %cond3A_93 = arith.cmpi ne, %convert_element_type3A, %cond3A : i32
      scf.if %cond3A_93 {
        %add3A = arith.constant 4096 : i32
        %add3A_94 = arith.addi %add3A, %multiple_of3A : i32
        %swap3A_95 = arith.index_cast %add3A_94 : i32 to index
        %swap3A_96 = arith.constant 0 : index
        %swap3A_97 = vector.load %arg4[%swap3A_95, %swap3A_96] : memref<6144x128xf32, #tpu.memory_space<vmem>>, vector<1024x128xf32>
        tpu.vector_store %arg4[%swap3A_95, %swap3A_96], %get3A_88 {strides = array<i32>} : memref<6144x128xf32, #tpu.memory_space<vmem>>, vector<1024x128xf32>,
      } else {
      }
    }
    %scan3A_3 = arith.constant 4 : i32
    %scan3A_4 = arith.constant 0 : i32
    %scan3A_5 = arith.constant 16 : i32
    %scan3A_6 = arith.addi %scan3A_4, %scan3A_5 : i32
    %scan3A_7 = arith.constant 1 : i32
    scf.for %scan3A_83 = %scan3A_4 to %scan3A_6 step %scan3A_7  : i32 {
      %mul3A = arith.constant 256 : i32
      %mul3A_84 = arith.muli %scan3A_83, %mul3A : i32
      %multiple_of3A = tpu.assume_multiple %mul3A_84, 256 : i32
      %get3A = arith.constant 0 : index
      %get3A_85 = arith.index_cast %multiple_of3A : i32 to index
      %get3A_86 = arith.constant 271 : index
      %get3A_87 = vector.load %arg1[%get3A, %get3A_85, %get3A_86] : memref<1x4096x384xf32, #tpu.memory_space<vmem>>, vector<1x256x13xf32>
      %get3A_88 = vector.shape_cast %get3A_87 : vector<1x256x13xf32> to vector<256x13xf32>
      %get3A_89 = arith.index_cast %multiple_of3A : i32 to index
      %get3A_90 = arith.constant 0 : index
      %get3A_91 = vector.load %arg4[%get3A_89, %get3A_90] : memref<6144x128xf32, #tpu.memory_space<vmem>>, vector<320x128xf32>
      %slice3A = vector.extract_strided_slice %get3A_91 {offsets = [0, 0], sizes = [256, 128], strides = [1, 1]} : vector<320x128xf32> to vector<256x128xf32>
      %slice3A_92 = vector.extract_strided_slice %get3A_88 {offsets = [0, 0], sizes = [256, 1], strides = [1, 1]} : vector<256x13xf32> to vector<256x1xf32>
      %mul3A_93 = vector.broadcast %slice3A_92 : vector<256x1xf32> to vector<256x128xf32>
      %mul3A_94 = arith.mulf %mul3A_93, %slice3A : vector<256x128xf32>
      %slice3A_95 = vector.extract_strided_slice %get3A_91 {offsets = [1, 0], sizes = [256, 128], strides = [1, 1]} : vector<320x128xf32> to vector<256x128xf32>
      %slice3A_96 = vector.extract_strided_slice %get3A_88 {offsets = [0, 1], sizes = [256, 1], strides = [1, 1]} : vector<256x13xf32> to vector<256x1xf32>
      %mul3A_97 = vector.broadcast %slice3A_96 : vector<256x1xf32> to vector<256x128xf32>
      %mul3A_98 = arith.mulf %mul3A_97, %slice3A_95 : vector<256x128xf32>
      %add3A = arith.addf %mul3A_94, %mul3A_98 : vector<256x128xf32>
      %slice3A_99 = vector.extract_strided_slice %get3A_91 {offsets = [2, 0], sizes = [256, 128], strides = [1, 1]} : vector<320x128xf32> to vector<256x128xf32>
      %slice3A_100 = vector.extract_strided_slice %get3A_88 {offsets = [0, 2], sizes = [256, 1], strides = [1, 1]} : vector<256x13xf32> to vector<256x1xf32>
      %mul3A_101 = vector.broadcast %slice3A_100 : vector<256x1xf32> to vector<256x128xf32>
      %mul3A_102 = arith.mulf %mul3A_101, %slice3A_99 : vector<256x128xf32>
      %add3A_103 = arith.addf %add3A, %mul3A_102 : vector<256x128xf32>
      %slice3A_104 = vector.extract_strided_slice %get3A_91 {offsets = [4, 0], sizes = [256, 128], strides = [1, 1]} : vector<320x128xf32> to vector<256x128xf32>
      %slice3A_105 = vector.extract_strided_slice %get3A_88 {offsets = [0, 3], sizes = [256, 1], strides = [1, 1]} : vector<256x13xf32> to vector<256x1xf32>
      %mul3A_106 = vector.broadcast %slice3A_105 : vector<256x1xf32> to vector<256x128xf32>
      %mul3A_107 = arith.mulf %mul3A_106, %slice3A_104 : vector<256x128xf32>
      %add3A_108 = arith.addf %add3A_103, %mul3A_107 : vector<256x128xf32>
      %slice3A_109 = vector.extract_strided_slice %get3A_91 {offsets = [8, 0], sizes = [256, 128], strides = [1, 1]} : vector<320x128xf32> to vector<256x128xf32>
      %slice3A_110 = vector.extract_strided_slice %get3A_88 {offsets = [0, 4], sizes = [256, 1], strides = [1, 1]} : vector<256x13xf32> to vector<256x1xf32>
      %mul3A_111 = vector.broadcast %slice3A_110 : vector<256x1xf32> to vector<256x128xf32>
      %mul3A_112 = arith.mulf %mul3A_111, %slice3A_109 : vector<256x128xf32>
      %add3A_113 = arith.addf %add3A_108, %mul3A_112 : vector<256x128xf32>
      %slice3A_114 = vector.extract_strided_slice %get3A_91 {offsets = [16, 0], sizes = [256, 128], strides = [1, 1]} : vector<320x128xf32> to vector<256x128xf32>
      %slice3A_115 = vector.extract_strided_slice %get3A_88 {offsets = [0, 5], sizes = [256, 1], strides = [1, 1]} : vector<256x13xf32> to vector<256x1xf32>
      %mul3A_116 = vector.broadcast %slice3A_115 : vector<256x1xf32> to vector<256x128xf32>
      %mul3A_117 = arith.mulf %mul3A_116, %slice3A_114 : vector<256x128xf32>
      %add3A_118 = arith.addf %add3A_113, %mul3A_117 : vector<256x128xf32>
      %slice3A_119 = vector.extract_strided_slice %get3A_91 {offsets = [32, 0], sizes = [256, 128], strides = [1, 1]} : vector<320x128xf32> to vector<256x128xf32>
      %slice3A_120 = vector.extract_strided_slice %get3A_88 {offsets = [0, 6], sizes = [256, 1], strides = [1, 1]} : vector<256x13xf32> to vector<256x1xf32>
      %mul3A_121 = vector.broadcast %slice3A_120 : vector<256x1xf32> to vector<256x128xf32>
      %mul3A_122 = arith.mulf %mul3A_121, %slice3A_119 : vector<256x128xf32>
      %add3A_123 = arith.addf %add3A_118, %mul3A_122 : vector<256x128xf32>
      %slice3A_124 = vector.extract_strided_slice %get3A_91 {offsets = [64, 0], sizes = [256, 128], strides = [1, 1]} : vector<320x128xf32> to vector<256x128xf32>
      %slice3A_125 = vector.extract_strided_slice %get3A_88 {offsets = [0, 7], sizes = [256, 1], strides = [1, 1]} : vector<256x13xf32> to vector<256x1xf32>
      %mul3A_126 = vector.broadcast %slice3A_125 : vector<256x1xf32> to vector<256x128xf32>
      %mul3A_127 = arith.mulf %mul3A_126, %slice3A_124 : vector<256x128xf32>
      %add3A_128 = arith.addf %add3A_123, %mul3A_127 : vector<256x128xf32>
      %add3A_129 = arith.constant 128 : i32
      %add3A_130 = arith.addi %multiple_of3A, %add3A_129 : i32
      %get3A_131 = arith.index_cast %add3A_130 : i32 to index
      %get3A_132 = arith.constant 0 : index
      %get3A_133 = vector.load %arg4[%get3A_131, %get3A_132] : memref<6144x128xf32, #tpu.memory_space<vmem>>, vector<256x128xf32>
      %slice3A_134 = vector.extract_strided_slice %get3A_88 {offsets = [0, 8], sizes = [256, 1], strides = [1, 1]} : vector<256x13xf32> to vector<256x1xf32>
      %mul3A_135 = vector.broadcast %slice3A_134 : vector<256x1xf32> to vector<256x128xf32>
      %mul3A_136 = arith.mulf %mul3A_135, %get3A_133 : vector<256x128xf32>
      %add3A_137 = arith.addf %add3A_128, %mul3A_136 : vector<256x128xf32>
      %add3A_138 = arith.constant 256 : i32
      %add3A_139 = arith.addi %multiple_of3A, %add3A_138 : i32
      %get3A_140 = arith.index_cast %add3A_139 : i32 to index
      %get3A_141 = arith.constant 0 : index
      %get3A_142 = vector.load %arg4[%get3A_140, %get3A_141] : memref<6144x128xf32, #tpu.memory_space<vmem>>, vector<256x128xf32>
      %slice3A_143 = vector.extract_strided_slice %get3A_88 {offsets = [0, 9], sizes = [256, 1], strides = [1, 1]} : vector<256x13xf32> to vector<256x1xf32>
      %mul3A_144 = vector.broadcast %slice3A_143 : vector<256x1xf32> to vector<256x128xf32>
      %mul3A_145 = arith.mulf %mul3A_144, %get3A_142 : vector<256x128xf32>
      %add3A_146 = arith.addf %add3A_137, %mul3A_145 : vector<256x128xf32>
      %add3A_147 = arith.constant 512 : i32
      %add3A_148 = arith.addi %multiple_of3A, %add3A_147 : i32
      %get3A_149 = arith.index_cast %add3A_148 : i32 to index
      %get3A_150 = arith.constant 0 : index
      %get3A_151 = vector.load %arg4[%get3A_149, %get3A_150] : memref<6144x128xf32, #tpu.memory_space<vmem>>, vector<256x128xf32>
      %slice3A_152 = vector.extract_strided_slice %get3A_88 {offsets = [0, 10], sizes = [256, 1], strides = [1, 1]} : vector<256x13xf32> to vector<256x1xf32>
      %mul3A_153 = vector.broadcast %slice3A_152 : vector<256x1xf32> to vector<256x128xf32>
      %mul3A_154 = arith.mulf %mul3A_153, %get3A_151 : vector<256x128xf32>
      %add3A_155 = arith.addf %add3A_146, %mul3A_154 : vector<256x128xf32>
      %add3A_156 = arith.constant 1024 : i32
      %add3A_157 = arith.addi %multiple_of3A, %add3A_156 : i32
      %get3A_158 = arith.index_cast %add3A_157 : i32 to index
      %get3A_159 = arith.constant 0 : index
      %get3A_160 = vector.load %arg4[%get3A_158, %get3A_159] : memref<6144x128xf32, #tpu.memory_space<vmem>>, vector<256x128xf32>
      %slice3A_161 = vector.extract_strided_slice %get3A_88 {offsets = [0, 11], sizes = [256, 1], strides = [1, 1]} : vector<256x13xf32> to vector<256x1xf32>
      %mul3A_162 = vector.broadcast %slice3A_161 : vector<256x1xf32> to vector<256x128xf32>
      %mul3A_163 = arith.mulf %mul3A_162, %get3A_160 : vector<256x128xf32>
      %add3A_164 = arith.addf %add3A_155, %mul3A_163 : vector<256x128xf32>
      %add3A_165 = arith.constant 2048 : i32
      %add3A_166 = arith.addi %multiple_of3A, %add3A_165 : i32
      %get3A_167 = arith.index_cast %add3A_166 : i32 to index
      %get3A_168 = arith.constant 0 : index
      %get3A_169 = vector.load %arg4[%get3A_167, %get3A_168] : memref<6144x128xf32, #tpu.memory_space<vmem>>, vector<256x128xf32>
      %slice3A_170 = vector.extract_strided_slice %get3A_88 {offsets = [0, 12], sizes = [256, 1], strides = [1, 1]} : vector<256x13xf32> to vector<256x1xf32>
      %mul3A_171 = vector.broadcast %slice3A_170 : vector<256x1xf32> to vector<256x128xf32>
      %mul3A_172 = arith.mulf %mul3A_171, %get3A_169 : vector<256x128xf32>
      %add3A_173 = arith.addf %add3A_164, %mul3A_172 : vector<256x128xf32>
      %add3A_174 = arith.addf %add3A_173, %slice3A : vector<256x128xf32>
      %swap3A_175 = arith.index_cast %multiple_of3A : i32 to index
      %swap3A_176 = arith.constant 0 : index
      %swap3A_177 = vector.load %arg5[%swap3A_175, %swap3A_176] : memref<6144x128xf32, #tpu.memory_space<vmem>>, vector<256x128xf32>
      tpu.vector_store %arg5[%swap3A_175, %swap3A_176], %add3A_174 {strides = array<i32>} : memref<6144x128xf32, #tpu.memory_space<vmem>>, vector<256x128xf32>,
      %lt3A = arith.constant 2048 : i32
      %lt3A_178 = arith.cmpi slt, %multiple_of3A, %lt3A : i32
      %convert_element_type3A = arith.extui %lt3A_178 : i1 to i32
      %cond3A = arith.constant 0 : i32
      %cond3A_179 = arith.cmpi ne, %convert_element_type3A, %cond3A : i32
      scf.if %cond3A_179 {
        %add3A_180 = arith.constant 4096 : i32
        %add3A_181 = arith.addi %add3A_180, %multiple_of3A : i32
        %swap3A_182 = arith.index_cast %add3A_181 : i32 to index
        %swap3A_183 = arith.constant 0 : index
        %swap3A_184 = vector.load %arg5[%swap3A_182, %swap3A_183] : memref<6144x128xf32, #tpu.memory_space<vmem>>, vector<256x128xf32>
        tpu.vector_store %arg5[%swap3A_182, %swap3A_183], %add3A_174 {strides = array<i32>} : memref<6144x128xf32, #tpu.memory_space<vmem>>, vector<256x128xf32>,
      } else {
      }
    }
    %scan3A_8 = arith.constant 16 : i32
    %scan3A_9 = arith.constant 0 : i32
    %scan3A_10 = arith.constant 16 : i32
    %scan3A_11 = arith.addi %scan3A_9, %scan3A_10 : i32
    %scan3A_12 = arith.constant 1 : i32
    scf.for %scan3A_83 = %scan3A_9 to %scan3A_11 step %scan3A_12  : i32 {
      %mul3A = arith.constant 256 : i32
      %mul3A_84 = arith.muli %scan3A_83, %mul3A : i32
      %multiple_of3A = tpu.assume_multiple %mul3A_84, 256 : i32
      %get3A = arith.constant 0 : index
      %get3A_85 = arith.index_cast %multiple_of3A : i32 to index
      %get3A_86 = arith.constant 258 : index
      %get3A_87 = vector.load %arg1[%get3A, %get3A_85, %get3A_86] : memref<1x4096x384xf32, #tpu.memory_space<vmem>>, vector<1x256x13xf32>
      %get3A_88 = vector.shape_cast %get3A_87 : vector<1x256x13xf32> to vector<256x13xf32>
      %get3A_89 = arith.index_cast %multiple_of3A : i32 to index
      %get3A_90 = arith.constant 0 : index
      %get3A_91 = vector.load %arg5[%get3A_89, %get3A_90] : memref<6144x128xf32, #tpu.memory_space<vmem>>, vector<320x128xf32>
      %slice3A = vector.extract_strided_slice %get3A_91 {offsets = [0, 0], sizes = [256, 128], strides = [1, 1]} : vector<320x128xf32> to vector<256x128xf32>
      %slice3A_92 = vector.extract_strided_slice %get3A_88 {offsets = [0, 0], sizes = [256, 1], strides = [1, 1]} : vector<256x13xf32> to vector<256x1xf32>
      %mul3A_93 = vector.broadcast %slice3A_92 : vector<256x1xf32> to vector<256x128xf32>
      %mul3A_94 = arith.mulf %mul3A_93, %slice3A : vector<256x128xf32>
      %slice3A_95 = vector.extract_strided_slice %get3A_91 {offsets = [1, 0], sizes = [256, 128], strides = [1, 1]} : vector<320x128xf32> to vector<256x128xf32>
      %slice3A_96 = vector.extract_strided_slice %get3A_88 {offsets = [0, 1], sizes = [256, 1], strides = [1, 1]} : vector<256x13xf32> to vector<256x1xf32>
      %mul3A_97 = vector.broadcast %slice3A_96 : vector<256x1xf32> to vector<256x128xf32>
      %mul3A_98 = arith.mulf %mul3A_97, %slice3A_95 : vector<256x128xf32>
      %add3A = arith.addf %mul3A_94, %mul3A_98 : vector<256x128xf32>
      %slice3A_99 = vector.extract_strided_slice %get3A_91 {offsets = [2, 0], sizes = [256, 128], strides = [1, 1]} : vector<320x128xf32> to vector<256x128xf32>
      %slice3A_100 = vector.extract_strided_slice %get3A_88 {offsets = [0, 2], sizes = [256, 1], strides = [1, 1]} : vector<256x13xf32> to vector<256x1xf32>
      %mul3A_101 = vector.broadcast %slice3A_100 : vector<256x1xf32> to vector<256x128xf32>
      %mul3A_102 = arith.mulf %mul3A_101, %slice3A_99 : vector<256x128xf32>
      %add3A_103 = arith.addf %add3A, %mul3A_102 : vector<256x128xf32>
      %slice3A_104 = vector.extract_strided_slice %get3A_91 {offsets = [4, 0], sizes = [256, 128], strides = [1, 1]} : vector<320x128xf32> to vector<256x128xf32>
      %slice3A_105 = vector.extract_strided_slice %get3A_88 {offsets = [0, 3], sizes = [256, 1], strides = [1, 1]} : vector<256x13xf32> to vector<256x1xf32>
      %mul3A_106 = vector.broadcast %slice3A_105 : vector<256x1xf32> to vector<256x128xf32>
      %mul3A_107 = arith.mulf %mul3A_106, %slice3A_104 : vector<256x128xf32>
      %add3A_108 = arith.addf %add3A_103, %mul3A_107 : vector<256x128xf32>
      %slice3A_109 = vector.extract_strided_slice %get3A_91 {offsets = [8, 0], sizes = [256, 128], strides = [1, 1]} : vector<320x128xf32> to vector<256x128xf32>
      %slice3A_110 = vector.extract_strided_slice %get3A_88 {offsets = [0, 4], sizes = [256, 1], strides = [1, 1]} : vector<256x13xf32> to vector<256x1xf32>
      %mul3A_111 = vector.broadcast %slice3A_110 : vector<256x1xf32> to vector<256x128xf32>
      %mul3A_112 = arith.mulf %mul3A_111, %slice3A_109 : vector<256x128xf32>
      %add3A_113 = arith.addf %add3A_108, %mul3A_112 : vector<256x128xf32>
      %slice3A_114 = vector.extract_strided_slice %get3A_91 {offsets = [16, 0], sizes = [256, 128], strides = [1, 1]} : vector<320x128xf32> to vector<256x128xf32>
      %slice3A_115 = vector.extract_strided_slice %get3A_88 {offsets = [0, 5], sizes = [256, 1], strides = [1, 1]} : vector<256x13xf32> to vector<256x1xf32>
      %mul3A_116 = vector.broadcast %slice3A_115 : vector<256x1xf32> to vector<256x128xf32>
      %mul3A_117 = arith.mulf %mul3A_116, %slice3A_114 : vector<256x128xf32>
      %add3A_118 = arith.addf %add3A_113, %mul3A_117 : vector<256x128xf32>
      %slice3A_119 = vector.extract_strided_slice %get3A_91 {offsets = [32, 0], sizes = [256, 128], strides = [1, 1]} : vector<320x128xf32> to vector<256x128xf32>
      %slice3A_120 = vector.extract_strided_slice %get3A_88 {offsets = [0, 6], sizes = [256, 1], strides = [1, 1]} : vector<256x13xf32> to vector<256x1xf32>
      %mul3A_121 = vector.broadcast %slice3A_120 : vector<256x1xf32> to vector<256x128xf32>
      %mul3A_122 = arith.mulf %mul3A_121, %slice3A_119 : vector<256x128xf32>
      %add3A_123 = arith.addf %add3A_118, %mul3A_122 : vector<256x128xf32>
      %slice3A_124 = vector.extract_strided_slice %get3A_91 {offsets = [64, 0], sizes = [256, 128], strides = [1, 1]} : vector<320x128xf32> to vector<256x128xf32>
      %slice3A_125 = vector.extract_strided_slice %get3A_88 {offsets = [0, 7], sizes = [256, 1], strides = [1, 1]} : vector<256x13xf32> to vector<256x1xf32>
      %mul3A_126 = vector.broadcast %slice3A_125 : vector<256x1xf32> to vector<256x128xf32>
      %mul3A_127 = arith.mulf %mul3A_126, %slice3A_124 : vector<256x128xf32>
      %add3A_128 = arith.addf %add3A_123, %mul3A_127 : vector<256x128xf32>
      %add3A_129 = arith.constant 128 : i32
      %add3A_130 = arith.addi %multiple_of3A, %add3A_129 : i32
      %get3A_131 = arith.index_cast %add3A_130 : i32 to index
      %get3A_132 = arith.constant 0 : index
      %get3A_133 = vector.load %arg5[%get3A_131, %get3A_132] : memref<6144x128xf32, #tpu.memory_space<vmem>>, vector<256x128xf32>
      %slice3A_134 = vector.extract_strided_slice %get3A_88 {offsets = [0, 8], sizes = [256, 1], strides = [1, 1]} : vector<256x13xf32> to vector<256x1xf32>
      %mul3A_135 = vector.broadcast %slice3A_134 : vector<256x1xf32> to vector<256x128xf32>
      %mul3A_136 = arith.mulf %mul3A_135, %get3A_133 : vector<256x128xf32>
      %add3A_137 = arith.addf %add3A_128, %mul3A_136 : vector<256x128xf32>
      %add3A_138 = arith.constant 256 : i32
      %add3A_139 = arith.addi %multiple_of3A, %add3A_138 : i32
      %get3A_140 = arith.index_cast %add3A_139 : i32 to index
      %get3A_141 = arith.constant 0 : index
      %get3A_142 = vector.load %arg5[%get3A_140, %get3A_141] : memref<6144x128xf32, #tpu.memory_space<vmem>>, vector<256x128xf32>
      %slice3A_143 = vector.extract_strided_slice %get3A_88 {offsets = [0, 9], sizes = [256, 1], strides = [1, 1]} : vector<256x13xf32> to vector<256x1xf32>
      %mul3A_144 = vector.broadcast %slice3A_143 : vector<256x1xf32> to vector<256x128xf32>
      %mul3A_145 = arith.mulf %mul3A_144, %get3A_142 : vector<256x128xf32>
      %add3A_146 = arith.addf %add3A_137, %mul3A_145 : vector<256x128xf32>
      %add3A_147 = arith.constant 512 : i32
      %add3A_148 = arith.addi %multiple_of3A, %add3A_147 : i32
      %get3A_149 = arith.index_cast %add3A_148 : i32 to index
      %get3A_150 = arith.constant 0 : index
      %get3A_151 = vector.load %arg5[%get3A_149, %get3A_150] : memref<6144x128xf32, #tpu.memory_space<vmem>>, vector<256x128xf32>
      %slice3A_152 = vector.extract_strided_slice %get3A_88 {offsets = [0, 10], sizes = [256, 1], strides = [1, 1]} : vector<256x13xf32> to vector<256x1xf32>
      %mul3A_153 = vector.broadcast %slice3A_152 : vector<256x1xf32> to vector<256x128xf32>
      %mul3A_154 = arith.mulf %mul3A_153, %get3A_151 : vector<256x128xf32>
      %add3A_155 = arith.addf %add3A_146, %mul3A_154 : vector<256x128xf32>
      %add3A_156 = arith.constant 1024 : i32
      %add3A_157 = arith.addi %multiple_of3A, %add3A_156 : i32
      %get3A_158 = arith.index_cast %add3A_157 : i32 to index
      %get3A_159 = arith.constant 0 : index
      %get3A_160 = vector.load %arg5[%get3A_158, %get3A_159] : memref<6144x128xf32, #tpu.memory_space<vmem>>, vector<256x128xf32>
      %slice3A_161 = vector.extract_strided_slice %get3A_88 {offsets = [0, 11], sizes = [256, 1], strides = [1, 1]} : vector<256x13xf32> to vector<256x1xf32>
      %mul3A_162 = vector.broadcast %slice3A_161 : vector<256x1xf32> to vector<256x128xf32>
      %mul3A_163 = arith.mulf %mul3A_162, %get3A_160 : vector<256x128xf32>
      %add3A_164 = arith.addf %add3A_155, %mul3A_163 : vector<256x128xf32>
      %add3A_165 = arith.constant 2048 : i32
      %add3A_166 = arith.addi %multiple_of3A, %add3A_165 : i32
      %get3A_167 = arith.index_cast %add3A_166 : i32 to index
      %get3A_168 = arith.constant 0 : index
      %get3A_169 = vector.load %arg5[%get3A_167, %get3A_168] : memref<6144x128xf32, #tpu.memory_space<vmem>>, vector<256x128xf32>
      %slice3A_170 = vector.extract_strided_slice %get3A_88 {offsets = [0, 12], sizes = [256, 1], strides = [1, 1]} : vector<256x13xf32> to vector<256x1xf32>
      %mul3A_171 = vector.broadcast %slice3A_170 : vector<256x1xf32> to vector<256x128xf32>
      %mul3A_172 = arith.mulf %mul3A_171, %get3A_169 : vector<256x128xf32>
      %add3A_173 = arith.addf %add3A_164, %mul3A_172 : vector<256x128xf32>
      %add3A_174 = arith.addf %add3A_173, %slice3A : vector<256x128xf32>
      %swap3A_175 = arith.index_cast %multiple_of3A : i32 to index
      %swap3A_176 = arith.constant 0 : index
      %swap3A_177 = vector.load %arg4[%swap3A_175, %swap3A_176] : memref<6144x128xf32, #tpu.memory_space<vmem>>, vector<256x128xf32>
      tpu.vector_store %arg4[%swap3A_175, %swap3A_176], %add3A_174 {strides = array<i32>} : memref<6144x128xf32, #tpu.memory_space<vmem>>, vector<256x128xf32>,
      %lt3A = arith.constant 2048 : i32
      %lt3A_178 = arith.cmpi slt, %multiple_of3A, %lt3A : i32
      %convert_element_type3A = arith.extui %lt3A_178 : i1 to i32
      %cond3A = arith.constant 0 : i32
      %cond3A_179 = arith.cmpi ne, %convert_element_type3A, %cond3A : i32
      scf.if %cond3A_179 {
        %add3A_180 = arith.constant 4096 : i32
        %add3A_181 = arith.addi %add3A_180, %multiple_of3A : i32
        %swap3A_182 = arith.index_cast %add3A_181 : i32 to index
        %swap3A_183 = arith.constant 0 : index
        %swap3A_184 = vector.load %arg4[%swap3A_182, %swap3A_183] : memref<6144x128xf32, #tpu.memory_space<vmem>>, vector<256x128xf32>
        tpu.vector_store %arg4[%swap3A_182, %swap3A_183], %add3A_174 {strides = array<i32>} : memref<6144x128xf32, #tpu.memory_space<vmem>>, vector<256x128xf32>,
      } else {
      }
    }
    %scan3A_13 = arith.constant 16 : i32
    %scan3A_14 = arith.constant 0 : i32
    %scan3A_15 = arith.constant 16 : i32
    %scan3A_16 = arith.addi %scan3A_14, %scan3A_15 : i32
    %scan3A_17 = arith.constant 1 : i32
    scf.for %scan3A_83 = %scan3A_14 to %scan3A_16 step %scan3A_17  : i32 {
      %mul3A = arith.constant 256 : i32
      %mul3A_84 = arith.muli %scan3A_83, %mul3A : i32
      %multiple_of3A = tpu.assume_multiple %mul3A_84, 256 : i32
      %get3A = arith.constant 0 : index
      %get3A_85 = arith.index_cast %multiple_of3A : i32 to index
      %get3A_86 = arith.constant 245 : index
      %get3A_87 = vector.load %arg1[%get3A, %get3A_85, %get3A_86] : memref<1x4096x384xf32, #tpu.memory_space<vmem>>, vector<1x256x13xf32>
      %get3A_88 = vector.shape_cast %get3A_87 : vector<1x256x13xf32> to vector<256x13xf32>
      %get3A_89 = arith.index_cast %multiple_of3A : i32 to index
      %get3A_90 = arith.constant 0 : index
      %get3A_91 = vector.load %arg4[%get3A_89, %get3A_90] : memref<6144x128xf32, #tpu.memory_space<vmem>>, vector<320x128xf32>
      %slice3A = vector.extract_strided_slice %get3A_91 {offsets = [0, 0], sizes = [256, 128], strides = [1, 1]} : vector<320x128xf32> to vector<256x128xf32>
      %slice3A_92 = vector.extract_strided_slice %get3A_88 {offsets = [0, 0], sizes = [256, 1], strides = [1, 1]} : vector<256x13xf32> to vector<256x1xf32>
      %mul3A_93 = vector.broadcast %slice3A_92 : vector<256x1xf32> to vector<256x128xf32>
      %mul3A_94 = arith.mulf %mul3A_93, %slice3A : vector<256x128xf32>
      %slice3A_95 = vector.extract_strided_slice %get3A_91 {offsets = [1, 0], sizes = [256, 128], strides = [1, 1]} : vector<320x128xf32> to vector<256x128xf32>
      %slice3A_96 = vector.extract_strided_slice %get3A_88 {offsets = [0, 1], sizes = [256, 1], strides = [1, 1]} : vector<256x13xf32> to vector<256x1xf32>
      %mul3A_97 = vector.broadcast %slice3A_96 : vector<256x1xf32> to vector<256x128xf32>
      %mul3A_98 = arith.mulf %mul3A_97, %slice3A_95 : vector<256x128xf32>
      %add3A = arith.addf %mul3A_94, %mul3A_98 : vector<256x128xf32>
      %slice3A_99 = vector.extract_strided_slice %get3A_91 {offsets = [2, 0], sizes = [256, 128], strides = [1, 1]} : vector<320x128xf32> to vector<256x128xf32>
      %slice3A_100 = vector.extract_strided_slice %get3A_88 {offsets = [0, 2], sizes = [256, 1], strides = [1, 1]} : vector<256x13xf32> to vector<256x1xf32>
      %mul3A_101 = vector.broadcast %slice3A_100 : vector<256x1xf32> to vector<256x128xf32>
      %mul3A_102 = arith.mulf %mul3A_101, %slice3A_99 : vector<256x128xf32>
      %add3A_103 = arith.addf %add3A, %mul3A_102 : vector<256x128xf32>
      %slice3A_104 = vector.extract_strided_slice %get3A_91 {offsets = [4, 0], sizes = [256, 128], strides = [1, 1]} : vector<320x128xf32> to vector<256x128xf32>
      %slice3A_105 = vector.extract_strided_slice %get3A_88 {offsets = [0, 3], sizes = [256, 1], strides = [1, 1]} : vector<256x13xf32> to vector<256x1xf32>
      %mul3A_106 = vector.broadcast %slice3A_105 : vector<256x1xf32> to vector<256x128xf32>
      %mul3A_107 = arith.mulf %mul3A_106, %slice3A_104 : vector<256x128xf32>
      %add3A_108 = arith.addf %add3A_103, %mul3A_107 : vector<256x128xf32>
      %slice3A_109 = vector.extract_strided_slice %get3A_91 {offsets = [8, 0], sizes = [256, 128], strides = [1, 1]} : vector<320x128xf32> to vector<256x128xf32>
      %slice3A_110 = vector.extract_strided_slice %get3A_88 {offsets = [0, 4], sizes = [256, 1], strides = [1, 1]} : vector<256x13xf32> to vector<256x1xf32>
      %mul3A_111 = vector.broadcast %slice3A_110 : vector<256x1xf32> to vector<256x128xf32>
      %mul3A_112 = arith.mulf %mul3A_111, %slice3A_109 : vector<256x128xf32>
      %add3A_113 = arith.addf %add3A_108, %mul3A_112 : vector<256x128xf32>
      %slice3A_114 = vector.extract_strided_slice %get3A_91 {offsets = [16, 0], sizes = [256, 128], strides = [1, 1]} : vector<320x128xf32> to vector<256x128xf32>
      %slice3A_115 = vector.extract_strided_slice %get3A_88 {offsets = [0, 5], sizes = [256, 1], strides = [1, 1]} : vector<256x13xf32> to vector<256x1xf32>
      %mul3A_116 = vector.broadcast %slice3A_115 : vector<256x1xf32> to vector<256x128xf32>
      %mul3A_117 = arith.mulf %mul3A_116, %slice3A_114 : vector<256x128xf32>
      %add3A_118 = arith.addf %add3A_113, %mul3A_117 : vector<256x128xf32>
      %slice3A_119 = vector.extract_strided_slice %get3A_91 {offsets = [32, 0], sizes = [256, 128], strides = [1, 1]} : vector<320x128xf32> to vector<256x128xf32>
      %slice3A_120 = vector.extract_strided_slice %get3A_88 {offsets = [0, 6], sizes = [256, 1], strides = [1, 1]} : vector<256x13xf32> to vector<256x1xf32>
      %mul3A_121 = vector.broadcast %slice3A_120 : vector<256x1xf32> to vector<256x128xf32>
      %mul3A_122 = arith.mulf %mul3A_121, %slice3A_119 : vector<256x128xf32>
      %add3A_123 = arith.addf %add3A_118, %mul3A_122 : vector<256x128xf32>
      %slice3A_124 = vector.extract_strided_slice %get3A_91 {offsets = [64, 0], sizes = [256, 128], strides = [1, 1]} : vector<320x128xf32> to vector<256x128xf32>
      %slice3A_125 = vector.extract_strided_slice %get3A_88 {offsets = [0, 7], sizes = [256, 1], strides = [1, 1]} : vector<256x13xf32> to vector<256x1xf32>
      %mul3A_126 = vector.broadcast %slice3A_125 : vector<256x1xf32> to vector<256x128xf32>
      %mul3A_127 = arith.mulf %mul3A_126, %slice3A_124 : vector<256x128xf32>
      %add3A_128 = arith.addf %add3A_123, %mul3A_127 : vector<256x128xf32>
      %add3A_129 = arith.constant 128 : i32
      %add3A_130 = arith.addi %multiple_of3A, %add3A_129 : i32
      %get3A_131 = arith.index_cast %add3A_130 : i32 to index
      %get3A_132 = arith.constant 0 : index
      %get3A_133 = vector.load %arg4[%get3A_131, %get3A_132] : memref<6144x128xf32, #tpu.memory_space<vmem>>, vector<256x128xf32>
      %slice3A_134 = vector.extract_strided_slice %get3A_88 {offsets = [0, 8], sizes = [256, 1], strides = [1, 1]} : vector<256x13xf32> to vector<256x1xf32>
      %mul3A_135 = vector.broadcast %slice3A_134 : vector<256x1xf32> to vector<256x128xf32>
      %mul3A_136 = arith.mulf %mul3A_135, %get3A_133 : vector<256x128xf32>
      %add3A_137 = arith.addf %add3A_128, %mul3A_136 : vector<256x128xf32>
      %add3A_138 = arith.constant 256 : i32
      %add3A_139 = arith.addi %multiple_of3A, %add3A_138 : i32
      %get3A_140 = arith.index_cast %add3A_139 : i32 to index
      %get3A_141 = arith.constant 0 : index
      %get3A_142 = vector.load %arg4[%get3A_140, %get3A_141] : memref<6144x128xf32, #tpu.memory_space<vmem>>, vector<256x128xf32>
      %slice3A_143 = vector.extract_strided_slice %get3A_88 {offsets = [0, 9], sizes = [256, 1], strides = [1, 1]} : vector<256x13xf32> to vector<256x1xf32>
      %mul3A_144 = vector.broadcast %slice3A_143 : vector<256x1xf32> to vector<256x128xf32>
      %mul3A_145 = arith.mulf %mul3A_144, %get3A_142 : vector<256x128xf32>
      %add3A_146 = arith.addf %add3A_137, %mul3A_145 : vector<256x128xf32>
      %add3A_147 = arith.constant 512 : i32
      %add3A_148 = arith.addi %multiple_of3A, %add3A_147 : i32
      %get3A_149 = arith.index_cast %add3A_148 : i32 to index
      %get3A_150 = arith.constant 0 : index
      %get3A_151 = vector.load %arg4[%get3A_149, %get3A_150] : memref<6144x128xf32, #tpu.memory_space<vmem>>, vector<256x128xf32>
      %slice3A_152 = vector.extract_strided_slice %get3A_88 {offsets = [0, 10], sizes = [256, 1], strides = [1, 1]} : vector<256x13xf32> to vector<256x1xf32>
      %mul3A_153 = vector.broadcast %slice3A_152 : vector<256x1xf32> to vector<256x128xf32>
      %mul3A_154 = arith.mulf %mul3A_153, %get3A_151 : vector<256x128xf32>
      %add3A_155 = arith.addf %add3A_146, %mul3A_154 : vector<256x128xf32>
      %add3A_156 = arith.constant 1024 : i32
      %add3A_157 = arith.addi %multiple_of3A, %add3A_156 : i32
      %get3A_158 = arith.index_cast %add3A_157 : i32 to index
      %get3A_159 = arith.constant 0 : index
      %get3A_160 = vector.load %arg4[%get3A_158, %get3A_159] : memref<6144x128xf32, #tpu.memory_space<vmem>>, vector<256x128xf32>
      %slice3A_161 = vector.extract_strided_slice %get3A_88 {offsets = [0, 11], sizes = [256, 1], strides = [1, 1]} : vector<256x13xf32> to vector<256x1xf32>
      %mul3A_162 = vector.broadcast %slice3A_161 : vector<256x1xf32> to vector<256x128xf32>
      %mul3A_163 = arith.mulf %mul3A_162, %get3A_160 : vector<256x128xf32>
      %add3A_164 = arith.addf %add3A_155, %mul3A_163 : vector<256x128xf32>
      %add3A_165 = arith.constant 2048 : i32
      %add3A_166 = arith.addi %multiple_of3A, %add3A_165 : i32
      %get3A_167 = arith.index_cast %add3A_166 : i32 to index
      %get3A_168 = arith.constant 0 : index
      %get3A_169 = vector.load %arg4[%get3A_167, %get3A_168] : memref<6144x128xf32, #tpu.memory_space<vmem>>, vector<256x128xf32>
      %slice3A_170 = vector.extract_strided_slice %get3A_88 {offsets = [0, 12], sizes = [256, 1], strides = [1, 1]} : vector<256x13xf32> to vector<256x1xf32>
      %mul3A_171 = vector.broadcast %slice3A_170 : vector<256x1xf32> to vector<256x128xf32>
      %mul3A_172 = arith.mulf %mul3A_171, %get3A_169 : vector<256x128xf32>
      %add3A_173 = arith.addf %add3A_164, %mul3A_172 : vector<256x128xf32>
      %add3A_174 = arith.addf %add3A_173, %slice3A : vector<256x128xf32>
      %swap3A_175 = arith.index_cast %multiple_of3A : i32 to index
      %swap3A_176 = arith.constant 0 : index
      %swap3A_177 = vector.load %arg5[%swap3A_175, %swap3A_176] : memref<6144x128xf32, #tpu.memory_space<vmem>>, vector<256x128xf32>
      tpu.vector_store %arg5[%swap3A_175, %swap3A_176], %add3A_174 {strides = array<i32>} : memref<6144x128xf32, #tpu.memory_space<vmem>>, vector<256x128xf32>,
      %lt3A = arith.constant 2048 : i32
      %lt3A_178 = arith.cmpi slt, %multiple_of3A, %lt3A : i32
      %convert_element_type3A = arith.extui %lt3A_178 : i1 to i32
      %cond3A = arith.constant 0 : i32
      %cond3A_179 = arith.cmpi ne, %convert_element_type3A, %cond3A : i32
      scf.if %cond3A_179 {
        %add3A_180 = arith.constant 4096 : i32
        %add3A_181 = arith.addi %add3A_180, %multiple_of3A : i32
        %swap3A_182 = arith.index_cast %add3A_181 : i32 to index
        %swap3A_183 = arith.constant 0 : index
        %swap3A_184 = vector.load %arg5[%swap3A_182, %swap3A_183] : memref<6144x128xf32, #tpu.memory_space<vmem>>, vector<256x128xf32>
        tpu.vector_store %arg5[%swap3A_182, %swap3A_183], %add3A_174 {strides = array<i32>} : memref<6144x128xf32, #tpu.memory_space<vmem>>, vector<256x128xf32>,
      } else {
      }
    }
    %scan3A_18 = arith.constant 16 : i32
    %scan3A_19 = arith.constant 0 : i32
    %scan3A_20 = arith.constant 16 : i32
    %scan3A_21 = arith.addi %scan3A_19, %scan3A_20 : i32
    %scan3A_22 = arith.constant 1 : i32
    scf.for %scan3A_83 = %scan3A_19 to %scan3A_21 step %scan3A_22  : i32 {
      %mul3A = arith.constant 256 : i32
      %mul3A_84 = arith.muli %scan3A_83, %mul3A : i32
      %multiple_of3A = tpu.assume_multiple %mul3A_84, 256 : i32
      %get3A = arith.constant 0 : index
      %get3A_85 = arith.index_cast %multiple_of3A : i32 to index
      %get3A_86 = arith.constant 232 : index
      %get3A_87 = vector.load %arg1[%get3A, %get3A_85, %get3A_86] : memref<1x4096x384xf32, #tpu.memory_space<vmem>>, vector<1x256x13xf32>
      %get3A_88 = vector.shape_cast %get3A_87 : vector<1x256x13xf32> to vector<256x13xf32>
      %get3A_89 = arith.index_cast %multiple_of3A : i32 to index
      %get3A_90 = arith.constant 0 : index
      %get3A_91 = vector.load %arg5[%get3A_89, %get3A_90] : memref<6144x128xf32, #tpu.memory_space<vmem>>, vector<320x128xf32>
      %slice3A = vector.extract_strided_slice %get3A_91 {offsets = [0, 0], sizes = [256, 128], strides = [1, 1]} : vector<320x128xf32> to vector<256x128xf32>
      %slice3A_92 = vector.extract_strided_slice %get3A_88 {offsets = [0, 0], sizes = [256, 1], strides = [1, 1]} : vector<256x13xf32> to vector<256x1xf32>
      %mul3A_93 = vector.broadcast %slice3A_92 : vector<256x1xf32> to vector<256x128xf32>
      %mul3A_94 = arith.mulf %mul3A_93, %slice3A : vector<256x128xf32>
      %slice3A_95 = vector.extract_strided_slice %get3A_91 {offsets = [1, 0], sizes = [256, 128], strides = [1, 1]} : vector<320x128xf32> to vector<256x128xf32>
      %slice3A_96 = vector.extract_strided_slice %get3A_88 {offsets = [0, 1], sizes = [256, 1], strides = [1, 1]} : vector<256x13xf32> to vector<256x1xf32>
      %mul3A_97 = vector.broadcast %slice3A_96 : vector<256x1xf32> to vector<256x128xf32>
      %mul3A_98 = arith.mulf %mul3A_97, %slice3A_95 : vector<256x128xf32>
      %add3A = arith.addf %mul3A_94, %mul3A_98 : vector<256x128xf32>
      %slice3A_99 = vector.extract_strided_slice %get3A_91 {offsets = [2, 0], sizes = [256, 128], strides = [1, 1]} : vector<320x128xf32> to vector<256x128xf32>
      %slice3A_100 = vector.extract_strided_slice %get3A_88 {offsets = [0, 2], sizes = [256, 1], strides = [1, 1]} : vector<256x13xf32> to vector<256x1xf32>
      %mul3A_101 = vector.broadcast %slice3A_100 : vector<256x1xf32> to vector<256x128xf32>
      %mul3A_102 = arith.mulf %mul3A_101, %slice3A_99 : vector<256x128xf32>
      %add3A_103 = arith.addf %add3A, %mul3A_102 : vector<256x128xf32>
      %slice3A_104 = vector.extract_strided_slice %get3A_91 {offsets = [4, 0], sizes = [256, 128], strides = [1, 1]} : vector<320x128xf32> to vector<256x128xf32>
      %slice3A_105 = vector.extract_strided_slice %get3A_88 {offsets = [0, 3], sizes = [256, 1], strides = [1, 1]} : vector<256x13xf32> to vector<256x1xf32>
      %mul3A_106 = vector.broadcast %slice3A_105 : vector<256x1xf32> to vector<256x128xf32>
      %mul3A_107 = arith.mulf %mul3A_106, %slice3A_104 : vector<256x128xf32>
      %add3A_108 = arith.addf %add3A_103, %mul3A_107 : vector<256x128xf32>
      %slice3A_109 = vector.extract_strided_slice %get3A_91 {offsets = [8, 0], sizes = [256, 128], strides = [1, 1]} : vector<320x128xf32> to vector<256x128xf32>
      %slice3A_110 = vector.extract_strided_slice %get3A_88 {offsets = [0, 4], sizes = [256, 1], strides = [1, 1]} : vector<256x13xf32> to vector<256x1xf32>
      %mul3A_111 = vector.broadcast %slice3A_110 : vector<256x1xf32> to vector<256x128xf32>
      %mul3A_112 = arith.mulf %mul3A_111, %slice3A_109 : vector<256x128xf32>
      %add3A_113 = arith.addf %add3A_108, %mul3A_112 : vector<256x128xf32>
      %slice3A_114 = vector.extract_strided_slice %get3A_91 {offsets = [16, 0], sizes = [256, 128], strides = [1, 1]} : vector<320x128xf32> to vector<256x128xf32>
      %slice3A_115 = vector.extract_strided_slice %get3A_88 {offsets = [0, 5], sizes = [256, 1], strides = [1, 1]} : vector<256x13xf32> to vector<256x1xf32>
      %mul3A_116 = vector.broadcast %slice3A_115 : vector<256x1xf32> to vector<256x128xf32>
      %mul3A_117 = arith.mulf %mul3A_116, %slice3A_114 : vector<256x128xf32>
      %add3A_118 = arith.addf %add3A_113, %mul3A_117 : vector<256x128xf32>
      %slice3A_119 = vector.extract_strided_slice %get3A_91 {offsets = [32, 0], sizes = [256, 128], strides = [1, 1]} : vector<320x128xf32> to vector<256x128xf32>
      %slice3A_120 = vector.extract_strided_slice %get3A_88 {offsets = [0, 6], sizes = [256, 1], strides = [1, 1]} : vector<256x13xf32> to vector<256x1xf32>
      %mul3A_121 = vector.broadcast %slice3A_120 : vector<256x1xf32> to vector<256x128xf32>
      %mul3A_122 = arith.mulf %mul3A_121, %slice3A_119 : vector<256x128xf32>
      %add3A_123 = arith.addf %add3A_118, %mul3A_122 : vector<256x128xf32>
      %slice3A_124 = vector.extract_strided_slice %get3A_91 {offsets = [64, 0], sizes = [256, 128], strides = [1, 1]} : vector<320x128xf32> to vector<256x128xf32>
      %slice3A_125 = vector.extract_strided_slice %get3A_88 {offsets = [0, 7], sizes = [256, 1], strides = [1, 1]} : vector<256x13xf32> to vector<256x1xf32>
      %mul3A_126 = vector.broadcast %slice3A_125 : vector<256x1xf32> to vector<256x128xf32>
      %mul3A_127 = arith.mulf %mul3A_126, %slice3A_124 : vector<256x128xf32>
      %add3A_128 = arith.addf %add3A_123, %mul3A_127 : vector<256x128xf32>
      %add3A_129 = arith.constant 128 : i32
      %add3A_130 = arith.addi %multiple_of3A, %add3A_129 : i32
      %get3A_131 = arith.index_cast %add3A_130 : i32 to index
      %get3A_132 = arith.constant 0 : index
      %get3A_133 = vector.load %arg5[%get3A_131, %get3A_132] : memref<6144x128xf32, #tpu.memory_space<vmem>>, vector<256x128xf32>
      %slice3A_134 = vector.extract_strided_slice %get3A_88 {offsets = [0, 8], sizes = [256, 1], strides = [1, 1]} : vector<256x13xf32> to vector<256x1xf32>
      %mul3A_135 = vector.broadcast %slice3A_134 : vector<256x1xf32> to vector<256x128xf32>
      %mul3A_136 = arith.mulf %mul3A_135, %get3A_133 : vector<256x128xf32>
      %add3A_137 = arith.addf %add3A_128, %mul3A_136 : vector<256x128xf32>
      %add3A_138 = arith.constant 256 : i32
      %add3A_139 = arith.addi %multiple_of3A, %add3A_138 : i32
      %get3A_140 = arith.index_cast %add3A_139 : i32 to index
      %get3A_141 = arith.constant 0 : index
      %get3A_142 = vector.load %arg5[%get3A_140, %get3A_141] : memref<6144x128xf32, #tpu.memory_space<vmem>>, vector<256x128xf32>
      %slice3A_143 = vector.extract_strided_slice %get3A_88 {offsets = [0, 9], sizes = [256, 1], strides = [1, 1]} : vector<256x13xf32> to vector<256x1xf32>
      %mul3A_144 = vector.broadcast %slice3A_143 : vector<256x1xf32> to vector<256x128xf32>
      %mul3A_145 = arith.mulf %mul3A_144, %get3A_142 : vector<256x128xf32>
      %add3A_146 = arith.addf %add3A_137, %mul3A_145 : vector<256x128xf32>
      %add3A_147 = arith.constant 512 : i32
      %add3A_148 = arith.addi %multiple_of3A, %add3A_147 : i32
      %get3A_149 = arith.index_cast %add3A_148 : i32 to index
      %get3A_150 = arith.constant 0 : index
      %get3A_151 = vector.load %arg5[%get3A_149, %get3A_150] : memref<6144x128xf32, #tpu.memory_space<vmem>>, vector<256x128xf32>
      %slice3A_152 = vector.extract_strided_slice %get3A_88 {offsets = [0, 10], sizes = [256, 1], strides = [1, 1]} : vector<256x13xf32> to vector<256x1xf32>
      %mul3A_153 = vector.broadcast %slice3A_152 : vector<256x1xf32> to vector<256x128xf32>
      %mul3A_154 = arith.mulf %mul3A_153, %get3A_151 : vector<256x128xf32>
      %add3A_155 = arith.addf %add3A_146, %mul3A_154 : vector<256x128xf32>
      %add3A_156 = arith.constant 1024 : i32
      %add3A_157 = arith.addi %multiple_of3A, %add3A_156 : i32
      %get3A_158 = arith.index_cast %add3A_157 : i32 to index
      %get3A_159 = arith.constant 0 : index
      %get3A_160 = vector.load %arg5[%get3A_158, %get3A_159] : memref<6144x128xf32, #tpu.memory_space<vmem>>, vector<256x128xf32>
      %slice3A_161 = vector.extract_strided_slice %get3A_88 {offsets = [0, 11], sizes = [256, 1], strides = [1, 1]} : vector<256x13xf32> to vector<256x1xf32>
      %mul3A_162 = vector.broadcast %slice3A_161 : vector<256x1xf32> to vector<256x128xf32>
      %mul3A_163 = arith.mulf %mul3A_162, %get3A_160 : vector<256x128xf32>
      %add3A_164 = arith.addf %add3A_155, %mul3A_163 : vector<256x128xf32>
      %add3A_165 = arith.constant 2048 : i32
      %add3A_166 = arith.addi %multiple_of3A, %add3A_165 : i32
      %get3A_167 = arith.index_cast %add3A_166 : i32 to index
      %get3A_168 = arith.constant 0 : index
      %get3A_169 = vector.load %arg5[%get3A_167, %get3A_168] : memref<6144x128xf32, #tpu.memory_space<vmem>>, vector<256x128xf32>
      %slice3A_170 = vector.extract_strided_slice %get3A_88 {offsets = [0, 12], sizes = [256, 1], strides = [1, 1]} : vector<256x13xf32> to vector<256x1xf32>
      %mul3A_171 = vector.broadcast %slice3A_170 : vector<256x1xf32> to vector<256x128xf32>
      %mul3A_172 = arith.mulf %mul3A_171, %get3A_169 : vector<256x128xf32>
      %add3A_173 = arith.addf %add3A_164, %mul3A_172 : vector<256x128xf32>
      %add3A_174 = arith.addf %add3A_173, %slice3A : vector<256x128xf32>
      %swap3A_175 = arith.index_cast %multiple_of3A : i32 to index
      %swap3A_176 = arith.constant 0 : index
      %swap3A_177 = vector.load %arg4[%swap3A_175, %swap3A_176] : memref<6144x128xf32, #tpu.memory_space<vmem>>, vector<256x128xf32>
      tpu.vector_store %arg4[%swap3A_175, %swap3A_176], %add3A_174 {strides = array<i32>} : memref<6144x128xf32, #tpu.memory_space<vmem>>, vector<256x128xf32>,
      %lt3A = arith.constant 2048 : i32
      %lt3A_178 = arith.cmpi slt, %multiple_of3A, %lt3A : i32
      %convert_element_type3A = arith.extui %lt3A_178 : i1 to i32
      %cond3A = arith.constant 0 : i32
      %cond3A_179 = arith.cmpi ne, %convert_element_type3A, %cond3A : i32
      scf.if %cond3A_179 {
        %add3A_180 = arith.constant 4096 : i32
        %add3A_181 = arith.addi %add3A_180, %multiple_of3A : i32
        %swap3A_182 = arith.index_cast %add3A_181 : i32 to index
        %swap3A_183 = arith.constant 0 : index
        %swap3A_184 = vector.load %arg4[%swap3A_182, %swap3A_183] : memref<6144x128xf32, #tpu.memory_space<vmem>>, vector<256x128xf32>
        tpu.vector_store %arg4[%swap3A_182, %swap3A_183], %add3A_174 {strides = array<i32>} : memref<6144x128xf32, #tpu.memory_space<vmem>>, vector<256x128xf32>,
      } else {
      }
    }
    %scan3A_23 = arith.constant 16 : i32
    %scan3A_24 = arith.constant 0 : i32
    %scan3A_25 = arith.constant 16 : i32
    %scan3A_26 = arith.addi %scan3A_24, %scan3A_25 : i32
    %scan3A_27 = arith.constant 1 : i32
    scf.for %scan3A_83 = %scan3A_24 to %scan3A_26 step %scan3A_27  : i32 {
      %mul3A = arith.constant 256 : i32
      %mul3A_84 = arith.muli %scan3A_83, %mul3A : i32
      %multiple_of3A = tpu.assume_multiple %mul3A_84, 256 : i32
      %get3A = arith.constant 0 : index
      %get3A_85 = arith.index_cast %multiple_of3A : i32 to index
      %get3A_86 = arith.constant 219 : index
      %get3A_87 = vector.load %arg1[%get3A, %get3A_85, %get3A_86] : memref<1x4096x384xf32, #tpu.memory_space<vmem>>, vector<1x256x13xf32>
      %get3A_88 = vector.shape_cast %get3A_87 : vector<1x256x13xf32> to vector<256x13xf32>
      %get3A_89 = arith.index_cast %multiple_of3A : i32 to index
      %get3A_90 = arith.constant 0 : index
      %get3A_91 = vector.load %arg4[%get3A_89, %get3A_90] : memref<6144x128xf32, #tpu.memory_space<vmem>>, vector<320x128xf32>
      %slice3A = vector.extract_strided_slice %get3A_91 {offsets = [0, 0], sizes = [256, 128], strides = [1, 1]} : vector<320x128xf32> to vector<256x128xf32>
      %slice3A_92 = vector.extract_strided_slice %get3A_88 {offsets = [0, 0], sizes = [256, 1], strides = [1, 1]} : vector<256x13xf32> to vector<256x1xf32>
      %mul3A_93 = vector.broadcast %slice3A_92 : vector<256x1xf32> to vector<256x128xf32>
      %mul3A_94 = arith.mulf %mul3A_93, %slice3A : vector<256x128xf32>
      %slice3A_95 = vector.extract_strided_slice %get3A_91 {offsets = [1, 0], sizes = [256, 128], strides = [1, 1]} : vector<320x128xf32> to vector<256x128xf32>
      %slice3A_96 = vector.extract_strided_slice %get3A_88 {offsets = [0, 1], sizes = [256, 1], strides = [1, 1]} : vector<256x13xf32> to vector<256x1xf32>
      %mul3A_97 = vector.broadcast %slice3A_96 : vector<256x1xf32> to vector<256x128xf32>
      %mul3A_98 = arith.mulf %mul3A_97, %slice3A_95 : vector<256x128xf32>
      %add3A = arith.addf %mul3A_94, %mul3A_98 : vector<256x128xf32>
      %slice3A_99 = vector.extract_strided_slice %get3A_91 {offsets = [2, 0], sizes = [256, 128], strides = [1, 1]} : vector<320x128xf32> to vector<256x128xf32>
      %slice3A_100 = vector.extract_strided_slice %get3A_88 {offsets = [0, 2], sizes = [256, 1], strides = [1, 1]} : vector<256x13xf32> to vector<256x1xf32>
      %mul3A_101 = vector.broadcast %slice3A_100 : vector<256x1xf32> to vector<256x128xf32>
      %mul3A_102 = arith.mulf %mul3A_101, %slice3A_99 : vector<256x128xf32>
      %add3A_103 = arith.addf %add3A, %mul3A_102 : vector<256x128xf32>
      %slice3A_104 = vector.extract_strided_slice %get3A_91 {offsets = [4, 0], sizes = [256, 128], strides = [1, 1]} : vector<320x128xf32> to vector<256x128xf32>
      %slice3A_105 = vector.extract_strided_slice %get3A_88 {offsets = [0, 3], sizes = [256, 1], strides = [1, 1]} : vector<256x13xf32> to vector<256x1xf32>
      %mul3A_106 = vector.broadcast %slice3A_105 : vector<256x1xf32> to vector<256x128xf32>
      %mul3A_107 = arith.mulf %mul3A_106, %slice3A_104 : vector<256x128xf32>
      %add3A_108 = arith.addf %add3A_103, %mul3A_107 : vector<256x128xf32>
      %slice3A_109 = vector.extract_strided_slice %get3A_91 {offsets = [8, 0], sizes = [256, 128], strides = [1, 1]} : vector<320x128xf32> to vector<256x128xf32>
      %slice3A_110 = vector.extract_strided_slice %get3A_88 {offsets = [0, 4], sizes = [256, 1], strides = [1, 1]} : vector<256x13xf32> to vector<256x1xf32>
      %mul3A_111 = vector.broadcast %slice3A_110 : vector<256x1xf32> to vector<256x128xf32>
      %mul3A_112 = arith.mulf %mul3A_111, %slice3A_109 : vector<256x128xf32>
      %add3A_113 = arith.addf %add3A_108, %mul3A_112 : vector<256x128xf32>
      %slice3A_114 = vector.extract_strided_slice %get3A_91 {offsets = [16, 0], sizes = [256, 128], strides = [1, 1]} : vector<320x128xf32> to vector<256x128xf32>
      %slice3A_115 = vector.extract_strided_slice %get3A_88 {offsets = [0, 5], sizes = [256, 1], strides = [1, 1]} : vector<256x13xf32> to vector<256x1xf32>
      %mul3A_116 = vector.broadcast %slice3A_115 : vector<256x1xf32> to vector<256x128xf32>
      %mul3A_117 = arith.mulf %mul3A_116, %slice3A_114 : vector<256x128xf32>
      %add3A_118 = arith.addf %add3A_113, %mul3A_117 : vector<256x128xf32>
      %slice3A_119 = vector.extract_strided_slice %get3A_91 {offsets = [32, 0], sizes = [256, 128], strides = [1, 1]} : vector<320x128xf32> to vector<256x128xf32>
      %slice3A_120 = vector.extract_strided_slice %get3A_88 {offsets = [0, 6], sizes = [256, 1], strides = [1, 1]} : vector<256x13xf32> to vector<256x1xf32>
      %mul3A_121 = vector.broadcast %slice3A_120 : vector<256x1xf32> to vector<256x128xf32>
      %mul3A_122 = arith.mulf %mul3A_121, %slice3A_119 : vector<256x128xf32>
      %add3A_123 = arith.addf %add3A_118, %mul3A_122 : vector<256x128xf32>
      %slice3A_124 = vector.extract_strided_slice %get3A_91 {offsets = [64, 0], sizes = [256, 128], strides = [1, 1]} : vector<320x128xf32> to vector<256x128xf32>
      %slice3A_125 = vector.extract_strided_slice %get3A_88 {offsets = [0, 7], sizes = [256, 1], strides = [1, 1]} : vector<256x13xf32> to vector<256x1xf32>
      %mul3A_126 = vector.broadcast %slice3A_125 : vector<256x1xf32> to vector<256x128xf32>
      %mul3A_127 = arith.mulf %mul3A_126, %slice3A_124 : vector<256x128xf32>
      %add3A_128 = arith.addf %add3A_123, %mul3A_127 : vector<256x128xf32>
      %add3A_129 = arith.constant 128 : i32
      %add3A_130 = arith.addi %multiple_of3A, %add3A_129 : i32
      %get3A_131 = arith.index_cast %add3A_130 : i32 to index
      %get3A_132 = arith.constant 0 : index
      %get3A_133 = vector.load %arg4[%get3A_131, %get3A_132] : memref<6144x128xf32, #tpu.memory_space<vmem>>, vector<256x128xf32>
      %slice3A_134 = vector.extract_strided_slice %get3A_88 {offsets = [0, 8], sizes = [256, 1], strides = [1, 1]} : vector<256x13xf32> to vector<256x1xf32>
      %mul3A_135 = vector.broadcast %slice3A_134 : vector<256x1xf32> to vector<256x128xf32>
      %mul3A_136 = arith.mulf %mul3A_135, %get3A_133 : vector<256x128xf32>
      %add3A_137 = arith.addf %add3A_128, %mul3A_136 : vector<256x128xf32>
      %add3A_138 = arith.constant 256 : i32
      %add3A_139 = arith.addi %multiple_of3A, %add3A_138 : i32
      %get3A_140 = arith.index_cast %add3A_139 : i32 to index
      %get3A_141 = arith.constant 0 : index
      %get3A_142 = vector.load %arg4[%get3A_140, %get3A_141] : memref<6144x128xf32, #tpu.memory_space<vmem>>, vector<256x128xf32>
      %slice3A_143 = vector.extract_strided_slice %get3A_88 {offsets = [0, 9], sizes = [256, 1], strides = [1, 1]} : vector<256x13xf32> to vector<256x1xf32>
      %mul3A_144 = vector.broadcast %slice3A_143 : vector<256x1xf32> to vector<256x128xf32>
      %mul3A_145 = arith.mulf %mul3A_144, %get3A_142 : vector<256x128xf32>
      %add3A_146 = arith.addf %add3A_137, %mul3A_145 : vector<256x128xf32>
      %add3A_147 = arith.constant 512 : i32
      %add3A_148 = arith.addi %multiple_of3A, %add3A_147 : i32
      %get3A_149 = arith.index_cast %add3A_148 : i32 to index
      %get3A_150 = arith.constant 0 : index
      %get3A_151 = vector.load %arg4[%get3A_149, %get3A_150] : memref<6144x128xf32, #tpu.memory_space<vmem>>, vector<256x128xf32>
      %slice3A_152 = vector.extract_strided_slice %get3A_88 {offsets = [0, 10], sizes = [256, 1], strides = [1, 1]} : vector<256x13xf32> to vector<256x1xf32>
      %mul3A_153 = vector.broadcast %slice3A_152 : vector<256x1xf32> to vector<256x128xf32>
      %mul3A_154 = arith.mulf %mul3A_153, %get3A_151 : vector<256x128xf32>
      %add3A_155 = arith.addf %add3A_146, %mul3A_154 : vector<256x128xf32>
      %add3A_156 = arith.constant 1024 : i32
      %add3A_157 = arith.addi %multiple_of3A, %add3A_156 : i32
      %get3A_158 = arith.index_cast %add3A_157 : i32 to index
      %get3A_159 = arith.constant 0 : index
      %get3A_160 = vector.load %arg4[%get3A_158, %get3A_159] : memref<6144x128xf32, #tpu.memory_space<vmem>>, vector<256x128xf32>
      %slice3A_161 = vector.extract_strided_slice %get3A_88 {offsets = [0, 11], sizes = [256, 1], strides = [1, 1]} : vector<256x13xf32> to vector<256x1xf32>
      %mul3A_162 = vector.broadcast %slice3A_161 : vector<256x1xf32> to vector<256x128xf32>
      %mul3A_163 = arith.mulf %mul3A_162, %get3A_160 : vector<256x128xf32>
      %add3A_164 = arith.addf %add3A_155, %mul3A_163 : vector<256x128xf32>
      %add3A_165 = arith.constant 2048 : i32
      %add3A_166 = arith.addi %multiple_of3A, %add3A_165 : i32
      %get3A_167 = arith.index_cast %add3A_166 : i32 to index
      %get3A_168 = arith.constant 0 : index
      %get3A_169 = vector.load %arg4[%get3A_167, %get3A_168] : memref<6144x128xf32, #tpu.memory_space<vmem>>, vector<256x128xf32>
      %slice3A_170 = vector.extract_strided_slice %get3A_88 {offsets = [0, 12], sizes = [256, 1], strides = [1, 1]} : vector<256x13xf32> to vector<256x1xf32>
      %mul3A_171 = vector.broadcast %slice3A_170 : vector<256x1xf32> to vector<256x128xf32>
      %mul3A_172 = arith.mulf %mul3A_171, %get3A_169 : vector<256x128xf32>
      %add3A_173 = arith.addf %add3A_164, %mul3A_172 : vector<256x128xf32>
      %add3A_174 = arith.addf %add3A_173, %slice3A : vector<256x128xf32>
      %swap3A_175 = arith.index_cast %multiple_of3A : i32 to index
      %swap3A_176 = arith.constant 0 : index
      %swap3A_177 = vector.load %arg5[%swap3A_175, %swap3A_176] : memref<6144x128xf32, #tpu.memory_space<vmem>>, vector<256x128xf32>
      tpu.vector_store %arg5[%swap3A_175, %swap3A_176], %add3A_174 {strides = array<i32>} : memref<6144x128xf32, #tpu.memory_space<vmem>>, vector<256x128xf32>,
      %lt3A = arith.constant 2048 : i32
      %lt3A_178 = arith.cmpi slt, %multiple_of3A, %lt3A : i32
      %convert_element_type3A = arith.extui %lt3A_178 : i1 to i32
      %cond3A = arith.constant 0 : i32
      %cond3A_179 = arith.cmpi ne, %convert_element_type3A, %cond3A : i32
      scf.if %cond3A_179 {
        %add3A_180 = arith.constant 4096 : i32
        %add3A_181 = arith.addi %add3A_180, %multiple_of3A : i32
        %swap3A_182 = arith.index_cast %add3A_181 : i32 to index
        %swap3A_183 = arith.constant 0 : index
        %swap3A_184 = vector.load %arg5[%swap3A_182, %swap3A_183] : memref<6144x128xf32, #tpu.memory_space<vmem>>, vector<256x128xf32>
        tpu.vector_store %arg5[%swap3A_182, %swap3A_183], %add3A_174 {strides = array<i32>} : memref<6144x128xf32, #tpu.memory_space<vmem>>, vector<256x128xf32>,
      } else {
      }
    }
    %scan3A_28 = arith.constant 16 : i32
    %scan3A_29 = arith.constant 0 : i32
    %scan3A_30 = arith.constant 16 : i32
    %scan3A_31 = arith.addi %scan3A_29, %scan3A_30 : i32
    %scan3A_32 = arith.constant 1 : i32
    scf.for %scan3A_83 = %scan3A_29 to %scan3A_31 step %scan3A_32  : i32 {
      %mul3A = arith.constant 256 : i32
      %mul3A_84 = arith.muli %scan3A_83, %mul3A : i32
      %multiple_of3A = tpu.assume_multiple %mul3A_84, 256 : i32
      %get3A = arith.constant 0 : index
      %get3A_85 = arith.index_cast %multiple_of3A : i32 to index
      %get3A_86 = arith.constant 206 : index
      %get3A_87 = vector.load %arg1[%get3A, %get3A_85, %get3A_86] : memref<1x4096x384xf32, #tpu.memory_space<vmem>>, vector<1x256x13xf32>
      %get3A_88 = vector.shape_cast %get3A_87 : vector<1x256x13xf32> to vector<256x13xf32>
      %get3A_89 = arith.index_cast %multiple_of3A : i32 to index
      %get3A_90 = arith.constant 0 : index
      %get3A_91 = vector.load %arg5[%get3A_89, %get3A_90] : memref<6144x128xf32, #tpu.memory_space<vmem>>, vector<320x128xf32>
      %slice3A = vector.extract_strided_slice %get3A_91 {offsets = [0, 0], sizes = [256, 128], strides = [1, 1]} : vector<320x128xf32> to vector<256x128xf32>
      %slice3A_92 = vector.extract_strided_slice %get3A_88 {offsets = [0, 0], sizes = [256, 1], strides = [1, 1]} : vector<256x13xf32> to vector<256x1xf32>
      %mul3A_93 = vector.broadcast %slice3A_92 : vector<256x1xf32> to vector<256x128xf32>
      %mul3A_94 = arith.mulf %mul3A_93, %slice3A : vector<256x128xf32>
      %slice3A_95 = vector.extract_strided_slice %get3A_91 {offsets = [1, 0], sizes = [256, 128], strides = [1, 1]} : vector<320x128xf32> to vector<256x128xf32>
      %slice3A_96 = vector.extract_strided_slice %get3A_88 {offsets = [0, 1], sizes = [256, 1], strides = [1, 1]} : vector<256x13xf32> to vector<256x1xf32>
      %mul3A_97 = vector.broadcast %slice3A_96 : vector<256x1xf32> to vector<256x128xf32>
      %mul3A_98 = arith.mulf %mul3A_97, %slice3A_95 : vector<256x128xf32>
      %add3A = arith.addf %mul3A_94, %mul3A_98 : vector<256x128xf32>
      %slice3A_99 = vector.extract_strided_slice %get3A_91 {offsets = [2, 0], sizes = [256, 128], strides = [1, 1]} : vector<320x128xf32> to vector<256x128xf32>
      %slice3A_100 = vector.extract_strided_slice %get3A_88 {offsets = [0, 2], sizes = [256, 1], strides = [1, 1]} : vector<256x13xf32> to vector<256x1xf32>
      %mul3A_101 = vector.broadcast %slice3A_100 : vector<256x1xf32> to vector<256x128xf32>
      %mul3A_102 = arith.mulf %mul3A_101, %slice3A_99 : vector<256x128xf32>
      %add3A_103 = arith.addf %add3A, %mul3A_102 : vector<256x128xf32>
      %slice3A_104 = vector.extract_strided_slice %get3A_91 {offsets = [4, 0], sizes = [256, 128], strides = [1, 1]} : vector<320x128xf32> to vector<256x128xf32>
      %slice3A_105 = vector.extract_strided_slice %get3A_88 {offsets = [0, 3], sizes = [256, 1], strides = [1, 1]} : vector<256x13xf32> to vector<256x1xf32>
      %mul3A_106 = vector.broadcast %slice3A_105 : vector<256x1xf32> to vector<256x128xf32>
      %mul3A_107 = arith.mulf %mul3A_106, %slice3A_104 : vector<256x128xf32>
      %add3A_108 = arith.addf %add3A_103, %mul3A_107 : vector<256x128xf32>
      %slice3A_109 = vector.extract_strided_slice %get3A_91 {offsets = [8, 0], sizes = [256, 128], strides = [1, 1]} : vector<320x128xf32> to vector<256x128xf32>
      %slice3A_110 = vector.extract_strided_slice %get3A_88 {offsets = [0, 4], sizes = [256, 1], strides = [1, 1]} : vector<256x13xf32> to vector<256x1xf32>
      %mul3A_111 = vector.broadcast %slice3A_110 : vector<256x1xf32> to vector<256x128xf32>
      %mul3A_112 = arith.mulf %mul3A_111, %slice3A_109 : vector<256x128xf32>
      %add3A_113 = arith.addf %add3A_108, %mul3A_112 : vector<256x128xf32>
      %slice3A_114 = vector.extract_strided_slice %get3A_91 {offsets = [16, 0], sizes = [256, 128], strides = [1, 1]} : vector<320x128xf32> to vector<256x128xf32>
      %slice3A_115 = vector.extract_strided_slice %get3A_88 {offsets = [0, 5], sizes = [256, 1], strides = [1, 1]} : vector<256x13xf32> to vector<256x1xf32>
      %mul3A_116 = vector.broadcast %slice3A_115 : vector<256x1xf32> to vector<256x128xf32>
      %mul3A_117 = arith.mulf %mul3A_116, %slice3A_114 : vector<256x128xf32>
      %add3A_118 = arith.addf %add3A_113, %mul3A_117 : vector<256x128xf32>
      %slice3A_119 = vector.extract_strided_slice %get3A_91 {offsets = [32, 0], sizes = [256, 128], strides = [1, 1]} : vector<320x128xf32> to vector<256x128xf32>
      %slice3A_120 = vector.extract_strided_slice %get3A_88 {offsets = [0, 6], sizes = [256, 1], strides = [1, 1]} : vector<256x13xf32> to vector<256x1xf32>
      %mul3A_121 = vector.broadcast %slice3A_120 : vector<256x1xf32> to vector<256x128xf32>
      %mul3A_122 = arith.mulf %mul3A_121, %slice3A_119 : vector<256x128xf32>
      %add3A_123 = arith.addf %add3A_118, %mul3A_122 : vector<256x128xf32>
      %slice3A_124 = vector.extract_strided_slice %get3A_91 {offsets = [64, 0], sizes = [256, 128], strides = [1, 1]} : vector<320x128xf32> to vector<256x128xf32>
      %slice3A_125 = vector.extract_strided_slice %get3A_88 {offsets = [0, 7], sizes = [256, 1], strides = [1, 1]} : vector<256x13xf32> to vector<256x1xf32>
      %mul3A_126 = vector.broadcast %slice3A_125 : vector<256x1xf32> to vector<256x128xf32>
      %mul3A_127 = arith.mulf %mul3A_126, %slice3A_124 : vector<256x128xf32>
      %add3A_128 = arith.addf %add3A_123, %mul3A_127 : vector<256x128xf32>
      %add3A_129 = arith.constant 128 : i32
      %add3A_130 = arith.addi %multiple_of3A, %add3A_129 : i32
      %get3A_131 = arith.index_cast %add3A_130 : i32 to index
      %get3A_132 = arith.constant 0 : index
      %get3A_133 = vector.load %arg5[%get3A_131, %get3A_132] : memref<6144x128xf32, #tpu.memory_space<vmem>>, vector<256x128xf32>
      %slice3A_134 = vector.extract_strided_slice %get3A_88 {offsets = [0, 8], sizes = [256, 1], strides = [1, 1]} : vector<256x13xf32> to vector<256x1xf32>
      %mul3A_135 = vector.broadcast %slice3A_134 : vector<256x1xf32> to vector<256x128xf32>
      %mul3A_136 = arith.mulf %mul3A_135, %get3A_133 : vector<256x128xf32>
      %add3A_137 = arith.addf %add3A_128, %mul3A_136 : vector<256x128xf32>
      %add3A_138 = arith.constant 256 : i32
      %add3A_139 = arith.addi %multiple_of3A, %add3A_138 : i32
      %get3A_140 = arith.index_cast %add3A_139 : i32 to index
      %get3A_141 = arith.constant 0 : index
      %get3A_142 = vector.load %arg5[%get3A_140, %get3A_141] : memref<6144x128xf32, #tpu.memory_space<vmem>>, vector<256x128xf32>
      %slice3A_143 = vector.extract_strided_slice %get3A_88 {offsets = [0, 9], sizes = [256, 1], strides = [1, 1]} : vector<256x13xf32> to vector<256x1xf32>
      %mul3A_144 = vector.broadcast %slice3A_143 : vector<256x1xf32> to vector<256x128xf32>
      %mul3A_145 = arith.mulf %mul3A_144, %get3A_142 : vector<256x128xf32>
      %add3A_146 = arith.addf %add3A_137, %mul3A_145 : vector<256x128xf32>
      %add3A_147 = arith.constant 512 : i32
      %add3A_148 = arith.addi %multiple_of3A, %add3A_147 : i32
      %get3A_149 = arith.index_cast %add3A_148 : i32 to index
      %get3A_150 = arith.constant 0 : index
      %get3A_151 = vector.load %arg5[%get3A_149, %get3A_150] : memref<6144x128xf32, #tpu.memory_space<vmem>>, vector<256x128xf32>
      %slice3A_152 = vector.extract_strided_slice %get3A_88 {offsets = [0, 10], sizes = [256, 1], strides = [1, 1]} : vector<256x13xf32> to vector<256x1xf32>
      %mul3A_153 = vector.broadcast %slice3A_152 : vector<256x1xf32> to vector<256x128xf32>
      %mul3A_154 = arith.mulf %mul3A_153, %get3A_151 : vector<256x128xf32>
      %add3A_155 = arith.addf %add3A_146, %mul3A_154 : vector<256x128xf32>
      %add3A_156 = arith.constant 1024 : i32
      %add3A_157 = arith.addi %multiple_of3A, %add3A_156 : i32
      %get3A_158 = arith.index_cast %add3A_157 : i32 to index
      %get3A_159 = arith.constant 0 : index
      %get3A_160 = vector.load %arg5[%get3A_158, %get3A_159] : memref<6144x128xf32, #tpu.memory_space<vmem>>, vector<256x128xf32>
      %slice3A_161 = vector.extract_strided_slice %get3A_88 {offsets = [0, 11], sizes = [256, 1], strides = [1, 1]} : vector<256x13xf32> to vector<256x1xf32>
      %mul3A_162 = vector.broadcast %slice3A_161 : vector<256x1xf32> to vector<256x128xf32>
      %mul3A_163 = arith.mulf %mul3A_162, %get3A_160 : vector<256x128xf32>
      %add3A_164 = arith.addf %add3A_155, %mul3A_163 : vector<256x128xf32>
      %add3A_165 = arith.constant 2048 : i32
      %add3A_166 = arith.addi %multiple_of3A, %add3A_165 : i32
      %get3A_167 = arith.index_cast %add3A_166 : i32 to index
      %get3A_168 = arith.constant 0 : index
      %get3A_169 = vector.load %arg5[%get3A_167, %get3A_168] : memref<6144x128xf32, #tpu.memory_space<vmem>>, vector<256x128xf32>
      %slice3A_170 = vector.extract_strided_slice %get3A_88 {offsets = [0, 12], sizes = [256, 1], strides = [1, 1]} : vector<256x13xf32> to vector<256x1xf32>
      %mul3A_171 = vector.broadcast %slice3A_170 : vector<256x1xf32> to vector<256x128xf32>
      %mul3A_172 = arith.mulf %mul3A_171, %get3A_169 : vector<256x128xf32>
      %add3A_173 = arith.addf %add3A_164, %mul3A_172 : vector<256x128xf32>
      %add3A_174 = arith.addf %add3A_173, %slice3A : vector<256x128xf32>
      %swap3A_175 = arith.index_cast %multiple_of3A : i32 to index
      %swap3A_176 = arith.constant 0 : index
      %swap3A_177 = vector.load %arg4[%swap3A_175, %swap3A_176] : memref<6144x128xf32, #tpu.memory_space<vmem>>, vector<256x128xf32>
      tpu.vector_store %arg4[%swap3A_175, %swap3A_176], %add3A_174 {strides = array<i32>} : memref<6144x128xf32, #tpu.memory_space<vmem>>, vector<256x128xf32>,
      %lt3A = arith.constant 2048 : i32
      %lt3A_178 = arith.cmpi slt, %multiple_of3A, %lt3A : i32
      %convert_element_type3A = arith.extui %lt3A_178 : i1 to i32
      %cond3A = arith.constant 0 : i32
      %cond3A_179 = arith.cmpi ne, %convert_element_type3A, %cond3A : i32
      scf.if %cond3A_179 {
        %add3A_180 = arith.constant 4096 : i32
        %add3A_181 = arith.addi %add3A_180, %multiple_of3A : i32
        %swap3A_182 = arith.index_cast %add3A_181 : i32 to index
        %swap3A_183 = arith.constant 0 : index
        %swap3A_184 = vector.load %arg4[%swap3A_182, %swap3A_183] : memref<6144x128xf32, #tpu.memory_space<vmem>>, vector<256x128xf32>
        tpu.vector_store %arg4[%swap3A_182, %swap3A_183], %add3A_174 {strides = array<i32>} : memref<6144x128xf32, #tpu.memory_space<vmem>>, vector<256x128xf32>,
      } else {
      }
    }
    %scan3A_33 = arith.constant 16 : i32
    %scan3A_34 = arith.constant 0 : i32
    %scan3A_35 = arith.constant 16 : i32
    %scan3A_36 = arith.addi %scan3A_34, %scan3A_35 : i32
    %scan3A_37 = arith.constant 1 : i32
    scf.for %scan3A_83 = %scan3A_34 to %scan3A_36 step %scan3A_37  : i32 {
      %mul3A = arith.constant 256 : i32
      %mul3A_84 = arith.muli %scan3A_83, %mul3A : i32
      %multiple_of3A = tpu.assume_multiple %mul3A_84, 256 : i32
      %get3A = arith.constant 0 : index
      %get3A_85 = arith.index_cast %multiple_of3A : i32 to index
      %get3A_86 = arith.constant 193 : index
      %get3A_87 = vector.load %arg1[%get3A, %get3A_85, %get3A_86] : memref<1x4096x384xf32, #tpu.memory_space<vmem>>, vector<1x256x13xf32>
      %get3A_88 = vector.shape_cast %get3A_87 : vector<1x256x13xf32> to vector<256x13xf32>
      %get3A_89 = arith.index_cast %multiple_of3A : i32 to index
      %get3A_90 = arith.constant 0 : index
      %get3A_91 = vector.load %arg4[%get3A_89, %get3A_90] : memref<6144x128xf32, #tpu.memory_space<vmem>>, vector<320x128xf32>
      %slice3A = vector.extract_strided_slice %get3A_91 {offsets = [0, 0], sizes = [256, 128], strides = [1, 1]} : vector<320x128xf32> to vector<256x128xf32>
      %slice3A_92 = vector.extract_strided_slice %get3A_88 {offsets = [0, 0], sizes = [256, 1], strides = [1, 1]} : vector<256x13xf32> to vector<256x1xf32>
      %mul3A_93 = vector.broadcast %slice3A_92 : vector<256x1xf32> to vector<256x128xf32>
      %mul3A_94 = arith.mulf %mul3A_93, %slice3A : vector<256x128xf32>
      %slice3A_95 = vector.extract_strided_slice %get3A_91 {offsets = [1, 0], sizes = [256, 128], strides = [1, 1]} : vector<320x128xf32> to vector<256x128xf32>
      %slice3A_96 = vector.extract_strided_slice %get3A_88 {offsets = [0, 1], sizes = [256, 1], strides = [1, 1]} : vector<256x13xf32> to vector<256x1xf32>
      %mul3A_97 = vector.broadcast %slice3A_96 : vector<256x1xf32> to vector<256x128xf32>
      %mul3A_98 = arith.mulf %mul3A_97, %slice3A_95 : vector<256x128xf32>
      %add3A = arith.addf %mul3A_94, %mul3A_98 : vector<256x128xf32>
      %slice3A_99 = vector.extract_strided_slice %get3A_91 {offsets = [2, 0], sizes = [256, 128], strides = [1, 1]} : vector<320x128xf32> to vector<256x128xf32>
      %slice3A_100 = vector.extract_strided_slice %get3A_88 {offsets = [0, 2], sizes = [256, 1], strides = [1, 1]} : vector<256x13xf32> to vector<256x1xf32>
      %mul3A_101 = vector.broadcast %slice3A_100 : vector<256x1xf32> to vector<256x128xf32>
      %mul3A_102 = arith.mulf %mul3A_101, %slice3A_99 : vector<256x128xf32>
      %add3A_103 = arith.addf %add3A, %mul3A_102 : vector<256x128xf32>
      %slice3A_104 = vector.extract_strided_slice %get3A_91 {offsets = [4, 0], sizes = [256, 128], strides = [1, 1]} : vector<320x128xf32> to vector<256x128xf32>
      %slice3A_105 = vector.extract_strided_slice %get3A_88 {offsets = [0, 3], sizes = [256, 1], strides = [1, 1]} : vector<256x13xf32> to vector<256x1xf32>
      %mul3A_106 = vector.broadcast %slice3A_105 : vector<256x1xf32> to vector<256x128xf32>
      %mul3A_107 = arith.mulf %mul3A_106, %slice3A_104 : vector<256x128xf32>
      %add3A_108 = arith.addf %add3A_103, %mul3A_107 : vector<256x128xf32>
      %slice3A_109 = vector.extract_strided_slice %get3A_91 {offsets = [8, 0], sizes = [256, 128], strides = [1, 1]} : vector<320x128xf32> to vector<256x128xf32>
      %slice3A_110 = vector.extract_strided_slice %get3A_88 {offsets = [0, 4], sizes = [256, 1], strides = [1, 1]} : vector<256x13xf32> to vector<256x1xf32>
      %mul3A_111 = vector.broadcast %slice3A_110 : vector<256x1xf32> to vector<256x128xf32>
      %mul3A_112 = arith.mulf %mul3A_111, %slice3A_109 : vector<256x128xf32>
      %add3A_113 = arith.addf %add3A_108, %mul3A_112 : vector<256x128xf32>
      %slice3A_114 = vector.extract_strided_slice %get3A_91 {offsets = [16, 0], sizes = [256, 128], strides = [1, 1]} : vector<320x128xf32> to vector<256x128xf32>
      %slice3A_115 = vector.extract_strided_slice %get3A_88 {offsets = [0, 5], sizes = [256, 1], strides = [1, 1]} : vector<256x13xf32> to vector<256x1xf32>
      %mul3A_116 = vector.broadcast %slice3A_115 : vector<256x1xf32> to vector<256x128xf32>
      %mul3A_117 = arith.mulf %mul3A_116, %slice3A_114 : vector<256x128xf32>
      %add3A_118 = arith.addf %add3A_113, %mul3A_117 : vector<256x128xf32>
      %slice3A_119 = vector.extract_strided_slice %get3A_91 {offsets = [32, 0], sizes = [256, 128], strides = [1, 1]} : vector<320x128xf32> to vector<256x128xf32>
      %slice3A_120 = vector.extract_strided_slice %get3A_88 {offsets = [0, 6], sizes = [256, 1], strides = [1, 1]} : vector<256x13xf32> to vector<256x1xf32>
      %mul3A_121 = vector.broadcast %slice3A_120 : vector<256x1xf32> to vector<256x128xf32>
      %mul3A_122 = arith.mulf %mul3A_121, %slice3A_119 : vector<256x128xf32>
      %add3A_123 = arith.addf %add3A_118, %mul3A_122 : vector<256x128xf32>
      %slice3A_124 = vector.extract_strided_slice %get3A_91 {offsets = [64, 0], sizes = [256, 128], strides = [1, 1]} : vector<320x128xf32> to vector<256x128xf32>
      %slice3A_125 = vector.extract_strided_slice %get3A_88 {offsets = [0, 7], sizes = [256, 1], strides = [1, 1]} : vector<256x13xf32> to vector<256x1xf32>
      %mul3A_126 = vector.broadcast %slice3A_125 : vector<256x1xf32> to vector<256x128xf32>
      %mul3A_127 = arith.mulf %mul3A_126, %slice3A_124 : vector<256x128xf32>
      %add3A_128 = arith.addf %add3A_123, %mul3A_127 : vector<256x128xf32>
      %add3A_129 = arith.constant 128 : i32
      %add3A_130 = arith.addi %multiple_of3A, %add3A_129 : i32
      %get3A_131 = arith.index_cast %add3A_130 : i32 to index
      %get3A_132 = arith.constant 0 : index
      %get3A_133 = vector.load %arg4[%get3A_131, %get3A_132] : memref<6144x128xf32, #tpu.memory_space<vmem>>, vector<256x128xf32>
      %slice3A_134 = vector.extract_strided_slice %get3A_88 {offsets = [0, 8], sizes = [256, 1], strides = [1, 1]} : vector<256x13xf32> to vector<256x1xf32>
      %mul3A_135 = vector.broadcast %slice3A_134 : vector<256x1xf32> to vector<256x128xf32>
      %mul3A_136 = arith.mulf %mul3A_135, %get3A_133 : vector<256x128xf32>
      %add3A_137 = arith.addf %add3A_128, %mul3A_136 : vector<256x128xf32>
      %add3A_138 = arith.constant 256 : i32
      %add3A_139 = arith.addi %multiple_of3A, %add3A_138 : i32
      %get3A_140 = arith.index_cast %add3A_139 : i32 to index
      %get3A_141 = arith.constant 0 : index
      %get3A_142 = vector.load %arg4[%get3A_140, %get3A_141] : memref<6144x128xf32, #tpu.memory_space<vmem>>, vector<256x128xf32>
      %slice3A_143 = vector.extract_strided_slice %get3A_88 {offsets = [0, 9], sizes = [256, 1], strides = [1, 1]} : vector<256x13xf32> to vector<256x1xf32>
      %mul3A_144 = vector.broadcast %slice3A_143 : vector<256x1xf32> to vector<256x128xf32>
      %mul3A_145 = arith.mulf %mul3A_144, %get3A_142 : vector<256x128xf32>
      %add3A_146 = arith.addf %add3A_137, %mul3A_145 : vector<256x128xf32>
      %add3A_147 = arith.constant 512 : i32
      %add3A_148 = arith.addi %multiple_of3A, %add3A_147 : i32
      %get3A_149 = arith.index_cast %add3A_148 : i32 to index
      %get3A_150 = arith.constant 0 : index
      %get3A_151 = vector.load %arg4[%get3A_149, %get3A_150] : memref<6144x128xf32, #tpu.memory_space<vmem>>, vector<256x128xf32>
      %slice3A_152 = vector.extract_strided_slice %get3A_88 {offsets = [0, 10], sizes = [256, 1], strides = [1, 1]} : vector<256x13xf32> to vector<256x1xf32>
      %mul3A_153 = vector.broadcast %slice3A_152 : vector<256x1xf32> to vector<256x128xf32>
      %mul3A_154 = arith.mulf %mul3A_153, %get3A_151 : vector<256x128xf32>
      %add3A_155 = arith.addf %add3A_146, %mul3A_154 : vector<256x128xf32>
      %add3A_156 = arith.constant 1024 : i32
      %add3A_157 = arith.addi %multiple_of3A, %add3A_156 : i32
      %get3A_158 = arith.index_cast %add3A_157 : i32 to index
      %get3A_159 = arith.constant 0 : index
      %get3A_160 = vector.load %arg4[%get3A_158, %get3A_159] : memref<6144x128xf32, #tpu.memory_space<vmem>>, vector<256x128xf32>
      %slice3A_161 = vector.extract_strided_slice %get3A_88 {offsets = [0, 11], sizes = [256, 1], strides = [1, 1]} : vector<256x13xf32> to vector<256x1xf32>
      %mul3A_162 = vector.broadcast %slice3A_161 : vector<256x1xf32> to vector<256x128xf32>
      %mul3A_163 = arith.mulf %mul3A_162, %get3A_160 : vector<256x128xf32>
      %add3A_164 = arith.addf %add3A_155, %mul3A_163 : vector<256x128xf32>
      %add3A_165 = arith.constant 2048 : i32
      %add3A_166 = arith.addi %multiple_of3A, %add3A_165 : i32
      %get3A_167 = arith.index_cast %add3A_166 : i32 to index
      %get3A_168 = arith.constant 0 : index
      %get3A_169 = vector.load %arg4[%get3A_167, %get3A_168] : memref<6144x128xf32, #tpu.memory_space<vmem>>, vector<256x128xf32>
      %slice3A_170 = vector.extract_strided_slice %get3A_88 {offsets = [0, 12], sizes = [256, 1], strides = [1, 1]} : vector<256x13xf32> to vector<256x1xf32>
      %mul3A_171 = vector.broadcast %slice3A_170 : vector<256x1xf32> to vector<256x128xf32>
      %mul3A_172 = arith.mulf %mul3A_171, %get3A_169 : vector<256x128xf32>
      %add3A_173 = arith.addf %add3A_164, %mul3A_172 : vector<256x128xf32>
      %add3A_174 = arith.addf %add3A_173, %slice3A : vector<256x128xf32>
      %swap3A_175 = arith.index_cast %multiple_of3A : i32 to index
      %swap3A_176 = arith.constant 0 : index
      %swap3A_177 = vector.load %arg5[%swap3A_175, %swap3A_176] : memref<6144x128xf32, #tpu.memory_space<vmem>>, vector<256x128xf32>
      tpu.vector_store %arg5[%swap3A_175, %swap3A_176], %add3A_174 {strides = array<i32>} : memref<6144x128xf32, #tpu.memory_space<vmem>>, vector<256x128xf32>,
      %lt3A = arith.constant 2048 : i32
      %lt3A_178 = arith.cmpi slt, %multiple_of3A, %lt3A : i32
      %convert_element_type3A = arith.extui %lt3A_178 : i1 to i32
      %cond3A = arith.constant 0 : i32
      %cond3A_179 = arith.cmpi ne, %convert_element_type3A, %cond3A : i32
      scf.if %cond3A_179 {
        %add3A_180 = arith.constant 4096 : i32
        %add3A_181 = arith.addi %add3A_180, %multiple_of3A : i32
        %swap3A_182 = arith.index_cast %add3A_181 : i32 to index
        %swap3A_183 = arith.constant 0 : index
        %swap3A_184 = vector.load %arg5[%swap3A_182, %swap3A_183] : memref<6144x128xf32, #tpu.memory_space<vmem>>, vector<256x128xf32>
        tpu.vector_store %arg5[%swap3A_182, %swap3A_183], %add3A_174 {strides = array<i32>} : memref<6144x128xf32, #tpu.memory_space<vmem>>, vector<256x128xf32>,
      } else {
      }
    }
    %scan3A_38 = arith.constant 16 : i32
    %scan3A_39 = arith.constant 0 : i32
    %scan3A_40 = arith.constant 16 : i32
    %scan3A_41 = arith.addi %scan3A_39, %scan3A_40 : i32
    %scan3A_42 = arith.constant 1 : i32
    scf.for %scan3A_83 = %scan3A_39 to %scan3A_41 step %scan3A_42  : i32 {
      %mul3A = arith.constant 256 : i32
      %mul3A_84 = arith.muli %scan3A_83, %mul3A : i32
      %multiple_of3A = tpu.assume_multiple %mul3A_84, 256 : i32
      %get3A = arith.constant 0 : index
      %get3A_85 = arith.index_cast %multiple_of3A : i32 to index
      %get3A_86 = arith.constant 180 : index
      %get3A_87 = vector.load %arg1[%get3A, %get3A_85, %get3A_86] : memref<1x4096x384xf32, #tpu.memory_space<vmem>>, vector<1x256x13xf32>
      %get3A_88 = vector.shape_cast %get3A_87 : vector<1x256x13xf32> to vector<256x13xf32>
      %get3A_89 = arith.index_cast %multiple_of3A : i32 to index
      %get3A_90 = arith.constant 0 : index
      %get3A_91 = vector.load %arg5[%get3A_89, %get3A_90] : memref<6144x128xf32, #tpu.memory_space<vmem>>, vector<320x128xf32>
      %slice3A = vector.extract_strided_slice %get3A_91 {offsets = [0, 0], sizes = [256, 128], strides = [1, 1]} : vector<320x128xf32> to vector<256x128xf32>
      %slice3A_92 = vector.extract_strided_slice %get3A_88 {offsets = [0, 0], sizes = [256, 1], strides = [1, 1]} : vector<256x13xf32> to vector<256x1xf32>
      %mul3A_93 = vector.broadcast %slice3A_92 : vector<256x1xf32> to vector<256x128xf32>
      %mul3A_94 = arith.mulf %mul3A_93, %slice3A : vector<256x128xf32>
      %slice3A_95 = vector.extract_strided_slice %get3A_91 {offsets = [1, 0], sizes = [256, 128], strides = [1, 1]} : vector<320x128xf32> to vector<256x128xf32>
      %slice3A_96 = vector.extract_strided_slice %get3A_88 {offsets = [0, 1], sizes = [256, 1], strides = [1, 1]} : vector<256x13xf32> to vector<256x1xf32>
      %mul3A_97 = vector.broadcast %slice3A_96 : vector<256x1xf32> to vector<256x128xf32>
      %mul3A_98 = arith.mulf %mul3A_97, %slice3A_95 : vector<256x128xf32>
      %add3A = arith.addf %mul3A_94, %mul3A_98 : vector<256x128xf32>
      %slice3A_99 = vector.extract_strided_slice %get3A_91 {offsets = [2, 0], sizes = [256, 128], strides = [1, 1]} : vector<320x128xf32> to vector<256x128xf32>
      %slice3A_100 = vector.extract_strided_slice %get3A_88 {offsets = [0, 2], sizes = [256, 1], strides = [1, 1]} : vector<256x13xf32> to vector<256x1xf32>
      %mul3A_101 = vector.broadcast %slice3A_100 : vector<256x1xf32> to vector<256x128xf32>
      %mul3A_102 = arith.mulf %mul3A_101, %slice3A_99 : vector<256x128xf32>
      %add3A_103 = arith.addf %add3A, %mul3A_102 : vector<256x128xf32>
      %slice3A_104 = vector.extract_strided_slice %get3A_91 {offsets = [4, 0], sizes = [256, 128], strides = [1, 1]} : vector<320x128xf32> to vector<256x128xf32>
      %slice3A_105 = vector.extract_strided_slice %get3A_88 {offsets = [0, 3], sizes = [256, 1], strides = [1, 1]} : vector<256x13xf32> to vector<256x1xf32>
      %mul3A_106 = vector.broadcast %slice3A_105 : vector<256x1xf32> to vector<256x128xf32>
      %mul3A_107 = arith.mulf %mul3A_106, %slice3A_104 : vector<256x128xf32>
      %add3A_108 = arith.addf %add3A_103, %mul3A_107 : vector<256x128xf32>
      %slice3A_109 = vector.extract_strided_slice %get3A_91 {offsets = [8, 0], sizes = [256, 128], strides = [1, 1]} : vector<320x128xf32> to vector<256x128xf32>
      %slice3A_110 = vector.extract_strided_slice %get3A_88 {offsets = [0, 4], sizes = [256, 1], strides = [1, 1]} : vector<256x13xf32> to vector<256x1xf32>
      %mul3A_111 = vector.broadcast %slice3A_110 : vector<256x1xf32> to vector<256x128xf32>
      %mul3A_112 = arith.mulf %mul3A_111, %slice3A_109 : vector<256x128xf32>
      %add3A_113 = arith.addf %add3A_108, %mul3A_112 : vector<256x128xf32>
      %slice3A_114 = vector.extract_strided_slice %get3A_91 {offsets = [16, 0], sizes = [256, 128], strides = [1, 1]} : vector<320x128xf32> to vector<256x128xf32>
      %slice3A_115 = vector.extract_strided_slice %get3A_88 {offsets = [0, 5], sizes = [256, 1], strides = [1, 1]} : vector<256x13xf32> to vector<256x1xf32>
      %mul3A_116 = vector.broadcast %slice3A_115 : vector<256x1xf32> to vector<256x128xf32>
      %mul3A_117 = arith.mulf %mul3A_116, %slice3A_114 : vector<256x128xf32>
      %add3A_118 = arith.addf %add3A_113, %mul3A_117 : vector<256x128xf32>
      %slice3A_119 = vector.extract_strided_slice %get3A_91 {offsets = [32, 0], sizes = [256, 128], strides = [1, 1]} : vector<320x128xf32> to vector<256x128xf32>
      %slice3A_120 = vector.extract_strided_slice %get3A_88 {offsets = [0, 6], sizes = [256, 1], strides = [1, 1]} : vector<256x13xf32> to vector<256x1xf32>
      %mul3A_121 = vector.broadcast %slice3A_120 : vector<256x1xf32> to vector<256x128xf32>
      %mul3A_122 = arith.mulf %mul3A_121, %slice3A_119 : vector<256x128xf32>
      %add3A_123 = arith.addf %add3A_118, %mul3A_122 : vector<256x128xf32>
      %slice3A_124 = vector.extract_strided_slice %get3A_91 {offsets = [64, 0], sizes = [256, 128], strides = [1, 1]} : vector<320x128xf32> to vector<256x128xf32>
      %slice3A_125 = vector.extract_strided_slice %get3A_88 {offsets = [0, 7], sizes = [256, 1], strides = [1, 1]} : vector<256x13xf32> to vector<256x1xf32>
      %mul3A_126 = vector.broadcast %slice3A_125 : vector<256x1xf32> to vector<256x128xf32>
      %mul3A_127 = arith.mulf %mul3A_126, %slice3A_124 : vector<256x128xf32>
      %add3A_128 = arith.addf %add3A_123, %mul3A_127 : vector<256x128xf32>
      %add3A_129 = arith.constant 128 : i32
      %add3A_130 = arith.addi %multiple_of3A, %add3A_129 : i32
      %get3A_131 = arith.index_cast %add3A_130 : i32 to index
      %get3A_132 = arith.constant 0 : index
      %get3A_133 = vector.load %arg5[%get3A_131, %get3A_132] : memref<6144x128xf32, #tpu.memory_space<vmem>>, vector<256x128xf32>
      %slice3A_134 = vector.extract_strided_slice %get3A_88 {offsets = [0, 8], sizes = [256, 1], strides = [1, 1]} : vector<256x13xf32> to vector<256x1xf32>
      %mul3A_135 = vector.broadcast %slice3A_134 : vector<256x1xf32> to vector<256x128xf32>
      %mul3A_136 = arith.mulf %mul3A_135, %get3A_133 : vector<256x128xf32>
      %add3A_137 = arith.addf %add3A_128, %mul3A_136 : vector<256x128xf32>
      %add3A_138 = arith.constant 256 : i32
      %add3A_139 = arith.addi %multiple_of3A, %add3A_138 : i32
      %get3A_140 = arith.index_cast %add3A_139 : i32 to index
      %get3A_141 = arith.constant 0 : index
      %get3A_142 = vector.load %arg5[%get3A_140, %get3A_141] : memref<6144x128xf32, #tpu.memory_space<vmem>>, vector<256x128xf32>
      %slice3A_143 = vector.extract_strided_slice %get3A_88 {offsets = [0, 9], sizes = [256, 1], strides = [1, 1]} : vector<256x13xf32> to vector<256x1xf32>
      %mul3A_144 = vector.broadcast %slice3A_143 : vector<256x1xf32> to vector<256x128xf32>
      %mul3A_145 = arith.mulf %mul3A_144, %get3A_142 : vector<256x128xf32>
      %add3A_146 = arith.addf %add3A_137, %mul3A_145 : vector<256x128xf32>
      %add3A_147 = arith.constant 512 : i32
      %add3A_148 = arith.addi %multiple_of3A, %add3A_147 : i32
      %get3A_149 = arith.index_cast %add3A_148 : i32 to index
      %get3A_150 = arith.constant 0 : index
      %get3A_151 = vector.load %arg5[%get3A_149, %get3A_150] : memref<6144x128xf32, #tpu.memory_space<vmem>>, vector<256x128xf32>
      %slice3A_152 = vector.extract_strided_slice %get3A_88 {offsets = [0, 10], sizes = [256, 1], strides = [1, 1]} : vector<256x13xf32> to vector<256x1xf32>
      %mul3A_153 = vector.broadcast %slice3A_152 : vector<256x1xf32> to vector<256x128xf32>
      %mul3A_154 = arith.mulf %mul3A_153, %get3A_151 : vector<256x128xf32>
      %add3A_155 = arith.addf %add3A_146, %mul3A_154 : vector<256x128xf32>
      %add3A_156 = arith.constant 1024 : i32
      %add3A_157 = arith.addi %multiple_of3A, %add3A_156 : i32
      %get3A_158 = arith.index_cast %add3A_157 : i32 to index
      %get3A_159 = arith.constant 0 : index
      %get3A_160 = vector.load %arg5[%get3A_158, %get3A_159] : memref<6144x128xf32, #tpu.memory_space<vmem>>, vector<256x128xf32>
      %slice3A_161 = vector.extract_strided_slice %get3A_88 {offsets = [0, 11], sizes = [256, 1], strides = [1, 1]} : vector<256x13xf32> to vector<256x1xf32>
      %mul3A_162 = vector.broadcast %slice3A_161 : vector<256x1xf32> to vector<256x128xf32>
      %mul3A_163 = arith.mulf %mul3A_162, %get3A_160 : vector<256x128xf32>
      %add3A_164 = arith.addf %add3A_155, %mul3A_163 : vector<256x128xf32>
      %add3A_165 = arith.constant 2048 : i32
      %add3A_166 = arith.addi %multiple_of3A, %add3A_165 : i32
      %get3A_167 = arith.index_cast %add3A_166 : i32 to index
      %get3A_168 = arith.constant 0 : index
      %get3A_169 = vector.load %arg5[%get3A_167, %get3A_168] : memref<6144x128xf32, #tpu.memory_space<vmem>>, vector<256x128xf32>
      %slice3A_170 = vector.extract_strided_slice %get3A_88 {offsets = [0, 12], sizes = [256, 1], strides = [1, 1]} : vector<256x13xf32> to vector<256x1xf32>
      %mul3A_171 = vector.broadcast %slice3A_170 : vector<256x1xf32> to vector<256x128xf32>
      %mul3A_172 = arith.mulf %mul3A_171, %get3A_169 : vector<256x128xf32>
      %add3A_173 = arith.addf %add3A_164, %mul3A_172 : vector<256x128xf32>
      %add3A_174 = arith.addf %add3A_173, %slice3A : vector<256x128xf32>
      %swap3A_175 = arith.index_cast %multiple_of3A : i32 to index
      %swap3A_176 = arith.constant 0 : index
      %swap3A_177 = vector.load %arg4[%swap3A_175, %swap3A_176] : memref<6144x128xf32, #tpu.memory_space<vmem>>, vector<256x128xf32>
      tpu.vector_store %arg4[%swap3A_175, %swap3A_176], %add3A_174 {strides = array<i32>} : memref<6144x128xf32, #tpu.memory_space<vmem>>, vector<256x128xf32>,
      %lt3A = arith.constant 2048 : i32
      %lt3A_178 = arith.cmpi slt, %multiple_of3A, %lt3A : i32
      %convert_element_type3A = arith.extui %lt3A_178 : i1 to i32
      %cond3A = arith.constant 0 : i32
      %cond3A_179 = arith.cmpi ne, %convert_element_type3A, %cond3A : i32
      scf.if %cond3A_179 {
        %add3A_180 = arith.constant 4096 : i32
        %add3A_181 = arith.addi %add3A_180, %multiple_of3A : i32
        %swap3A_182 = arith.index_cast %add3A_181 : i32 to index
        %swap3A_183 = arith.constant 0 : index
        %swap3A_184 = vector.load %arg4[%swap3A_182, %swap3A_183] : memref<6144x128xf32, #tpu.memory_space<vmem>>, vector<256x128xf32>
        tpu.vector_store %arg4[%swap3A_182, %swap3A_183], %add3A_174 {strides = array<i32>} : memref<6144x128xf32, #tpu.memory_space<vmem>>, vector<256x128xf32>,
      } else {
      }
    }
    %scan3A_43 = arith.constant 16 : i32
    %scan3A_44 = arith.constant 0 : i32
    %scan3A_45 = arith.constant 16 : i32
    %scan3A_46 = arith.addi %scan3A_44, %scan3A_45 : i32
    %scan3A_47 = arith.constant 1 : i32
    scf.for %scan3A_83 = %scan3A_44 to %scan3A_46 step %scan3A_47  : i32 {
      %mul3A = arith.constant 256 : i32
      %mul3A_84 = arith.muli %scan3A_83, %mul3A : i32
      %multiple_of3A = tpu.assume_multiple %mul3A_84, 256 : i32
      %get3A = arith.constant 0 : index
      %get3A_85 = arith.index_cast %multiple_of3A : i32 to index
      %get3A_86 = arith.constant 167 : index
      %get3A_87 = vector.load %arg1[%get3A, %get3A_85, %get3A_86] : memref<1x4096x384xf32, #tpu.memory_space<vmem>>, vector<1x256x13xf32>
      %get3A_88 = vector.shape_cast %get3A_87 : vector<1x256x13xf32> to vector<256x13xf32>
      %get3A_89 = arith.index_cast %multiple_of3A : i32 to index
      %get3A_90 = arith.constant 0 : index
      %get3A_91 = vector.load %arg4[%get3A_89, %get3A_90] : memref<6144x128xf32, #tpu.memory_space<vmem>>, vector<320x128xf32>
      %slice3A = vector.extract_strided_slice %get3A_91 {offsets = [0, 0], sizes = [256, 128], strides = [1, 1]} : vector<320x128xf32> to vector<256x128xf32>
      %slice3A_92 = vector.extract_strided_slice %get3A_88 {offsets = [0, 0], sizes = [256, 1], strides = [1, 1]} : vector<256x13xf32> to vector<256x1xf32>
      %mul3A_93 = vector.broadcast %slice3A_92 : vector<256x1xf32> to vector<256x128xf32>
      %mul3A_94 = arith.mulf %mul3A_93, %slice3A : vector<256x128xf32>
      %slice3A_95 = vector.extract_strided_slice %get3A_91 {offsets = [1, 0], sizes = [256, 128], strides = [1, 1]} : vector<320x128xf32> to vector<256x128xf32>
      %slice3A_96 = vector.extract_strided_slice %get3A_88 {offsets = [0, 1], sizes = [256, 1], strides = [1, 1]} : vector<256x13xf32> to vector<256x1xf32>
      %mul3A_97 = vector.broadcast %slice3A_96 : vector<256x1xf32> to vector<256x128xf32>
      %mul3A_98 = arith.mulf %mul3A_97, %slice3A_95 : vector<256x128xf32>
      %add3A = arith.addf %mul3A_94, %mul3A_98 : vector<256x128xf32>
      %slice3A_99 = vector.extract_strided_slice %get3A_91 {offsets = [2, 0], sizes = [256, 128], strides = [1, 1]} : vector<320x128xf32> to vector<256x128xf32>
      %slice3A_100 = vector.extract_strided_slice %get3A_88 {offsets = [0, 2], sizes = [256, 1], strides = [1, 1]} : vector<256x13xf32> to vector<256x1xf32>
      %mul3A_101 = vector.broadcast %slice3A_100 : vector<256x1xf32> to vector<256x128xf32>
      %mul3A_102 = arith.mulf %mul3A_101, %slice3A_99 : vector<256x128xf32>
      %add3A_103 = arith.addf %add3A, %mul3A_102 : vector<256x128xf32>
      %slice3A_104 = vector.extract_strided_slice %get3A_91 {offsets = [4, 0], sizes = [256, 128], strides = [1, 1]} : vector<320x128xf32> to vector<256x128xf32>
      %slice3A_105 = vector.extract_strided_slice %get3A_88 {offsets = [0, 3], sizes = [256, 1], strides = [1, 1]} : vector<256x13xf32> to vector<256x1xf32>
      %mul3A_106 = vector.broadcast %slice3A_105 : vector<256x1xf32> to vector<256x128xf32>
      %mul3A_107 = arith.mulf %mul3A_106, %slice3A_104 : vector<256x128xf32>
      %add3A_108 = arith.addf %add3A_103, %mul3A_107 : vector<256x128xf32>
      %slice3A_109 = vector.extract_strided_slice %get3A_91 {offsets = [8, 0], sizes = [256, 128], strides = [1, 1]} : vector<320x128xf32> to vector<256x128xf32>
      %slice3A_110 = vector.extract_strided_slice %get3A_88 {offsets = [0, 4], sizes = [256, 1], strides = [1, 1]} : vector<256x13xf32> to vector<256x1xf32>
      %mul3A_111 = vector.broadcast %slice3A_110 : vector<256x1xf32> to vector<256x128xf32>
      %mul3A_112 = arith.mulf %mul3A_111, %slice3A_109 : vector<256x128xf32>
      %add3A_113 = arith.addf %add3A_108, %mul3A_112 : vector<256x128xf32>
      %slice3A_114 = vector.extract_strided_slice %get3A_91 {offsets = [16, 0], sizes = [256, 128], strides = [1, 1]} : vector<320x128xf32> to vector<256x128xf32>
      %slice3A_115 = vector.extract_strided_slice %get3A_88 {offsets = [0, 5], sizes = [256, 1], strides = [1, 1]} : vector<256x13xf32> to vector<256x1xf32>
      %mul3A_116 = vector.broadcast %slice3A_115 : vector<256x1xf32> to vector<256x128xf32>
      %mul3A_117 = arith.mulf %mul3A_116, %slice3A_114 : vector<256x128xf32>
      %add3A_118 = arith.addf %add3A_113, %mul3A_117 : vector<256x128xf32>
      %slice3A_119 = vector.extract_strided_slice %get3A_91 {offsets = [32, 0], sizes = [256, 128], strides = [1, 1]} : vector<320x128xf32> to vector<256x128xf32>
      %slice3A_120 = vector.extract_strided_slice %get3A_88 {offsets = [0, 6], sizes = [256, 1], strides = [1, 1]} : vector<256x13xf32> to vector<256x1xf32>
      %mul3A_121 = vector.broadcast %slice3A_120 : vector<256x1xf32> to vector<256x128xf32>
      %mul3A_122 = arith.mulf %mul3A_121, %slice3A_119 : vector<256x128xf32>
      %add3A_123 = arith.addf %add3A_118, %mul3A_122 : vector<256x128xf32>
      %slice3A_124 = vector.extract_strided_slice %get3A_91 {offsets = [64, 0], sizes = [256, 128], strides = [1, 1]} : vector<320x128xf32> to vector<256x128xf32>
      %slice3A_125 = vector.extract_strided_slice %get3A_88 {offsets = [0, 7], sizes = [256, 1], strides = [1, 1]} : vector<256x13xf32> to vector<256x1xf32>
      %mul3A_126 = vector.broadcast %slice3A_125 : vector<256x1xf32> to vector<256x128xf32>
      %mul3A_127 = arith.mulf %mul3A_126, %slice3A_124 : vector<256x128xf32>
      %add3A_128 = arith.addf %add3A_123, %mul3A_127 : vector<256x128xf32>
      %add3A_129 = arith.constant 128 : i32
      %add3A_130 = arith.addi %multiple_of3A, %add3A_129 : i32
      %get3A_131 = arith.index_cast %add3A_130 : i32 to index
      %get3A_132 = arith.constant 0 : index
      %get3A_133 = vector.load %arg4[%get3A_131, %get3A_132] : memref<6144x128xf32, #tpu.memory_space<vmem>>, vector<256x128xf32>
      %slice3A_134 = vector.extract_strided_slice %get3A_88 {offsets = [0, 8], sizes = [256, 1], strides = [1, 1]} : vector<256x13xf32> to vector<256x1xf32>
      %mul3A_135 = vector.broadcast %slice3A_134 : vector<256x1xf32> to vector<256x128xf32>
      %mul3A_136 = arith.mulf %mul3A_135, %get3A_133 : vector<256x128xf32>
      %add3A_137 = arith.addf %add3A_128, %mul3A_136 : vector<256x128xf32>
      %add3A_138 = arith.constant 256 : i32
      %add3A_139 = arith.addi %multiple_of3A, %add3A_138 : i32
      %get3A_140 = arith.index_cast %add3A_139 : i32 to index
      %get3A_141 = arith.constant 0 : index
      %get3A_142 = vector.load %arg4[%get3A_140, %get3A_141] : memref<6144x128xf32, #tpu.memory_space<vmem>>, vector<256x128xf32>
      %slice3A_143 = vector.extract_strided_slice %get3A_88 {offsets = [0, 9], sizes = [256, 1], strides = [1, 1]} : vector<256x13xf32> to vector<256x1xf32>
      %mul3A_144 = vector.broadcast %slice3A_143 : vector<256x1xf32> to vector<256x128xf32>
      %mul3A_145 = arith.mulf %mul3A_144, %get3A_142 : vector<256x128xf32>
      %add3A_146 = arith.addf %add3A_137, %mul3A_145 : vector<256x128xf32>
      %add3A_147 = arith.constant 512 : i32
      %add3A_148 = arith.addi %multiple_of3A, %add3A_147 : i32
      %get3A_149 = arith.index_cast %add3A_148 : i32 to index
      %get3A_150 = arith.constant 0 : index
      %get3A_151 = vector.load %arg4[%get3A_149, %get3A_150] : memref<6144x128xf32, #tpu.memory_space<vmem>>, vector<256x128xf32>
      %slice3A_152 = vector.extract_strided_slice %get3A_88 {offsets = [0, 10], sizes = [256, 1], strides = [1, 1]} : vector<256x13xf32> to vector<256x1xf32>
      %mul3A_153 = vector.broadcast %slice3A_152 : vector<256x1xf32> to vector<256x128xf32>
      %mul3A_154 = arith.mulf %mul3A_153, %get3A_151 : vector<256x128xf32>
      %add3A_155 = arith.addf %add3A_146, %mul3A_154 : vector<256x128xf32>
      %add3A_156 = arith.constant 1024 : i32
      %add3A_157 = arith.addi %multiple_of3A, %add3A_156 : i32
      %get3A_158 = arith.index_cast %add3A_157 : i32 to index
      %get3A_159 = arith.constant 0 : index
      %get3A_160 = vector.load %arg4[%get3A_158, %get3A_159] : memref<6144x128xf32, #tpu.memory_space<vmem>>, vector<256x128xf32>
      %slice3A_161 = vector.extract_strided_slice %get3A_88 {offsets = [0, 11], sizes = [256, 1], strides = [1, 1]} : vector<256x13xf32> to vector<256x1xf32>
      %mul3A_162 = vector.broadcast %slice3A_161 : vector<256x1xf32> to vector<256x128xf32>
      %mul3A_163 = arith.mulf %mul3A_162, %get3A_160 : vector<256x128xf32>
      %add3A_164 = arith.addf %add3A_155, %mul3A_163 : vector<256x128xf32>
      %add3A_165 = arith.constant 2048 : i32
      %add3A_166 = arith.addi %multiple_of3A, %add3A_165 : i32
      %get3A_167 = arith.index_cast %add3A_166 : i32 to index
      %get3A_168 = arith.constant 0 : index
      %get3A_169 = vector.load %arg4[%get3A_167, %get3A_168] : memref<6144x128xf32, #tpu.memory_space<vmem>>, vector<256x128xf32>
      %slice3A_170 = vector.extract_strided_slice %get3A_88 {offsets = [0, 12], sizes = [256, 1], strides = [1, 1]} : vector<256x13xf32> to vector<256x1xf32>
      %mul3A_171 = vector.broadcast %slice3A_170 : vector<256x1xf32> to vector<256x128xf32>
      %mul3A_172 = arith.mulf %mul3A_171, %get3A_169 : vector<256x128xf32>
      %add3A_173 = arith.addf %add3A_164, %mul3A_172 : vector<256x128xf32>
      %add3A_174 = arith.addf %add3A_173, %slice3A : vector<256x128xf32>
      %swap3A_175 = arith.index_cast %multiple_of3A : i32 to index
      %swap3A_176 = arith.constant 0 : index
      %swap3A_177 = vector.load %arg5[%swap3A_175, %swap3A_176] : memref<6144x128xf32, #tpu.memory_space<vmem>>, vector<256x128xf32>
      tpu.vector_store %arg5[%swap3A_175, %swap3A_176], %add3A_174 {strides = array<i32>} : memref<6144x128xf32, #tpu.memory_space<vmem>>, vector<256x128xf32>,
      %lt3A = arith.constant 2048 : i32
      %lt3A_178 = arith.cmpi slt, %multiple_of3A, %lt3A : i32
      %convert_element_type3A = arith.extui %lt3A_178 : i1 to i32
      %cond3A = arith.constant 0 : i32
      %cond3A_179 = arith.cmpi ne, %convert_element_type3A, %cond3A : i32
      scf.if %cond3A_179 {
        %add3A_180 = arith.constant 4096 : i32
        %add3A_181 = arith.addi %add3A_180, %multiple_of3A : i32
        %swap3A_182 = arith.index_cast %add3A_181 : i32 to index
        %swap3A_183 = arith.constant 0 : index
        %swap3A_184 = vector.load %arg5[%swap3A_182, %swap3A_183] : memref<6144x128xf32, #tpu.memory_space<vmem>>, vector<256x128xf32>
        tpu.vector_store %arg5[%swap3A_182, %swap3A_183], %add3A_174 {strides = array<i32>} : memref<6144x128xf32, #tpu.memory_space<vmem>>, vector<256x128xf32>,
      } else {
      }
    }
    %scan3A_48 = arith.constant 16 : i32
    %scan3A_49 = arith.constant 0 : i32
    %scan3A_50 = arith.constant 16 : i32
    %scan3A_51 = arith.addi %scan3A_49, %scan3A_50 : i32
    %scan3A_52 = arith.constant 1 : i32
    scf.for %scan3A_83 = %scan3A_49 to %scan3A_51 step %scan3A_52  : i32 {
      %mul3A = arith.constant 256 : i32
      %mul3A_84 = arith.muli %scan3A_83, %mul3A : i32
      %multiple_of3A = tpu.assume_multiple %mul3A_84, 256 : i32
      %get3A = arith.constant 0 : index
      %get3A_85 = arith.index_cast %multiple_of3A : i32 to index
      %get3A_86 = arith.constant 154 : index
      %get3A_87 = vector.load %arg1[%get3A, %get3A_85, %get3A_86] : memref<1x4096x384xf32, #tpu.memory_space<vmem>>, vector<1x256x13xf32>
      %get3A_88 = vector.shape_cast %get3A_87 : vector<1x256x13xf32> to vector<256x13xf32>
      %get3A_89 = arith.index_cast %multiple_of3A : i32 to index
      %get3A_90 = arith.constant 0 : index
      %get3A_91 = vector.load %arg5[%get3A_89, %get3A_90] : memref<6144x128xf32, #tpu.memory_space<vmem>>, vector<320x128xf32>
      %slice3A = vector.extract_strided_slice %get3A_91 {offsets = [0, 0], sizes = [256, 128], strides = [1, 1]} : vector<320x128xf32> to vector<256x128xf32>
      %slice3A_92 = vector.extract_strided_slice %get3A_88 {offsets = [0, 0], sizes = [256, 1], strides = [1, 1]} : vector<256x13xf32> to vector<256x1xf32>
      %mul3A_93 = vector.broadcast %slice3A_92 : vector<256x1xf32> to vector<256x128xf32>
      %mul3A_94 = arith.mulf %mul3A_93, %slice3A : vector<256x128xf32>
      %slice3A_95 = vector.extract_strided_slice %get3A_91 {offsets = [1, 0], sizes = [256, 128], strides = [1, 1]} : vector<320x128xf32> to vector<256x128xf32>
      %slice3A_96 = vector.extract_strided_slice %get3A_88 {offsets = [0, 1], sizes = [256, 1], strides = [1, 1]} : vector<256x13xf32> to vector<256x1xf32>
      %mul3A_97 = vector.broadcast %slice3A_96 : vector<256x1xf32> to vector<256x128xf32>
      %mul3A_98 = arith.mulf %mul3A_97, %slice3A_95 : vector<256x128xf32>
      %add3A = arith.addf %mul3A_94, %mul3A_98 : vector<256x128xf32>
      %slice3A_99 = vector.extract_strided_slice %get3A_91 {offsets = [2, 0], sizes = [256, 128], strides = [1, 1]} : vector<320x128xf32> to vector<256x128xf32>
      %slice3A_100 = vector.extract_strided_slice %get3A_88 {offsets = [0, 2], sizes = [256, 1], strides = [1, 1]} : vector<256x13xf32> to vector<256x1xf32>
      %mul3A_101 = vector.broadcast %slice3A_100 : vector<256x1xf32> to vector<256x128xf32>
      %mul3A_102 = arith.mulf %mul3A_101, %slice3A_99 : vector<256x128xf32>
      %add3A_103 = arith.addf %add3A, %mul3A_102 : vector<256x128xf32>
      %slice3A_104 = vector.extract_strided_slice %get3A_91 {offsets = [4, 0], sizes = [256, 128], strides = [1, 1]} : vector<320x128xf32> to vector<256x128xf32>
      %slice3A_105 = vector.extract_strided_slice %get3A_88 {offsets = [0, 3], sizes = [256, 1], strides = [1, 1]} : vector<256x13xf32> to vector<256x1xf32>
      %mul3A_106 = vector.broadcast %slice3A_105 : vector<256x1xf32> to vector<256x128xf32>
      %mul3A_107 = arith.mulf %mul3A_106, %slice3A_104 : vector<256x128xf32>
      %add3A_108 = arith.addf %add3A_103, %mul3A_107 : vector<256x128xf32>
      %slice3A_109 = vector.extract_strided_slice %get3A_91 {offsets = [8, 0], sizes = [256, 128], strides = [1, 1]} : vector<320x128xf32> to vector<256x128xf32>
      %slice3A_110 = vector.extract_strided_slice %get3A_88 {offsets = [0, 4], sizes = [256, 1], strides = [1, 1]} : vector<256x13xf32> to vector<256x1xf32>
      %mul3A_111 = vector.broadcast %slice3A_110 : vector<256x1xf32> to vector<256x128xf32>
      %mul3A_112 = arith.mulf %mul3A_111, %slice3A_109 : vector<256x128xf32>
      %add3A_113 = arith.addf %add3A_108, %mul3A_112 : vector<256x128xf32>
      %slice3A_114 = vector.extract_strided_slice %get3A_91 {offsets = [16, 0], sizes = [256, 128], strides = [1, 1]} : vector<320x128xf32> to vector<256x128xf32>
      %slice3A_115 = vector.extract_strided_slice %get3A_88 {offsets = [0, 5], sizes = [256, 1], strides = [1, 1]} : vector<256x13xf32> to vector<256x1xf32>
      %mul3A_116 = vector.broadcast %slice3A_115 : vector<256x1xf32> to vector<256x128xf32>
      %mul3A_117 = arith.mulf %mul3A_116, %slice3A_114 : vector<256x128xf32>
      %add3A_118 = arith.addf %add3A_113, %mul3A_117 : vector<256x128xf32>
      %slice3A_119 = vector.extract_strided_slice %get3A_91 {offsets = [32, 0], sizes = [256, 128], strides = [1, 1]} : vector<320x128xf32> to vector<256x128xf32>
      %slice3A_120 = vector.extract_strided_slice %get3A_88 {offsets = [0, 6], sizes = [256, 1], strides = [1, 1]} : vector<256x13xf32> to vector<256x1xf32>
      %mul3A_121 = vector.broadcast %slice3A_120 : vector<256x1xf32> to vector<256x128xf32>
      %mul3A_122 = arith.mulf %mul3A_121, %slice3A_119 : vector<256x128xf32>
      %add3A_123 = arith.addf %add3A_118, %mul3A_122 : vector<256x128xf32>
      %slice3A_124 = vector.extract_strided_slice %get3A_91 {offsets = [64, 0], sizes = [256, 128], strides = [1, 1]} : vector<320x128xf32> to vector<256x128xf32>
      %slice3A_125 = vector.extract_strided_slice %get3A_88 {offsets = [0, 7], sizes = [256, 1], strides = [1, 1]} : vector<256x13xf32> to vector<256x1xf32>
      %mul3A_126 = vector.broadcast %slice3A_125 : vector<256x1xf32> to vector<256x128xf32>
      %mul3A_127 = arith.mulf %mul3A_126, %slice3A_124 : vector<256x128xf32>
      %add3A_128 = arith.addf %add3A_123, %mul3A_127 : vector<256x128xf32>
      %add3A_129 = arith.constant 128 : i32
      %add3A_130 = arith.addi %multiple_of3A, %add3A_129 : i32
      %get3A_131 = arith.index_cast %add3A_130 : i32 to index
      %get3A_132 = arith.constant 0 : index
      %get3A_133 = vector.load %arg5[%get3A_131, %get3A_132] : memref<6144x128xf32, #tpu.memory_space<vmem>>, vector<256x128xf32>
      %slice3A_134 = vector.extract_strided_slice %get3A_88 {offsets = [0, 8], sizes = [256, 1], strides = [1, 1]} : vector<256x13xf32> to vector<256x1xf32>
      %mul3A_135 = vector.broadcast %slice3A_134 : vector<256x1xf32> to vector<256x128xf32>
      %mul3A_136 = arith.mulf %mul3A_135, %get3A_133 : vector<256x128xf32>
      %add3A_137 = arith.addf %add3A_128, %mul3A_136 : vector<256x128xf32>
      %add3A_138 = arith.constant 256 : i32
      %add3A_139 = arith.addi %multiple_of3A, %add3A_138 : i32
      %get3A_140 = arith.index_cast %add3A_139 : i32 to index
      %get3A_141 = arith.constant 0 : index
      %get3A_142 = vector.load %arg5[%get3A_140, %get3A_141] : memref<6144x128xf32, #tpu.memory_space<vmem>>, vector<256x128xf32>
      %slice3A_143 = vector.extract_strided_slice %get3A_88 {offsets = [0, 9], sizes = [256, 1], strides = [1, 1]} : vector<256x13xf32> to vector<256x1xf32>
      %mul3A_144 = vector.broadcast %slice3A_143 : vector<256x1xf32> to vector<256x128xf32>
      %mul3A_145 = arith.mulf %mul3A_144, %get3A_142 : vector<256x128xf32>
      %add3A_146 = arith.addf %add3A_137, %mul3A_145 : vector<256x128xf32>
      %add3A_147 = arith.constant 512 : i32
      %add3A_148 = arith.addi %multiple_of3A, %add3A_147 : i32
      %get3A_149 = arith.index_cast %add3A_148 : i32 to index
      %get3A_150 = arith.constant 0 : index
      %get3A_151 = vector.load %arg5[%get3A_149, %get3A_150] : memref<6144x128xf32, #tpu.memory_space<vmem>>, vector<256x128xf32>
      %slice3A_152 = vector.extract_strided_slice %get3A_88 {offsets = [0, 10], sizes = [256, 1], strides = [1, 1]} : vector<256x13xf32> to vector<256x1xf32>
      %mul3A_153 = vector.broadcast %slice3A_152 : vector<256x1xf32> to vector<256x128xf32>
      %mul3A_154 = arith.mulf %mul3A_153, %get3A_151 : vector<256x128xf32>
      %add3A_155 = arith.addf %add3A_146, %mul3A_154 : vector<256x128xf32>
      %add3A_156 = arith.constant 1024 : i32
      %add3A_157 = arith.addi %multiple_of3A, %add3A_156 : i32
      %get3A_158 = arith.index_cast %add3A_157 : i32 to index
      %get3A_159 = arith.constant 0 : index
      %get3A_160 = vector.load %arg5[%get3A_158, %get3A_159] : memref<6144x128xf32, #tpu.memory_space<vmem>>, vector<256x128xf32>
      %slice3A_161 = vector.extract_strided_slice %get3A_88 {offsets = [0, 11], sizes = [256, 1], strides = [1, 1]} : vector<256x13xf32> to vector<256x1xf32>
      %mul3A_162 = vector.broadcast %slice3A_161 : vector<256x1xf32> to vector<256x128xf32>
      %mul3A_163 = arith.mulf %mul3A_162, %get3A_160 : vector<256x128xf32>
      %add3A_164 = arith.addf %add3A_155, %mul3A_163 : vector<256x128xf32>
      %add3A_165 = arith.constant 2048 : i32
      %add3A_166 = arith.addi %multiple_of3A, %add3A_165 : i32
      %get3A_167 = arith.index_cast %add3A_166 : i32 to index
      %get3A_168 = arith.constant 0 : index
      %get3A_169 = vector.load %arg5[%get3A_167, %get3A_168] : memref<6144x128xf32, #tpu.memory_space<vmem>>, vector<256x128xf32>
      %slice3A_170 = vector.extract_strided_slice %get3A_88 {offsets = [0, 12], sizes = [256, 1], strides = [1, 1]} : vector<256x13xf32> to vector<256x1xf32>
      %mul3A_171 = vector.broadcast %slice3A_170 : vector<256x1xf32> to vector<256x128xf32>
      %mul3A_172 = arith.mulf %mul3A_171, %get3A_169 : vector<256x128xf32>
      %add3A_173 = arith.addf %add3A_164, %mul3A_172 : vector<256x128xf32>
      %add3A_174 = arith.addf %add3A_173, %slice3A : vector<256x128xf32>
      %swap3A_175 = arith.index_cast %multiple_of3A : i32 to index
      %swap3A_176 = arith.constant 0 : index
      %swap3A_177 = vector.load %arg4[%swap3A_175, %swap3A_176] : memref<6144x128xf32, #tpu.memory_space<vmem>>, vector<256x128xf32>
      tpu.vector_store %arg4[%swap3A_175, %swap3A_176], %add3A_174 {strides = array<i32>} : memref<6144x128xf32, #tpu.memory_space<vmem>>, vector<256x128xf32>,
      %lt3A = arith.constant 2048 : i32
      %lt3A_178 = arith.cmpi slt, %multiple_of3A, %lt3A : i32
      %convert_element_type3A = arith.extui %lt3A_178 : i1 to i32
      %cond3A = arith.constant 0 : i32
      %cond3A_179 = arith.cmpi ne, %convert_element_type3A, %cond3A : i32
      scf.if %cond3A_179 {
        %add3A_180 = arith.constant 4096 : i32
        %add3A_181 = arith.addi %add3A_180, %multiple_of3A : i32
        %swap3A_182 = arith.index_cast %add3A_181 : i32 to index
        %swap3A_183 = arith.constant 0 : index
        %swap3A_184 = vector.load %arg4[%swap3A_182, %swap3A_183] : memref<6144x128xf32, #tpu.memory_space<vmem>>, vector<256x128xf32>
        tpu.vector_store %arg4[%swap3A_182, %swap3A_183], %add3A_174 {strides = array<i32>} : memref<6144x128xf32, #tpu.memory_space<vmem>>, vector<256x128xf32>,
      } else {
      }
    }
    %scan3A_53 = arith.constant 16 : i32
    %scan3A_54 = arith.constant 0 : i32
    %scan3A_55 = arith.constant 16 : i32
    %scan3A_56 = arith.addi %scan3A_54, %scan3A_55 : i32
    %scan3A_57 = arith.constant 1 : i32
    scf.for %scan3A_83 = %scan3A_54 to %scan3A_56 step %scan3A_57  : i32 {
      %mul3A = arith.constant 256 : i32
      %mul3A_84 = arith.muli %scan3A_83, %mul3A : i32
      %multiple_of3A = tpu.assume_multiple %mul3A_84, 256 : i32
      %get3A = arith.constant 0 : index
      %get3A_85 = arith.index_cast %multiple_of3A : i32 to index
      %get3A_86 = arith.constant 141 : index
      %get3A_87 = vector.load %arg1[%get3A, %get3A_85, %get3A_86] : memref<1x4096x384xf32, #tpu.memory_space<vmem>>, vector<1x256x13xf32>
      %get3A_88 = vector.shape_cast %get3A_87 : vector<1x256x13xf32> to vector<256x13xf32>
      %get3A_89 = arith.index_cast %multiple_of3A : i32 to index
      %get3A_90 = arith.constant 0 : index
      %get3A_91 = vector.load %arg4[%get3A_89, %get3A_90] : memref<6144x128xf32, #tpu.memory_space<vmem>>, vector<320x128xf32>
      %slice3A = vector.extract_strided_slice %get3A_91 {offsets = [0, 0], sizes = [256, 128], strides = [1, 1]} : vector<320x128xf32> to vector<256x128xf32>
      %slice3A_92 = vector.extract_strided_slice %get3A_88 {offsets = [0, 0], sizes = [256, 1], strides = [1, 1]} : vector<256x13xf32> to vector<256x1xf32>
      %mul3A_93 = vector.broadcast %slice3A_92 : vector<256x1xf32> to vector<256x128xf32>
      %mul3A_94 = arith.mulf %mul3A_93, %slice3A : vector<256x128xf32>
      %slice3A_95 = vector.extract_strided_slice %get3A_91 {offsets = [1, 0], sizes = [256, 128], strides = [1, 1]} : vector<320x128xf32> to vector<256x128xf32>
      %slice3A_96 = vector.extract_strided_slice %get3A_88 {offsets = [0, 1], sizes = [256, 1], strides = [1, 1]} : vector<256x13xf32> to vector<256x1xf32>
      %mul3A_97 = vector.broadcast %slice3A_96 : vector<256x1xf32> to vector<256x128xf32>
      %mul3A_98 = arith.mulf %mul3A_97, %slice3A_95 : vector<256x128xf32>
      %add3A = arith.addf %mul3A_94, %mul3A_98 : vector<256x128xf32>
      %slice3A_99 = vector.extract_strided_slice %get3A_91 {offsets = [2, 0], sizes = [256, 128], strides = [1, 1]} : vector<320x128xf32> to vector<256x128xf32>
      %slice3A_100 = vector.extract_strided_slice %get3A_88 {offsets = [0, 2], sizes = [256, 1], strides = [1, 1]} : vector<256x13xf32> to vector<256x1xf32>
      %mul3A_101 = vector.broadcast %slice3A_100 : vector<256x1xf32> to vector<256x128xf32>
      %mul3A_102 = arith.mulf %mul3A_101, %slice3A_99 : vector<256x128xf32>
      %add3A_103 = arith.addf %add3A, %mul3A_102 : vector<256x128xf32>
      %slice3A_104 = vector.extract_strided_slice %get3A_91 {offsets = [4, 0], sizes = [256, 128], strides = [1, 1]} : vector<320x128xf32> to vector<256x128xf32>
      %slice3A_105 = vector.extract_strided_slice %get3A_88 {offsets = [0, 3], sizes = [256, 1], strides = [1, 1]} : vector<256x13xf32> to vector<256x1xf32>
      %mul3A_106 = vector.broadcast %slice3A_105 : vector<256x1xf32> to vector<256x128xf32>
      %mul3A_107 = arith.mulf %mul3A_106, %slice3A_104 : vector<256x128xf32>
      %add3A_108 = arith.addf %add3A_103, %mul3A_107 : vector<256x128xf32>
      %slice3A_109 = vector.extract_strided_slice %get3A_91 {offsets = [8, 0], sizes = [256, 128], strides = [1, 1]} : vector<320x128xf32> to vector<256x128xf32>
      %slice3A_110 = vector.extract_strided_slice %get3A_88 {offsets = [0, 4], sizes = [256, 1], strides = [1, 1]} : vector<256x13xf32> to vector<256x1xf32>
      %mul3A_111 = vector.broadcast %slice3A_110 : vector<256x1xf32> to vector<256x128xf32>
      %mul3A_112 = arith.mulf %mul3A_111, %slice3A_109 : vector<256x128xf32>
      %add3A_113 = arith.addf %add3A_108, %mul3A_112 : vector<256x128xf32>
      %slice3A_114 = vector.extract_strided_slice %get3A_91 {offsets = [16, 0], sizes = [256, 128], strides = [1, 1]} : vector<320x128xf32> to vector<256x128xf32>
      %slice3A_115 = vector.extract_strided_slice %get3A_88 {offsets = [0, 5], sizes = [256, 1], strides = [1, 1]} : vector<256x13xf32> to vector<256x1xf32>
      %mul3A_116 = vector.broadcast %slice3A_115 : vector<256x1xf32> to vector<256x128xf32>
      %mul3A_117 = arith.mulf %mul3A_116, %slice3A_114 : vector<256x128xf32>
      %add3A_118 = arith.addf %add3A_113, %mul3A_117 : vector<256x128xf32>
      %slice3A_119 = vector.extract_strided_slice %get3A_91 {offsets = [32, 0], sizes = [256, 128], strides = [1, 1]} : vector<320x128xf32> to vector<256x128xf32>
      %slice3A_120 = vector.extract_strided_slice %get3A_88 {offsets = [0, 6], sizes = [256, 1], strides = [1, 1]} : vector<256x13xf32> to vector<256x1xf32>
      %mul3A_121 = vector.broadcast %slice3A_120 : vector<256x1xf32> to vector<256x128xf32>
      %mul3A_122 = arith.mulf %mul3A_121, %slice3A_119 : vector<256x128xf32>
      %add3A_123 = arith.addf %add3A_118, %mul3A_122 : vector<256x128xf32>
      %slice3A_124 = vector.extract_strided_slice %get3A_91 {offsets = [64, 0], sizes = [256, 128], strides = [1, 1]} : vector<320x128xf32> to vector<256x128xf32>
      %slice3A_125 = vector.extract_strided_slice %get3A_88 {offsets = [0, 7], sizes = [256, 1], strides = [1, 1]} : vector<256x13xf32> to vector<256x1xf32>
      %mul3A_126 = vector.broadcast %slice3A_125 : vector<256x1xf32> to vector<256x128xf32>
      %mul3A_127 = arith.mulf %mul3A_126, %slice3A_124 : vector<256x128xf32>
      %add3A_128 = arith.addf %add3A_123, %mul3A_127 : vector<256x128xf32>
      %add3A_129 = arith.constant 128 : i32
      %add3A_130 = arith.addi %multiple_of3A, %add3A_129 : i32
      %get3A_131 = arith.index_cast %add3A_130 : i32 to index
      %get3A_132 = arith.constant 0 : index
      %get3A_133 = vector.load %arg4[%get3A_131, %get3A_132] : memref<6144x128xf32, #tpu.memory_space<vmem>>, vector<256x128xf32>
      %slice3A_134 = vector.extract_strided_slice %get3A_88 {offsets = [0, 8], sizes = [256, 1], strides = [1, 1]} : vector<256x13xf32> to vector<256x1xf32>
      %mul3A_135 = vector.broadcast %slice3A_134 : vector<256x1xf32> to vector<256x128xf32>
      %mul3A_136 = arith.mulf %mul3A_135, %get3A_133 : vector<256x128xf32>
      %add3A_137 = arith.addf %add3A_128, %mul3A_136 : vector<256x128xf32>
      %add3A_138 = arith.constant 256 : i32
      %add3A_139 = arith.addi %multiple_of3A, %add3A_138 : i32
      %get3A_140 = arith.index_cast %add3A_139 : i32 to index
      %get3A_141 = arith.constant 0 : index
      %get3A_142 = vector.load %arg4[%get3A_140, %get3A_141] : memref<6144x128xf32, #tpu.memory_space<vmem>>, vector<256x128xf32>
      %slice3A_143 = vector.extract_strided_slice %get3A_88 {offsets = [0, 9], sizes = [256, 1], strides = [1, 1]} : vector<256x13xf32> to vector<256x1xf32>
      %mul3A_144 = vector.broadcast %slice3A_143 : vector<256x1xf32> to vector<256x128xf32>
      %mul3A_145 = arith.mulf %mul3A_144, %get3A_142 : vector<256x128xf32>
      %add3A_146 = arith.addf %add3A_137, %mul3A_145 : vector<256x128xf32>
      %add3A_147 = arith.constant 512 : i32
      %add3A_148 = arith.addi %multiple_of3A, %add3A_147 : i32
      %get3A_149 = arith.index_cast %add3A_148 : i32 to index
      %get3A_150 = arith.constant 0 : index
      %get3A_151 = vector.load %arg4[%get3A_149, %get3A_150] : memref<6144x128xf32, #tpu.memory_space<vmem>>, vector<256x128xf32>
      %slice3A_152 = vector.extract_strided_slice %get3A_88 {offsets = [0, 10], sizes = [256, 1], strides = [1, 1]} : vector<256x13xf32> to vector<256x1xf32>
      %mul3A_153 = vector.broadcast %slice3A_152 : vector<256x1xf32> to vector<256x128xf32>
      %mul3A_154 = arith.mulf %mul3A_153, %get3A_151 : vector<256x128xf32>
      %add3A_155 = arith.addf %add3A_146, %mul3A_154 : vector<256x128xf32>
      %add3A_156 = arith.constant 1024 : i32
      %add3A_157 = arith.addi %multiple_of3A, %add3A_156 : i32
      %get3A_158 = arith.index_cast %add3A_157 : i32 to index
      %get3A_159 = arith.constant 0 : index
      %get3A_160 = vector.load %arg4[%get3A_158, %get3A_159] : memref<6144x128xf32, #tpu.memory_space<vmem>>, vector<256x128xf32>
      %slice3A_161 = vector.extract_strided_slice %get3A_88 {offsets = [0, 11], sizes = [256, 1], strides = [1, 1]} : vector<256x13xf32> to vector<256x1xf32>
      %mul3A_162 = vector.broadcast %slice3A_161 : vector<256x1xf32> to vector<256x128xf32>
      %mul3A_163 = arith.mulf %mul3A_162, %get3A_160 : vector<256x128xf32>
      %add3A_164 = arith.addf %add3A_155, %mul3A_163 : vector<256x128xf32>
      %add3A_165 = arith.constant 2048 : i32
      %add3A_166 = arith.addi %multiple_of3A, %add3A_165 : i32
      %get3A_167 = arith.index_cast %add3A_166 : i32 to index
      %get3A_168 = arith.constant 0 : index
      %get3A_169 = vector.load %arg4[%get3A_167, %get3A_168] : memref<6144x128xf32, #tpu.memory_space<vmem>>, vector<256x128xf32>
      %slice3A_170 = vector.extract_strided_slice %get3A_88 {offsets = [0, 12], sizes = [256, 1], strides = [1, 1]} : vector<256x13xf32> to vector<256x1xf32>
      %mul3A_171 = vector.broadcast %slice3A_170 : vector<256x1xf32> to vector<256x128xf32>
      %mul3A_172 = arith.mulf %mul3A_171, %get3A_169 : vector<256x128xf32>
      %add3A_173 = arith.addf %add3A_164, %mul3A_172 : vector<256x128xf32>
      %add3A_174 = arith.addf %add3A_173, %slice3A : vector<256x128xf32>
      %swap3A_175 = arith.index_cast %multiple_of3A : i32 to index
      %swap3A_176 = arith.constant 0 : index
      %swap3A_177 = vector.load %arg5[%swap3A_175, %swap3A_176] : memref<6144x128xf32, #tpu.memory_space<vmem>>, vector<256x128xf32>
      tpu.vector_store %arg5[%swap3A_175, %swap3A_176], %add3A_174 {strides = array<i32>} : memref<6144x128xf32, #tpu.memory_space<vmem>>, vector<256x128xf32>,
      %lt3A = arith.constant 2048 : i32
      %lt3A_178 = arith.cmpi slt, %multiple_of3A, %lt3A : i32
      %convert_element_type3A = arith.extui %lt3A_178 : i1 to i32
      %cond3A = arith.constant 0 : i32
      %cond3A_179 = arith.cmpi ne, %convert_element_type3A, %cond3A : i32
      scf.if %cond3A_179 {
        %add3A_180 = arith.constant 4096 : i32
        %add3A_181 = arith.addi %add3A_180, %multiple_of3A : i32
        %swap3A_182 = arith.index_cast %add3A_181 : i32 to index
        %swap3A_183 = arith.constant 0 : index
        %swap3A_184 = vector.load %arg5[%swap3A_182, %swap3A_183] : memref<6144x128xf32, #tpu.memory_space<vmem>>, vector<256x128xf32>
        tpu.vector_store %arg5[%swap3A_182, %swap3A_183], %add3A_174 {strides = array<i32>} : memref<6144x128xf32, #tpu.memory_space<vmem>>, vector<256x128xf32>,
      } else {
      }
    }
    %scan3A_58 = arith.constant 16 : i32
    %scan3A_59 = arith.constant 0 : i32
    %scan3A_60 = arith.constant 16 : i32
    %scan3A_61 = arith.addi %scan3A_59, %scan3A_60 : i32
    %scan3A_62 = arith.constant 1 : i32
    scf.for %scan3A_83 = %scan3A_59 to %scan3A_61 step %scan3A_62  : i32 {
      %mul3A = arith.constant 256 : i32
      %mul3A_84 = arith.muli %scan3A_83, %mul3A : i32
      %multiple_of3A = tpu.assume_multiple %mul3A_84, 256 : i32
      %get3A = arith.constant 0 : index
      %get3A_85 = arith.index_cast %multiple_of3A : i32 to index
      %get3A_86 = arith.constant 128 : index
      %get3A_87 = vector.load %arg1[%get3A, %get3A_85, %get3A_86] : memref<1x4096x384xf32, #tpu.memory_space<vmem>>, vector<1x256x13xf32>
      %get3A_88 = vector.shape_cast %get3A_87 : vector<1x256x13xf32> to vector<256x13xf32>
      %get3A_89 = arith.index_cast %multiple_of3A : i32 to index
      %get3A_90 = arith.constant 0 : index
      %get3A_91 = vector.load %arg5[%get3A_89, %get3A_90] : memref<6144x128xf32, #tpu.memory_space<vmem>>, vector<320x128xf32>
      %slice3A = vector.extract_strided_slice %get3A_91 {offsets = [0, 0], sizes = [256, 128], strides = [1, 1]} : vector<320x128xf32> to vector<256x128xf32>
      %slice3A_92 = vector.extract_strided_slice %get3A_88 {offsets = [0, 0], sizes = [256, 1], strides = [1, 1]} : vector<256x13xf32> to vector<256x1xf32>
      %mul3A_93 = vector.broadcast %slice3A_92 : vector<256x1xf32> to vector<256x128xf32>
      %mul3A_94 = arith.mulf %mul3A_93, %slice3A : vector<256x128xf32>
      %slice3A_95 = vector.extract_strided_slice %get3A_91 {offsets = [1, 0], sizes = [256, 128], strides = [1, 1]} : vector<320x128xf32> to vector<256x128xf32>
      %slice3A_96 = vector.extract_strided_slice %get3A_88 {offsets = [0, 1], sizes = [256, 1], strides = [1, 1]} : vector<256x13xf32> to vector<256x1xf32>
      %mul3A_97 = vector.broadcast %slice3A_96 : vector<256x1xf32> to vector<256x128xf32>
      %mul3A_98 = arith.mulf %mul3A_97, %slice3A_95 : vector<256x128xf32>
      %add3A = arith.addf %mul3A_94, %mul3A_98 : vector<256x128xf32>
      %slice3A_99 = vector.extract_strided_slice %get3A_91 {offsets = [2, 0], sizes = [256, 128], strides = [1, 1]} : vector<320x128xf32> to vector<256x128xf32>
      %slice3A_100 = vector.extract_strided_slice %get3A_88 {offsets = [0, 2], sizes = [256, 1], strides = [1, 1]} : vector<256x13xf32> to vector<256x1xf32>
      %mul3A_101 = vector.broadcast %slice3A_100 : vector<256x1xf32> to vector<256x128xf32>
      %mul3A_102 = arith.mulf %mul3A_101, %slice3A_99 : vector<256x128xf32>
      %add3A_103 = arith.addf %add3A, %mul3A_102 : vector<256x128xf32>
      %slice3A_104 = vector.extract_strided_slice %get3A_91 {offsets = [4, 0], sizes = [256, 128], strides = [1, 1]} : vector<320x128xf32> to vector<256x128xf32>
      %slice3A_105 = vector.extract_strided_slice %get3A_88 {offsets = [0, 3], sizes = [256, 1], strides = [1, 1]} : vector<256x13xf32> to vector<256x1xf32>
      %mul3A_106 = vector.broadcast %slice3A_105 : vector<256x1xf32> to vector<256x128xf32>
      %mul3A_107 = arith.mulf %mul3A_106, %slice3A_104 : vector<256x128xf32>
      %add3A_108 = arith.addf %add3A_103, %mul3A_107 : vector<256x128xf32>
      %slice3A_109 = vector.extract_strided_slice %get3A_91 {offsets = [8, 0], sizes = [256, 128], strides = [1, 1]} : vector<320x128xf32> to vector<256x128xf32>
      %slice3A_110 = vector.extract_strided_slice %get3A_88 {offsets = [0, 4], sizes = [256, 1], strides = [1, 1]} : vector<256x13xf32> to vector<256x1xf32>
      %mul3A_111 = vector.broadcast %slice3A_110 : vector<256x1xf32> to vector<256x128xf32>
      %mul3A_112 = arith.mulf %mul3A_111, %slice3A_109 : vector<256x128xf32>
      %add3A_113 = arith.addf %add3A_108, %mul3A_112 : vector<256x128xf32>
      %slice3A_114 = vector.extract_strided_slice %get3A_91 {offsets = [16, 0], sizes = [256, 128], strides = [1, 1]} : vector<320x128xf32> to vector<256x128xf32>
      %slice3A_115 = vector.extract_strided_slice %get3A_88 {offsets = [0, 5], sizes = [256, 1], strides = [1, 1]} : vector<256x13xf32> to vector<256x1xf32>
      %mul3A_116 = vector.broadcast %slice3A_115 : vector<256x1xf32> to vector<256x128xf32>
      %mul3A_117 = arith.mulf %mul3A_116, %slice3A_114 : vector<256x128xf32>
      %add3A_118 = arith.addf %add3A_113, %mul3A_117 : vector<256x128xf32>
      %slice3A_119 = vector.extract_strided_slice %get3A_91 {offsets = [32, 0], sizes = [256, 128], strides = [1, 1]} : vector<320x128xf32> to vector<256x128xf32>
      %slice3A_120 = vector.extract_strided_slice %get3A_88 {offsets = [0, 6], sizes = [256, 1], strides = [1, 1]} : vector<256x13xf32> to vector<256x1xf32>
      %mul3A_121 = vector.broadcast %slice3A_120 : vector<256x1xf32> to vector<256x128xf32>
      %mul3A_122 = arith.mulf %mul3A_121, %slice3A_119 : vector<256x128xf32>
      %add3A_123 = arith.addf %add3A_118, %mul3A_122 : vector<256x128xf32>
      %slice3A_124 = vector.extract_strided_slice %get3A_91 {offsets = [64, 0], sizes = [256, 128], strides = [1, 1]} : vector<320x128xf32> to vector<256x128xf32>
      %slice3A_125 = vector.extract_strided_slice %get3A_88 {offsets = [0, 7], sizes = [256, 1], strides = [1, 1]} : vector<256x13xf32> to vector<256x1xf32>
      %mul3A_126 = vector.broadcast %slice3A_125 : vector<256x1xf32> to vector<256x128xf32>
      %mul3A_127 = arith.mulf %mul3A_126, %slice3A_124 : vector<256x128xf32>
      %add3A_128 = arith.addf %add3A_123, %mul3A_127 : vector<256x128xf32>
      %add3A_129 = arith.constant 128 : i32
      %add3A_130 = arith.addi %multiple_of3A, %add3A_129 : i32
      %get3A_131 = arith.index_cast %add3A_130 : i32 to index
      %get3A_132 = arith.constant 0 : index
      %get3A_133 = vector.load %arg5[%get3A_131, %get3A_132] : memref<6144x128xf32, #tpu.memory_space<vmem>>, vector<256x128xf32>
      %slice3A_134 = vector.extract_strided_slice %get3A_88 {offsets = [0, 8], sizes = [256, 1], strides = [1, 1]} : vector<256x13xf32> to vector<256x1xf32>
      %mul3A_135 = vector.broadcast %slice3A_134 : vector<256x1xf32> to vector<256x128xf32>
      %mul3A_136 = arith.mulf %mul3A_135, %get3A_133 : vector<256x128xf32>
      %add3A_137 = arith.addf %add3A_128, %mul3A_136 : vector<256x128xf32>
      %add3A_138 = arith.constant 256 : i32
      %add3A_139 = arith.addi %multiple_of3A, %add3A_138 : i32
      %get3A_140 = arith.index_cast %add3A_139 : i32 to index
      %get3A_141 = arith.constant 0 : index
      %get3A_142 = vector.load %arg5[%get3A_140, %get3A_141] : memref<6144x128xf32, #tpu.memory_space<vmem>>, vector<256x128xf32>
      %slice3A_143 = vector.extract_strided_slice %get3A_88 {offsets = [0, 9], sizes = [256, 1], strides = [1, 1]} : vector<256x13xf32> to vector<256x1xf32>
      %mul3A_144 = vector.broadcast %slice3A_143 : vector<256x1xf32> to vector<256x128xf32>
      %mul3A_145 = arith.mulf %mul3A_144, %get3A_142 : vector<256x128xf32>
      %add3A_146 = arith.addf %add3A_137, %mul3A_145 : vector<256x128xf32>
      %add3A_147 = arith.constant 512 : i32
      %add3A_148 = arith.addi %multiple_of3A, %add3A_147 : i32
      %get3A_149 = arith.index_cast %add3A_148 : i32 to index
      %get3A_150 = arith.constant 0 : index
      %get3A_151 = vector.load %arg5[%get3A_149, %get3A_150] : memref<6144x128xf32, #tpu.memory_space<vmem>>, vector<256x128xf32>
      %slice3A_152 = vector.extract_strided_slice %get3A_88 {offsets = [0, 10], sizes = [256, 1], strides = [1, 1]} : vector<256x13xf32> to vector<256x1xf32>
      %mul3A_153 = vector.broadcast %slice3A_152 : vector<256x1xf32> to vector<256x128xf32>
      %mul3A_154 = arith.mulf %mul3A_153, %get3A_151 : vector<256x128xf32>
      %add3A_155 = arith.addf %add3A_146, %mul3A_154 : vector<256x128xf32>
      %add3A_156 = arith.constant 1024 : i32
      %add3A_157 = arith.addi %multiple_of3A, %add3A_156 : i32
      %get3A_158 = arith.index_cast %add3A_157 : i32 to index
      %get3A_159 = arith.constant 0 : index
      %get3A_160 = vector.load %arg5[%get3A_158, %get3A_159] : memref<6144x128xf32, #tpu.memory_space<vmem>>, vector<256x128xf32>
      %slice3A_161 = vector.extract_strided_slice %get3A_88 {offsets = [0, 11], sizes = [256, 1], strides = [1, 1]} : vector<256x13xf32> to vector<256x1xf32>
      %mul3A_162 = vector.broadcast %slice3A_161 : vector<256x1xf32> to vector<256x128xf32>
      %mul3A_163 = arith.mulf %mul3A_162, %get3A_160 : vector<256x128xf32>
      %add3A_164 = arith.addf %add3A_155, %mul3A_163 : vector<256x128xf32>
      %add3A_165 = arith.constant 2048 : i32
      %add3A_166 = arith.addi %multiple_of3A, %add3A_165 : i32
      %get3A_167 = arith.index_cast %add3A_166 : i32 to index
      %get3A_168 = arith.constant 0 : index
      %get3A_169 = vector.load %arg5[%get3A_167, %get3A_168] : memref<6144x128xf32, #tpu.memory_space<vmem>>, vector<256x128xf32>
      %slice3A_170 = vector.extract_strided_slice %get3A_88 {offsets = [0, 12], sizes = [256, 1], strides = [1, 1]} : vector<256x13xf32> to vector<256x1xf32>
      %mul3A_171 = vector.broadcast %slice3A_170 : vector<256x1xf32> to vector<256x128xf32>
      %mul3A_172 = arith.mulf %mul3A_171, %get3A_169 : vector<256x128xf32>
      %add3A_173 = arith.addf %add3A_164, %mul3A_172 : vector<256x128xf32>
      %add3A_174 = arith.addf %add3A_173, %slice3A : vector<256x128xf32>
      %swap3A_175 = arith.index_cast %multiple_of3A : i32 to index
      %swap3A_176 = arith.constant 0 : index
      %swap3A_177 = vector.load %arg4[%swap3A_175, %swap3A_176] : memref<6144x128xf32, #tpu.memory_space<vmem>>, vector<256x128xf32>
      tpu.vector_store %arg4[%swap3A_175, %swap3A_176], %add3A_174 {strides = array<i32>} : memref<6144x128xf32, #tpu.memory_space<vmem>>, vector<256x128xf32>,
      %lt3A = arith.constant 2048 : i32
      %lt3A_178 = arith.cmpi slt, %multiple_of3A, %lt3A : i32
      %convert_element_type3A = arith.extui %lt3A_178 : i1 to i32
      %cond3A = arith.constant 0 : i32
      %cond3A_179 = arith.cmpi ne, %convert_element_type3A, %cond3A : i32
      scf.if %cond3A_179 {
        %add3A_180 = arith.constant 4096 : i32
        %add3A_181 = arith.addi %add3A_180, %multiple_of3A : i32
        %swap3A_182 = arith.index_cast %add3A_181 : i32 to index
        %swap3A_183 = arith.constant 0 : index
        %swap3A_184 = vector.load %arg4[%swap3A_182, %swap3A_183] : memref<6144x128xf32, #tpu.memory_space<vmem>>, vector<256x128xf32>
        tpu.vector_store %arg4[%swap3A_182, %swap3A_183], %add3A_174 {strides = array<i32>} : memref<6144x128xf32, #tpu.memory_space<vmem>>, vector<256x128xf32>,
      } else {
      }
    }
    %scan3A_63 = arith.constant 16 : i32
    %scan3A_64 = arith.constant 0.000000e+00 : f32
    %scan3A_65 = arith.constant 0.000000e+00 : f32
    %scan3A_66 = arith.constant 0 : i32
    %scan3A_67 = arith.constant 4 : i32
    %scan3A_68 = arith.addi %scan3A_66, %scan3A_67 : i32
    %scan3A_69 = arith.constant 1 : i32
    %scan3A_70:2 = scf.for %scan3A_83 = %scan3A_66 to %scan3A_68 step %scan3A_69 iter_args(%scan3A_84 = %scan3A_64, %scan3A_85 = %scan3A_65) -> (f32, f32)  : i32 {
      %mul3A = arith.constant 1024 : i32
      %mul3A_86 = arith.muli %scan3A_83, %mul3A : i32
      %multiple_of3A = tpu.assume_multiple %mul3A_86, 1024 : i32
      %get3A = arith.index_cast %multiple_of3A : i32 to index
      %get3A_87 = arith.constant 0 : index
      %get3A_88 = vector.load %arg4[%get3A, %get3A_87] : memref<6144x128xf32, #tpu.memory_space<vmem>>, vector<1024x128xf32>
      %get3A_89 = arith.constant 0 : index
      %get3A_90 = arith.index_cast %multiple_of3A : i32 to index
      %get3A_91 = arith.constant 0 : index
      %get3A_92 = vector.load %arg2[%get3A_89, %get3A_90, %get3A_91] : memref<2x4096x128xf32, #tpu.memory_space<vmem>>, vector<1x1024x128xf32>
      %get3A_93 = vector.shape_cast %get3A_92 : vector<1x1024x128xf32> to vector<1024x128xf32>
      %mul3A_94 = arith.mulf %get3A_88, %get3A_93 : vector<1024x128xf32>
      %reduce_sum3A = vector.shape_cast %mul3A_94 : vector<1024x128xf32> to vector<1x1024x128xf32>
      %reduce_sum3A_95 = arith.constant dense<0.000000e+00> : vector<1xf32>
      %reduce_sum3A_96 = vector.multi_reduction <add>, %reduce_sum3A, %reduce_sum3A_95 [1, 2] : vector<1x1024x128xf32> to vector<1xf32>
      %reduce_sum3A_97 = vector.shape_cast %reduce_sum3A_96 : vector<1xf32> to vector<1x1x1xf32>
      %reduce_sum3A_98 = vector.extract %reduce_sum3A_97[0, 0, 0] : f32 from vector<1x1x1xf32>
      %add3A = arith.addf %scan3A_84, %reduce_sum3A_98 : f32
      %get3A_99 = arith.constant 1 : index
      %get3A_100 = arith.index_cast %multiple_of3A : i32 to index
      %get3A_101 = arith.constant 0 : index
      %get3A_102 = vector.load %arg2[%get3A_99, %get3A_100, %get3A_101] : memref<2x4096x128xf32, #tpu.memory_space<vmem>>, vector<1x1024x128xf32>
      %get3A_103 = vector.shape_cast %get3A_102 : vector<1x1024x128xf32> to vector<1024x128xf32>
      %mul3A_104 = arith.mulf %get3A_88, %get3A_103 : vector<1024x128xf32>
      %reduce_sum3A_105 = vector.shape_cast %mul3A_104 : vector<1024x128xf32> to vector<1x1024x128xf32>
      %reduce_sum3A_106 = arith.constant dense<0.000000e+00> : vector<1xf32>
      %reduce_sum3A_107 = vector.multi_reduction <add>, %reduce_sum3A_105, %reduce_sum3A_106 [1, 2] : vector<1x1024x128xf32> to vector<1xf32>
      %reduce_sum3A_108 = vector.shape_cast %reduce_sum3A_107 : vector<1xf32> to vector<1x1x1xf32>
      %reduce_sum3A_109 = vector.extract %reduce_sum3A_108[0, 0, 0] : f32 from vector<1x1x1xf32>
      %add3A_110 = arith.addf %scan3A_85, %reduce_sum3A_109 : f32
      scf.yield %add3A, %add3A_110 : f32, f32
    }
    %scan3A_71 = arith.constant 4 : i32
    %iota3A = tpu.iota {dimensions = array<i32: 2>} : vector<1x1x128xi32>
    %eq3A = arith.constant 0 : i32
    %eq3A_72 = vector.broadcast %eq3A : i32 to vector<1x1x128xi32>
    %eq3A_73 = arith.cmpi eq, %iota3A, %eq3A_72 : vector<1x1x128xi32>
    %eq3A_74 = arith.constant 1 : i32
    %eq3A_75 = vector.broadcast %eq3A_74 : i32 to vector<1x1x128xi32>
    %eq3A_76 = arith.cmpi eq, %iota3A, %eq3A_75 : vector<1x1x128xi32>
    %jit3A = arith.constant 0.000000e+00 : f32
    %broadcast_in_dim3A = vector.broadcast %scan3A_70#1 : f32 to vector<1x1x128xf32>
    %broadcast_in_dim3A_77 = vector.broadcast %jit3A : f32 to vector<1x1x128xf32>
    %select_n3A = arith.select %eq3A_76, %broadcast_in_dim3A, %broadcast_in_dim3A_77 : vector<1x1x128xi1>, vector<1x1x128xf32>
    %broadcast_in_dim3A_78 = vector.broadcast %scan3A_70#0 : f32 to vector<1x1x128xf32>
    %select_n3A_79 = arith.select %eq3A_73, %broadcast_in_dim3A_78, %select_n3A : vector<1x1x128xi1>, vector<1x1x128xf32>
    %swap3A = arith.constant 0 : index
    %swap3A_80 = arith.constant 0 : index
    %swap3A_81 = arith.constant 0 : index
    %swap3A_82 = vector.load %arg3[%swap3A, %swap3A_80, %swap3A_81] : memref<1x1x128xf32, #tpu.memory_space<vmem>>, vector<1x1x128xf32>
    tpu.vector_store %arg3[%swap3A, %swap3A_80, %swap3A_81], %select_n3A_79 {strides = array<i32>} : memref<1x1x128xf32, #tpu.memory_space<vmem>>, vector<1x1x128xf32>,
    return
  }
  func.func @transform_0(%arg0: i32) -> (i32, i32, i32) {
    %c0_i32 = arith.constant 0 : i32
    %c0_i32_0 = arith.constant 0 : i32
    %c0_i32_1 = arith.constant 0 : i32
    return %arg0, %c0_i32, %c0_i32_0 : i32, i32, i32
  }
  func.func @transform_1(%arg0: i32) -> (i32, i32, i32) {
    %c0_i32 = arith.constant 0 : i32
    %c0_i32_0 = arith.constant 0 : i32
    %c0_i32_1 = arith.constant 0 : i32
    %c0_i32_2 = arith.constant 0 : i32
    return %c0_i32, %c0_i32_0, %c0_i32_1 : i32, i32, i32
  }
  func.func @transform_2(%arg0: i32) -> (i32, i32, i32) {
    %c0_i32 = arith.constant 0 : i32
    %c0_i32_0 = arith.constant 0 : i32
    %c0_i32_1 = arith.constant 0 : i32
    return %arg0, %c0_i32, %c0_i32_0 : i32, i32, i32
  }
}

module attributes {stable_mosaic.version = 14 : i64} {
  func.func @_tables_body(%arg0: memref<256x128xf32, #tpu.memory_space<vmem>>, %arg1: memref<128x256xf32, #tpu.memory_space<vmem>>, %arg2: memref<1x256xf32, #tpu.memory_space<vmem>>, %arg3: memref<256x128xf32, #tpu.memory_space<vmem>>, %arg4: memref<1x128xf32, #tpu.memory_space<vmem>>, %arg5: memref<128x3072xf32, #tpu.memory_space<vmem>>, %arg6: memref<1x3072xf32, #tpu.memory_space<vmem>>, %arg7: memref<12x256x13xf32, #tpu.memory_space<vmem>>, %arg8: memref<12x1x13xf32, #tpu.memory_space<vmem>>, %arg9: memref<4x128xf32, #tpu.memory_space<vmem>>, %arg10: memref<1024x384xf32, #tpu.memory_space<vmem>>) attributes {dimension_semantics = [], scalar_prefetch = 0 : i64, scratch_operands = 0 : i64, tpu.core_type = #tpu.core_type<tc>} {
    %get3A = arith.constant 0 : index
    %get3A_0 = arith.constant 0 : index
    %get3A_1 = vector.load %arg0[%get3A, %get3A_0] : memref<256x128xf32, #tpu.memory_space<vmem>>, vector<256x128xf32>
    %get3A_2 = arith.constant 0 : index
    %get3A_3 = arith.constant 0 : index
    %get3A_4 = vector.load %arg9[%get3A_2, %get3A_3] : memref<4x128xf32, #tpu.memory_space<vmem>>, vector<1x128xf32>
    %add3A = vector.broadcast %get3A_4 : vector<1x128xf32> to vector<256x128xf32>
    %add3A_5 = arith.addf %get3A_1, %add3A : vector<256x128xf32>
    %get3A_6 = arith.constant 0 : index
    %get3A_7 = arith.constant 0 : index
    %get3A_8 = vector.load %arg1[%get3A_6, %get3A_7] : memref<128x256xf32, #tpu.memory_space<vmem>>, vector<128x256xf32>
    %dot_general3A = arith.constant dense<0.000000e+00> : vector<256x256xf32>
    %dot_general3A_9 = tpu.matmul %add3A_5, %get3A_8, %dot_general3A {dimension_numbers = #tpu.dot_dimension_numbers<[1], [0], [0], [1], [0, 0, 1, 1], [], []>, transpose_lhs_hint = false} : vector<256x128xf32>, vector<128x256xf32>, vector<256x256xf32> -> vector<256x256xf32>
    %get3A_10 = arith.constant 0 : index
    %get3A_11 = arith.constant 0 : index
    %get3A_12 = vector.load %arg2[%get3A_10, %get3A_11] : memref<1x256xf32, #tpu.memory_space<vmem>>, vector<1x256xf32>
    %add3A_13 = vector.broadcast %get3A_12 : vector<1x256xf32> to vector<256x256xf32>
    %add3A_14 = arith.addf %dot_general3A_9, %add3A_13 : vector<256x256xf32>
    %mul3A = arith.constant 5.000000e-01 : f32
    %mul3A_15 = vector.broadcast %mul3A : f32 to vector<256x256xf32>
    %mul3A_16 = arith.mulf %mul3A_15, %add3A_14 : vector<256x256xf32>
    %mul3A_17 = arith.constant 0.707106769 : f32
    %mul3A_18 = vector.broadcast %mul3A_17 : f32 to vector<256x256xf32>
    %mul3A_19 = arith.mulf %add3A_14, %mul3A_18 : vector<256x256xf32>
    %erf3A = math.erf %mul3A_19 : vector<256x256xf32>
    %add3A_20 = arith.constant 1.000000e+00 : f32
    %add3A_21 = vector.broadcast %add3A_20 : f32 to vector<256x256xf32>
    %add3A_22 = arith.addf %add3A_21, %erf3A : vector<256x256xf32>
    %mul3A_23 = arith.mulf %mul3A_16, %add3A_22 : vector<256x256xf32>
    %get3A_24 = arith.constant 0 : index
    %get3A_25 = arith.constant 0 : index
    %get3A_26 = vector.load %arg3[%get3A_24, %get3A_25] : memref<256x128xf32, #tpu.memory_space<vmem>>, vector<256x128xf32>
    %dot_general3A_27 = arith.constant dense<0.000000e+00> : vector<256x128xf32>
    %dot_general3A_28 = tpu.matmul %mul3A_23, %get3A_26, %dot_general3A_27 {dimension_numbers = #tpu.dot_dimension_numbers<[1], [0], [0], [1], [0, 0, 1, 1], [], []>, transpose_lhs_hint = false} : vector<256x256xf32>, vector<256x128xf32>, vector<256x128xf32> -> vector<256x128xf32>
    %get3A_29 = arith.constant 0 : index
    %get3A_30 = arith.constant 0 : index
    %get3A_31 = vector.load %arg4[%get3A_29, %get3A_30] : memref<1x128xf32, #tpu.memory_space<vmem>>, vector<1x128xf32>
    %add3A_32 = vector.broadcast %get3A_31 : vector<1x128xf32> to vector<256x128xf32>
    %add3A_33 = arith.addf %dot_general3A_28, %add3A_32 : vector<256x128xf32>
    %swap3A = arith.constant 0 : index
    %swap3A_34 = arith.constant 0 : index
    %swap3A_35 = vector.load %arg10[%swap3A, %swap3A_34] : memref<1024x384xf32, #tpu.memory_space<vmem>>, vector<256x128xf32>
    tpu.vector_store %arg10[%swap3A, %swap3A_34], %add3A_33 {strides = array<i32>} : memref<1024x384xf32, #tpu.memory_space<vmem>>, vector<256x128xf32>,
    %get3A_36 = arith.constant 0 : index
    %get3A_37 = arith.constant 0 : index
    %get3A_38 = vector.load %arg5[%get3A_36, %get3A_37] : memref<128x3072xf32, #tpu.memory_space<vmem>>, vector<128x256xf32>
    %dot_general3A_39 = arith.constant dense<0.000000e+00> : vector<256x256xf32>
    %dot_general3A_40 = tpu.matmul %add3A_5, %get3A_38, %dot_general3A_39 {dimension_numbers = #tpu.dot_dimension_numbers<[1], [0], [0], [1], [0, 0, 1, 1], [], []>, transpose_lhs_hint = false} : vector<256x128xf32>, vector<128x256xf32>, vector<256x256xf32> -> vector<256x256xf32>
    %get3A_41 = arith.constant 0 : index
    %get3A_42 = arith.constant 0 : index
    %get3A_43 = vector.load %arg6[%get3A_41, %get3A_42] : memref<1x3072xf32, #tpu.memory_space<vmem>>, vector<1x256xf32>
    %add3A_44 = vector.broadcast %get3A_43 : vector<1x256xf32> to vector<256x256xf32>
    %add3A_45 = arith.addf %dot_general3A_40, %add3A_44 : vector<256x256xf32>
    %mul3A_46 = arith.constant 5.000000e-01 : f32
    %mul3A_47 = vector.broadcast %mul3A_46 : f32 to vector<256x256xf32>
    %mul3A_48 = arith.mulf %mul3A_47, %add3A_45 : vector<256x256xf32>
    %mul3A_49 = arith.constant 0.707106769 : f32
    %mul3A_50 = vector.broadcast %mul3A_49 : f32 to vector<256x256xf32>
    %mul3A_51 = arith.mulf %add3A_45, %mul3A_50 : vector<256x256xf32>
    %erf3A_52 = math.erf %mul3A_51 : vector<256x256xf32>
    %add3A_53 = arith.constant 1.000000e+00 : f32
    %add3A_54 = vector.broadcast %add3A_53 : f32 to vector<256x256xf32>
    %add3A_55 = arith.addf %add3A_54, %erf3A_52 : vector<256x256xf32>
    %mul3A_56 = arith.mulf %mul3A_48, %add3A_55 : vector<256x256xf32>
    %get3A_57 = arith.constant 0 : index
    %get3A_58 = arith.constant 0 : index
    %get3A_59 = arith.constant 0 : index
    %get3A_60 = vector.load %arg7[%get3A_57, %get3A_58, %get3A_59] : memref<12x256x13xf32, #tpu.memory_space<vmem>>, vector<1x256x13xf32>
    %get3A_61 = vector.shape_cast %get3A_60 : vector<1x256x13xf32> to vector<256x13xf32>
    %dot_general3A_62 = arith.constant dense<0.000000e+00> : vector<256x13xf32>
    %dot_general3A_63 = tpu.matmul %mul3A_56, %get3A_61, %dot_general3A_62 {dimension_numbers = #tpu.dot_dimension_numbers<[1], [0], [0], [1], [0, 0, 1, 1], [], []>, transpose_lhs_hint = false} : vector<256x256xf32>, vector<256x13xf32>, vector<256x13xf32> -> vector<256x13xf32>
    %get3A_64 = arith.constant 0 : index
    %get3A_65 = arith.constant 0 : index
    %get3A_66 = arith.constant 0 : index
    %get3A_67 = vector.load %arg8[%get3A_64, %get3A_65, %get3A_66] : memref<12x1x13xf32, #tpu.memory_space<vmem>>, vector<1x1x13xf32>
    %get3A_68 = vector.shape_cast %get3A_67 : vector<1x1x13xf32> to vector<1x13xf32>
    %add3A_69 = vector.broadcast %get3A_68 : vector<1x13xf32> to vector<256x13xf32>
    %add3A_70 = arith.addf %dot_general3A_63, %add3A_69 : vector<256x13xf32>
    %swap3A_71 = arith.constant 0 : index
    %swap3A_72 = arith.constant 128 : index
    %swap3A_73 = vector.load %arg10[%swap3A_71, %swap3A_72] : memref<1024x384xf32, #tpu.memory_space<vmem>>, vector<256x13xf32>
    tpu.vector_store %arg10[%swap3A_71, %swap3A_72], %add3A_70 {strides = array<i32>} : memref<1024x384xf32, #tpu.memory_space<vmem>>, vector<256x13xf32>,
    %get3A_74 = arith.constant 0 : index
    %get3A_75 = arith.constant 256 : index
    %get3A_76 = vector.load %arg5[%get3A_74, %get3A_75] : memref<128x3072xf32, #tpu.memory_space<vmem>>, vector<128x256xf32>
    %dot_general3A_77 = arith.constant dense<0.000000e+00> : vector<256x256xf32>
    %dot_general3A_78 = tpu.matmul %add3A_5, %get3A_76, %dot_general3A_77 {dimension_numbers = #tpu.dot_dimension_numbers<[1], [0], [0], [1], [0, 0, 1, 1], [], []>, transpose_lhs_hint = false} : vector<256x128xf32>, vector<128x256xf32>, vector<256x256xf32> -> vector<256x256xf32>
    %get3A_79 = arith.constant 0 : index
    %get3A_80 = arith.constant 256 : index
    %get3A_81 = vector.load %arg6[%get3A_79, %get3A_80] : memref<1x3072xf32, #tpu.memory_space<vmem>>, vector<1x256xf32>
    %add3A_82 = vector.broadcast %get3A_81 : vector<1x256xf32> to vector<256x256xf32>
    %add3A_83 = arith.addf %dot_general3A_78, %add3A_82 : vector<256x256xf32>
    %mul3A_84 = arith.constant 5.000000e-01 : f32
    %mul3A_85 = vector.broadcast %mul3A_84 : f32 to vector<256x256xf32>
    %mul3A_86 = arith.mulf %mul3A_85, %add3A_83 : vector<256x256xf32>
    %mul3A_87 = arith.constant 0.707106769 : f32
    %mul3A_88 = vector.broadcast %mul3A_87 : f32 to vector<256x256xf32>
    %mul3A_89 = arith.mulf %add3A_83, %mul3A_88 : vector<256x256xf32>
    %erf3A_90 = math.erf %mul3A_89 : vector<256x256xf32>
    %add3A_91 = arith.constant 1.000000e+00 : f32
    %add3A_92 = vector.broadcast %add3A_91 : f32 to vector<256x256xf32>
    %add3A_93 = arith.addf %add3A_92, %erf3A_90 : vector<256x256xf32>
    %mul3A_94 = arith.mulf %mul3A_86, %add3A_93 : vector<256x256xf32>
    %get3A_95 = arith.constant 1 : index
    %get3A_96 = arith.constant 0 : index
    %get3A_97 = arith.constant 0 : index
    %get3A_98 = vector.load %arg7[%get3A_95, %get3A_96, %get3A_97] : memref<12x256x13xf32, #tpu.memory_space<vmem>>, vector<1x256x13xf32>
    %get3A_99 = vector.shape_cast %get3A_98 : vector<1x256x13xf32> to vector<256x13xf32>
    %dot_general3A_100 = arith.constant dense<0.000000e+00> : vector<256x13xf32>
    %dot_general3A_101 = tpu.matmul %mul3A_94, %get3A_99, %dot_general3A_100 {dimension_numbers = #tpu.dot_dimension_numbers<[1], [0], [0], [1], [0, 0, 1, 1], [], []>, transpose_lhs_hint = false} : vector<256x256xf32>, vector<256x13xf32>, vector<256x13xf32> -> vector<256x13xf32>
    %get3A_102 = arith.constant 1 : index
    %get3A_103 = arith.constant 0 : index
    %get3A_104 = arith.constant 0 : index
    %get3A_105 = vector.load %arg8[%get3A_102, %get3A_103, %get3A_104] : memref<12x1x13xf32, #tpu.memory_space<vmem>>, vector<1x1x13xf32>
    %get3A_106 = vector.shape_cast %get3A_105 : vector<1x1x13xf32> to vector<1x13xf32>
    %add3A_107 = vector.broadcast %get3A_106 : vector<1x13xf32> to vector<256x13xf32>
    %add3A_108 = arith.addf %dot_general3A_101, %add3A_107 : vector<256x13xf32>
    %swap3A_109 = arith.constant 0 : index
    %swap3A_110 = arith.constant 141 : index
    %swap3A_111 = vector.load %arg10[%swap3A_109, %swap3A_110] : memref<1024x384xf32, #tpu.memory_space<vmem>>, vector<256x13xf32>
    tpu.vector_store %arg10[%swap3A_109, %swap3A_110], %add3A_108 {strides = array<i32>} : memref<1024x384xf32, #tpu.memory_space<vmem>>, vector<256x13xf32>,
    %get3A_112 = arith.constant 0 : index
    %get3A_113 = arith.constant 512 : index
    %get3A_114 = vector.load %arg5[%get3A_112, %get3A_113] : memref<128x3072xf32, #tpu.memory_space<vmem>>, vector<128x256xf32>
    %dot_general3A_115 = arith.constant dense<0.000000e+00> : vector<256x256xf32>
    %dot_general3A_116 = tpu.matmul %add3A_5, %get3A_114, %dot_general3A_115 {dimension_numbers = #tpu.dot_dimension_numbers<[1], [0], [0], [1], [0, 0, 1, 1], [], []>, transpose_lhs_hint = false} : vector<256x128xf32>, vector<128x256xf32>, vector<256x256xf32> -> vector<256x256xf32>
    %get3A_117 = arith.constant 0 : index
    %get3A_118 = arith.constant 512 : index
    %get3A_119 = vector.load %arg6[%get3A_117, %get3A_118] : memref<1x3072xf32, #tpu.memory_space<vmem>>, vector<1x256xf32>
    %add3A_120 = vector.broadcast %get3A_119 : vector<1x256xf32> to vector<256x256xf32>
    %add3A_121 = arith.addf %dot_general3A_116, %add3A_120 : vector<256x256xf32>
    %mul3A_122 = arith.constant 5.000000e-01 : f32
    %mul3A_123 = vector.broadcast %mul3A_122 : f32 to vector<256x256xf32>
    %mul3A_124 = arith.mulf %mul3A_123, %add3A_121 : vector<256x256xf32>
    %mul3A_125 = arith.constant 0.707106769 : f32
    %mul3A_126 = vector.broadcast %mul3A_125 : f32 to vector<256x256xf32>
    %mul3A_127 = arith.mulf %add3A_121, %mul3A_126 : vector<256x256xf32>
    %erf3A_128 = math.erf %mul3A_127 : vector<256x256xf32>
    %add3A_129 = arith.constant 1.000000e+00 : f32
    %add3A_130 = vector.broadcast %add3A_129 : f32 to vector<256x256xf32>
    %add3A_131 = arith.addf %add3A_130, %erf3A_128 : vector<256x256xf32>
    %mul3A_132 = arith.mulf %mul3A_124, %add3A_131 : vector<256x256xf32>
    %get3A_133 = arith.constant 2 : index
    %get3A_134 = arith.constant 0 : index
    %get3A_135 = arith.constant 0 : index
    %get3A_136 = vector.load %arg7[%get3A_133, %get3A_134, %get3A_135] : memref<12x256x13xf32, #tpu.memory_space<vmem>>, vector<1x256x13xf32>
    %get3A_137 = vector.shape_cast %get3A_136 : vector<1x256x13xf32> to vector<256x13xf32>
    %dot_general3A_138 = arith.constant dense<0.000000e+00> : vector<256x13xf32>
    %dot_general3A_139 = tpu.matmul %mul3A_132, %get3A_137, %dot_general3A_138 {dimension_numbers = #tpu.dot_dimension_numbers<[1], [0], [0], [1], [0, 0, 1, 1], [], []>, transpose_lhs_hint = false} : vector<256x256xf32>, vector<256x13xf32>, vector<256x13xf32> -> vector<256x13xf32>
    %get3A_140 = arith.constant 2 : index
    %get3A_141 = arith.constant 0 : index
    %get3A_142 = arith.constant 0 : index
    %get3A_143 = vector.load %arg8[%get3A_140, %get3A_141, %get3A_142] : memref<12x1x13xf32, #tpu.memory_space<vmem>>, vector<1x1x13xf32>
    %get3A_144 = vector.shape_cast %get3A_143 : vector<1x1x13xf32> to vector<1x13xf32>
    %add3A_145 = vector.broadcast %get3A_144 : vector<1x13xf32> to vector<256x13xf32>
    %add3A_146 = arith.addf %dot_general3A_139, %add3A_145 : vector<256x13xf32>
    %swap3A_147 = arith.constant 0 : index
    %swap3A_148 = arith.constant 154 : index
    %swap3A_149 = vector.load %arg10[%swap3A_147, %swap3A_148] : memref<1024x384xf32, #tpu.memory_space<vmem>>, vector<256x13xf32>
    tpu.vector_store %arg10[%swap3A_147, %swap3A_148], %add3A_146 {strides = array<i32>} : memref<1024x384xf32, #tpu.memory_space<vmem>>, vector<256x13xf32>,
    %get3A_150 = arith.constant 0 : index
    %get3A_151 = arith.constant 768 : index
    %get3A_152 = vector.load %arg5[%get3A_150, %get3A_151] : memref<128x3072xf32, #tpu.memory_space<vmem>>, vector<128x256xf32>
    %dot_general3A_153 = arith.constant dense<0.000000e+00> : vector<256x256xf32>
    %dot_general3A_154 = tpu.matmul %add3A_5, %get3A_152, %dot_general3A_153 {dimension_numbers = #tpu.dot_dimension_numbers<[1], [0], [0], [1], [0, 0, 1, 1], [], []>, transpose_lhs_hint = false} : vector<256x128xf32>, vector<128x256xf32>, vector<256x256xf32> -> vector<256x256xf32>
    %get3A_155 = arith.constant 0 : index
    %get3A_156 = arith.constant 768 : index
    %get3A_157 = vector.load %arg6[%get3A_155, %get3A_156] : memref<1x3072xf32, #tpu.memory_space<vmem>>, vector<1x256xf32>
    %add3A_158 = vector.broadcast %get3A_157 : vector<1x256xf32> to vector<256x256xf32>
    %add3A_159 = arith.addf %dot_general3A_154, %add3A_158 : vector<256x256xf32>
    %mul3A_160 = arith.constant 5.000000e-01 : f32
    %mul3A_161 = vector.broadcast %mul3A_160 : f32 to vector<256x256xf32>
    %mul3A_162 = arith.mulf %mul3A_161, %add3A_159 : vector<256x256xf32>
    %mul3A_163 = arith.constant 0.707106769 : f32
    %mul3A_164 = vector.broadcast %mul3A_163 : f32 to vector<256x256xf32>
    %mul3A_165 = arith.mulf %add3A_159, %mul3A_164 : vector<256x256xf32>
    %erf3A_166 = math.erf %mul3A_165 : vector<256x256xf32>
    %add3A_167 = arith.constant 1.000000e+00 : f32
    %add3A_168 = vector.broadcast %add3A_167 : f32 to vector<256x256xf32>
    %add3A_169 = arith.addf %add3A_168, %erf3A_166 : vector<256x256xf32>
    %mul3A_170 = arith.mulf %mul3A_162, %add3A_169 : vector<256x256xf32>
    %get3A_171 = arith.constant 3 : index
    %get3A_172 = arith.constant 0 : index
    %get3A_173 = arith.constant 0 : index
    %get3A_174 = vector.load %arg7[%get3A_171, %get3A_172, %get3A_173] : memref<12x256x13xf32, #tpu.memory_space<vmem>>, vector<1x256x13xf32>
    %get3A_175 = vector.shape_cast %get3A_174 : vector<1x256x13xf32> to vector<256x13xf32>
    %dot_general3A_176 = arith.constant dense<0.000000e+00> : vector<256x13xf32>
    %dot_general3A_177 = tpu.matmul %mul3A_170, %get3A_175, %dot_general3A_176 {dimension_numbers = #tpu.dot_dimension_numbers<[1], [0], [0], [1], [0, 0, 1, 1], [], []>, transpose_lhs_hint = false} : vector<256x256xf32>, vector<256x13xf32>, vector<256x13xf32> -> vector<256x13xf32>
    %get3A_178 = arith.constant 3 : index
    %get3A_179 = arith.constant 0 : index
    %get3A_180 = arith.constant 0 : index
    %get3A_181 = vector.load %arg8[%get3A_178, %get3A_179, %get3A_180] : memref<12x1x13xf32, #tpu.memory_space<vmem>>, vector<1x1x13xf32>
    %get3A_182 = vector.shape_cast %get3A_181 : vector<1x1x13xf32> to vector<1x13xf32>
    %add3A_183 = vector.broadcast %get3A_182 : vector<1x13xf32> to vector<256x13xf32>
    %add3A_184 = arith.addf %dot_general3A_177, %add3A_183 : vector<256x13xf32>
    %swap3A_185 = arith.constant 0 : index
    %swap3A_186 = arith.constant 167 : index
    %swap3A_187 = vector.load %arg10[%swap3A_185, %swap3A_186] : memref<1024x384xf32, #tpu.memory_space<vmem>>, vector<256x13xf32>
    tpu.vector_store %arg10[%swap3A_185, %swap3A_186], %add3A_184 {strides = array<i32>} : memref<1024x384xf32, #tpu.memory_space<vmem>>, vector<256x13xf32>,
    %get3A_188 = arith.constant 0 : index
    %get3A_189 = arith.constant 1024 : index
    %get3A_190 = vector.load %arg5[%get3A_188, %get3A_189] : memref<128x3072xf32, #tpu.memory_space<vmem>>, vector<128x256xf32>
    %dot_general3A_191 = arith.constant dense<0.000000e+00> : vector<256x256xf32>
    %dot_general3A_192 = tpu.matmul %add3A_5, %get3A_190, %dot_general3A_191 {dimension_numbers = #tpu.dot_dimension_numbers<[1], [0], [0], [1], [0, 0, 1, 1], [], []>, transpose_lhs_hint = false} : vector<256x128xf32>, vector<128x256xf32>, vector<256x256xf32> -> vector<256x256xf32>
    %get3A_193 = arith.constant 0 : index
    %get3A_194 = arith.constant 1024 : index
    %get3A_195 = vector.load %arg6[%get3A_193, %get3A_194] : memref<1x3072xf32, #tpu.memory_space<vmem>>, vector<1x256xf32>
    %add3A_196 = vector.broadcast %get3A_195 : vector<1x256xf32> to vector<256x256xf32>
    %add3A_197 = arith.addf %dot_general3A_192, %add3A_196 : vector<256x256xf32>
    %mul3A_198 = arith.constant 5.000000e-01 : f32
    %mul3A_199 = vector.broadcast %mul3A_198 : f32 to vector<256x256xf32>
    %mul3A_200 = arith.mulf %mul3A_199, %add3A_197 : vector<256x256xf32>
    %mul3A_201 = arith.constant 0.707106769 : f32
    %mul3A_202 = vector.broadcast %mul3A_201 : f32 to vector<256x256xf32>
    %mul3A_203 = arith.mulf %add3A_197, %mul3A_202 : vector<256x256xf32>
    %erf3A_204 = math.erf %mul3A_203 : vector<256x256xf32>
    %add3A_205 = arith.constant 1.000000e+00 : f32
    %add3A_206 = vector.broadcast %add3A_205 : f32 to vector<256x256xf32>
    %add3A_207 = arith.addf %add3A_206, %erf3A_204 : vector<256x256xf32>
    %mul3A_208 = arith.mulf %mul3A_200, %add3A_207 : vector<256x256xf32>
    %get3A_209 = arith.constant 4 : index
    %get3A_210 = arith.constant 0 : index
    %get3A_211 = arith.constant 0 : index
    %get3A_212 = vector.load %arg7[%get3A_209, %get3A_210, %get3A_211] : memref<12x256x13xf32, #tpu.memory_space<vmem>>, vector<1x256x13xf32>
    %get3A_213 = vector.shape_cast %get3A_212 : vector<1x256x13xf32> to vector<256x13xf32>
    %dot_general3A_214 = arith.constant dense<0.000000e+00> : vector<256x13xf32>
    %dot_general3A_215 = tpu.matmul %mul3A_208, %get3A_213, %dot_general3A_214 {dimension_numbers = #tpu.dot_dimension_numbers<[1], [0], [0], [1], [0, 0, 1, 1], [], []>, transpose_lhs_hint = false} : vector<256x256xf32>, vector<256x13xf32>, vector<256x13xf32> -> vector<256x13xf32>
    %get3A_216 = arith.constant 4 : index
    %get3A_217 = arith.constant 0 : index
    %get3A_218 = arith.constant 0 : index
    %get3A_219 = vector.load %arg8[%get3A_216, %get3A_217, %get3A_218] : memref<12x1x13xf32, #tpu.memory_space<vmem>>, vector<1x1x13xf32>
    %get3A_220 = vector.shape_cast %get3A_219 : vector<1x1x13xf32> to vector<1x13xf32>
    %add3A_221 = vector.broadcast %get3A_220 : vector<1x13xf32> to vector<256x13xf32>
    %add3A_222 = arith.addf %dot_general3A_215, %add3A_221 : vector<256x13xf32>
    %swap3A_223 = arith.constant 0 : index
    %swap3A_224 = arith.constant 180 : index
    %swap3A_225 = vector.load %arg10[%swap3A_223, %swap3A_224] : memref<1024x384xf32, #tpu.memory_space<vmem>>, vector<256x13xf32>
    tpu.vector_store %arg10[%swap3A_223, %swap3A_224], %add3A_222 {strides = array<i32>} : memref<1024x384xf32, #tpu.memory_space<vmem>>, vector<256x13xf32>,
    %get3A_226 = arith.constant 0 : index
    %get3A_227 = arith.constant 1280 : index
    %get3A_228 = vector.load %arg5[%get3A_226, %get3A_227] : memref<128x3072xf32, #tpu.memory_space<vmem>>, vector<128x256xf32>
    %dot_general3A_229 = arith.constant dense<0.000000e+00> : vector<256x256xf32>
    %dot_general3A_230 = tpu.matmul %add3A_5, %get3A_228, %dot_general3A_229 {dimension_numbers = #tpu.dot_dimension_numbers<[1], [0], [0], [1], [0, 0, 1, 1], [], []>, transpose_lhs_hint = false} : vector<256x128xf32>, vector<128x256xf32>, vector<256x256xf32> -> vector<256x256xf32>
    %get3A_231 = arith.constant 0 : index
    %get3A_232 = arith.constant 1280 : index
    %get3A_233 = vector.load %arg6[%get3A_231, %get3A_232] : memref<1x3072xf32, #tpu.memory_space<vmem>>, vector<1x256xf32>
    %add3A_234 = vector.broadcast %get3A_233 : vector<1x256xf32> to vector<256x256xf32>
    %add3A_235 = arith.addf %dot_general3A_230, %add3A_234 : vector<256x256xf32>
    %mul3A_236 = arith.constant 5.000000e-01 : f32
    %mul3A_237 = vector.broadcast %mul3A_236 : f32 to vector<256x256xf32>
    %mul3A_238 = arith.mulf %mul3A_237, %add3A_235 : vector<256x256xf32>
    %mul3A_239 = arith.constant 0.707106769 : f32
    %mul3A_240 = vector.broadcast %mul3A_239 : f32 to vector<256x256xf32>
    %mul3A_241 = arith.mulf %add3A_235, %mul3A_240 : vector<256x256xf32>
    %erf3A_242 = math.erf %mul3A_241 : vector<256x256xf32>
    %add3A_243 = arith.constant 1.000000e+00 : f32
    %add3A_244 = vector.broadcast %add3A_243 : f32 to vector<256x256xf32>
    %add3A_245 = arith.addf %add3A_244, %erf3A_242 : vector<256x256xf32>
    %mul3A_246 = arith.mulf %mul3A_238, %add3A_245 : vector<256x256xf32>
    %get3A_247 = arith.constant 5 : index
    %get3A_248 = arith.constant 0 : index
    %get3A_249 = arith.constant 0 : index
    %get3A_250 = vector.load %arg7[%get3A_247, %get3A_248, %get3A_249] : memref<12x256x13xf32, #tpu.memory_space<vmem>>, vector<1x256x13xf32>
    %get3A_251 = vector.shape_cast %get3A_250 : vector<1x256x13xf32> to vector<256x13xf32>
    %dot_general3A_252 = arith.constant dense<0.000000e+00> : vector<256x13xf32>
    %dot_general3A_253 = tpu.matmul %mul3A_246, %get3A_251, %dot_general3A_252 {dimension_numbers = #tpu.dot_dimension_numbers<[1], [0], [0], [1], [0, 0, 1, 1], [], []>, transpose_lhs_hint = false} : vector<256x256xf32>, vector<256x13xf32>, vector<256x13xf32> -> vector<256x13xf32>
    %get3A_254 = arith.constant 5 : index
    %get3A_255 = arith.constant 0 : index
    %get3A_256 = arith.constant 0 : index
    %get3A_257 = vector.load %arg8[%get3A_254, %get3A_255, %get3A_256] : memref<12x1x13xf32, #tpu.memory_space<vmem>>, vector<1x1x13xf32>
    %get3A_258 = vector.shape_cast %get3A_257 : vector<1x1x13xf32> to vector<1x13xf32>
    %add3A_259 = vector.broadcast %get3A_258 : vector<1x13xf32> to vector<256x13xf32>
    %add3A_260 = arith.addf %dot_general3A_253, %add3A_259 : vector<256x13xf32>
    %swap3A_261 = arith.constant 0 : index
    %swap3A_262 = arith.constant 193 : index
    %swap3A_263 = vector.load %arg10[%swap3A_261, %swap3A_262] : memref<1024x384xf32, #tpu.memory_space<vmem>>, vector<256x13xf32>
    tpu.vector_store %arg10[%swap3A_261, %swap3A_262], %add3A_260 {strides = array<i32>} : memref<1024x384xf32, #tpu.memory_space<vmem>>, vector<256x13xf32>,
    %get3A_264 = arith.constant 0 : index
    %get3A_265 = arith.constant 1536 : index
    %get3A_266 = vector.load %arg5[%get3A_264, %get3A_265] : memref<128x3072xf32, #tpu.memory_space<vmem>>, vector<128x256xf32>
    %dot_general3A_267 = arith.constant dense<0.000000e+00> : vector<256x256xf32>
    %dot_general3A_268 = tpu.matmul %add3A_5, %get3A_266, %dot_general3A_267 {dimension_numbers = #tpu.dot_dimension_numbers<[1], [0], [0], [1], [0, 0, 1, 1], [], []>, transpose_lhs_hint = false} : vector<256x128xf32>, vector<128x256xf32>, vector<256x256xf32> -> vector<256x256xf32>
    %get3A_269 = arith.constant 0 : index
    %get3A_270 = arith.constant 1536 : index
    %get3A_271 = vector.load %arg6[%get3A_269, %get3A_270] : memref<1x3072xf32, #tpu.memory_space<vmem>>, vector<1x256xf32>
    %add3A_272 = vector.broadcast %get3A_271 : vector<1x256xf32> to vector<256x256xf32>
    %add3A_273 = arith.addf %dot_general3A_268, %add3A_272 : vector<256x256xf32>
    %mul3A_274 = arith.constant 5.000000e-01 : f32
    %mul3A_275 = vector.broadcast %mul3A_274 : f32 to vector<256x256xf32>
    %mul3A_276 = arith.mulf %mul3A_275, %add3A_273 : vector<256x256xf32>
    %mul3A_277 = arith.constant 0.707106769 : f32
    %mul3A_278 = vector.broadcast %mul3A_277 : f32 to vector<256x256xf32>
    %mul3A_279 = arith.mulf %add3A_273, %mul3A_278 : vector<256x256xf32>
    %erf3A_280 = math.erf %mul3A_279 : vector<256x256xf32>
    %add3A_281 = arith.constant 1.000000e+00 : f32
    %add3A_282 = vector.broadcast %add3A_281 : f32 to vector<256x256xf32>
    %add3A_283 = arith.addf %add3A_282, %erf3A_280 : vector<256x256xf32>
    %mul3A_284 = arith.mulf %mul3A_276, %add3A_283 : vector<256x256xf32>
    %get3A_285 = arith.constant 6 : index
    %get3A_286 = arith.constant 0 : index
    %get3A_287 = arith.constant 0 : index
    %get3A_288 = vector.load %arg7[%get3A_285, %get3A_286, %get3A_287] : memref<12x256x13xf32, #tpu.memory_space<vmem>>, vector<1x256x13xf32>
    %get3A_289 = vector.shape_cast %get3A_288 : vector<1x256x13xf32> to vector<256x13xf32>
    %dot_general3A_290 = arith.constant dense<0.000000e+00> : vector<256x13xf32>
    %dot_general3A_291 = tpu.matmul %mul3A_284, %get3A_289, %dot_general3A_290 {dimension_numbers = #tpu.dot_dimension_numbers<[1], [0], [0], [1], [0, 0, 1, 1], [], []>, transpose_lhs_hint = false} : vector<256x256xf32>, vector<256x13xf32>, vector<256x13xf32> -> vector<256x13xf32>
    %get3A_292 = arith.constant 6 : index
    %get3A_293 = arith.constant 0 : index
    %get3A_294 = arith.constant 0 : index
    %get3A_295 = vector.load %arg8[%get3A_292, %get3A_293, %get3A_294] : memref<12x1x13xf32, #tpu.memory_space<vmem>>, vector<1x1x13xf32>
    %get3A_296 = vector.shape_cast %get3A_295 : vector<1x1x13xf32> to vector<1x13xf32>
    %add3A_297 = vector.broadcast %get3A_296 : vector<1x13xf32> to vector<256x13xf32>
    %add3A_298 = arith.addf %dot_general3A_291, %add3A_297 : vector<256x13xf32>
    %swap3A_299 = arith.constant 0 : index
    %swap3A_300 = arith.constant 206 : index
    %swap3A_301 = vector.load %arg10[%swap3A_299, %swap3A_300] : memref<1024x384xf32, #tpu.memory_space<vmem>>, vector<256x13xf32>
    tpu.vector_store %arg10[%swap3A_299, %swap3A_300], %add3A_298 {strides = array<i32>} : memref<1024x384xf32, #tpu.memory_space<vmem>>, vector<256x13xf32>,
    %get3A_302 = arith.constant 0 : index
    %get3A_303 = arith.constant 1792 : index
    %get3A_304 = vector.load %arg5[%get3A_302, %get3A_303] : memref<128x3072xf32, #tpu.memory_space<vmem>>, vector<128x256xf32>
    %dot_general3A_305 = arith.constant dense<0.000000e+00> : vector<256x256xf32>
    %dot_general3A_306 = tpu.matmul %add3A_5, %get3A_304, %dot_general3A_305 {dimension_numbers = #tpu.dot_dimension_numbers<[1], [0], [0], [1], [0, 0, 1, 1], [], []>, transpose_lhs_hint = false} : vector<256x128xf32>, vector<128x256xf32>, vector<256x256xf32> -> vector<256x256xf32>
    %get3A_307 = arith.constant 0 : index
    %get3A_308 = arith.constant 1792 : index
    %get3A_309 = vector.load %arg6[%get3A_307, %get3A_308] : memref<1x3072xf32, #tpu.memory_space<vmem>>, vector<1x256xf32>
    %add3A_310 = vector.broadcast %get3A_309 : vector<1x256xf32> to vector<256x256xf32>
    %add3A_311 = arith.addf %dot_general3A_306, %add3A_310 : vector<256x256xf32>
    %mul3A_312 = arith.constant 5.000000e-01 : f32
    %mul3A_313 = vector.broadcast %mul3A_312 : f32 to vector<256x256xf32>
    %mul3A_314 = arith.mulf %mul3A_313, %add3A_311 : vector<256x256xf32>
    %mul3A_315 = arith.constant 0.707106769 : f32
    %mul3A_316 = vector.broadcast %mul3A_315 : f32 to vector<256x256xf32>
    %mul3A_317 = arith.mulf %add3A_311, %mul3A_316 : vector<256x256xf32>
    %erf3A_318 = math.erf %mul3A_317 : vector<256x256xf32>
    %add3A_319 = arith.constant 1.000000e+00 : f32
    %add3A_320 = vector.broadcast %add3A_319 : f32 to vector<256x256xf32>
    %add3A_321 = arith.addf %add3A_320, %erf3A_318 : vector<256x256xf32>
    %mul3A_322 = arith.mulf %mul3A_314, %add3A_321 : vector<256x256xf32>
    %get3A_323 = arith.constant 7 : index
    %get3A_324 = arith.constant 0 : index
    %get3A_325 = arith.constant 0 : index
    %get3A_326 = vector.load %arg7[%get3A_323, %get3A_324, %get3A_325] : memref<12x256x13xf32, #tpu.memory_space<vmem>>, vector<1x256x13xf32>
    %get3A_327 = vector.shape_cast %get3A_326 : vector<1x256x13xf32> to vector<256x13xf32>
    %dot_general3A_328 = arith.constant dense<0.000000e+00> : vector<256x13xf32>
    %dot_general3A_329 = tpu.matmul %mul3A_322, %get3A_327, %dot_general3A_328 {dimension_numbers = #tpu.dot_dimension_numbers<[1], [0], [0], [1], [0, 0, 1, 1], [], []>, transpose_lhs_hint = false} : vector<256x256xf32>, vector<256x13xf32>, vector<256x13xf32> -> vector<256x13xf32>
    %get3A_330 = arith.constant 7 : index
    %get3A_331 = arith.constant 0 : index
    %get3A_332 = arith.constant 0 : index
    %get3A_333 = vector.load %arg8[%get3A_330, %get3A_331, %get3A_332] : memref<12x1x13xf32, #tpu.memory_space<vmem>>, vector<1x1x13xf32>
    %get3A_334 = vector.shape_cast %get3A_333 : vector<1x1x13xf32> to vector<1x13xf32>
    %add3A_335 = vector.broadcast %get3A_334 : vector<1x13xf32> to vector<256x13xf32>
    %add3A_336 = arith.addf %dot_general3A_329, %add3A_335 : vector<256x13xf32>
    %swap3A_337 = arith.constant 0 : index
    %swap3A_338 = arith.constant 219 : index
    %swap3A_339 = vector.load %arg10[%swap3A_337, %swap3A_338] : memref<1024x384xf32, #tpu.memory_space<vmem>>, vector<256x13xf32>
    tpu.vector_store %arg10[%swap3A_337, %swap3A_338], %add3A_336 {strides = array<i32>} : memref<1024x384xf32, #tpu.memory_space<vmem>>, vector<256x13xf32>,
    %get3A_340 = arith.constant 0 : index
    %get3A_341 = arith.constant 2048 : index
    %get3A_342 = vector.load %arg5[%get3A_340, %get3A_341] : memref<128x3072xf32, #tpu.memory_space<vmem>>, vector<128x256xf32>
    %dot_general3A_343 = arith.constant dense<0.000000e+00> : vector<256x256xf32>
    %dot_general3A_344 = tpu.matmul %add3A_5, %get3A_342, %dot_general3A_343 {dimension_numbers = #tpu.dot_dimension_numbers<[1], [0], [0], [1], [0, 0, 1, 1], [], []>, transpose_lhs_hint = false} : vector<256x128xf32>, vector<128x256xf32>, vector<256x256xf32> -> vector<256x256xf32>
    %get3A_345 = arith.constant 0 : index
    %get3A_346 = arith.constant 2048 : index
    %get3A_347 = vector.load %arg6[%get3A_345, %get3A_346] : memref<1x3072xf32, #tpu.memory_space<vmem>>, vector<1x256xf32>
    %add3A_348 = vector.broadcast %get3A_347 : vector<1x256xf32> to vector<256x256xf32>
    %add3A_349 = arith.addf %dot_general3A_344, %add3A_348 : vector<256x256xf32>
    %mul3A_350 = arith.constant 5.000000e-01 : f32
    %mul3A_351 = vector.broadcast %mul3A_350 : f32 to vector<256x256xf32>
    %mul3A_352 = arith.mulf %mul3A_351, %add3A_349 : vector<256x256xf32>
    %mul3A_353 = arith.constant 0.707106769 : f32
    %mul3A_354 = vector.broadcast %mul3A_353 : f32 to vector<256x256xf32>
    %mul3A_355 = arith.mulf %add3A_349, %mul3A_354 : vector<256x256xf32>
    %erf3A_356 = math.erf %mul3A_355 : vector<256x256xf32>
    %add3A_357 = arith.constant 1.000000e+00 : f32
    %add3A_358 = vector.broadcast %add3A_357 : f32 to vector<256x256xf32>
    %add3A_359 = arith.addf %add3A_358, %erf3A_356 : vector<256x256xf32>
    %mul3A_360 = arith.mulf %mul3A_352, %add3A_359 : vector<256x256xf32>
    %get3A_361 = arith.constant 8 : index
    %get3A_362 = arith.constant 0 : index
    %get3A_363 = arith.constant 0 : index
    %get3A_364 = vector.load %arg7[%get3A_361, %get3A_362, %get3A_363] : memref<12x256x13xf32, #tpu.memory_space<vmem>>, vector<1x256x13xf32>
    %get3A_365 = vector.shape_cast %get3A_364 : vector<1x256x13xf32> to vector<256x13xf32>
    %dot_general3A_366 = arith.constant dense<0.000000e+00> : vector<256x13xf32>
    %dot_general3A_367 = tpu.matmul %mul3A_360, %get3A_365, %dot_general3A_366 {dimension_numbers = #tpu.dot_dimension_numbers<[1], [0], [0], [1], [0, 0, 1, 1], [], []>, transpose_lhs_hint = false} : vector<256x256xf32>, vector<256x13xf32>, vector<256x13xf32> -> vector<256x13xf32>
    %get3A_368 = arith.constant 8 : index
    %get3A_369 = arith.constant 0 : index
    %get3A_370 = arith.constant 0 : index
    %get3A_371 = vector.load %arg8[%get3A_368, %get3A_369, %get3A_370] : memref<12x1x13xf32, #tpu.memory_space<vmem>>, vector<1x1x13xf32>
    %get3A_372 = vector.shape_cast %get3A_371 : vector<1x1x13xf32> to vector<1x13xf32>
    %add3A_373 = vector.broadcast %get3A_372 : vector<1x13xf32> to vector<256x13xf32>
    %add3A_374 = arith.addf %dot_general3A_367, %add3A_373 : vector<256x13xf32>
    %swap3A_375 = arith.constant 0 : index
    %swap3A_376 = arith.constant 232 : index
    %swap3A_377 = vector.load %arg10[%swap3A_375, %swap3A_376] : memref<1024x384xf32, #tpu.memory_space<vmem>>, vector<256x13xf32>
    tpu.vector_store %arg10[%swap3A_375, %swap3A_376], %add3A_374 {strides = array<i32>} : memref<1024x384xf32, #tpu.memory_space<vmem>>, vector<256x13xf32>,
    %get3A_378 = arith.constant 0 : index
    %get3A_379 = arith.constant 2304 : index
    %get3A_380 = vector.load %arg5[%get3A_378, %get3A_379] : memref<128x3072xf32, #tpu.memory_space<vmem>>, vector<128x256xf32>
    %dot_general3A_381 = arith.constant dense<0.000000e+00> : vector<256x256xf32>
    %dot_general3A_382 = tpu.matmul %add3A_5, %get3A_380, %dot_general3A_381 {dimension_numbers = #tpu.dot_dimension_numbers<[1], [0], [0], [1], [0, 0, 1, 1], [], []>, transpose_lhs_hint = false} : vector<256x128xf32>, vector<128x256xf32>, vector<256x256xf32> -> vector<256x256xf32>
    %get3A_383 = arith.constant 0 : index
    %get3A_384 = arith.constant 2304 : index
    %get3A_385 = vector.load %arg6[%get3A_383, %get3A_384] : memref<1x3072xf32, #tpu.memory_space<vmem>>, vector<1x256xf32>
    %add3A_386 = vector.broadcast %get3A_385 : vector<1x256xf32> to vector<256x256xf32>
    %add3A_387 = arith.addf %dot_general3A_382, %add3A_386 : vector<256x256xf32>
    %mul3A_388 = arith.constant 5.000000e-01 : f32
    %mul3A_389 = vector.broadcast %mul3A_388 : f32 to vector<256x256xf32>
    %mul3A_390 = arith.mulf %mul3A_389, %add3A_387 : vector<256x256xf32>
    %mul3A_391 = arith.constant 0.707106769 : f32
    %mul3A_392 = vector.broadcast %mul3A_391 : f32 to vector<256x256xf32>
    %mul3A_393 = arith.mulf %add3A_387, %mul3A_392 : vector<256x256xf32>
    %erf3A_394 = math.erf %mul3A_393 : vector<256x256xf32>
    %add3A_395 = arith.constant 1.000000e+00 : f32
    %add3A_396 = vector.broadcast %add3A_395 : f32 to vector<256x256xf32>
    %add3A_397 = arith.addf %add3A_396, %erf3A_394 : vector<256x256xf32>
    %mul3A_398 = arith.mulf %mul3A_390, %add3A_397 : vector<256x256xf32>
    %get3A_399 = arith.constant 9 : index
    %get3A_400 = arith.constant 0 : index
    %get3A_401 = arith.constant 0 : index
    %get3A_402 = vector.load %arg7[%get3A_399, %get3A_400, %get3A_401] : memref<12x256x13xf32, #tpu.memory_space<vmem>>, vector<1x256x13xf32>
    %get3A_403 = vector.shape_cast %get3A_402 : vector<1x256x13xf32> to vector<256x13xf32>
    %dot_general3A_404 = arith.constant dense<0.000000e+00> : vector<256x13xf32>
    %dot_general3A_405 = tpu.matmul %mul3A_398, %get3A_403, %dot_general3A_404 {dimension_numbers = #tpu.dot_dimension_numbers<[1], [0], [0], [1], [0, 0, 1, 1], [], []>, transpose_lhs_hint = false} : vector<256x256xf32>, vector<256x13xf32>, vector<256x13xf32> -> vector<256x13xf32>
    %get3A_406 = arith.constant 9 : index
    %get3A_407 = arith.constant 0 : index
    %get3A_408 = arith.constant 0 : index
    %get3A_409 = vector.load %arg8[%get3A_406, %get3A_407, %get3A_408] : memref<12x1x13xf32, #tpu.memory_space<vmem>>, vector<1x1x13xf32>
    %get3A_410 = vector.shape_cast %get3A_409 : vector<1x1x13xf32> to vector<1x13xf32>
    %add3A_411 = vector.broadcast %get3A_410 : vector<1x13xf32> to vector<256x13xf32>
    %add3A_412 = arith.addf %dot_general3A_405, %add3A_411 : vector<256x13xf32>
    %swap3A_413 = arith.constant 0 : index
    %swap3A_414 = arith.constant 245 : index
    %swap3A_415 = vector.load %arg10[%swap3A_413, %swap3A_414] : memref<1024x384xf32, #tpu.memory_space<vmem>>, vector<256x13xf32>
    tpu.vector_store %arg10[%swap3A_413, %swap3A_414], %add3A_412 {strides = array<i32>} : memref<1024x384xf32, #tpu.memory_space<vmem>>, vector<256x13xf32>,
    %get3A_416 = arith.constant 0 : index
    %get3A_417 = arith.constant 2560 : index
    %get3A_418 = vector.load %arg5[%get3A_416, %get3A_417] : memref<128x3072xf32, #tpu.memory_space<vmem>>, vector<128x256xf32>
    %dot_general3A_419 = arith.constant dense<0.000000e+00> : vector<256x256xf32>
    %dot_general3A_420 = tpu.matmul %add3A_5, %get3A_418, %dot_general3A_419 {dimension_numbers = #tpu.dot_dimension_numbers<[1], [0], [0], [1], [0, 0, 1, 1], [], []>, transpose_lhs_hint = false} : vector<256x128xf32>, vector<128x256xf32>, vector<256x256xf32> -> vector<256x256xf32>
    %get3A_421 = arith.constant 0 : index
    %get3A_422 = arith.constant 2560 : index
    %get3A_423 = vector.load %arg6[%get3A_421, %get3A_422] : memref<1x3072xf32, #tpu.memory_space<vmem>>, vector<1x256xf32>
    %add3A_424 = vector.broadcast %get3A_423 : vector<1x256xf32> to vector<256x256xf32>
    %add3A_425 = arith.addf %dot_general3A_420, %add3A_424 : vector<256x256xf32>
    %mul3A_426 = arith.constant 5.000000e-01 : f32
    %mul3A_427 = vector.broadcast %mul3A_426 : f32 to vector<256x256xf32>
    %mul3A_428 = arith.mulf %mul3A_427, %add3A_425 : vector<256x256xf32>
    %mul3A_429 = arith.constant 0.707106769 : f32
    %mul3A_430 = vector.broadcast %mul3A_429 : f32 to vector<256x256xf32>
    %mul3A_431 = arith.mulf %add3A_425, %mul3A_430 : vector<256x256xf32>
    %erf3A_432 = math.erf %mul3A_431 : vector<256x256xf32>
    %add3A_433 = arith.constant 1.000000e+00 : f32
    %add3A_434 = vector.broadcast %add3A_433 : f32 to vector<256x256xf32>
    %add3A_435 = arith.addf %add3A_434, %erf3A_432 : vector<256x256xf32>
    %mul3A_436 = arith.mulf %mul3A_428, %add3A_435 : vector<256x256xf32>
    %get3A_437 = arith.constant 10 : index
    %get3A_438 = arith.constant 0 : index
    %get3A_439 = arith.constant 0 : index
    %get3A_440 = vector.load %arg7[%get3A_437, %get3A_438, %get3A_439] : memref<12x256x13xf32, #tpu.memory_space<vmem>>, vector<1x256x13xf32>
    %get3A_441 = vector.shape_cast %get3A_440 : vector<1x256x13xf32> to vector<256x13xf32>
    %dot_general3A_442 = arith.constant dense<0.000000e+00> : vector<256x13xf32>
    %dot_general3A_443 = tpu.matmul %mul3A_436, %get3A_441, %dot_general3A_442 {dimension_numbers = #tpu.dot_dimension_numbers<[1], [0], [0], [1], [0, 0, 1, 1], [], []>, transpose_lhs_hint = false} : vector<256x256xf32>, vector<256x13xf32>, vector<256x13xf32> -> vector<256x13xf32>
    %get3A_444 = arith.constant 10 : index
    %get3A_445 = arith.constant 0 : index
    %get3A_446 = arith.constant 0 : index
    %get3A_447 = vector.load %arg8[%get3A_444, %get3A_445, %get3A_446] : memref<12x1x13xf32, #tpu.memory_space<vmem>>, vector<1x1x13xf32>
    %get3A_448 = vector.shape_cast %get3A_447 : vector<1x1x13xf32> to vector<1x13xf32>
    %add3A_449 = vector.broadcast %get3A_448 : vector<1x13xf32> to vector<256x13xf32>
    %add3A_450 = arith.addf %dot_general3A_443, %add3A_449 : vector<256x13xf32>
    %swap3A_451 = arith.constant 0 : index
    %swap3A_452 = arith.constant 258 : index
    %swap3A_453 = vector.load %arg10[%swap3A_451, %swap3A_452] : memref<1024x384xf32, #tpu.memory_space<vmem>>, vector<256x13xf32>
    tpu.vector_store %arg10[%swap3A_451, %swap3A_452], %add3A_450 {strides = array<i32>} : memref<1024x384xf32, #tpu.memory_space<vmem>>, vector<256x13xf32>,
    %get3A_454 = arith.constant 0 : index
    %get3A_455 = arith.constant 2816 : index
    %get3A_456 = vector.load %arg5[%get3A_454, %get3A_455] : memref<128x3072xf32, #tpu.memory_space<vmem>>, vector<128x256xf32>
    %dot_general3A_457 = arith.constant dense<0.000000e+00> : vector<256x256xf32>
    %dot_general3A_458 = tpu.matmul %add3A_5, %get3A_456, %dot_general3A_457 {dimension_numbers = #tpu.dot_dimension_numbers<[1], [0], [0], [1], [0, 0, 1, 1], [], []>, transpose_lhs_hint = false} : vector<256x128xf32>, vector<128x256xf32>, vector<256x256xf32> -> vector<256x256xf32>
    %get3A_459 = arith.constant 0 : index
    %get3A_460 = arith.constant 2816 : index
    %get3A_461 = vector.load %arg6[%get3A_459, %get3A_460] : memref<1x3072xf32, #tpu.memory_space<vmem>>, vector<1x256xf32>
    %add3A_462 = vector.broadcast %get3A_461 : vector<1x256xf32> to vector<256x256xf32>
    %add3A_463 = arith.addf %dot_general3A_458, %add3A_462 : vector<256x256xf32>
    %mul3A_464 = arith.constant 5.000000e-01 : f32
    %mul3A_465 = vector.broadcast %mul3A_464 : f32 to vector<256x256xf32>
    %mul3A_466 = arith.mulf %mul3A_465, %add3A_463 : vector<256x256xf32>
    %mul3A_467 = arith.constant 0.707106769 : f32
    %mul3A_468 = vector.broadcast %mul3A_467 : f32 to vector<256x256xf32>
    %mul3A_469 = arith.mulf %add3A_463, %mul3A_468 : vector<256x256xf32>
    %erf3A_470 = math.erf %mul3A_469 : vector<256x256xf32>
    %add3A_471 = arith.constant 1.000000e+00 : f32
    %add3A_472 = vector.broadcast %add3A_471 : f32 to vector<256x256xf32>
    %add3A_473 = arith.addf %add3A_472, %erf3A_470 : vector<256x256xf32>
    %mul3A_474 = arith.mulf %mul3A_466, %add3A_473 : vector<256x256xf32>
    %get3A_475 = arith.constant 11 : index
    %get3A_476 = arith.constant 0 : index
    %get3A_477 = arith.constant 0 : index
    %get3A_478 = vector.load %arg7[%get3A_475, %get3A_476, %get3A_477] : memref<12x256x13xf32, #tpu.memory_space<vmem>>, vector<1x256x13xf32>
    %get3A_479 = vector.shape_cast %get3A_478 : vector<1x256x13xf32> to vector<256x13xf32>
    %dot_general3A_480 = arith.constant dense<0.000000e+00> : vector<256x13xf32>
    %dot_general3A_481 = tpu.matmul %mul3A_474, %get3A_479, %dot_general3A_480 {dimension_numbers = #tpu.dot_dimension_numbers<[1], [0], [0], [1], [0, 0, 1, 1], [], []>, transpose_lhs_hint = false} : vector<256x256xf32>, vector<256x13xf32>, vector<256x13xf32> -> vector<256x13xf32>
    %get3A_482 = arith.constant 11 : index
    %get3A_483 = arith.constant 0 : index
    %get3A_484 = arith.constant 0 : index
    %get3A_485 = vector.load %arg8[%get3A_482, %get3A_483, %get3A_484] : memref<12x1x13xf32, #tpu.memory_space<vmem>>, vector<1x1x13xf32>
    %get3A_486 = vector.shape_cast %get3A_485 : vector<1x1x13xf32> to vector<1x13xf32>
    %add3A_487 = vector.broadcast %get3A_486 : vector<1x13xf32> to vector<256x13xf32>
    %add3A_488 = arith.addf %dot_general3A_481, %add3A_487 : vector<256x13xf32>
    %swap3A_489 = arith.constant 0 : index
    %swap3A_490 = arith.constant 271 : index
    %swap3A_491 = vector.load %arg10[%swap3A_489, %swap3A_490] : memref<1024x384xf32, #tpu.memory_space<vmem>>, vector<256x13xf32>
    tpu.vector_store %arg10[%swap3A_489, %swap3A_490], %add3A_488 {strides = array<i32>} : memref<1024x384xf32, #tpu.memory_space<vmem>>, vector<256x13xf32>,
    %broadcast_in_dim3A = arith.constant 0.000000e+00 : f32
    %broadcast_in_dim3A_492 = vector.broadcast %broadcast_in_dim3A : f32 to vector<256x100xf32>
    %swap3A_493 = arith.constant 0 : index
    %swap3A_494 = arith.constant 284 : index
    %swap3A_495 = vector.load %arg10[%swap3A_493, %swap3A_494] : memref<1024x384xf32, #tpu.memory_space<vmem>>, vector<256x100xf32>
    tpu.vector_store %arg10[%swap3A_493, %swap3A_494], %broadcast_in_dim3A_492 {strides = array<i32>} : memref<1024x384xf32, #tpu.memory_space<vmem>>, vector<256x100xf32>,
    %get3A_496 = arith.constant 1 : index
    %get3A_497 = arith.constant 0 : index
    %get3A_498 = vector.load %arg9[%get3A_496, %get3A_497] : memref<4x128xf32, #tpu.memory_space<vmem>>, vector<1x128xf32>
    %add3A_499 = vector.broadcast %get3A_498 : vector<1x128xf32> to vector<256x128xf32>
    %add3A_500 = arith.addf %get3A_1, %add3A_499 : vector<256x128xf32>
    %get3A_501 = arith.constant 0 : index
    %get3A_502 = arith.constant 0 : index
    %get3A_503 = vector.load %arg1[%get3A_501, %get3A_502] : memref<128x256xf32, #tpu.memory_space<vmem>>, vector<128x256xf32>
    %dot_general3A_504 = arith.constant dense<0.000000e+00> : vector<256x256xf32>
    %dot_general3A_505 = tpu.matmul %add3A_500, %get3A_503, %dot_general3A_504 {dimension_numbers = #tpu.dot_dimension_numbers<[1], [0], [0], [1], [0, 0, 1, 1], [], []>, transpose_lhs_hint = false} : vector<256x128xf32>, vector<128x256xf32>, vector<256x256xf32> -> vector<256x256xf32>
    %get3A_506 = arith.constant 0 : index
    %get3A_507 = arith.constant 0 : index
    %get3A_508 = vector.load %arg2[%get3A_506, %get3A_507] : memref<1x256xf32, #tpu.memory_space<vmem>>, vector<1x256xf32>
    %add3A_509 = vector.broadcast %get3A_508 : vector<1x256xf32> to vector<256x256xf32>
    %add3A_510 = arith.addf %dot_general3A_505, %add3A_509 : vector<256x256xf32>
    %mul3A_511 = arith.constant 5.000000e-01 : f32
    %mul3A_512 = vector.broadcast %mul3A_511 : f32 to vector<256x256xf32>
    %mul3A_513 = arith.mulf %mul3A_512, %add3A_510 : vector<256x256xf32>
    %mul3A_514 = arith.constant 0.707106769 : f32
    %mul3A_515 = vector.broadcast %mul3A_514 : f32 to vector<256x256xf32>
    %mul3A_516 = arith.mulf %add3A_510, %mul3A_515 : vector<256x256xf32>
    %erf3A_517 = math.erf %mul3A_516 : vector<256x256xf32>
    %add3A_518 = arith.constant 1.000000e+00 : f32
    %add3A_519 = vector.broadcast %add3A_518 : f32 to vector<256x256xf32>
    %add3A_520 = arith.addf %add3A_519, %erf3A_517 : vector<256x256xf32>
    %mul3A_521 = arith.mulf %mul3A_513, %add3A_520 : vector<256x256xf32>
    %get3A_522 = arith.constant 0 : index
    %get3A_523 = arith.constant 0 : index
    %get3A_524 = vector.load %arg3[%get3A_522, %get3A_523] : memref<256x128xf32, #tpu.memory_space<vmem>>, vector<256x128xf32>
    %dot_general3A_525 = arith.constant dense<0.000000e+00> : vector<256x128xf32>
    %dot_general3A_526 = tpu.matmul %mul3A_521, %get3A_524, %dot_general3A_525 {dimension_numbers = #tpu.dot_dimension_numbers<[1], [0], [0], [1], [0, 0, 1, 1], [], []>, transpose_lhs_hint = false} : vector<256x256xf32>, vector<256x128xf32>, vector<256x128xf32> -> vector<256x128xf32>
    %get3A_527 = arith.constant 0 : index
    %get3A_528 = arith.constant 0 : index
    %get3A_529 = vector.load %arg4[%get3A_527, %get3A_528] : memref<1x128xf32, #tpu.memory_space<vmem>>, vector<1x128xf32>
    %add3A_530 = vector.broadcast %get3A_529 : vector<1x128xf32> to vector<256x128xf32>
    %add3A_531 = arith.addf %dot_general3A_526, %add3A_530 : vector<256x128xf32>
    %swap3A_532 = arith.constant 256 : index
    %swap3A_533 = arith.constant 0 : index
    %swap3A_534 = vector.load %arg10[%swap3A_532, %swap3A_533] : memref<1024x384xf32, #tpu.memory_space<vmem>>, vector<256x128xf32>
    tpu.vector_store %arg10[%swap3A_532, %swap3A_533], %add3A_531 {strides = array<i32>} : memref<1024x384xf32, #tpu.memory_space<vmem>>, vector<256x128xf32>,
    %get3A_535 = arith.constant 0 : index
    %get3A_536 = arith.constant 0 : index
    %get3A_537 = vector.load %arg5[%get3A_535, %get3A_536] : memref<128x3072xf32, #tpu.memory_space<vmem>>, vector<128x256xf32>
    %dot_general3A_538 = arith.constant dense<0.000000e+00> : vector<256x256xf32>
    %dot_general3A_539 = tpu.matmul %add3A_500, %get3A_537, %dot_general3A_538 {dimension_numbers = #tpu.dot_dimension_numbers<[1], [0], [0], [1], [0, 0, 1, 1], [], []>, transpose_lhs_hint = false} : vector<256x128xf32>, vector<128x256xf32>, vector<256x256xf32> -> vector<256x256xf32>
    %get3A_540 = arith.constant 0 : index
    %get3A_541 = arith.constant 0 : index
    %get3A_542 = vector.load %arg6[%get3A_540, %get3A_541] : memref<1x3072xf32, #tpu.memory_space<vmem>>, vector<1x256xf32>
    %add3A_543 = vector.broadcast %get3A_542 : vector<1x256xf32> to vector<256x256xf32>
    %add3A_544 = arith.addf %dot_general3A_539, %add3A_543 : vector<256x256xf32>
    %mul3A_545 = arith.constant 5.000000e-01 : f32
    %mul3A_546 = vector.broadcast %mul3A_545 : f32 to vector<256x256xf32>
    %mul3A_547 = arith.mulf %mul3A_546, %add3A_544 : vector<256x256xf32>
    %mul3A_548 = arith.constant 0.707106769 : f32
    %mul3A_549 = vector.broadcast %mul3A_548 : f32 to vector<256x256xf32>
    %mul3A_550 = arith.mulf %add3A_544, %mul3A_549 : vector<256x256xf32>
    %erf3A_551 = math.erf %mul3A_550 : vector<256x256xf32>
    %add3A_552 = arith.constant 1.000000e+00 : f32
    %add3A_553 = vector.broadcast %add3A_552 : f32 to vector<256x256xf32>
    %add3A_554 = arith.addf %add3A_553, %erf3A_551 : vector<256x256xf32>
    %mul3A_555 = arith.mulf %mul3A_547, %add3A_554 : vector<256x256xf32>
    %get3A_556 = arith.constant 0 : index
    %get3A_557 = arith.constant 0 : index
    %get3A_558 = arith.constant 0 : index
    %get3A_559 = vector.load %arg7[%get3A_556, %get3A_557, %get3A_558] : memref<12x256x13xf32, #tpu.memory_space<vmem>>, vector<1x256x13xf32>
    %get3A_560 = vector.shape_cast %get3A_559 : vector<1x256x13xf32> to vector<256x13xf32>
    %dot_general3A_561 = arith.constant dense<0.000000e+00> : vector<256x13xf32>
    %dot_general3A_562 = tpu.matmul %mul3A_555, %get3A_560, %dot_general3A_561 {dimension_numbers = #tpu.dot_dimension_numbers<[1], [0], [0], [1], [0, 0, 1, 1], [], []>, transpose_lhs_hint = false} : vector<256x256xf32>, vector<256x13xf32>, vector<256x13xf32> -> vector<256x13xf32>
    %get3A_563 = arith.constant 0 : index
    %get3A_564 = arith.constant 0 : index
    %get3A_565 = arith.constant 0 : index
    %get3A_566 = vector.load %arg8[%get3A_563, %get3A_564, %get3A_565] : memref<12x1x13xf32, #tpu.memory_space<vmem>>, vector<1x1x13xf32>
    %get3A_567 = vector.shape_cast %get3A_566 : vector<1x1x13xf32> to vector<1x13xf32>
    %add3A_568 = vector.broadcast %get3A_567 : vector<1x13xf32> to vector<256x13xf32>
    %add3A_569 = arith.addf %dot_general3A_562, %add3A_568 : vector<256x13xf32>
    %swap3A_570 = arith.constant 256 : index
    %swap3A_571 = arith.constant 128 : index
    %swap3A_572 = vector.load %arg10[%swap3A_570, %swap3A_571] : memref<1024x384xf32, #tpu.memory_space<vmem>>, vector<256x13xf32>
    tpu.vector_store %arg10[%swap3A_570, %swap3A_571], %add3A_569 {strides = array<i32>} : memref<1024x384xf32, #tpu.memory_space<vmem>>, vector<256x13xf32>,
    %get3A_573 = arith.constant 0 : index
    %get3A_574 = arith.constant 256 : index
    %get3A_575 = vector.load %arg5[%get3A_573, %get3A_574] : memref<128x3072xf32, #tpu.memory_space<vmem>>, vector<128x256xf32>
    %dot_general3A_576 = arith.constant dense<0.000000e+00> : vector<256x256xf32>
    %dot_general3A_577 = tpu.matmul %add3A_500, %get3A_575, %dot_general3A_576 {dimension_numbers = #tpu.dot_dimension_numbers<[1], [0], [0], [1], [0, 0, 1, 1], [], []>, transpose_lhs_hint = false} : vector<256x128xf32>, vector<128x256xf32>, vector<256x256xf32> -> vector<256x256xf32>
    %get3A_578 = arith.constant 0 : index
    %get3A_579 = arith.constant 256 : index
    %get3A_580 = vector.load %arg6[%get3A_578, %get3A_579] : memref<1x3072xf32, #tpu.memory_space<vmem>>, vector<1x256xf32>
    %add3A_581 = vector.broadcast %get3A_580 : vector<1x256xf32> to vector<256x256xf32>
    %add3A_582 = arith.addf %dot_general3A_577, %add3A_581 : vector<256x256xf32>
    %mul3A_583 = arith.constant 5.000000e-01 : f32
    %mul3A_584 = vector.broadcast %mul3A_583 : f32 to vector<256x256xf32>
    %mul3A_585 = arith.mulf %mul3A_584, %add3A_582 : vector<256x256xf32>
    %mul3A_586 = arith.constant 0.707106769 : f32
    %mul3A_587 = vector.broadcast %mul3A_586 : f32 to vector<256x256xf32>
    %mul3A_588 = arith.mulf %add3A_582, %mul3A_587 : vector<256x256xf32>
    %erf3A_589 = math.erf %mul3A_588 : vector<256x256xf32>
    %add3A_590 = arith.constant 1.000000e+00 : f32
    %add3A_591 = vector.broadcast %add3A_590 : f32 to vector<256x256xf32>
    %add3A_592 = arith.addf %add3A_591, %erf3A_589 : vector<256x256xf32>
    %mul3A_593 = arith.mulf %mul3A_585, %add3A_592 : vector<256x256xf32>
    %get3A_594 = arith.constant 1 : index
    %get3A_595 = arith.constant 0 : index
    %get3A_596 = arith.constant 0 : index
    %get3A_597 = vector.load %arg7[%get3A_594, %get3A_595, %get3A_596] : memref<12x256x13xf32, #tpu.memory_space<vmem>>, vector<1x256x13xf32>
    %get3A_598 = vector.shape_cast %get3A_597 : vector<1x256x13xf32> to vector<256x13xf32>
    %dot_general3A_599 = arith.constant dense<0.000000e+00> : vector<256x13xf32>
    %dot_general3A_600 = tpu.matmul %mul3A_593, %get3A_598, %dot_general3A_599 {dimension_numbers = #tpu.dot_dimension_numbers<[1], [0], [0], [1], [0, 0, 1, 1], [], []>, transpose_lhs_hint = false} : vector<256x256xf32>, vector<256x13xf32>, vector<256x13xf32> -> vector<256x13xf32>
    %get3A_601 = arith.constant 1 : index
    %get3A_602 = arith.constant 0 : index
    %get3A_603 = arith.constant 0 : index
    %get3A_604 = vector.load %arg8[%get3A_601, %get3A_602, %get3A_603] : memref<12x1x13xf32, #tpu.memory_space<vmem>>, vector<1x1x13xf32>
    %get3A_605 = vector.shape_cast %get3A_604 : vector<1x1x13xf32> to vector<1x13xf32>
    %add3A_606 = vector.broadcast %get3A_605 : vector<1x13xf32> to vector<256x13xf32>
    %add3A_607 = arith.addf %dot_general3A_600, %add3A_606 : vector<256x13xf32>
    %swap3A_608 = arith.constant 256 : index
    %swap3A_609 = arith.constant 141 : index
    %swap3A_610 = vector.load %arg10[%swap3A_608, %swap3A_609] : memref<1024x384xf32, #tpu.memory_space<vmem>>, vector<256x13xf32>
    tpu.vector_store %arg10[%swap3A_608, %swap3A_609], %add3A_607 {strides = array<i32>} : memref<1024x384xf32, #tpu.memory_space<vmem>>, vector<256x13xf32>,
    %get3A_611 = arith.constant 0 : index
    %get3A_612 = arith.constant 512 : index
    %get3A_613 = vector.load %arg5[%get3A_611, %get3A_612] : memref<128x3072xf32, #tpu.memory_space<vmem>>, vector<128x256xf32>
    %dot_general3A_614 = arith.constant dense<0.000000e+00> : vector<256x256xf32>
    %dot_general3A_615 = tpu.matmul %add3A_500, %get3A_613, %dot_general3A_614 {dimension_numbers = #tpu.dot_dimension_numbers<[1], [0], [0], [1], [0, 0, 1, 1], [], []>, transpose_lhs_hint = false} : vector<256x128xf32>, vector<128x256xf32>, vector<256x256xf32> -> vector<256x256xf32>
    %get3A_616 = arith.constant 0 : index
    %get3A_617 = arith.constant 512 : index
    %get3A_618 = vector.load %arg6[%get3A_616, %get3A_617] : memref<1x3072xf32, #tpu.memory_space<vmem>>, vector<1x256xf32>
    %add3A_619 = vector.broadcast %get3A_618 : vector<1x256xf32> to vector<256x256xf32>
    %add3A_620 = arith.addf %dot_general3A_615, %add3A_619 : vector<256x256xf32>
    %mul3A_621 = arith.constant 5.000000e-01 : f32
    %mul3A_622 = vector.broadcast %mul3A_621 : f32 to vector<256x256xf32>
    %mul3A_623 = arith.mulf %mul3A_622, %add3A_620 : vector<256x256xf32>
    %mul3A_624 = arith.constant 0.707106769 : f32
    %mul3A_625 = vector.broadcast %mul3A_624 : f32 to vector<256x256xf32>
    %mul3A_626 = arith.mulf %add3A_620, %mul3A_625 : vector<256x256xf32>
    %erf3A_627 = math.erf %mul3A_626 : vector<256x256xf32>
    %add3A_628 = arith.constant 1.000000e+00 : f32
    %add3A_629 = vector.broadcast %add3A_628 : f32 to vector<256x256xf32>
    %add3A_630 = arith.addf %add3A_629, %erf3A_627 : vector<256x256xf32>
    %mul3A_631 = arith.mulf %mul3A_623, %add3A_630 : vector<256x256xf32>
    %get3A_632 = arith.constant 2 : index
    %get3A_633 = arith.constant 0 : index
    %get3A_634 = arith.constant 0 : index
    %get3A_635 = vector.load %arg7[%get3A_632, %get3A_633, %get3A_634] : memref<12x256x13xf32, #tpu.memory_space<vmem>>, vector<1x256x13xf32>
    %get3A_636 = vector.shape_cast %get3A_635 : vector<1x256x13xf32> to vector<256x13xf32>
    %dot_general3A_637 = arith.constant dense<0.000000e+00> : vector<256x13xf32>
    %dot_general3A_638 = tpu.matmul %mul3A_631, %get3A_636, %dot_general3A_637 {dimension_numbers = #tpu.dot_dimension_numbers<[1], [0], [0], [1], [0, 0, 1, 1], [], []>, transpose_lhs_hint = false} : vector<256x256xf32>, vector<256x13xf32>, vector<256x13xf32> -> vector<256x13xf32>
    %get3A_639 = arith.constant 2 : index
    %get3A_640 = arith.constant 0 : index
    %get3A_641 = arith.constant 0 : index
    %get3A_642 = vector.load %arg8[%get3A_639, %get3A_640, %get3A_641] : memref<12x1x13xf32, #tpu.memory_space<vmem>>, vector<1x1x13xf32>
    %get3A_643 = vector.shape_cast %get3A_642 : vector<1x1x13xf32> to vector<1x13xf32>
    %add3A_644 = vector.broadcast %get3A_643 : vector<1x13xf32> to vector<256x13xf32>
    %add3A_645 = arith.addf %dot_general3A_638, %add3A_644 : vector<256x13xf32>
    %swap3A_646 = arith.constant 256 : index
    %swap3A_647 = arith.constant 154 : index
    %swap3A_648 = vector.load %arg10[%swap3A_646, %swap3A_647] : memref<1024x384xf32, #tpu.memory_space<vmem>>, vector<256x13xf32>
    tpu.vector_store %arg10[%swap3A_646, %swap3A_647], %add3A_645 {strides = array<i32>} : memref<1024x384xf32, #tpu.memory_space<vmem>>, vector<256x13xf32>,
    %get3A_649 = arith.constant 0 : index
    %get3A_650 = arith.constant 768 : index
    %get3A_651 = vector.load %arg5[%get3A_649, %get3A_650] : memref<128x3072xf32, #tpu.memory_space<vmem>>, vector<128x256xf32>
    %dot_general3A_652 = arith.constant dense<0.000000e+00> : vector<256x256xf32>
    %dot_general3A_653 = tpu.matmul %add3A_500, %get3A_651, %dot_general3A_652 {dimension_numbers = #tpu.dot_dimension_numbers<[1], [0], [0], [1], [0, 0, 1, 1], [], []>, transpose_lhs_hint = false} : vector<256x128xf32>, vector<128x256xf32>, vector<256x256xf32> -> vector<256x256xf32>
    %get3A_654 = arith.constant 0 : index
    %get3A_655 = arith.constant 768 : index
    %get3A_656 = vector.load %arg6[%get3A_654, %get3A_655] : memref<1x3072xf32, #tpu.memory_space<vmem>>, vector<1x256xf32>
    %add3A_657 = vector.broadcast %get3A_656 : vector<1x256xf32> to vector<256x256xf32>
    %add3A_658 = arith.addf %dot_general3A_653, %add3A_657 : vector<256x256xf32>
    %mul3A_659 = arith.constant 5.000000e-01 : f32
    %mul3A_660 = vector.broadcast %mul3A_659 : f32 to vector<256x256xf32>
    %mul3A_661 = arith.mulf %mul3A_660, %add3A_658 : vector<256x256xf32>
    %mul3A_662 = arith.constant 0.707106769 : f32
    %mul3A_663 = vector.broadcast %mul3A_662 : f32 to vector<256x256xf32>
    %mul3A_664 = arith.mulf %add3A_658, %mul3A_663 : vector<256x256xf32>
    %erf3A_665 = math.erf %mul3A_664 : vector<256x256xf32>
    %add3A_666 = arith.constant 1.000000e+00 : f32
    %add3A_667 = vector.broadcast %add3A_666 : f32 to vector<256x256xf32>
    %add3A_668 = arith.addf %add3A_667, %erf3A_665 : vector<256x256xf32>
    %mul3A_669 = arith.mulf %mul3A_661, %add3A_668 : vector<256x256xf32>
    %get3A_670 = arith.constant 3 : index
    %get3A_671 = arith.constant 0 : index
    %get3A_672 = arith.constant 0 : index
    %get3A_673 = vector.load %arg7[%get3A_670, %get3A_671, %get3A_672] : memref<12x256x13xf32, #tpu.memory_space<vmem>>, vector<1x256x13xf32>
    %get3A_674 = vector.shape_cast %get3A_673 : vector<1x256x13xf32> to vector<256x13xf32>
    %dot_general3A_675 = arith.constant dense<0.000000e+00> : vector<256x13xf32>
    %dot_general3A_676 = tpu.matmul %mul3A_669, %get3A_674, %dot_general3A_675 {dimension_numbers = #tpu.dot_dimension_numbers<[1], [0], [0], [1], [0, 0, 1, 1], [], []>, transpose_lhs_hint = false} : vector<256x256xf32>, vector<256x13xf32>, vector<256x13xf32> -> vector<256x13xf32>
    %get3A_677 = arith.constant 3 : index
    %get3A_678 = arith.constant 0 : index
    %get3A_679 = arith.constant 0 : index
    %get3A_680 = vector.load %arg8[%get3A_677, %get3A_678, %get3A_679] : memref<12x1x13xf32, #tpu.memory_space<vmem>>, vector<1x1x13xf32>
    %get3A_681 = vector.shape_cast %get3A_680 : vector<1x1x13xf32> to vector<1x13xf32>
    %add3A_682 = vector.broadcast %get3A_681 : vector<1x13xf32> to vector<256x13xf32>
    %add3A_683 = arith.addf %dot_general3A_676, %add3A_682 : vector<256x13xf32>
    %swap3A_684 = arith.constant 256 : index
    %swap3A_685 = arith.constant 167 : index
    %swap3A_686 = vector.load %arg10[%swap3A_684, %swap3A_685] : memref<1024x384xf32, #tpu.memory_space<vmem>>, vector<256x13xf32>
    tpu.vector_store %arg10[%swap3A_684, %swap3A_685], %add3A_683 {strides = array<i32>} : memref<1024x384xf32, #tpu.memory_space<vmem>>, vector<256x13xf32>,
    %get3A_687 = arith.constant 0 : index
    %get3A_688 = arith.constant 1024 : index
    %get3A_689 = vector.load %arg5[%get3A_687, %get3A_688] : memref<128x3072xf32, #tpu.memory_space<vmem>>, vector<128x256xf32>
    %dot_general3A_690 = arith.constant dense<0.000000e+00> : vector<256x256xf32>
    %dot_general3A_691 = tpu.matmul %add3A_500, %get3A_689, %dot_general3A_690 {dimension_numbers = #tpu.dot_dimension_numbers<[1], [0], [0], [1], [0, 0, 1, 1], [], []>, transpose_lhs_hint = false} : vector<256x128xf32>, vector<128x256xf32>, vector<256x256xf32> -> vector<256x256xf32>
    %get3A_692 = arith.constant 0 : index
    %get3A_693 = arith.constant 1024 : index
    %get3A_694 = vector.load %arg6[%get3A_692, %get3A_693] : memref<1x3072xf32, #tpu.memory_space<vmem>>, vector<1x256xf32>
    %add3A_695 = vector.broadcast %get3A_694 : vector<1x256xf32> to vector<256x256xf32>
    %add3A_696 = arith.addf %dot_general3A_691, %add3A_695 : vector<256x256xf32>
    %mul3A_697 = arith.constant 5.000000e-01 : f32
    %mul3A_698 = vector.broadcast %mul3A_697 : f32 to vector<256x256xf32>
    %mul3A_699 = arith.mulf %mul3A_698, %add3A_696 : vector<256x256xf32>
    %mul3A_700 = arith.constant 0.707106769 : f32
    %mul3A_701 = vector.broadcast %mul3A_700 : f32 to vector<256x256xf32>
    %mul3A_702 = arith.mulf %add3A_696, %mul3A_701 : vector<256x256xf32>
    %erf3A_703 = math.erf %mul3A_702 : vector<256x256xf32>
    %add3A_704 = arith.constant 1.000000e+00 : f32
    %add3A_705 = vector.broadcast %add3A_704 : f32 to vector<256x256xf32>
    %add3A_706 = arith.addf %add3A_705, %erf3A_703 : vector<256x256xf32>
    %mul3A_707 = arith.mulf %mul3A_699, %add3A_706 : vector<256x256xf32>
    %get3A_708 = arith.constant 4 : index
    %get3A_709 = arith.constant 0 : index
    %get3A_710 = arith.constant 0 : index
    %get3A_711 = vector.load %arg7[%get3A_708, %get3A_709, %get3A_710] : memref<12x256x13xf32, #tpu.memory_space<vmem>>, vector<1x256x13xf32>
    %get3A_712 = vector.shape_cast %get3A_711 : vector<1x256x13xf32> to vector<256x13xf32>
    %dot_general3A_713 = arith.constant dense<0.000000e+00> : vector<256x13xf32>
    %dot_general3A_714 = tpu.matmul %mul3A_707, %get3A_712, %dot_general3A_713 {dimension_numbers = #tpu.dot_dimension_numbers<[1], [0], [0], [1], [0, 0, 1, 1], [], []>, transpose_lhs_hint = false} : vector<256x256xf32>, vector<256x13xf32>, vector<256x13xf32> -> vector<256x13xf32>
    %get3A_715 = arith.constant 4 : index
    %get3A_716 = arith.constant 0 : index
    %get3A_717 = arith.constant 0 : index
    %get3A_718 = vector.load %arg8[%get3A_715, %get3A_716, %get3A_717] : memref<12x1x13xf32, #tpu.memory_space<vmem>>, vector<1x1x13xf32>
    %get3A_719 = vector.shape_cast %get3A_718 : vector<1x1x13xf32> to vector<1x13xf32>
    %add3A_720 = vector.broadcast %get3A_719 : vector<1x13xf32> to vector<256x13xf32>
    %add3A_721 = arith.addf %dot_general3A_714, %add3A_720 : vector<256x13xf32>
    %swap3A_722 = arith.constant 256 : index
    %swap3A_723 = arith.constant 180 : index
    %swap3A_724 = vector.load %arg10[%swap3A_722, %swap3A_723] : memref<1024x384xf32, #tpu.memory_space<vmem>>, vector<256x13xf32>
    tpu.vector_store %arg10[%swap3A_722, %swap3A_723], %add3A_721 {strides = array<i32>} : memref<1024x384xf32, #tpu.memory_space<vmem>>, vector<256x13xf32>,
    %get3A_725 = arith.constant 0 : index
    %get3A_726 = arith.constant 1280 : index
    %get3A_727 = vector.load %arg5[%get3A_725, %get3A_726] : memref<128x3072xf32, #tpu.memory_space<vmem>>, vector<128x256xf32>
    %dot_general3A_728 = arith.constant dense<0.000000e+00> : vector<256x256xf32>
    %dot_general3A_729 = tpu.matmul %add3A_500, %get3A_727, %dot_general3A_728 {dimension_numbers = #tpu.dot_dimension_numbers<[1], [0], [0], [1], [0, 0, 1, 1], [], []>, transpose_lhs_hint = false} : vector<256x128xf32>, vector<128x256xf32>, vector<256x256xf32> -> vector<256x256xf32>
    %get3A_730 = arith.constant 0 : index
    %get3A_731 = arith.constant 1280 : index
    %get3A_732 = vector.load %arg6[%get3A_730, %get3A_731] : memref<1x3072xf32, #tpu.memory_space<vmem>>, vector<1x256xf32>
    %add3A_733 = vector.broadcast %get3A_732 : vector<1x256xf32> to vector<256x256xf32>
    %add3A_734 = arith.addf %dot_general3A_729, %add3A_733 : vector<256x256xf32>
    %mul3A_735 = arith.constant 5.000000e-01 : f32
    %mul3A_736 = vector.broadcast %mul3A_735 : f32 to vector<256x256xf32>
    %mul3A_737 = arith.mulf %mul3A_736, %add3A_734 : vector<256x256xf32>
    %mul3A_738 = arith.constant 0.707106769 : f32
    %mul3A_739 = vector.broadcast %mul3A_738 : f32 to vector<256x256xf32>
    %mul3A_740 = arith.mulf %add3A_734, %mul3A_739 : vector<256x256xf32>
    %erf3A_741 = math.erf %mul3A_740 : vector<256x256xf32>
    %add3A_742 = arith.constant 1.000000e+00 : f32
    %add3A_743 = vector.broadcast %add3A_742 : f32 to vector<256x256xf32>
    %add3A_744 = arith.addf %add3A_743, %erf3A_741 : vector<256x256xf32>
    %mul3A_745 = arith.mulf %mul3A_737, %add3A_744 : vector<256x256xf32>
    %get3A_746 = arith.constant 5 : index
    %get3A_747 = arith.constant 0 : index
    %get3A_748 = arith.constant 0 : index
    %get3A_749 = vector.load %arg7[%get3A_746, %get3A_747, %get3A_748] : memref<12x256x13xf32, #tpu.memory_space<vmem>>, vector<1x256x13xf32>
    %get3A_750 = vector.shape_cast %get3A_749 : vector<1x256x13xf32> to vector<256x13xf32>
    %dot_general3A_751 = arith.constant dense<0.000000e+00> : vector<256x13xf32>
    %dot_general3A_752 = tpu.matmul %mul3A_745, %get3A_750, %dot_general3A_751 {dimension_numbers = #tpu.dot_dimension_numbers<[1], [0], [0], [1], [0, 0, 1, 1], [], []>, transpose_lhs_hint = false} : vector<256x256xf32>, vector<256x13xf32>, vector<256x13xf32> -> vector<256x13xf32>
    %get3A_753 = arith.constant 5 : index
    %get3A_754 = arith.constant 0 : index
    %get3A_755 = arith.constant 0 : index
    %get3A_756 = vector.load %arg8[%get3A_753, %get3A_754, %get3A_755] : memref<12x1x13xf32, #tpu.memory_space<vmem>>, vector<1x1x13xf32>
    %get3A_757 = vector.shape_cast %get3A_756 : vector<1x1x13xf32> to vector<1x13xf32>
    %add3A_758 = vector.broadcast %get3A_757 : vector<1x13xf32> to vector<256x13xf32>
    %add3A_759 = arith.addf %dot_general3A_752, %add3A_758 : vector<256x13xf32>
    %swap3A_760 = arith.constant 256 : index
    %swap3A_761 = arith.constant 193 : index
    %swap3A_762 = vector.load %arg10[%swap3A_760, %swap3A_761] : memref<1024x384xf32, #tpu.memory_space<vmem>>, vector<256x13xf32>
    tpu.vector_store %arg10[%swap3A_760, %swap3A_761], %add3A_759 {strides = array<i32>} : memref<1024x384xf32, #tpu.memory_space<vmem>>, vector<256x13xf32>,
    %get3A_763 = arith.constant 0 : index
    %get3A_764 = arith.constant 1536 : index
    %get3A_765 = vector.load %arg5[%get3A_763, %get3A_764] : memref<128x3072xf32, #tpu.memory_space<vmem>>, vector<128x256xf32>
    %dot_general3A_766 = arith.constant dense<0.000000e+00> : vector<256x256xf32>
    %dot_general3A_767 = tpu.matmul %add3A_500, %get3A_765, %dot_general3A_766 {dimension_numbers = #tpu.dot_dimension_numbers<[1], [0], [0], [1], [0, 0, 1, 1], [], []>, transpose_lhs_hint = false} : vector<256x128xf32>, vector<128x256xf32>, vector<256x256xf32> -> vector<256x256xf32>
    %get3A_768 = arith.constant 0 : index
    %get3A_769 = arith.constant 1536 : index
    %get3A_770 = vector.load %arg6[%get3A_768, %get3A_769] : memref<1x3072xf32, #tpu.memory_space<vmem>>, vector<1x256xf32>
    %add3A_771 = vector.broadcast %get3A_770 : vector<1x256xf32> to vector<256x256xf32>
    %add3A_772 = arith.addf %dot_general3A_767, %add3A_771 : vector<256x256xf32>
    %mul3A_773 = arith.constant 5.000000e-01 : f32
    %mul3A_774 = vector.broadcast %mul3A_773 : f32 to vector<256x256xf32>
    %mul3A_775 = arith.mulf %mul3A_774, %add3A_772 : vector<256x256xf32>
    %mul3A_776 = arith.constant 0.707106769 : f32
    %mul3A_777 = vector.broadcast %mul3A_776 : f32 to vector<256x256xf32>
    %mul3A_778 = arith.mulf %add3A_772, %mul3A_777 : vector<256x256xf32>
    %erf3A_779 = math.erf %mul3A_778 : vector<256x256xf32>
    %add3A_780 = arith.constant 1.000000e+00 : f32
    %add3A_781 = vector.broadcast %add3A_780 : f32 to vector<256x256xf32>
    %add3A_782 = arith.addf %add3A_781, %erf3A_779 : vector<256x256xf32>
    %mul3A_783 = arith.mulf %mul3A_775, %add3A_782 : vector<256x256xf32>
    %get3A_784 = arith.constant 6 : index
    %get3A_785 = arith.constant 0 : index
    %get3A_786 = arith.constant 0 : index
    %get3A_787 = vector.load %arg7[%get3A_784, %get3A_785, %get3A_786] : memref<12x256x13xf32, #tpu.memory_space<vmem>>, vector<1x256x13xf32>
    %get3A_788 = vector.shape_cast %get3A_787 : vector<1x256x13xf32> to vector<256x13xf32>
    %dot_general3A_789 = arith.constant dense<0.000000e+00> : vector<256x13xf32>
    %dot_general3A_790 = tpu.matmul %mul3A_783, %get3A_788, %dot_general3A_789 {dimension_numbers = #tpu.dot_dimension_numbers<[1], [0], [0], [1], [0, 0, 1, 1], [], []>, transpose_lhs_hint = false} : vector<256x256xf32>, vector<256x13xf32>, vector<256x13xf32> -> vector<256x13xf32>
    %get3A_791 = arith.constant 6 : index
    %get3A_792 = arith.constant 0 : index
    %get3A_793 = arith.constant 0 : index
    %get3A_794 = vector.load %arg8[%get3A_791, %get3A_792, %get3A_793] : memref<12x1x13xf32, #tpu.memory_space<vmem>>, vector<1x1x13xf32>
    %get3A_795 = vector.shape_cast %get3A_794 : vector<1x1x13xf32> to vector<1x13xf32>
    %add3A_796 = vector.broadcast %get3A_795 : vector<1x13xf32> to vector<256x13xf32>
    %add3A_797 = arith.addf %dot_general3A_790, %add3A_796 : vector<256x13xf32>
    %swap3A_798 = arith.constant 256 : index
    %swap3A_799 = arith.constant 206 : index
    %swap3A_800 = vector.load %arg10[%swap3A_798, %swap3A_799] : memref<1024x384xf32, #tpu.memory_space<vmem>>, vector<256x13xf32>
    tpu.vector_store %arg10[%swap3A_798, %swap3A_799], %add3A_797 {strides = array<i32>} : memref<1024x384xf32, #tpu.memory_space<vmem>>, vector<256x13xf32>,
    %get3A_801 = arith.constant 0 : index
    %get3A_802 = arith.constant 1792 : index
    %get3A_803 = vector.load %arg5[%get3A_801, %get3A_802] : memref<128x3072xf32, #tpu.memory_space<vmem>>, vector<128x256xf32>
    %dot_general3A_804 = arith.constant dense<0.000000e+00> : vector<256x256xf32>
    %dot_general3A_805 = tpu.matmul %add3A_500, %get3A_803, %dot_general3A_804 {dimension_numbers = #tpu.dot_dimension_numbers<[1], [0], [0], [1], [0, 0, 1, 1], [], []>, transpose_lhs_hint = false} : vector<256x128xf32>, vector<128x256xf32>, vector<256x256xf32> -> vector<256x256xf32>
    %get3A_806 = arith.constant 0 : index
    %get3A_807 = arith.constant 1792 : index
    %get3A_808 = vector.load %arg6[%get3A_806, %get3A_807] : memref<1x3072xf32, #tpu.memory_space<vmem>>, vector<1x256xf32>
    %add3A_809 = vector.broadcast %get3A_808 : vector<1x256xf32> to vector<256x256xf32>
    %add3A_810 = arith.addf %dot_general3A_805, %add3A_809 : vector<256x256xf32>
    %mul3A_811 = arith.constant 5.000000e-01 : f32
    %mul3A_812 = vector.broadcast %mul3A_811 : f32 to vector<256x256xf32>
    %mul3A_813 = arith.mulf %mul3A_812, %add3A_810 : vector<256x256xf32>
    %mul3A_814 = arith.constant 0.707106769 : f32
    %mul3A_815 = vector.broadcast %mul3A_814 : f32 to vector<256x256xf32>
    %mul3A_816 = arith.mulf %add3A_810, %mul3A_815 : vector<256x256xf32>
    %erf3A_817 = math.erf %mul3A_816 : vector<256x256xf32>
    %add3A_818 = arith.constant 1.000000e+00 : f32
    %add3A_819 = vector.broadcast %add3A_818 : f32 to vector<256x256xf32>
    %add3A_820 = arith.addf %add3A_819, %erf3A_817 : vector<256x256xf32>
    %mul3A_821 = arith.mulf %mul3A_813, %add3A_820 : vector<256x256xf32>
    %get3A_822 = arith.constant 7 : index
    %get3A_823 = arith.constant 0 : index
    %get3A_824 = arith.constant 0 : index
    %get3A_825 = vector.load %arg7[%get3A_822, %get3A_823, %get3A_824] : memref<12x256x13xf32, #tpu.memory_space<vmem>>, vector<1x256x13xf32>
    %get3A_826 = vector.shape_cast %get3A_825 : vector<1x256x13xf32> to vector<256x13xf32>
    %dot_general3A_827 = arith.constant dense<0.000000e+00> : vector<256x13xf32>
    %dot_general3A_828 = tpu.matmul %mul3A_821, %get3A_826, %dot_general3A_827 {dimension_numbers = #tpu.dot_dimension_numbers<[1], [0], [0], [1], [0, 0, 1, 1], [], []>, transpose_lhs_hint = false} : vector<256x256xf32>, vector<256x13xf32>, vector<256x13xf32> -> vector<256x13xf32>
    %get3A_829 = arith.constant 7 : index
    %get3A_830 = arith.constant 0 : index
    %get3A_831 = arith.constant 0 : index
    %get3A_832 = vector.load %arg8[%get3A_829, %get3A_830, %get3A_831] : memref<12x1x13xf32, #tpu.memory_space<vmem>>, vector<1x1x13xf32>
    %get3A_833 = vector.shape_cast %get3A_832 : vector<1x1x13xf32> to vector<1x13xf32>
    %add3A_834 = vector.broadcast %get3A_833 : vector<1x13xf32> to vector<256x13xf32>
    %add3A_835 = arith.addf %dot_general3A_828, %add3A_834 : vector<256x13xf32>
    %swap3A_836 = arith.constant 256 : index
    %swap3A_837 = arith.constant 219 : index
    %swap3A_838 = vector.load %arg10[%swap3A_836, %swap3A_837] : memref<1024x384xf32, #tpu.memory_space<vmem>>, vector<256x13xf32>
    tpu.vector_store %arg10[%swap3A_836, %swap3A_837], %add3A_835 {strides = array<i32>} : memref<1024x384xf32, #tpu.memory_space<vmem>>, vector<256x13xf32>,
    %get3A_839 = arith.constant 0 : index
    %get3A_840 = arith.constant 2048 : index
    %get3A_841 = vector.load %arg5[%get3A_839, %get3A_840] : memref<128x3072xf32, #tpu.memory_space<vmem>>, vector<128x256xf32>
    %dot_general3A_842 = arith.constant dense<0.000000e+00> : vector<256x256xf32>
    %dot_general3A_843 = tpu.matmul %add3A_500, %get3A_841, %dot_general3A_842 {dimension_numbers = #tpu.dot_dimension_numbers<[1], [0], [0], [1], [0, 0, 1, 1], [], []>, transpose_lhs_hint = false} : vector<256x128xf32>, vector<128x256xf32>, vector<256x256xf32> -> vector<256x256xf32>
    %get3A_844 = arith.constant 0 : index
    %get3A_845 = arith.constant 2048 : index
    %get3A_846 = vector.load %arg6[%get3A_844, %get3A_845] : memref<1x3072xf32, #tpu.memory_space<vmem>>, vector<1x256xf32>
    %add3A_847 = vector.broadcast %get3A_846 : vector<1x256xf32> to vector<256x256xf32>
    %add3A_848 = arith.addf %dot_general3A_843, %add3A_847 : vector<256x256xf32>
    %mul3A_849 = arith.constant 5.000000e-01 : f32
    %mul3A_850 = vector.broadcast %mul3A_849 : f32 to vector<256x256xf32>
    %mul3A_851 = arith.mulf %mul3A_850, %add3A_848 : vector<256x256xf32>
    %mul3A_852 = arith.constant 0.707106769 : f32
    %mul3A_853 = vector.broadcast %mul3A_852 : f32 to vector<256x256xf32>
    %mul3A_854 = arith.mulf %add3A_848, %mul3A_853 : vector<256x256xf32>
    %erf3A_855 = math.erf %mul3A_854 : vector<256x256xf32>
    %add3A_856 = arith.constant 1.000000e+00 : f32
    %add3A_857 = vector.broadcast %add3A_856 : f32 to vector<256x256xf32>
    %add3A_858 = arith.addf %add3A_857, %erf3A_855 : vector<256x256xf32>
    %mul3A_859 = arith.mulf %mul3A_851, %add3A_858 : vector<256x256xf32>
    %get3A_860 = arith.constant 8 : index
    %get3A_861 = arith.constant 0 : index
    %get3A_862 = arith.constant 0 : index
    %get3A_863 = vector.load %arg7[%get3A_860, %get3A_861, %get3A_862] : memref<12x256x13xf32, #tpu.memory_space<vmem>>, vector<1x256x13xf32>
    %get3A_864 = vector.shape_cast %get3A_863 : vector<1x256x13xf32> to vector<256x13xf32>
    %dot_general3A_865 = arith.constant dense<0.000000e+00> : vector<256x13xf32>
    %dot_general3A_866 = tpu.matmul %mul3A_859, %get3A_864, %dot_general3A_865 {dimension_numbers = #tpu.dot_dimension_numbers<[1], [0], [0], [1], [0, 0, 1, 1], [], []>, transpose_lhs_hint = false} : vector<256x256xf32>, vector<256x13xf32>, vector<256x13xf32> -> vector<256x13xf32>
    %get3A_867 = arith.constant 8 : index
    %get3A_868 = arith.constant 0 : index
    %get3A_869 = arith.constant 0 : index
    %get3A_870 = vector.load %arg8[%get3A_867, %get3A_868, %get3A_869] : memref<12x1x13xf32, #tpu.memory_space<vmem>>, vector<1x1x13xf32>
    %get3A_871 = vector.shape_cast %get3A_870 : vector<1x1x13xf32> to vector<1x13xf32>
    %add3A_872 = vector.broadcast %get3A_871 : vector<1x13xf32> to vector<256x13xf32>
    %add3A_873 = arith.addf %dot_general3A_866, %add3A_872 : vector<256x13xf32>
    %swap3A_874 = arith.constant 256 : index
    %swap3A_875 = arith.constant 232 : index
    %swap3A_876 = vector.load %arg10[%swap3A_874, %swap3A_875] : memref<1024x384xf32, #tpu.memory_space<vmem>>, vector<256x13xf32>
    tpu.vector_store %arg10[%swap3A_874, %swap3A_875], %add3A_873 {strides = array<i32>} : memref<1024x384xf32, #tpu.memory_space<vmem>>, vector<256x13xf32>,
    %get3A_877 = arith.constant 0 : index
    %get3A_878 = arith.constant 2304 : index
    %get3A_879 = vector.load %arg5[%get3A_877, %get3A_878] : memref<128x3072xf32, #tpu.memory_space<vmem>>, vector<128x256xf32>
    %dot_general3A_880 = arith.constant dense<0.000000e+00> : vector<256x256xf32>
    %dot_general3A_881 = tpu.matmul %add3A_500, %get3A_879, %dot_general3A_880 {dimension_numbers = #tpu.dot_dimension_numbers<[1], [0], [0], [1], [0, 0, 1, 1], [], []>, transpose_lhs_hint = false} : vector<256x128xf32>, vector<128x256xf32>, vector<256x256xf32> -> vector<256x256xf32>
    %get3A_882 = arith.constant 0 : index
    %get3A_883 = arith.constant 2304 : index
    %get3A_884 = vector.load %arg6[%get3A_882, %get3A_883] : memref<1x3072xf32, #tpu.memory_space<vmem>>, vector<1x256xf32>
    %add3A_885 = vector.broadcast %get3A_884 : vector<1x256xf32> to vector<256x256xf32>
    %add3A_886 = arith.addf %dot_general3A_881, %add3A_885 : vector<256x256xf32>
    %mul3A_887 = arith.constant 5.000000e-01 : f32
    %mul3A_888 = vector.broadcast %mul3A_887 : f32 to vector<256x256xf32>
    %mul3A_889 = arith.mulf %mul3A_888, %add3A_886 : vector<256x256xf32>
    %mul3A_890 = arith.constant 0.707106769 : f32
    %mul3A_891 = vector.broadcast %mul3A_890 : f32 to vector<256x256xf32>
    %mul3A_892 = arith.mulf %add3A_886, %mul3A_891 : vector<256x256xf32>
    %erf3A_893 = math.erf %mul3A_892 : vector<256x256xf32>
    %add3A_894 = arith.constant 1.000000e+00 : f32
    %add3A_895 = vector.broadcast %add3A_894 : f32 to vector<256x256xf32>
    %add3A_896 = arith.addf %add3A_895, %erf3A_893 : vector<256x256xf32>
    %mul3A_897 = arith.mulf %mul3A_889, %add3A_896 : vector<256x256xf32>
    %get3A_898 = arith.constant 9 : index
    %get3A_899 = arith.constant 0 : index
    %get3A_900 = arith.constant 0 : index
    %get3A_901 = vector.load %arg7[%get3A_898, %get3A_899, %get3A_900] : memref<12x256x13xf32, #tpu.memory_space<vmem>>, vector<1x256x13xf32>
    %get3A_902 = vector.shape_cast %get3A_901 : vector<1x256x13xf32> to vector<256x13xf32>
    %dot_general3A_903 = arith.constant dense<0.000000e+00> : vector<256x13xf32>
    %dot_general3A_904 = tpu.matmul %mul3A_897, %get3A_902, %dot_general3A_903 {dimension_numbers = #tpu.dot_dimension_numbers<[1], [0], [0], [1], [0, 0, 1, 1], [], []>, transpose_lhs_hint = false} : vector<256x256xf32>, vector<256x13xf32>, vector<256x13xf32> -> vector<256x13xf32>
    %get3A_905 = arith.constant 9 : index
    %get3A_906 = arith.constant 0 : index
    %get3A_907 = arith.constant 0 : index
    %get3A_908 = vector.load %arg8[%get3A_905, %get3A_906, %get3A_907] : memref<12x1x13xf32, #tpu.memory_space<vmem>>, vector<1x1x13xf32>
    %get3A_909 = vector.shape_cast %get3A_908 : vector<1x1x13xf32> to vector<1x13xf32>
    %add3A_910 = vector.broadcast %get3A_909 : vector<1x13xf32> to vector<256x13xf32>
    %add3A_911 = arith.addf %dot_general3A_904, %add3A_910 : vector<256x13xf32>
    %swap3A_912 = arith.constant 256 : index
    %swap3A_913 = arith.constant 245 : index
    %swap3A_914 = vector.load %arg10[%swap3A_912, %swap3A_913] : memref<1024x384xf32, #tpu.memory_space<vmem>>, vector<256x13xf32>
    tpu.vector_store %arg10[%swap3A_912, %swap3A_913], %add3A_911 {strides = array<i32>} : memref<1024x384xf32, #tpu.memory_space<vmem>>, vector<256x13xf32>,
    %get3A_915 = arith.constant 0 : index
    %get3A_916 = arith.constant 2560 : index
    %get3A_917 = vector.load %arg5[%get3A_915, %get3A_916] : memref<128x3072xf32, #tpu.memory_space<vmem>>, vector<128x256xf32>
    %dot_general3A_918 = arith.constant dense<0.000000e+00> : vector<256x256xf32>
    %dot_general3A_919 = tpu.matmul %add3A_500, %get3A_917, %dot_general3A_918 {dimension_numbers = #tpu.dot_dimension_numbers<[1], [0], [0], [1], [0, 0, 1, 1], [], []>, transpose_lhs_hint = false} : vector<256x128xf32>, vector<128x256xf32>, vector<256x256xf32> -> vector<256x256xf32>
    %get3A_920 = arith.constant 0 : index
    %get3A_921 = arith.constant 2560 : index
    %get3A_922 = vector.load %arg6[%get3A_920, %get3A_921] : memref<1x3072xf32, #tpu.memory_space<vmem>>, vector<1x256xf32>
    %add3A_923 = vector.broadcast %get3A_922 : vector<1x256xf32> to vector<256x256xf32>
    %add3A_924 = arith.addf %dot_general3A_919, %add3A_923 : vector<256x256xf32>
    %mul3A_925 = arith.constant 5.000000e-01 : f32
    %mul3A_926 = vector.broadcast %mul3A_925 : f32 to vector<256x256xf32>
    %mul3A_927 = arith.mulf %mul3A_926, %add3A_924 : vector<256x256xf32>
    %mul3A_928 = arith.constant 0.707106769 : f32
    %mul3A_929 = vector.broadcast %mul3A_928 : f32 to vector<256x256xf32>
    %mul3A_930 = arith.mulf %add3A_924, %mul3A_929 : vector<256x256xf32>
    %erf3A_931 = math.erf %mul3A_930 : vector<256x256xf32>
    %add3A_932 = arith.constant 1.000000e+00 : f32
    %add3A_933 = vector.broadcast %add3A_932 : f32 to vector<256x256xf32>
    %add3A_934 = arith.addf %add3A_933, %erf3A_931 : vector<256x256xf32>
    %mul3A_935 = arith.mulf %mul3A_927, %add3A_934 : vector<256x256xf32>
    %get3A_936 = arith.constant 10 : index
    %get3A_937 = arith.constant 0 : index
    %get3A_938 = arith.constant 0 : index
    %get3A_939 = vector.load %arg7[%get3A_936, %get3A_937, %get3A_938] : memref<12x256x13xf32, #tpu.memory_space<vmem>>, vector<1x256x13xf32>
    %get3A_940 = vector.shape_cast %get3A_939 : vector<1x256x13xf32> to vector<256x13xf32>
    %dot_general3A_941 = arith.constant dense<0.000000e+00> : vector<256x13xf32>
    %dot_general3A_942 = tpu.matmul %mul3A_935, %get3A_940, %dot_general3A_941 {dimension_numbers = #tpu.dot_dimension_numbers<[1], [0], [0], [1], [0, 0, 1, 1], [], []>, transpose_lhs_hint = false} : vector<256x256xf32>, vector<256x13xf32>, vector<256x13xf32> -> vector<256x13xf32>
    %get3A_943 = arith.constant 10 : index
    %get3A_944 = arith.constant 0 : index
    %get3A_945 = arith.constant 0 : index
    %get3A_946 = vector.load %arg8[%get3A_943, %get3A_944, %get3A_945] : memref<12x1x13xf32, #tpu.memory_space<vmem>>, vector<1x1x13xf32>
    %get3A_947 = vector.shape_cast %get3A_946 : vector<1x1x13xf32> to vector<1x13xf32>
    %add3A_948 = vector.broadcast %get3A_947 : vector<1x13xf32> to vector<256x13xf32>
    %add3A_949 = arith.addf %dot_general3A_942, %add3A_948 : vector<256x13xf32>
    %swap3A_950 = arith.constant 256 : index
    %swap3A_951 = arith.constant 258 : index
    %swap3A_952 = vector.load %arg10[%swap3A_950, %swap3A_951] : memref<1024x384xf32, #tpu.memory_space<vmem>>, vector<256x13xf32>
    tpu.vector_store %arg10[%swap3A_950, %swap3A_951], %add3A_949 {strides = array<i32>} : memref<1024x384xf32, #tpu.memory_space<vmem>>, vector<256x13xf32>,
    %get3A_953 = arith.constant 0 : index
    %get3A_954 = arith.constant 2816 : index
    %get3A_955 = vector.load %arg5[%get3A_953, %get3A_954] : memref<128x3072xf32, #tpu.memory_space<vmem>>, vector<128x256xf32>
    %dot_general3A_956 = arith.constant dense<0.000000e+00> : vector<256x256xf32>
    %dot_general3A_957 = tpu.matmul %add3A_500, %get3A_955, %dot_general3A_956 {dimension_numbers = #tpu.dot_dimension_numbers<[1], [0], [0], [1], [0, 0, 1, 1], [], []>, transpose_lhs_hint = false} : vector<256x128xf32>, vector<128x256xf32>, vector<256x256xf32> -> vector<256x256xf32>
    %get3A_958 = arith.constant 0 : index
    %get3A_959 = arith.constant 2816 : index
    %get3A_960 = vector.load %arg6[%get3A_958, %get3A_959] : memref<1x3072xf32, #tpu.memory_space<vmem>>, vector<1x256xf32>
    %add3A_961 = vector.broadcast %get3A_960 : vector<1x256xf32> to vector<256x256xf32>
    %add3A_962 = arith.addf %dot_general3A_957, %add3A_961 : vector<256x256xf32>
    %mul3A_963 = arith.constant 5.000000e-01 : f32
    %mul3A_964 = vector.broadcast %mul3A_963 : f32 to vector<256x256xf32>
    %mul3A_965 = arith.mulf %mul3A_964, %add3A_962 : vector<256x256xf32>
    %mul3A_966 = arith.constant 0.707106769 : f32
    %mul3A_967 = vector.broadcast %mul3A_966 : f32 to vector<256x256xf32>
    %mul3A_968 = arith.mulf %add3A_962, %mul3A_967 : vector<256x256xf32>
    %erf3A_969 = math.erf %mul3A_968 : vector<256x256xf32>
    %add3A_970 = arith.constant 1.000000e+00 : f32
    %add3A_971 = vector.broadcast %add3A_970 : f32 to vector<256x256xf32>
    %add3A_972 = arith.addf %add3A_971, %erf3A_969 : vector<256x256xf32>
    %mul3A_973 = arith.mulf %mul3A_965, %add3A_972 : vector<256x256xf32>
    %get3A_974 = arith.constant 11 : index
    %get3A_975 = arith.constant 0 : index
    %get3A_976 = arith.constant 0 : index
    %get3A_977 = vector.load %arg7[%get3A_974, %get3A_975, %get3A_976] : memref<12x256x13xf32, #tpu.memory_space<vmem>>, vector<1x256x13xf32>
    %get3A_978 = vector.shape_cast %get3A_977 : vector<1x256x13xf32> to vector<256x13xf32>
    %dot_general3A_979 = arith.constant dense<0.000000e+00> : vector<256x13xf32>
    %dot_general3A_980 = tpu.matmul %mul3A_973, %get3A_978, %dot_general3A_979 {dimension_numbers = #tpu.dot_dimension_numbers<[1], [0], [0], [1], [0, 0, 1, 1], [], []>, transpose_lhs_hint = false} : vector<256x256xf32>, vector<256x13xf32>, vector<256x13xf32> -> vector<256x13xf32>
    %get3A_981 = arith.constant 11 : index
    %get3A_982 = arith.constant 0 : index
    %get3A_983 = arith.constant 0 : index
    %get3A_984 = vector.load %arg8[%get3A_981, %get3A_982, %get3A_983] : memref<12x1x13xf32, #tpu.memory_space<vmem>>, vector<1x1x13xf32>
    %get3A_985 = vector.shape_cast %get3A_984 : vector<1x1x13xf32> to vector<1x13xf32>
    %add3A_986 = vector.broadcast %get3A_985 : vector<1x13xf32> to vector<256x13xf32>
    %add3A_987 = arith.addf %dot_general3A_980, %add3A_986 : vector<256x13xf32>
    %swap3A_988 = arith.constant 256 : index
    %swap3A_989 = arith.constant 271 : index
    %swap3A_990 = vector.load %arg10[%swap3A_988, %swap3A_989] : memref<1024x384xf32, #tpu.memory_space<vmem>>, vector<256x13xf32>
    tpu.vector_store %arg10[%swap3A_988, %swap3A_989], %add3A_987 {strides = array<i32>} : memref<1024x384xf32, #tpu.memory_space<vmem>>, vector<256x13xf32>,
    %broadcast_in_dim3A_991 = arith.constant 0.000000e+00 : f32
    %broadcast_in_dim3A_992 = vector.broadcast %broadcast_in_dim3A_991 : f32 to vector<256x100xf32>
    %swap3A_993 = arith.constant 256 : index
    %swap3A_994 = arith.constant 284 : index
    %swap3A_995 = vector.load %arg10[%swap3A_993, %swap3A_994] : memref<1024x384xf32, #tpu.memory_space<vmem>>, vector<256x100xf32>
    tpu.vector_store %arg10[%swap3A_993, %swap3A_994], %broadcast_in_dim3A_992 {strides = array<i32>} : memref<1024x384xf32, #tpu.memory_space<vmem>>, vector<256x100xf32>,
    %get3A_996 = arith.constant 2 : index
    %get3A_997 = arith.constant 0 : index
    %get3A_998 = vector.load %arg9[%get3A_996, %get3A_997] : memref<4x128xf32, #tpu.memory_space<vmem>>, vector<1x128xf32>
    %add3A_999 = vector.broadcast %get3A_998 : vector<1x128xf32> to vector<256x128xf32>
    %add3A_1000 = arith.addf %get3A_1, %add3A_999 : vector<256x128xf32>
    %get3A_1001 = arith.constant 0 : index
    %get3A_1002 = arith.constant 0 : index
    %get3A_1003 = vector.load %arg1[%get3A_1001, %get3A_1002] : memref<128x256xf32, #tpu.memory_space<vmem>>, vector<128x256xf32>
    %dot_general3A_1004 = arith.constant dense<0.000000e+00> : vector<256x256xf32>
    %dot_general3A_1005 = tpu.matmul %add3A_1000, %get3A_1003, %dot_general3A_1004 {dimension_numbers = #tpu.dot_dimension_numbers<[1], [0], [0], [1], [0, 0, 1, 1], [], []>, transpose_lhs_hint = false} : vector<256x128xf32>, vector<128x256xf32>, vector<256x256xf32> -> vector<256x256xf32>
    %get3A_1006 = arith.constant 0 : index
    %get3A_1007 = arith.constant 0 : index
    %get3A_1008 = vector.load %arg2[%get3A_1006, %get3A_1007] : memref<1x256xf32, #tpu.memory_space<vmem>>, vector<1x256xf32>
    %add3A_1009 = vector.broadcast %get3A_1008 : vector<1x256xf32> to vector<256x256xf32>
    %add3A_1010 = arith.addf %dot_general3A_1005, %add3A_1009 : vector<256x256xf32>
    %mul3A_1011 = arith.constant 5.000000e-01 : f32
    %mul3A_1012 = vector.broadcast %mul3A_1011 : f32 to vector<256x256xf32>
    %mul3A_1013 = arith.mulf %mul3A_1012, %add3A_1010 : vector<256x256xf32>
    %mul3A_1014 = arith.constant 0.707106769 : f32
    %mul3A_1015 = vector.broadcast %mul3A_1014 : f32 to vector<256x256xf32>
    %mul3A_1016 = arith.mulf %add3A_1010, %mul3A_1015 : vector<256x256xf32>
    %erf3A_1017 = math.erf %mul3A_1016 : vector<256x256xf32>
    %add3A_1018 = arith.constant 1.000000e+00 : f32
    %add3A_1019 = vector.broadcast %add3A_1018 : f32 to vector<256x256xf32>
    %add3A_1020 = arith.addf %add3A_1019, %erf3A_1017 : vector<256x256xf32>
    %mul3A_1021 = arith.mulf %mul3A_1013, %add3A_1020 : vector<256x256xf32>
    %get3A_1022 = arith.constant 0 : index
    %get3A_1023 = arith.constant 0 : index
    %get3A_1024 = vector.load %arg3[%get3A_1022, %get3A_1023] : memref<256x128xf32, #tpu.memory_space<vmem>>, vector<256x128xf32>
    %dot_general3A_1025 = arith.constant dense<0.000000e+00> : vector<256x128xf32>
    %dot_general3A_1026 = tpu.matmul %mul3A_1021, %get3A_1024, %dot_general3A_1025 {dimension_numbers = #tpu.dot_dimension_numbers<[1], [0], [0], [1], [0, 0, 1, 1], [], []>, transpose_lhs_hint = false} : vector<256x256xf32>, vector<256x128xf32>, vector<256x128xf32> -> vector<256x128xf32>
    %get3A_1027 = arith.constant 0 : index
    %get3A_1028 = arith.constant 0 : index
    %get3A_1029 = vector.load %arg4[%get3A_1027, %get3A_1028] : memref<1x128xf32, #tpu.memory_space<vmem>>, vector<1x128xf32>
    %add3A_1030 = vector.broadcast %get3A_1029 : vector<1x128xf32> to vector<256x128xf32>
    %add3A_1031 = arith.addf %dot_general3A_1026, %add3A_1030 : vector<256x128xf32>
    %swap3A_1032 = arith.constant 512 : index
    %swap3A_1033 = arith.constant 0 : index
    %swap3A_1034 = vector.load %arg10[%swap3A_1032, %swap3A_1033] : memref<1024x384xf32, #tpu.memory_space<vmem>>, vector<256x128xf32>
    tpu.vector_store %arg10[%swap3A_1032, %swap3A_1033], %add3A_1031 {strides = array<i32>} : memref<1024x384xf32, #tpu.memory_space<vmem>>, vector<256x128xf32>,
    %get3A_1035 = arith.constant 0 : index
    %get3A_1036 = arith.constant 0 : index
    %get3A_1037 = vector.load %arg5[%get3A_1035, %get3A_1036] : memref<128x3072xf32, #tpu.memory_space<vmem>>, vector<128x256xf32>
    %dot_general3A_1038 = arith.constant dense<0.000000e+00> : vector<256x256xf32>
    %dot_general3A_1039 = tpu.matmul %add3A_1000, %get3A_1037, %dot_general3A_1038 {dimension_numbers = #tpu.dot_dimension_numbers<[1], [0], [0], [1], [0, 0, 1, 1], [], []>, transpose_lhs_hint = false} : vector<256x128xf32>, vector<128x256xf32>, vector<256x256xf32> -> vector<256x256xf32>
    %get3A_1040 = arith.constant 0 : index
    %get3A_1041 = arith.constant 0 : index
    %get3A_1042 = vector.load %arg6[%get3A_1040, %get3A_1041] : memref<1x3072xf32, #tpu.memory_space<vmem>>, vector<1x256xf32>
    %add3A_1043 = vector.broadcast %get3A_1042 : vector<1x256xf32> to vector<256x256xf32>
    %add3A_1044 = arith.addf %dot_general3A_1039, %add3A_1043 : vector<256x256xf32>
    %mul3A_1045 = arith.constant 5.000000e-01 : f32
    %mul3A_1046 = vector.broadcast %mul3A_1045 : f32 to vector<256x256xf32>
    %mul3A_1047 = arith.mulf %mul3A_1046, %add3A_1044 : vector<256x256xf32>
    %mul3A_1048 = arith.constant 0.707106769 : f32
    %mul3A_1049 = vector.broadcast %mul3A_1048 : f32 to vector<256x256xf32>
    %mul3A_1050 = arith.mulf %add3A_1044, %mul3A_1049 : vector<256x256xf32>
    %erf3A_1051 = math.erf %mul3A_1050 : vector<256x256xf32>
    %add3A_1052 = arith.constant 1.000000e+00 : f32
    %add3A_1053 = vector.broadcast %add3A_1052 : f32 to vector<256x256xf32>
    %add3A_1054 = arith.addf %add3A_1053, %erf3A_1051 : vector<256x256xf32>
    %mul3A_1055 = arith.mulf %mul3A_1047, %add3A_1054 : vector<256x256xf32>
    %get3A_1056 = arith.constant 0 : index
    %get3A_1057 = arith.constant 0 : index
    %get3A_1058 = arith.constant 0 : index
    %get3A_1059 = vector.load %arg7[%get3A_1056, %get3A_1057, %get3A_1058] : memref<12x256x13xf32, #tpu.memory_space<vmem>>, vector<1x256x13xf32>
    %get3A_1060 = vector.shape_cast %get3A_1059 : vector<1x256x13xf32> to vector<256x13xf32>
    %dot_general3A_1061 = arith.constant dense<0.000000e+00> : vector<256x13xf32>
    %dot_general3A_1062 = tpu.matmul %mul3A_1055, %get3A_1060, %dot_general3A_1061 {dimension_numbers = #tpu.dot_dimension_numbers<[1], [0], [0], [1], [0, 0, 1, 1], [], []>, transpose_lhs_hint = false} : vector<256x256xf32>, vector<256x13xf32>, vector<256x13xf32> -> vector<256x13xf32>
    %get3A_1063 = arith.constant 0 : index
    %get3A_1064 = arith.constant 0 : index
    %get3A_1065 = arith.constant 0 : index
    %get3A_1066 = vector.load %arg8[%get3A_1063, %get3A_1064, %get3A_1065] : memref<12x1x13xf32, #tpu.memory_space<vmem>>, vector<1x1x13xf32>
    %get3A_1067 = vector.shape_cast %get3A_1066 : vector<1x1x13xf32> to vector<1x13xf32>
    %add3A_1068 = vector.broadcast %get3A_1067 : vector<1x13xf32> to vector<256x13xf32>
    %add3A_1069 = arith.addf %dot_general3A_1062, %add3A_1068 : vector<256x13xf32>
    %swap3A_1070 = arith.constant 512 : index
    %swap3A_1071 = arith.constant 128 : index
    %swap3A_1072 = vector.load %arg10[%swap3A_1070, %swap3A_1071] : memref<1024x384xf32, #tpu.memory_space<vmem>>, vector<256x13xf32>
    tpu.vector_store %arg10[%swap3A_1070, %swap3A_1071], %add3A_1069 {strides = array<i32>} : memref<1024x384xf32, #tpu.memory_space<vmem>>, vector<256x13xf32>,
    %get3A_1073 = arith.constant 0 : index
    %get3A_1074 = arith.constant 256 : index
    %get3A_1075 = vector.load %arg5[%get3A_1073, %get3A_1074] : memref<128x3072xf32, #tpu.memory_space<vmem>>, vector<128x256xf32>
    %dot_general3A_1076 = arith.constant dense<0.000000e+00> : vector<256x256xf32>
    %dot_general3A_1077 = tpu.matmul %add3A_1000, %get3A_1075, %dot_general3A_1076 {dimension_numbers = #tpu.dot_dimension_numbers<[1], [0], [0], [1], [0, 0, 1, 1], [], []>, transpose_lhs_hint = false} : vector<256x128xf32>, vector<128x256xf32>, vector<256x256xf32> -> vector<256x256xf32>
    %get3A_1078 = arith.constant 0 : index
    %get3A_1079 = arith.constant 256 : index
    %get3A_1080 = vector.load %arg6[%get3A_1078, %get3A_1079] : memref<1x3072xf32, #tpu.memory_space<vmem>>, vector<1x256xf32>
    %add3A_1081 = vector.broadcast %get3A_1080 : vector<1x256xf32> to vector<256x256xf32>
    %add3A_1082 = arith.addf %dot_general3A_1077, %add3A_1081 : vector<256x256xf32>
    %mul3A_1083 = arith.constant 5.000000e-01 : f32
    %mul3A_1084 = vector.broadcast %mul3A_1083 : f32 to vector<256x256xf32>
    %mul3A_1085 = arith.mulf %mul3A_1084, %add3A_1082 : vector<256x256xf32>
    %mul3A_1086 = arith.constant 0.707106769 : f32
    %mul3A_1087 = vector.broadcast %mul3A_1086 : f32 to vector<256x256xf32>
    %mul3A_1088 = arith.mulf %add3A_1082, %mul3A_1087 : vector<256x256xf32>
    %erf3A_1089 = math.erf %mul3A_1088 : vector<256x256xf32>
    %add3A_1090 = arith.constant 1.000000e+00 : f32
    %add3A_1091 = vector.broadcast %add3A_1090 : f32 to vector<256x256xf32>
    %add3A_1092 = arith.addf %add3A_1091, %erf3A_1089 : vector<256x256xf32>
    %mul3A_1093 = arith.mulf %mul3A_1085, %add3A_1092 : vector<256x256xf32>
    %get3A_1094 = arith.constant 1 : index
    %get3A_1095 = arith.constant 0 : index
    %get3A_1096 = arith.constant 0 : index
    %get3A_1097 = vector.load %arg7[%get3A_1094, %get3A_1095, %get3A_1096] : memref<12x256x13xf32, #tpu.memory_space<vmem>>, vector<1x256x13xf32>
    %get3A_1098 = vector.shape_cast %get3A_1097 : vector<1x256x13xf32> to vector<256x13xf32>
    %dot_general3A_1099 = arith.constant dense<0.000000e+00> : vector<256x13xf32>
    %dot_general3A_1100 = tpu.matmul %mul3A_1093, %get3A_1098, %dot_general3A_1099 {dimension_numbers = #tpu.dot_dimension_numbers<[1], [0], [0], [1], [0, 0, 1, 1], [], []>, transpose_lhs_hint = false} : vector<256x256xf32>, vector<256x13xf32>, vector<256x13xf32> -> vector<256x13xf32>
    %get3A_1101 = arith.constant 1 : index
    %get3A_1102 = arith.constant 0 : index
    %get3A_1103 = arith.constant 0 : index
    %get3A_1104 = vector.load %arg8[%get3A_1101, %get3A_1102, %get3A_1103] : memref<12x1x13xf32, #tpu.memory_space<vmem>>, vector<1x1x13xf32>
    %get3A_1105 = vector.shape_cast %get3A_1104 : vector<1x1x13xf32> to vector<1x13xf32>
    %add3A_1106 = vector.broadcast %get3A_1105 : vector<1x13xf32> to vector<256x13xf32>
    %add3A_1107 = arith.addf %dot_general3A_1100, %add3A_1106 : vector<256x13xf32>
    %swap3A_1108 = arith.constant 512 : index
    %swap3A_1109 = arith.constant 141 : index
    %swap3A_1110 = vector.load %arg10[%swap3A_1108, %swap3A_1109] : memref<1024x384xf32, #tpu.memory_space<vmem>>, vector<256x13xf32>
    tpu.vector_store %arg10[%swap3A_1108, %swap3A_1109], %add3A_1107 {strides = array<i32>} : memref<1024x384xf32, #tpu.memory_space<vmem>>, vector<256x13xf32>,
    %get3A_1111 = arith.constant 0 : index
    %get3A_1112 = arith.constant 512 : index
    %get3A_1113 = vector.load %arg5[%get3A_1111, %get3A_1112] : memref<128x3072xf32, #tpu.memory_space<vmem>>, vector<128x256xf32>
    %dot_general3A_1114 = arith.constant dense<0.000000e+00> : vector<256x256xf32>
    %dot_general3A_1115 = tpu.matmul %add3A_1000, %get3A_1113, %dot_general3A_1114 {dimension_numbers = #tpu.dot_dimension_numbers<[1], [0], [0], [1], [0, 0, 1, 1], [], []>, transpose_lhs_hint = false} : vector<256x128xf32>, vector<128x256xf32>, vector<256x256xf32> -> vector<256x256xf32>
    %get3A_1116 = arith.constant 0 : index
    %get3A_1117 = arith.constant 512 : index
    %get3A_1118 = vector.load %arg6[%get3A_1116, %get3A_1117] : memref<1x3072xf32, #tpu.memory_space<vmem>>, vector<1x256xf32>
    %add3A_1119 = vector.broadcast %get3A_1118 : vector<1x256xf32> to vector<256x256xf32>
    %add3A_1120 = arith.addf %dot_general3A_1115, %add3A_1119 : vector<256x256xf32>
    %mul3A_1121 = arith.constant 5.000000e-01 : f32
    %mul3A_1122 = vector.broadcast %mul3A_1121 : f32 to vector<256x256xf32>
    %mul3A_1123 = arith.mulf %mul3A_1122, %add3A_1120 : vector<256x256xf32>
    %mul3A_1124 = arith.constant 0.707106769 : f32
    %mul3A_1125 = vector.broadcast %mul3A_1124 : f32 to vector<256x256xf32>
    %mul3A_1126 = arith.mulf %add3A_1120, %mul3A_1125 : vector<256x256xf32>
    %erf3A_1127 = math.erf %mul3A_1126 : vector<256x256xf32>
    %add3A_1128 = arith.constant 1.000000e+00 : f32
    %add3A_1129 = vector.broadcast %add3A_1128 : f32 to vector<256x256xf32>
    %add3A_1130 = arith.addf %add3A_1129, %erf3A_1127 : vector<256x256xf32>
    %mul3A_1131 = arith.mulf %mul3A_1123, %add3A_1130 : vector<256x256xf32>
    %get3A_1132 = arith.constant 2 : index
    %get3A_1133 = arith.constant 0 : index
    %get3A_1134 = arith.constant 0 : index
    %get3A_1135 = vector.load %arg7[%get3A_1132, %get3A_1133, %get3A_1134] : memref<12x256x13xf32, #tpu.memory_space<vmem>>, vector<1x256x13xf32>
    %get3A_1136 = vector.shape_cast %get3A_1135 : vector<1x256x13xf32> to vector<256x13xf32>
    %dot_general3A_1137 = arith.constant dense<0.000000e+00> : vector<256x13xf32>
    %dot_general3A_1138 = tpu.matmul %mul3A_1131, %get3A_1136, %dot_general3A_1137 {dimension_numbers = #tpu.dot_dimension_numbers<[1], [0], [0], [1], [0, 0, 1, 1], [], []>, transpose_lhs_hint = false} : vector<256x256xf32>, vector<256x13xf32>, vector<256x13xf32> -> vector<256x13xf32>
    %get3A_1139 = arith.constant 2 : index
    %get3A_1140 = arith.constant 0 : index
    %get3A_1141 = arith.constant 0 : index
    %get3A_1142 = vector.load %arg8[%get3A_1139, %get3A_1140, %get3A_1141] : memref<12x1x13xf32, #tpu.memory_space<vmem>>, vector<1x1x13xf32>
    %get3A_1143 = vector.shape_cast %get3A_1142 : vector<1x1x13xf32> to vector<1x13xf32>
    %add3A_1144 = vector.broadcast %get3A_1143 : vector<1x13xf32> to vector<256x13xf32>
    %add3A_1145 = arith.addf %dot_general3A_1138, %add3A_1144 : vector<256x13xf32>
    %swap3A_1146 = arith.constant 512 : index
    %swap3A_1147 = arith.constant 154 : index
    %swap3A_1148 = vector.load %arg10[%swap3A_1146, %swap3A_1147] : memref<1024x384xf32, #tpu.memory_space<vmem>>, vector<256x13xf32>
    tpu.vector_store %arg10[%swap3A_1146, %swap3A_1147], %add3A_1145 {strides = array<i32>} : memref<1024x384xf32, #tpu.memory_space<vmem>>, vector<256x13xf32>,
    %get3A_1149 = arith.constant 0 : index
    %get3A_1150 = arith.constant 768 : index
    %get3A_1151 = vector.load %arg5[%get3A_1149, %get3A_1150] : memref<128x3072xf32, #tpu.memory_space<vmem>>, vector<128x256xf32>
    %dot_general3A_1152 = arith.constant dense<0.000000e+00> : vector<256x256xf32>
    %dot_general3A_1153 = tpu.matmul %add3A_1000, %get3A_1151, %dot_general3A_1152 {dimension_numbers = #tpu.dot_dimension_numbers<[1], [0], [0], [1], [0, 0, 1, 1], [], []>, transpose_lhs_hint = false} : vector<256x128xf32>, vector<128x256xf32>, vector<256x256xf32> -> vector<256x256xf32>
    %get3A_1154 = arith.constant 0 : index
    %get3A_1155 = arith.constant 768 : index
    %get3A_1156 = vector.load %arg6[%get3A_1154, %get3A_1155] : memref<1x3072xf32, #tpu.memory_space<vmem>>, vector<1x256xf32>
    %add3A_1157 = vector.broadcast %get3A_1156 : vector<1x256xf32> to vector<256x256xf32>
    %add3A_1158 = arith.addf %dot_general3A_1153, %add3A_1157 : vector<256x256xf32>
    %mul3A_1159 = arith.constant 5.000000e-01 : f32
    %mul3A_1160 = vector.broadcast %mul3A_1159 : f32 to vector<256x256xf32>
    %mul3A_1161 = arith.mulf %mul3A_1160, %add3A_1158 : vector<256x256xf32>
    %mul3A_1162 = arith.constant 0.707106769 : f32
    %mul3A_1163 = vector.broadcast %mul3A_1162 : f32 to vector<256x256xf32>
    %mul3A_1164 = arith.mulf %add3A_1158, %mul3A_1163 : vector<256x256xf32>
    %erf3A_1165 = math.erf %mul3A_1164 : vector<256x256xf32>
    %add3A_1166 = arith.constant 1.000000e+00 : f32
    %add3A_1167 = vector.broadcast %add3A_1166 : f32 to vector<256x256xf32>
    %add3A_1168 = arith.addf %add3A_1167, %erf3A_1165 : vector<256x256xf32>
    %mul3A_1169 = arith.mulf %mul3A_1161, %add3A_1168 : vector<256x256xf32>
    %get3A_1170 = arith.constant 3 : index
    %get3A_1171 = arith.constant 0 : index
    %get3A_1172 = arith.constant 0 : index
    %get3A_1173 = vector.load %arg7[%get3A_1170, %get3A_1171, %get3A_1172] : memref<12x256x13xf32, #tpu.memory_space<vmem>>, vector<1x256x13xf32>
    %get3A_1174 = vector.shape_cast %get3A_1173 : vector<1x256x13xf32> to vector<256x13xf32>
    %dot_general3A_1175 = arith.constant dense<0.000000e+00> : vector<256x13xf32>
    %dot_general3A_1176 = tpu.matmul %mul3A_1169, %get3A_1174, %dot_general3A_1175 {dimension_numbers = #tpu.dot_dimension_numbers<[1], [0], [0], [1], [0, 0, 1, 1], [], []>, transpose_lhs_hint = false} : vector<256x256xf32>, vector<256x13xf32>, vector<256x13xf32> -> vector<256x13xf32>
    %get3A_1177 = arith.constant 3 : index
    %get3A_1178 = arith.constant 0 : index
    %get3A_1179 = arith.constant 0 : index
    %get3A_1180 = vector.load %arg8[%get3A_1177, %get3A_1178, %get3A_1179] : memref<12x1x13xf32, #tpu.memory_space<vmem>>, vector<1x1x13xf32>
    %get3A_1181 = vector.shape_cast %get3A_1180 : vector<1x1x13xf32> to vector<1x13xf32>
    %add3A_1182 = vector.broadcast %get3A_1181 : vector<1x13xf32> to vector<256x13xf32>
    %add3A_1183 = arith.addf %dot_general3A_1176, %add3A_1182 : vector<256x13xf32>
    %swap3A_1184 = arith.constant 512 : index
    %swap3A_1185 = arith.constant 167 : index
    %swap3A_1186 = vector.load %arg10[%swap3A_1184, %swap3A_1185] : memref<1024x384xf32, #tpu.memory_space<vmem>>, vector<256x13xf32>
    tpu.vector_store %arg10[%swap3A_1184, %swap3A_1185], %add3A_1183 {strides = array<i32>} : memref<1024x384xf32, #tpu.memory_space<vmem>>, vector<256x13xf32>,
    %get3A_1187 = arith.constant 0 : index
    %get3A_1188 = arith.constant 1024 : index
    %get3A_1189 = vector.load %arg5[%get3A_1187, %get3A_1188] : memref<128x3072xf32, #tpu.memory_space<vmem>>, vector<128x256xf32>
    %dot_general3A_1190 = arith.constant dense<0.000000e+00> : vector<256x256xf32>
    %dot_general3A_1191 = tpu.matmul %add3A_1000, %get3A_1189, %dot_general3A_1190 {dimension_numbers = #tpu.dot_dimension_numbers<[1], [0], [0], [1], [0, 0, 1, 1], [], []>, transpose_lhs_hint = false} : vector<256x128xf32>, vector<128x256xf32>, vector<256x256xf32> -> vector<256x256xf32>
    %get3A_1192 = arith.constant 0 : index
    %get3A_1193 = arith.constant 1024 : index
    %get3A_1194 = vector.load %arg6[%get3A_1192, %get3A_1193] : memref<1x3072xf32, #tpu.memory_space<vmem>>, vector<1x256xf32>
    %add3A_1195 = vector.broadcast %get3A_1194 : vector<1x256xf32> to vector<256x256xf32>
    %add3A_1196 = arith.addf %dot_general3A_1191, %add3A_1195 : vector<256x256xf32>
    %mul3A_1197 = arith.constant 5.000000e-01 : f32
    %mul3A_1198 = vector.broadcast %mul3A_1197 : f32 to vector<256x256xf32>
    %mul3A_1199 = arith.mulf %mul3A_1198, %add3A_1196 : vector<256x256xf32>
    %mul3A_1200 = arith.constant 0.707106769 : f32
    %mul3A_1201 = vector.broadcast %mul3A_1200 : f32 to vector<256x256xf32>
    %mul3A_1202 = arith.mulf %add3A_1196, %mul3A_1201 : vector<256x256xf32>
    %erf3A_1203 = math.erf %mul3A_1202 : vector<256x256xf32>
    %add3A_1204 = arith.constant 1.000000e+00 : f32
    %add3A_1205 = vector.broadcast %add3A_1204 : f32 to vector<256x256xf32>
    %add3A_1206 = arith.addf %add3A_1205, %erf3A_1203 : vector<256x256xf32>
    %mul3A_1207 = arith.mulf %mul3A_1199, %add3A_1206 : vector<256x256xf32>
    %get3A_1208 = arith.constant 4 : index
    %get3A_1209 = arith.constant 0 : index
    %get3A_1210 = arith.constant 0 : index
    %get3A_1211 = vector.load %arg7[%get3A_1208, %get3A_1209, %get3A_1210] : memref<12x256x13xf32, #tpu.memory_space<vmem>>, vector<1x256x13xf32>
    %get3A_1212 = vector.shape_cast %get3A_1211 : vector<1x256x13xf32> to vector<256x13xf32>
    %dot_general3A_1213 = arith.constant dense<0.000000e+00> : vector<256x13xf32>
    %dot_general3A_1214 = tpu.matmul %mul3A_1207, %get3A_1212, %dot_general3A_1213 {dimension_numbers = #tpu.dot_dimension_numbers<[1], [0], [0], [1], [0, 0, 1, 1], [], []>, transpose_lhs_hint = false} : vector<256x256xf32>, vector<256x13xf32>, vector<256x13xf32> -> vector<256x13xf32>
    %get3A_1215 = arith.constant 4 : index
    %get3A_1216 = arith.constant 0 : index
    %get3A_1217 = arith.constant 0 : index
    %get3A_1218 = vector.load %arg8[%get3A_1215, %get3A_1216, %get3A_1217] : memref<12x1x13xf32, #tpu.memory_space<vmem>>, vector<1x1x13xf32>
    %get3A_1219 = vector.shape_cast %get3A_1218 : vector<1x1x13xf32> to vector<1x13xf32>
    %add3A_1220 = vector.broadcast %get3A_1219 : vector<1x13xf32> to vector<256x13xf32>
    %add3A_1221 = arith.addf %dot_general3A_1214, %add3A_1220 : vector<256x13xf32>
    %swap3A_1222 = arith.constant 512 : index
    %swap3A_1223 = arith.constant 180 : index
    %swap3A_1224 = vector.load %arg10[%swap3A_1222, %swap3A_1223] : memref<1024x384xf32, #tpu.memory_space<vmem>>, vector<256x13xf32>
    tpu.vector_store %arg10[%swap3A_1222, %swap3A_1223], %add3A_1221 {strides = array<i32>} : memref<1024x384xf32, #tpu.memory_space<vmem>>, vector<256x13xf32>,
    %get3A_1225 = arith.constant 0 : index
    %get3A_1226 = arith.constant 1280 : index
    %get3A_1227 = vector.load %arg5[%get3A_1225, %get3A_1226] : memref<128x3072xf32, #tpu.memory_space<vmem>>, vector<128x256xf32>
    %dot_general3A_1228 = arith.constant dense<0.000000e+00> : vector<256x256xf32>
    %dot_general3A_1229 = tpu.matmul %add3A_1000, %get3A_1227, %dot_general3A_1228 {dimension_numbers = #tpu.dot_dimension_numbers<[1], [0], [0], [1], [0, 0, 1, 1], [], []>, transpose_lhs_hint = false} : vector<256x128xf32>, vector<128x256xf32>, vector<256x256xf32> -> vector<256x256xf32>
    %get3A_1230 = arith.constant 0 : index
    %get3A_1231 = arith.constant 1280 : index
    %get3A_1232 = vector.load %arg6[%get3A_1230, %get3A_1231] : memref<1x3072xf32, #tpu.memory_space<vmem>>, vector<1x256xf32>
    %add3A_1233 = vector.broadcast %get3A_1232 : vector<1x256xf32> to vector<256x256xf32>
    %add3A_1234 = arith.addf %dot_general3A_1229, %add3A_1233 : vector<256x256xf32>
    %mul3A_1235 = arith.constant 5.000000e-01 : f32
    %mul3A_1236 = vector.broadcast %mul3A_1235 : f32 to vector<256x256xf32>
    %mul3A_1237 = arith.mulf %mul3A_1236, %add3A_1234 : vector<256x256xf32>
    %mul3A_1238 = arith.constant 0.707106769 : f32
    %mul3A_1239 = vector.broadcast %mul3A_1238 : f32 to vector<256x256xf32>
    %mul3A_1240 = arith.mulf %add3A_1234, %mul3A_1239 : vector<256x256xf32>
    %erf3A_1241 = math.erf %mul3A_1240 : vector<256x256xf32>
    %add3A_1242 = arith.constant 1.000000e+00 : f32
    %add3A_1243 = vector.broadcast %add3A_1242 : f32 to vector<256x256xf32>
    %add3A_1244 = arith.addf %add3A_1243, %erf3A_1241 : vector<256x256xf32>
    %mul3A_1245 = arith.mulf %mul3A_1237, %add3A_1244 : vector<256x256xf32>
    %get3A_1246 = arith.constant 5 : index
    %get3A_1247 = arith.constant 0 : index
    %get3A_1248 = arith.constant 0 : index
    %get3A_1249 = vector.load %arg7[%get3A_1246, %get3A_1247, %get3A_1248] : memref<12x256x13xf32, #tpu.memory_space<vmem>>, vector<1x256x13xf32>
    %get3A_1250 = vector.shape_cast %get3A_1249 : vector<1x256x13xf32> to vector<256x13xf32>
    %dot_general3A_1251 = arith.constant dense<0.000000e+00> : vector<256x13xf32>
    %dot_general3A_1252 = tpu.matmul %mul3A_1245, %get3A_1250, %dot_general3A_1251 {dimension_numbers = #tpu.dot_dimension_numbers<[1], [0], [0], [1], [0, 0, 1, 1], [], []>, transpose_lhs_hint = false} : vector<256x256xf32>, vector<256x13xf32>, vector<256x13xf32> -> vector<256x13xf32>
    %get3A_1253 = arith.constant 5 : index
    %get3A_1254 = arith.constant 0 : index
    %get3A_1255 = arith.constant 0 : index
    %get3A_1256 = vector.load %arg8[%get3A_1253, %get3A_1254, %get3A_1255] : memref<12x1x13xf32, #tpu.memory_space<vmem>>, vector<1x1x13xf32>
    %get3A_1257 = vector.shape_cast %get3A_1256 : vector<1x1x13xf32> to vector<1x13xf32>
    %add3A_1258 = vector.broadcast %get3A_1257 : vector<1x13xf32> to vector<256x13xf32>
    %add3A_1259 = arith.addf %dot_general3A_1252, %add3A_1258 : vector<256x13xf32>
    %swap3A_1260 = arith.constant 512 : index
    %swap3A_1261 = arith.constant 193 : index
    %swap3A_1262 = vector.load %arg10[%swap3A_1260, %swap3A_1261] : memref<1024x384xf32, #tpu.memory_space<vmem>>, vector<256x13xf32>
    tpu.vector_store %arg10[%swap3A_1260, %swap3A_1261], %add3A_1259 {strides = array<i32>} : memref<1024x384xf32, #tpu.memory_space<vmem>>, vector<256x13xf32>,
    %get3A_1263 = arith.constant 0 : index
    %get3A_1264 = arith.constant 1536 : index
    %get3A_1265 = vector.load %arg5[%get3A_1263, %get3A_1264] : memref<128x3072xf32, #tpu.memory_space<vmem>>, vector<128x256xf32>
    %dot_general3A_1266 = arith.constant dense<0.000000e+00> : vector<256x256xf32>
    %dot_general3A_1267 = tpu.matmul %add3A_1000, %get3A_1265, %dot_general3A_1266 {dimension_numbers = #tpu.dot_dimension_numbers<[1], [0], [0], [1], [0, 0, 1, 1], [], []>, transpose_lhs_hint = false} : vector<256x128xf32>, vector<128x256xf32>, vector<256x256xf32> -> vector<256x256xf32>
    %get3A_1268 = arith.constant 0 : index
    %get3A_1269 = arith.constant 1536 : index
    %get3A_1270 = vector.load %arg6[%get3A_1268, %get3A_1269] : memref<1x3072xf32, #tpu.memory_space<vmem>>, vector<1x256xf32>
    %add3A_1271 = vector.broadcast %get3A_1270 : vector<1x256xf32> to vector<256x256xf32>
    %add3A_1272 = arith.addf %dot_general3A_1267, %add3A_1271 : vector<256x256xf32>
    %mul3A_1273 = arith.constant 5.000000e-01 : f32
    %mul3A_1274 = vector.broadcast %mul3A_1273 : f32 to vector<256x256xf32>
    %mul3A_1275 = arith.mulf %mul3A_1274, %add3A_1272 : vector<256x256xf32>
    %mul3A_1276 = arith.constant 0.707106769 : f32
    %mul3A_1277 = vector.broadcast %mul3A_1276 : f32 to vector<256x256xf32>
    %mul3A_1278 = arith.mulf %add3A_1272, %mul3A_1277 : vector<256x256xf32>
    %erf3A_1279 = math.erf %mul3A_1278 : vector<256x256xf32>
    %add3A_1280 = arith.constant 1.000000e+00 : f32
    %add3A_1281 = vector.broadcast %add3A_1280 : f32 to vector<256x256xf32>
    %add3A_1282 = arith.addf %add3A_1281, %erf3A_1279 : vector<256x256xf32>
    %mul3A_1283 = arith.mulf %mul3A_1275, %add3A_1282 : vector<256x256xf32>
    %get3A_1284 = arith.constant 6 : index
    %get3A_1285 = arith.constant 0 : index
    %get3A_1286 = arith.constant 0 : index
    %get3A_1287 = vector.load %arg7[%get3A_1284, %get3A_1285, %get3A_1286] : memref<12x256x13xf32, #tpu.memory_space<vmem>>, vector<1x256x13xf32>
    %get3A_1288 = vector.shape_cast %get3A_1287 : vector<1x256x13xf32> to vector<256x13xf32>
    %dot_general3A_1289 = arith.constant dense<0.000000e+00> : vector<256x13xf32>
    %dot_general3A_1290 = tpu.matmul %mul3A_1283, %get3A_1288, %dot_general3A_1289 {dimension_numbers = #tpu.dot_dimension_numbers<[1], [0], [0], [1], [0, 0, 1, 1], [], []>, transpose_lhs_hint = false} : vector<256x256xf32>, vector<256x13xf32>, vector<256x13xf32> -> vector<256x13xf32>
    %get3A_1291 = arith.constant 6 : index
    %get3A_1292 = arith.constant 0 : index
    %get3A_1293 = arith.constant 0 : index
    %get3A_1294 = vector.load %arg8[%get3A_1291, %get3A_1292, %get3A_1293] : memref<12x1x13xf32, #tpu.memory_space<vmem>>, vector<1x1x13xf32>
    %get3A_1295 = vector.shape_cast %get3A_1294 : vector<1x1x13xf32> to vector<1x13xf32>
    %add3A_1296 = vector.broadcast %get3A_1295 : vector<1x13xf32> to vector<256x13xf32>
    %add3A_1297 = arith.addf %dot_general3A_1290, %add3A_1296 : vector<256x13xf32>
    %swap3A_1298 = arith.constant 512 : index
    %swap3A_1299 = arith.constant 206 : index
    %swap3A_1300 = vector.load %arg10[%swap3A_1298, %swap3A_1299] : memref<1024x384xf32, #tpu.memory_space<vmem>>, vector<256x13xf32>
    tpu.vector_store %arg10[%swap3A_1298, %swap3A_1299], %add3A_1297 {strides = array<i32>} : memref<1024x384xf32, #tpu.memory_space<vmem>>, vector<256x13xf32>,
    %get3A_1301 = arith.constant 0 : index
    %get3A_1302 = arith.constant 1792 : index
    %get3A_1303 = vector.load %arg5[%get3A_1301, %get3A_1302] : memref<128x3072xf32, #tpu.memory_space<vmem>>, vector<128x256xf32>
    %dot_general3A_1304 = arith.constant dense<0.000000e+00> : vector<256x256xf32>
    %dot_general3A_1305 = tpu.matmul %add3A_1000, %get3A_1303, %dot_general3A_1304 {dimension_numbers = #tpu.dot_dimension_numbers<[1], [0], [0], [1], [0, 0, 1, 1], [], []>, transpose_lhs_hint = false} : vector<256x128xf32>, vector<128x256xf32>, vector<256x256xf32> -> vector<256x256xf32>
    %get3A_1306 = arith.constant 0 : index
    %get3A_1307 = arith.constant 1792 : index
    %get3A_1308 = vector.load %arg6[%get3A_1306, %get3A_1307] : memref<1x3072xf32, #tpu.memory_space<vmem>>, vector<1x256xf32>
    %add3A_1309 = vector.broadcast %get3A_1308 : vector<1x256xf32> to vector<256x256xf32>
    %add3A_1310 = arith.addf %dot_general3A_1305, %add3A_1309 : vector<256x256xf32>
    %mul3A_1311 = arith.constant 5.000000e-01 : f32
    %mul3A_1312 = vector.broadcast %mul3A_1311 : f32 to vector<256x256xf32>
    %mul3A_1313 = arith.mulf %mul3A_1312, %add3A_1310 : vector<256x256xf32>
    %mul3A_1314 = arith.constant 0.707106769 : f32
    %mul3A_1315 = vector.broadcast %mul3A_1314 : f32 to vector<256x256xf32>
    %mul3A_1316 = arith.mulf %add3A_1310, %mul3A_1315 : vector<256x256xf32>
    %erf3A_1317 = math.erf %mul3A_1316 : vector<256x256xf32>
    %add3A_1318 = arith.constant 1.000000e+00 : f32
    %add3A_1319 = vector.broadcast %add3A_1318 : f32 to vector<256x256xf32>
    %add3A_1320 = arith.addf %add3A_1319, %erf3A_1317 : vector<256x256xf32>
    %mul3A_1321 = arith.mulf %mul3A_1313, %add3A_1320 : vector<256x256xf32>
    %get3A_1322 = arith.constant 7 : index
    %get3A_1323 = arith.constant 0 : index
    %get3A_1324 = arith.constant 0 : index
    %get3A_1325 = vector.load %arg7[%get3A_1322, %get3A_1323, %get3A_1324] : memref<12x256x13xf32, #tpu.memory_space<vmem>>, vector<1x256x13xf32>
    %get3A_1326 = vector.shape_cast %get3A_1325 : vector<1x256x13xf32> to vector<256x13xf32>
    %dot_general3A_1327 = arith.constant dense<0.000000e+00> : vector<256x13xf32>
    %dot_general3A_1328 = tpu.matmul %mul3A_1321, %get3A_1326, %dot_general3A_1327 {dimension_numbers = #tpu.dot_dimension_numbers<[1], [0], [0], [1], [0, 0, 1, 1], [], []>, transpose_lhs_hint = false} : vector<256x256xf32>, vector<256x13xf32>, vector<256x13xf32> -> vector<256x13xf32>
    %get3A_1329 = arith.constant 7 : index
    %get3A_1330 = arith.constant 0 : index
    %get3A_1331 = arith.constant 0 : index
    %get3A_1332 = vector.load %arg8[%get3A_1329, %get3A_1330, %get3A_1331] : memref<12x1x13xf32, #tpu.memory_space<vmem>>, vector<1x1x13xf32>
    %get3A_1333 = vector.shape_cast %get3A_1332 : vector<1x1x13xf32> to vector<1x13xf32>
    %add3A_1334 = vector.broadcast %get3A_1333 : vector<1x13xf32> to vector<256x13xf32>
    %add3A_1335 = arith.addf %dot_general3A_1328, %add3A_1334 : vector<256x13xf32>
    %swap3A_1336 = arith.constant 512 : index
    %swap3A_1337 = arith.constant 219 : index
    %swap3A_1338 = vector.load %arg10[%swap3A_1336, %swap3A_1337] : memref<1024x384xf32, #tpu.memory_space<vmem>>, vector<256x13xf32>
    tpu.vector_store %arg10[%swap3A_1336, %swap3A_1337], %add3A_1335 {strides = array<i32>} : memref<1024x384xf32, #tpu.memory_space<vmem>>, vector<256x13xf32>,
    %get3A_1339 = arith.constant 0 : index
    %get3A_1340 = arith.constant 2048 : index
    %get3A_1341 = vector.load %arg5[%get3A_1339, %get3A_1340] : memref<128x3072xf32, #tpu.memory_space<vmem>>, vector<128x256xf32>
    %dot_general3A_1342 = arith.constant dense<0.000000e+00> : vector<256x256xf32>
    %dot_general3A_1343 = tpu.matmul %add3A_1000, %get3A_1341, %dot_general3A_1342 {dimension_numbers = #tpu.dot_dimension_numbers<[1], [0], [0], [1], [0, 0, 1, 1], [], []>, transpose_lhs_hint = false} : vector<256x128xf32>, vector<128x256xf32>, vector<256x256xf32> -> vector<256x256xf32>
    %get3A_1344 = arith.constant 0 : index
    %get3A_1345 = arith.constant 2048 : index
    %get3A_1346 = vector.load %arg6[%get3A_1344, %get3A_1345] : memref<1x3072xf32, #tpu.memory_space<vmem>>, vector<1x256xf32>
    %add3A_1347 = vector.broadcast %get3A_1346 : vector<1x256xf32> to vector<256x256xf32>
    %add3A_1348 = arith.addf %dot_general3A_1343, %add3A_1347 : vector<256x256xf32>
    %mul3A_1349 = arith.constant 5.000000e-01 : f32
    %mul3A_1350 = vector.broadcast %mul3A_1349 : f32 to vector<256x256xf32>
    %mul3A_1351 = arith.mulf %mul3A_1350, %add3A_1348 : vector<256x256xf32>
    %mul3A_1352 = arith.constant 0.707106769 : f32
    %mul3A_1353 = vector.broadcast %mul3A_1352 : f32 to vector<256x256xf32>
    %mul3A_1354 = arith.mulf %add3A_1348, %mul3A_1353 : vector<256x256xf32>
    %erf3A_1355 = math.erf %mul3A_1354 : vector<256x256xf32>
    %add3A_1356 = arith.constant 1.000000e+00 : f32
    %add3A_1357 = vector.broadcast %add3A_1356 : f32 to vector<256x256xf32>
    %add3A_1358 = arith.addf %add3A_1357, %erf3A_1355 : vector<256x256xf32>
    %mul3A_1359 = arith.mulf %mul3A_1351, %add3A_1358 : vector<256x256xf32>
    %get3A_1360 = arith.constant 8 : index
    %get3A_1361 = arith.constant 0 : index
    %get3A_1362 = arith.constant 0 : index
    %get3A_1363 = vector.load %arg7[%get3A_1360, %get3A_1361, %get3A_1362] : memref<12x256x13xf32, #tpu.memory_space<vmem>>, vector<1x256x13xf32>
    %get3A_1364 = vector.shape_cast %get3A_1363 : vector<1x256x13xf32> to vector<256x13xf32>
    %dot_general3A_1365 = arith.constant dense<0.000000e+00> : vector<256x13xf32>
    %dot_general3A_1366 = tpu.matmul %mul3A_1359, %get3A_1364, %dot_general3A_1365 {dimension_numbers = #tpu.dot_dimension_numbers<[1], [0], [0], [1], [0, 0, 1, 1], [], []>, transpose_lhs_hint = false} : vector<256x256xf32>, vector<256x13xf32>, vector<256x13xf32> -> vector<256x13xf32>
    %get3A_1367 = arith.constant 8 : index
    %get3A_1368 = arith.constant 0 : index
    %get3A_1369 = arith.constant 0 : index
    %get3A_1370 = vector.load %arg8[%get3A_1367, %get3A_1368, %get3A_1369] : memref<12x1x13xf32, #tpu.memory_space<vmem>>, vector<1x1x13xf32>
    %get3A_1371 = vector.shape_cast %get3A_1370 : vector<1x1x13xf32> to vector<1x13xf32>
    %add3A_1372 = vector.broadcast %get3A_1371 : vector<1x13xf32> to vector<256x13xf32>
    %add3A_1373 = arith.addf %dot_general3A_1366, %add3A_1372 : vector<256x13xf32>
    %swap3A_1374 = arith.constant 512 : index
    %swap3A_1375 = arith.constant 232 : index
    %swap3A_1376 = vector.load %arg10[%swap3A_1374, %swap3A_1375] : memref<1024x384xf32, #tpu.memory_space<vmem>>, vector<256x13xf32>
    tpu.vector_store %arg10[%swap3A_1374, %swap3A_1375], %add3A_1373 {strides = array<i32>} : memref<1024x384xf32, #tpu.memory_space<vmem>>, vector<256x13xf32>,
    %get3A_1377 = arith.constant 0 : index
    %get3A_1378 = arith.constant 2304 : index
    %get3A_1379 = vector.load %arg5[%get3A_1377, %get3A_1378] : memref<128x3072xf32, #tpu.memory_space<vmem>>, vector<128x256xf32>
    %dot_general3A_1380 = arith.constant dense<0.000000e+00> : vector<256x256xf32>
    %dot_general3A_1381 = tpu.matmul %add3A_1000, %get3A_1379, %dot_general3A_1380 {dimension_numbers = #tpu.dot_dimension_numbers<[1], [0], [0], [1], [0, 0, 1, 1], [], []>, transpose_lhs_hint = false} : vector<256x128xf32>, vector<128x256xf32>, vector<256x256xf32> -> vector<256x256xf32>
    %get3A_1382 = arith.constant 0 : index
    %get3A_1383 = arith.constant 2304 : index
    %get3A_1384 = vector.load %arg6[%get3A_1382, %get3A_1383] : memref<1x3072xf32, #tpu.memory_space<vmem>>, vector<1x256xf32>
    %add3A_1385 = vector.broadcast %get3A_1384 : vector<1x256xf32> to vector<256x256xf32>
    %add3A_1386 = arith.addf %dot_general3A_1381, %add3A_1385 : vector<256x256xf32>
    %mul3A_1387 = arith.constant 5.000000e-01 : f32
    %mul3A_1388 = vector.broadcast %mul3A_1387 : f32 to vector<256x256xf32>
    %mul3A_1389 = arith.mulf %mul3A_1388, %add3A_1386 : vector<256x256xf32>
    %mul3A_1390 = arith.constant 0.707106769 : f32
    %mul3A_1391 = vector.broadcast %mul3A_1390 : f32 to vector<256x256xf32>
    %mul3A_1392 = arith.mulf %add3A_1386, %mul3A_1391 : vector<256x256xf32>
    %erf3A_1393 = math.erf %mul3A_1392 : vector<256x256xf32>
    %add3A_1394 = arith.constant 1.000000e+00 : f32
    %add3A_1395 = vector.broadcast %add3A_1394 : f32 to vector<256x256xf32>
    %add3A_1396 = arith.addf %add3A_1395, %erf3A_1393 : vector<256x256xf32>
    %mul3A_1397 = arith.mulf %mul3A_1389, %add3A_1396 : vector<256x256xf32>
    %get3A_1398 = arith.constant 9 : index
    %get3A_1399 = arith.constant 0 : index
    %get3A_1400 = arith.constant 0 : index
    %get3A_1401 = vector.load %arg7[%get3A_1398, %get3A_1399, %get3A_1400] : memref<12x256x13xf32, #tpu.memory_space<vmem>>, vector<1x256x13xf32>
    %get3A_1402 = vector.shape_cast %get3A_1401 : vector<1x256x13xf32> to vector<256x13xf32>
    %dot_general3A_1403 = arith.constant dense<0.000000e+00> : vector<256x13xf32>
    %dot_general3A_1404 = tpu.matmul %mul3A_1397, %get3A_1402, %dot_general3A_1403 {dimension_numbers = #tpu.dot_dimension_numbers<[1], [0], [0], [1], [0, 0, 1, 1], [], []>, transpose_lhs_hint = false} : vector<256x256xf32>, vector<256x13xf32>, vector<256x13xf32> -> vector<256x13xf32>
    %get3A_1405 = arith.constant 9 : index
    %get3A_1406 = arith.constant 0 : index
    %get3A_1407 = arith.constant 0 : index
    %get3A_1408 = vector.load %arg8[%get3A_1405, %get3A_1406, %get3A_1407] : memref<12x1x13xf32, #tpu.memory_space<vmem>>, vector<1x1x13xf32>
    %get3A_1409 = vector.shape_cast %get3A_1408 : vector<1x1x13xf32> to vector<1x13xf32>
    %add3A_1410 = vector.broadcast %get3A_1409 : vector<1x13xf32> to vector<256x13xf32>
    %add3A_1411 = arith.addf %dot_general3A_1404, %add3A_1410 : vector<256x13xf32>
    %swap3A_1412 = arith.constant 512 : index
    %swap3A_1413 = arith.constant 245 : index
    %swap3A_1414 = vector.load %arg10[%swap3A_1412, %swap3A_1413] : memref<1024x384xf32, #tpu.memory_space<vmem>>, vector<256x13xf32>
    tpu.vector_store %arg10[%swap3A_1412, %swap3A_1413], %add3A_1411 {strides = array<i32>} : memref<1024x384xf32, #tpu.memory_space<vmem>>, vector<256x13xf32>,
    %get3A_1415 = arith.constant 0 : index
    %get3A_1416 = arith.constant 2560 : index
    %get3A_1417 = vector.load %arg5[%get3A_1415, %get3A_1416] : memref<128x3072xf32, #tpu.memory_space<vmem>>, vector<128x256xf32>
    %dot_general3A_1418 = arith.constant dense<0.000000e+00> : vector<256x256xf32>
    %dot_general3A_1419 = tpu.matmul %add3A_1000, %get3A_1417, %dot_general3A_1418 {dimension_numbers = #tpu.dot_dimension_numbers<[1], [0], [0], [1], [0, 0, 1, 1], [], []>, transpose_lhs_hint = false} : vector<256x128xf32>, vector<128x256xf32>, vector<256x256xf32> -> vector<256x256xf32>
    %get3A_1420 = arith.constant 0 : index
    %get3A_1421 = arith.constant 2560 : index
    %get3A_1422 = vector.load %arg6[%get3A_1420, %get3A_1421] : memref<1x3072xf32, #tpu.memory_space<vmem>>, vector<1x256xf32>
    %add3A_1423 = vector.broadcast %get3A_1422 : vector<1x256xf32> to vector<256x256xf32>
    %add3A_1424 = arith.addf %dot_general3A_1419, %add3A_1423 : vector<256x256xf32>
    %mul3A_1425 = arith.constant 5.000000e-01 : f32
    %mul3A_1426 = vector.broadcast %mul3A_1425 : f32 to vector<256x256xf32>
    %mul3A_1427 = arith.mulf %mul3A_1426, %add3A_1424 : vector<256x256xf32>
    %mul3A_1428 = arith.constant 0.707106769 : f32
    %mul3A_1429 = vector.broadcast %mul3A_1428 : f32 to vector<256x256xf32>
    %mul3A_1430 = arith.mulf %add3A_1424, %mul3A_1429 : vector<256x256xf32>
    %erf3A_1431 = math.erf %mul3A_1430 : vector<256x256xf32>
    %add3A_1432 = arith.constant 1.000000e+00 : f32
    %add3A_1433 = vector.broadcast %add3A_1432 : f32 to vector<256x256xf32>
    %add3A_1434 = arith.addf %add3A_1433, %erf3A_1431 : vector<256x256xf32>
    %mul3A_1435 = arith.mulf %mul3A_1427, %add3A_1434 : vector<256x256xf32>
    %get3A_1436 = arith.constant 10 : index
    %get3A_1437 = arith.constant 0 : index
    %get3A_1438 = arith.constant 0 : index
    %get3A_1439 = vector.load %arg7[%get3A_1436, %get3A_1437, %get3A_1438] : memref<12x256x13xf32, #tpu.memory_space<vmem>>, vector<1x256x13xf32>
    %get3A_1440 = vector.shape_cast %get3A_1439 : vector<1x256x13xf32> to vector<256x13xf32>
    %dot_general3A_1441 = arith.constant dense<0.000000e+00> : vector<256x13xf32>
    %dot_general3A_1442 = tpu.matmul %mul3A_1435, %get3A_1440, %dot_general3A_1441 {dimension_numbers = #tpu.dot_dimension_numbers<[1], [0], [0], [1], [0, 0, 1, 1], [], []>, transpose_lhs_hint = false} : vector<256x256xf32>, vector<256x13xf32>, vector<256x13xf32> -> vector<256x13xf32>
    %get3A_1443 = arith.constant 10 : index
    %get3A_1444 = arith.constant 0 : index
    %get3A_1445 = arith.constant 0 : index
    %get3A_1446 = vector.load %arg8[%get3A_1443, %get3A_1444, %get3A_1445] : memref<12x1x13xf32, #tpu.memory_space<vmem>>, vector<1x1x13xf32>
    %get3A_1447 = vector.shape_cast %get3A_1446 : vector<1x1x13xf32> to vector<1x13xf32>
    %add3A_1448 = vector.broadcast %get3A_1447 : vector<1x13xf32> to vector<256x13xf32>
    %add3A_1449 = arith.addf %dot_general3A_1442, %add3A_1448 : vector<256x13xf32>
    %swap3A_1450 = arith.constant 512 : index
    %swap3A_1451 = arith.constant 258 : index
    %swap3A_1452 = vector.load %arg10[%swap3A_1450, %swap3A_1451] : memref<1024x384xf32, #tpu.memory_space<vmem>>, vector<256x13xf32>
    tpu.vector_store %arg10[%swap3A_1450, %swap3A_1451], %add3A_1449 {strides = array<i32>} : memref<1024x384xf32, #tpu.memory_space<vmem>>, vector<256x13xf32>,
    %get3A_1453 = arith.constant 0 : index
    %get3A_1454 = arith.constant 2816 : index
    %get3A_1455 = vector.load %arg5[%get3A_1453, %get3A_1454] : memref<128x3072xf32, #tpu.memory_space<vmem>>, vector<128x256xf32>
    %dot_general3A_1456 = arith.constant dense<0.000000e+00> : vector<256x256xf32>
    %dot_general3A_1457 = tpu.matmul %add3A_1000, %get3A_1455, %dot_general3A_1456 {dimension_numbers = #tpu.dot_dimension_numbers<[1], [0], [0], [1], [0, 0, 1, 1], [], []>, transpose_lhs_hint = false} : vector<256x128xf32>, vector<128x256xf32>, vector<256x256xf32> -> vector<256x256xf32>
    %get3A_1458 = arith.constant 0 : index
    %get3A_1459 = arith.constant 2816 : index
    %get3A_1460 = vector.load %arg6[%get3A_1458, %get3A_1459] : memref<1x3072xf32, #tpu.memory_space<vmem>>, vector<1x256xf32>
    %add3A_1461 = vector.broadcast %get3A_1460 : vector<1x256xf32> to vector<256x256xf32>
    %add3A_1462 = arith.addf %dot_general3A_1457, %add3A_1461 : vector<256x256xf32>
    %mul3A_1463 = arith.constant 5.000000e-01 : f32
    %mul3A_1464 = vector.broadcast %mul3A_1463 : f32 to vector<256x256xf32>
    %mul3A_1465 = arith.mulf %mul3A_1464, %add3A_1462 : vector<256x256xf32>
    %mul3A_1466 = arith.constant 0.707106769 : f32
    %mul3A_1467 = vector.broadcast %mul3A_1466 : f32 to vector<256x256xf32>
    %mul3A_1468 = arith.mulf %add3A_1462, %mul3A_1467 : vector<256x256xf32>
    %erf3A_1469 = math.erf %mul3A_1468 : vector<256x256xf32>
    %add3A_1470 = arith.constant 1.000000e+00 : f32
    %add3A_1471 = vector.broadcast %add3A_1470 : f32 to vector<256x256xf32>
    %add3A_1472 = arith.addf %add3A_1471, %erf3A_1469 : vector<256x256xf32>
    %mul3A_1473 = arith.mulf %mul3A_1465, %add3A_1472 : vector<256x256xf32>
    %get3A_1474 = arith.constant 11 : index
    %get3A_1475 = arith.constant 0 : index
    %get3A_1476 = arith.constant 0 : index
    %get3A_1477 = vector.load %arg7[%get3A_1474, %get3A_1475, %get3A_1476] : memref<12x256x13xf32, #tpu.memory_space<vmem>>, vector<1x256x13xf32>
    %get3A_1478 = vector.shape_cast %get3A_1477 : vector<1x256x13xf32> to vector<256x13xf32>
    %dot_general3A_1479 = arith.constant dense<0.000000e+00> : vector<256x13xf32>
    %dot_general3A_1480 = tpu.matmul %mul3A_1473, %get3A_1478, %dot_general3A_1479 {dimension_numbers = #tpu.dot_dimension_numbers<[1], [0], [0], [1], [0, 0, 1, 1], [], []>, transpose_lhs_hint = false} : vector<256x256xf32>, vector<256x13xf32>, vector<256x13xf32> -> vector<256x13xf32>
    %get3A_1481 = arith.constant 11 : index
    %get3A_1482 = arith.constant 0 : index
    %get3A_1483 = arith.constant 0 : index
    %get3A_1484 = vector.load %arg8[%get3A_1481, %get3A_1482, %get3A_1483] : memref<12x1x13xf32, #tpu.memory_space<vmem>>, vector<1x1x13xf32>
    %get3A_1485 = vector.shape_cast %get3A_1484 : vector<1x1x13xf32> to vector<1x13xf32>
    %add3A_1486 = vector.broadcast %get3A_1485 : vector<1x13xf32> to vector<256x13xf32>
    %add3A_1487 = arith.addf %dot_general3A_1480, %add3A_1486 : vector<256x13xf32>
    %swap3A_1488 = arith.constant 512 : index
    %swap3A_1489 = arith.constant 271 : index
    %swap3A_1490 = vector.load %arg10[%swap3A_1488, %swap3A_1489] : memref<1024x384xf32, #tpu.memory_space<vmem>>, vector<256x13xf32>
    tpu.vector_store %arg10[%swap3A_1488, %swap3A_1489], %add3A_1487 {strides = array<i32>} : memref<1024x384xf32, #tpu.memory_space<vmem>>, vector<256x13xf32>,
    %broadcast_in_dim3A_1491 = arith.constant 0.000000e+00 : f32
    %broadcast_in_dim3A_1492 = vector.broadcast %broadcast_in_dim3A_1491 : f32 to vector<256x100xf32>
    %swap3A_1493 = arith.constant 512 : index
    %swap3A_1494 = arith.constant 284 : index
    %swap3A_1495 = vector.load %arg10[%swap3A_1493, %swap3A_1494] : memref<1024x384xf32, #tpu.memory_space<vmem>>, vector<256x100xf32>
    tpu.vector_store %arg10[%swap3A_1493, %swap3A_1494], %broadcast_in_dim3A_1492 {strides = array<i32>} : memref<1024x384xf32, #tpu.memory_space<vmem>>, vector<256x100xf32>,
    %get3A_1496 = arith.constant 3 : index
    %get3A_1497 = arith.constant 0 : index
    %get3A_1498 = vector.load %arg9[%get3A_1496, %get3A_1497] : memref<4x128xf32, #tpu.memory_space<vmem>>, vector<1x128xf32>
    %add3A_1499 = vector.broadcast %get3A_1498 : vector<1x128xf32> to vector<256x128xf32>
    %add3A_1500 = arith.addf %get3A_1, %add3A_1499 : vector<256x128xf32>
    %get3A_1501 = arith.constant 0 : index
    %get3A_1502 = arith.constant 0 : index
    %get3A_1503 = vector.load %arg1[%get3A_1501, %get3A_1502] : memref<128x256xf32, #tpu.memory_space<vmem>>, vector<128x256xf32>
    %dot_general3A_1504 = arith.constant dense<0.000000e+00> : vector<256x256xf32>
    %dot_general3A_1505 = tpu.matmul %add3A_1500, %get3A_1503, %dot_general3A_1504 {dimension_numbers = #tpu.dot_dimension_numbers<[1], [0], [0], [1], [0, 0, 1, 1], [], []>, transpose_lhs_hint = false} : vector<256x128xf32>, vector<128x256xf32>, vector<256x256xf32> -> vector<256x256xf32>
    %get3A_1506 = arith.constant 0 : index
    %get3A_1507 = arith.constant 0 : index
    %get3A_1508 = vector.load %arg2[%get3A_1506, %get3A_1507] : memref<1x256xf32, #tpu.memory_space<vmem>>, vector<1x256xf32>
    %add3A_1509 = vector.broadcast %get3A_1508 : vector<1x256xf32> to vector<256x256xf32>
    %add3A_1510 = arith.addf %dot_general3A_1505, %add3A_1509 : vector<256x256xf32>
    %mul3A_1511 = arith.constant 5.000000e-01 : f32
    %mul3A_1512 = vector.broadcast %mul3A_1511 : f32 to vector<256x256xf32>
    %mul3A_1513 = arith.mulf %mul3A_1512, %add3A_1510 : vector<256x256xf32>
    %mul3A_1514 = arith.constant 0.707106769 : f32
    %mul3A_1515 = vector.broadcast %mul3A_1514 : f32 to vector<256x256xf32>
    %mul3A_1516 = arith.mulf %add3A_1510, %mul3A_1515 : vector<256x256xf32>
    %erf3A_1517 = math.erf %mul3A_1516 : vector<256x256xf32>
    %add3A_1518 = arith.constant 1.000000e+00 : f32
    %add3A_1519 = vector.broadcast %add3A_1518 : f32 to vector<256x256xf32>
    %add3A_1520 = arith.addf %add3A_1519, %erf3A_1517 : vector<256x256xf32>
    %mul3A_1521 = arith.mulf %mul3A_1513, %add3A_1520 : vector<256x256xf32>
    %get3A_1522 = arith.constant 0 : index
    %get3A_1523 = arith.constant 0 : index
    %get3A_1524 = vector.load %arg3[%get3A_1522, %get3A_1523] : memref<256x128xf32, #tpu.memory_space<vmem>>, vector<256x128xf32>
    %dot_general3A_1525 = arith.constant dense<0.000000e+00> : vector<256x128xf32>
    %dot_general3A_1526 = tpu.matmul %mul3A_1521, %get3A_1524, %dot_general3A_1525 {dimension_numbers = #tpu.dot_dimension_numbers<[1], [0], [0], [1], [0, 0, 1, 1], [], []>, transpose_lhs_hint = false} : vector<256x256xf32>, vector<256x128xf32>, vector<256x128xf32> -> vector<256x128xf32>
    %get3A_1527 = arith.constant 0 : index
    %get3A_1528 = arith.constant 0 : index
    %get3A_1529 = vector.load %arg4[%get3A_1527, %get3A_1528] : memref<1x128xf32, #tpu.memory_space<vmem>>, vector<1x128xf32>
    %add3A_1530 = vector.broadcast %get3A_1529 : vector<1x128xf32> to vector<256x128xf32>
    %add3A_1531 = arith.addf %dot_general3A_1526, %add3A_1530 : vector<256x128xf32>
    %swap3A_1532 = arith.constant 768 : index
    %swap3A_1533 = arith.constant 0 : index
    %swap3A_1534 = vector.load %arg10[%swap3A_1532, %swap3A_1533] : memref<1024x384xf32, #tpu.memory_space<vmem>>, vector<256x128xf32>
    tpu.vector_store %arg10[%swap3A_1532, %swap3A_1533], %add3A_1531 {strides = array<i32>} : memref<1024x384xf32, #tpu.memory_space<vmem>>, vector<256x128xf32>,
    %get3A_1535 = arith.constant 0 : index
    %get3A_1536 = arith.constant 0 : index
    %get3A_1537 = vector.load %arg5[%get3A_1535, %get3A_1536] : memref<128x3072xf32, #tpu.memory_space<vmem>>, vector<128x256xf32>
    %dot_general3A_1538 = arith.constant dense<0.000000e+00> : vector<256x256xf32>
    %dot_general3A_1539 = tpu.matmul %add3A_1500, %get3A_1537, %dot_general3A_1538 {dimension_numbers = #tpu.dot_dimension_numbers<[1], [0], [0], [1], [0, 0, 1, 1], [], []>, transpose_lhs_hint = false} : vector<256x128xf32>, vector<128x256xf32>, vector<256x256xf32> -> vector<256x256xf32>
    %get3A_1540 = arith.constant 0 : index
    %get3A_1541 = arith.constant 0 : index
    %get3A_1542 = vector.load %arg6[%get3A_1540, %get3A_1541] : memref<1x3072xf32, #tpu.memory_space<vmem>>, vector<1x256xf32>
    %add3A_1543 = vector.broadcast %get3A_1542 : vector<1x256xf32> to vector<256x256xf32>
    %add3A_1544 = arith.addf %dot_general3A_1539, %add3A_1543 : vector<256x256xf32>
    %mul3A_1545 = arith.constant 5.000000e-01 : f32
    %mul3A_1546 = vector.broadcast %mul3A_1545 : f32 to vector<256x256xf32>
    %mul3A_1547 = arith.mulf %mul3A_1546, %add3A_1544 : vector<256x256xf32>
    %mul3A_1548 = arith.constant 0.707106769 : f32
    %mul3A_1549 = vector.broadcast %mul3A_1548 : f32 to vector<256x256xf32>
    %mul3A_1550 = arith.mulf %add3A_1544, %mul3A_1549 : vector<256x256xf32>
    %erf3A_1551 = math.erf %mul3A_1550 : vector<256x256xf32>
    %add3A_1552 = arith.constant 1.000000e+00 : f32
    %add3A_1553 = vector.broadcast %add3A_1552 : f32 to vector<256x256xf32>
    %add3A_1554 = arith.addf %add3A_1553, %erf3A_1551 : vector<256x256xf32>
    %mul3A_1555 = arith.mulf %mul3A_1547, %add3A_1554 : vector<256x256xf32>
    %get3A_1556 = arith.constant 0 : index
    %get3A_1557 = arith.constant 0 : index
    %get3A_1558 = arith.constant 0 : index
    %get3A_1559 = vector.load %arg7[%get3A_1556, %get3A_1557, %get3A_1558] : memref<12x256x13xf32, #tpu.memory_space<vmem>>, vector<1x256x13xf32>
    %get3A_1560 = vector.shape_cast %get3A_1559 : vector<1x256x13xf32> to vector<256x13xf32>
    %dot_general3A_1561 = arith.constant dense<0.000000e+00> : vector<256x13xf32>
    %dot_general3A_1562 = tpu.matmul %mul3A_1555, %get3A_1560, %dot_general3A_1561 {dimension_numbers = #tpu.dot_dimension_numbers<[1], [0], [0], [1], [0, 0, 1, 1], [], []>, transpose_lhs_hint = false} : vector<256x256xf32>, vector<256x13xf32>, vector<256x13xf32> -> vector<256x13xf32>
    %get3A_1563 = arith.constant 0 : index
    %get3A_1564 = arith.constant 0 : index
    %get3A_1565 = arith.constant 0 : index
    %get3A_1566 = vector.load %arg8[%get3A_1563, %get3A_1564, %get3A_1565] : memref<12x1x13xf32, #tpu.memory_space<vmem>>, vector<1x1x13xf32>
    %get3A_1567 = vector.shape_cast %get3A_1566 : vector<1x1x13xf32> to vector<1x13xf32>
    %add3A_1568 = vector.broadcast %get3A_1567 : vector<1x13xf32> to vector<256x13xf32>
    %add3A_1569 = arith.addf %dot_general3A_1562, %add3A_1568 : vector<256x13xf32>
    %swap3A_1570 = arith.constant 768 : index
    %swap3A_1571 = arith.constant 128 : index
    %swap3A_1572 = vector.load %arg10[%swap3A_1570, %swap3A_1571] : memref<1024x384xf32, #tpu.memory_space<vmem>>, vector<256x13xf32>
    tpu.vector_store %arg10[%swap3A_1570, %swap3A_1571], %add3A_1569 {strides = array<i32>} : memref<1024x384xf32, #tpu.memory_space<vmem>>, vector<256x13xf32>,
    %get3A_1573 = arith.constant 0 : index
    %get3A_1574 = arith.constant 256 : index
    %get3A_1575 = vector.load %arg5[%get3A_1573, %get3A_1574] : memref<128x3072xf32, #tpu.memory_space<vmem>>, vector<128x256xf32>
    %dot_general3A_1576 = arith.constant dense<0.000000e+00> : vector<256x256xf32>
    %dot_general3A_1577 = tpu.matmul %add3A_1500, %get3A_1575, %dot_general3A_1576 {dimension_numbers = #tpu.dot_dimension_numbers<[1], [0], [0], [1], [0, 0, 1, 1], [], []>, transpose_lhs_hint = false} : vector<256x128xf32>, vector<128x256xf32>, vector<256x256xf32> -> vector<256x256xf32>
    %get3A_1578 = arith.constant 0 : index
    %get3A_1579 = arith.constant 256 : index
    %get3A_1580 = vector.load %arg6[%get3A_1578, %get3A_1579] : memref<1x3072xf32, #tpu.memory_space<vmem>>, vector<1x256xf32>
    %add3A_1581 = vector.broadcast %get3A_1580 : vector<1x256xf32> to vector<256x256xf32>
    %add3A_1582 = arith.addf %dot_general3A_1577, %add3A_1581 : vector<256x256xf32>
    %mul3A_1583 = arith.constant 5.000000e-01 : f32
    %mul3A_1584 = vector.broadcast %mul3A_1583 : f32 to vector<256x256xf32>
    %mul3A_1585 = arith.mulf %mul3A_1584, %add3A_1582 : vector<256x256xf32>
    %mul3A_1586 = arith.constant 0.707106769 : f32
    %mul3A_1587 = vector.broadcast %mul3A_1586 : f32 to vector<256x256xf32>
    %mul3A_1588 = arith.mulf %add3A_1582, %mul3A_1587 : vector<256x256xf32>
    %erf3A_1589 = math.erf %mul3A_1588 : vector<256x256xf32>
    %add3A_1590 = arith.constant 1.000000e+00 : f32
    %add3A_1591 = vector.broadcast %add3A_1590 : f32 to vector<256x256xf32>
    %add3A_1592 = arith.addf %add3A_1591, %erf3A_1589 : vector<256x256xf32>
    %mul3A_1593 = arith.mulf %mul3A_1585, %add3A_1592 : vector<256x256xf32>
    %get3A_1594 = arith.constant 1 : index
    %get3A_1595 = arith.constant 0 : index
    %get3A_1596 = arith.constant 0 : index
    %get3A_1597 = vector.load %arg7[%get3A_1594, %get3A_1595, %get3A_1596] : memref<12x256x13xf32, #tpu.memory_space<vmem>>, vector<1x256x13xf32>
    %get3A_1598 = vector.shape_cast %get3A_1597 : vector<1x256x13xf32> to vector<256x13xf32>
    %dot_general3A_1599 = arith.constant dense<0.000000e+00> : vector<256x13xf32>
    %dot_general3A_1600 = tpu.matmul %mul3A_1593, %get3A_1598, %dot_general3A_1599 {dimension_numbers = #tpu.dot_dimension_numbers<[1], [0], [0], [1], [0, 0, 1, 1], [], []>, transpose_lhs_hint = false} : vector<256x256xf32>, vector<256x13xf32>, vector<256x13xf32> -> vector<256x13xf32>
    %get3A_1601 = arith.constant 1 : index
    %get3A_1602 = arith.constant 0 : index
    %get3A_1603 = arith.constant 0 : index
    %get3A_1604 = vector.load %arg8[%get3A_1601, %get3A_1602, %get3A_1603] : memref<12x1x13xf32, #tpu.memory_space<vmem>>, vector<1x1x13xf32>
    %get3A_1605 = vector.shape_cast %get3A_1604 : vector<1x1x13xf32> to vector<1x13xf32>
    %add3A_1606 = vector.broadcast %get3A_1605 : vector<1x13xf32> to vector<256x13xf32>
    %add3A_1607 = arith.addf %dot_general3A_1600, %add3A_1606 : vector<256x13xf32>
    %swap3A_1608 = arith.constant 768 : index
    %swap3A_1609 = arith.constant 141 : index
    %swap3A_1610 = vector.load %arg10[%swap3A_1608, %swap3A_1609] : memref<1024x384xf32, #tpu.memory_space<vmem>>, vector<256x13xf32>
    tpu.vector_store %arg10[%swap3A_1608, %swap3A_1609], %add3A_1607 {strides = array<i32>} : memref<1024x384xf32, #tpu.memory_space<vmem>>, vector<256x13xf32>,
    %get3A_1611 = arith.constant 0 : index
    %get3A_1612 = arith.constant 512 : index
    %get3A_1613 = vector.load %arg5[%get3A_1611, %get3A_1612] : memref<128x3072xf32, #tpu.memory_space<vmem>>, vector<128x256xf32>
    %dot_general3A_1614 = arith.constant dense<0.000000e+00> : vector<256x256xf32>
    %dot_general3A_1615 = tpu.matmul %add3A_1500, %get3A_1613, %dot_general3A_1614 {dimension_numbers = #tpu.dot_dimension_numbers<[1], [0], [0], [1], [0, 0, 1, 1], [], []>, transpose_lhs_hint = false} : vector<256x128xf32>, vector<128x256xf32>, vector<256x256xf32> -> vector<256x256xf32>
    %get3A_1616 = arith.constant 0 : index
    %get3A_1617 = arith.constant 512 : index
    %get3A_1618 = vector.load %arg6[%get3A_1616, %get3A_1617] : memref<1x3072xf32, #tpu.memory_space<vmem>>, vector<1x256xf32>
    %add3A_1619 = vector.broadcast %get3A_1618 : vector<1x256xf32> to vector<256x256xf32>
    %add3A_1620 = arith.addf %dot_general3A_1615, %add3A_1619 : vector<256x256xf32>
    %mul3A_1621 = arith.constant 5.000000e-01 : f32
    %mul3A_1622 = vector.broadcast %mul3A_1621 : f32 to vector<256x256xf32>
    %mul3A_1623 = arith.mulf %mul3A_1622, %add3A_1620 : vector<256x256xf32>
    %mul3A_1624 = arith.constant 0.707106769 : f32
    %mul3A_1625 = vector.broadcast %mul3A_1624 : f32 to vector<256x256xf32>
    %mul3A_1626 = arith.mulf %add3A_1620, %mul3A_1625 : vector<256x256xf32>
    %erf3A_1627 = math.erf %mul3A_1626 : vector<256x256xf32>
    %add3A_1628 = arith.constant 1.000000e+00 : f32
    %add3A_1629 = vector.broadcast %add3A_1628 : f32 to vector<256x256xf32>
    %add3A_1630 = arith.addf %add3A_1629, %erf3A_1627 : vector<256x256xf32>
    %mul3A_1631 = arith.mulf %mul3A_1623, %add3A_1630 : vector<256x256xf32>
    %get3A_1632 = arith.constant 2 : index
    %get3A_1633 = arith.constant 0 : index
    %get3A_1634 = arith.constant 0 : index
    %get3A_1635 = vector.load %arg7[%get3A_1632, %get3A_1633, %get3A_1634] : memref<12x256x13xf32, #tpu.memory_space<vmem>>, vector<1x256x13xf32>
    %get3A_1636 = vector.shape_cast %get3A_1635 : vector<1x256x13xf32> to vector<256x13xf32>
    %dot_general3A_1637 = arith.constant dense<0.000000e+00> : vector<256x13xf32>
    %dot_general3A_1638 = tpu.matmul %mul3A_1631, %get3A_1636, %dot_general3A_1637 {dimension_numbers = #tpu.dot_dimension_numbers<[1], [0], [0], [1], [0, 0, 1, 1], [], []>, transpose_lhs_hint = false} : vector<256x256xf32>, vector<256x13xf32>, vector<256x13xf32> -> vector<256x13xf32>
    %get3A_1639 = arith.constant 2 : index
    %get3A_1640 = arith.constant 0 : index
    %get3A_1641 = arith.constant 0 : index
    %get3A_1642 = vector.load %arg8[%get3A_1639, %get3A_1640, %get3A_1641] : memref<12x1x13xf32, #tpu.memory_space<vmem>>, vector<1x1x13xf32>
    %get3A_1643 = vector.shape_cast %get3A_1642 : vector<1x1x13xf32> to vector<1x13xf32>
    %add3A_1644 = vector.broadcast %get3A_1643 : vector<1x13xf32> to vector<256x13xf32>
    %add3A_1645 = arith.addf %dot_general3A_1638, %add3A_1644 : vector<256x13xf32>
    %swap3A_1646 = arith.constant 768 : index
    %swap3A_1647 = arith.constant 154 : index
    %swap3A_1648 = vector.load %arg10[%swap3A_1646, %swap3A_1647] : memref<1024x384xf32, #tpu.memory_space<vmem>>, vector<256x13xf32>
    tpu.vector_store %arg10[%swap3A_1646, %swap3A_1647], %add3A_1645 {strides = array<i32>} : memref<1024x384xf32, #tpu.memory_space<vmem>>, vector<256x13xf32>,
    %get3A_1649 = arith.constant 0 : index
    %get3A_1650 = arith.constant 768 : index
    %get3A_1651 = vector.load %arg5[%get3A_1649, %get3A_1650] : memref<128x3072xf32, #tpu.memory_space<vmem>>, vector<128x256xf32>
    %dot_general3A_1652 = arith.constant dense<0.000000e+00> : vector<256x256xf32>
    %dot_general3A_1653 = tpu.matmul %add3A_1500, %get3A_1651, %dot_general3A_1652 {dimension_numbers = #tpu.dot_dimension_numbers<[1], [0], [0], [1], [0, 0, 1, 1], [], []>, transpose_lhs_hint = false} : vector<256x128xf32>, vector<128x256xf32>, vector<256x256xf32> -> vector<256x256xf32>
    %get3A_1654 = arith.constant 0 : index
    %get3A_1655 = arith.constant 768 : index
    %get3A_1656 = vector.load %arg6[%get3A_1654, %get3A_1655] : memref<1x3072xf32, #tpu.memory_space<vmem>>, vector<1x256xf32>
    %add3A_1657 = vector.broadcast %get3A_1656 : vector<1x256xf32> to vector<256x256xf32>
    %add3A_1658 = arith.addf %dot_general3A_1653, %add3A_1657 : vector<256x256xf32>
    %mul3A_1659 = arith.constant 5.000000e-01 : f32
    %mul3A_1660 = vector.broadcast %mul3A_1659 : f32 to vector<256x256xf32>
    %mul3A_1661 = arith.mulf %mul3A_1660, %add3A_1658 : vector<256x256xf32>
    %mul3A_1662 = arith.constant 0.707106769 : f32
    %mul3A_1663 = vector.broadcast %mul3A_1662 : f32 to vector<256x256xf32>
    %mul3A_1664 = arith.mulf %add3A_1658, %mul3A_1663 : vector<256x256xf32>
    %erf3A_1665 = math.erf %mul3A_1664 : vector<256x256xf32>
    %add3A_1666 = arith.constant 1.000000e+00 : f32
    %add3A_1667 = vector.broadcast %add3A_1666 : f32 to vector<256x256xf32>
    %add3A_1668 = arith.addf %add3A_1667, %erf3A_1665 : vector<256x256xf32>
    %mul3A_1669 = arith.mulf %mul3A_1661, %add3A_1668 : vector<256x256xf32>
    %get3A_1670 = arith.constant 3 : index
    %get3A_1671 = arith.constant 0 : index
    %get3A_1672 = arith.constant 0 : index
    %get3A_1673 = vector.load %arg7[%get3A_1670, %get3A_1671, %get3A_1672] : memref<12x256x13xf32, #tpu.memory_space<vmem>>, vector<1x256x13xf32>
    %get3A_1674 = vector.shape_cast %get3A_1673 : vector<1x256x13xf32> to vector<256x13xf32>
    %dot_general3A_1675 = arith.constant dense<0.000000e+00> : vector<256x13xf32>
    %dot_general3A_1676 = tpu.matmul %mul3A_1669, %get3A_1674, %dot_general3A_1675 {dimension_numbers = #tpu.dot_dimension_numbers<[1], [0], [0], [1], [0, 0, 1, 1], [], []>, transpose_lhs_hint = false} : vector<256x256xf32>, vector<256x13xf32>, vector<256x13xf32> -> vector<256x13xf32>
    %get3A_1677 = arith.constant 3 : index
    %get3A_1678 = arith.constant 0 : index
    %get3A_1679 = arith.constant 0 : index
    %get3A_1680 = vector.load %arg8[%get3A_1677, %get3A_1678, %get3A_1679] : memref<12x1x13xf32, #tpu.memory_space<vmem>>, vector<1x1x13xf32>
    %get3A_1681 = vector.shape_cast %get3A_1680 : vector<1x1x13xf32> to vector<1x13xf32>
    %add3A_1682 = vector.broadcast %get3A_1681 : vector<1x13xf32> to vector<256x13xf32>
    %add3A_1683 = arith.addf %dot_general3A_1676, %add3A_1682 : vector<256x13xf32>
    %swap3A_1684 = arith.constant 768 : index
    %swap3A_1685 = arith.constant 167 : index
    %swap3A_1686 = vector.load %arg10[%swap3A_1684, %swap3A_1685] : memref<1024x384xf32, #tpu.memory_space<vmem>>, vector<256x13xf32>
    tpu.vector_store %arg10[%swap3A_1684, %swap3A_1685], %add3A_1683 {strides = array<i32>} : memref<1024x384xf32, #tpu.memory_space<vmem>>, vector<256x13xf32>,
    %get3A_1687 = arith.constant 0 : index
    %get3A_1688 = arith.constant 1024 : index
    %get3A_1689 = vector.load %arg5[%get3A_1687, %get3A_1688] : memref<128x3072xf32, #tpu.memory_space<vmem>>, vector<128x256xf32>
    %dot_general3A_1690 = arith.constant dense<0.000000e+00> : vector<256x256xf32>
    %dot_general3A_1691 = tpu.matmul %add3A_1500, %get3A_1689, %dot_general3A_1690 {dimension_numbers = #tpu.dot_dimension_numbers<[1], [0], [0], [1], [0, 0, 1, 1], [], []>, transpose_lhs_hint = false} : vector<256x128xf32>, vector<128x256xf32>, vector<256x256xf32> -> vector<256x256xf32>
    %get3A_1692 = arith.constant 0 : index
    %get3A_1693 = arith.constant 1024 : index
    %get3A_1694 = vector.load %arg6[%get3A_1692, %get3A_1693] : memref<1x3072xf32, #tpu.memory_space<vmem>>, vector<1x256xf32>
    %add3A_1695 = vector.broadcast %get3A_1694 : vector<1x256xf32> to vector<256x256xf32>
    %add3A_1696 = arith.addf %dot_general3A_1691, %add3A_1695 : vector<256x256xf32>
    %mul3A_1697 = arith.constant 5.000000e-01 : f32
    %mul3A_1698 = vector.broadcast %mul3A_1697 : f32 to vector<256x256xf32>
    %mul3A_1699 = arith.mulf %mul3A_1698, %add3A_1696 : vector<256x256xf32>
    %mul3A_1700 = arith.constant 0.707106769 : f32
    %mul3A_1701 = vector.broadcast %mul3A_1700 : f32 to vector<256x256xf32>
    %mul3A_1702 = arith.mulf %add3A_1696, %mul3A_1701 : vector<256x256xf32>
    %erf3A_1703 = math.erf %mul3A_1702 : vector<256x256xf32>
    %add3A_1704 = arith.constant 1.000000e+00 : f32
    %add3A_1705 = vector.broadcast %add3A_1704 : f32 to vector<256x256xf32>
    %add3A_1706 = arith.addf %add3A_1705, %erf3A_1703 : vector<256x256xf32>
    %mul3A_1707 = arith.mulf %mul3A_1699, %add3A_1706 : vector<256x256xf32>
    %get3A_1708 = arith.constant 4 : index
    %get3A_1709 = arith.constant 0 : index
    %get3A_1710 = arith.constant 0 : index
    %get3A_1711 = vector.load %arg7[%get3A_1708, %get3A_1709, %get3A_1710] : memref<12x256x13xf32, #tpu.memory_space<vmem>>, vector<1x256x13xf32>
    %get3A_1712 = vector.shape_cast %get3A_1711 : vector<1x256x13xf32> to vector<256x13xf32>
    %dot_general3A_1713 = arith.constant dense<0.000000e+00> : vector<256x13xf32>
    %dot_general3A_1714 = tpu.matmul %mul3A_1707, %get3A_1712, %dot_general3A_1713 {dimension_numbers = #tpu.dot_dimension_numbers<[1], [0], [0], [1], [0, 0, 1, 1], [], []>, transpose_lhs_hint = false} : vector<256x256xf32>, vector<256x13xf32>, vector<256x13xf32> -> vector<256x13xf32>
    %get3A_1715 = arith.constant 4 : index
    %get3A_1716 = arith.constant 0 : index
    %get3A_1717 = arith.constant 0 : index
    %get3A_1718 = vector.load %arg8[%get3A_1715, %get3A_1716, %get3A_1717] : memref<12x1x13xf32, #tpu.memory_space<vmem>>, vector<1x1x13xf32>
    %get3A_1719 = vector.shape_cast %get3A_1718 : vector<1x1x13xf32> to vector<1x13xf32>
    %add3A_1720 = vector.broadcast %get3A_1719 : vector<1x13xf32> to vector<256x13xf32>
    %add3A_1721 = arith.addf %dot_general3A_1714, %add3A_1720 : vector<256x13xf32>
    %swap3A_1722 = arith.constant 768 : index
    %swap3A_1723 = arith.constant 180 : index
    %swap3A_1724 = vector.load %arg10[%swap3A_1722, %swap3A_1723] : memref<1024x384xf32, #tpu.memory_space<vmem>>, vector<256x13xf32>
    tpu.vector_store %arg10[%swap3A_1722, %swap3A_1723], %add3A_1721 {strides = array<i32>} : memref<1024x384xf32, #tpu.memory_space<vmem>>, vector<256x13xf32>,
    %get3A_1725 = arith.constant 0 : index
    %get3A_1726 = arith.constant 1280 : index
    %get3A_1727 = vector.load %arg5[%get3A_1725, %get3A_1726] : memref<128x3072xf32, #tpu.memory_space<vmem>>, vector<128x256xf32>
    %dot_general3A_1728 = arith.constant dense<0.000000e+00> : vector<256x256xf32>
    %dot_general3A_1729 = tpu.matmul %add3A_1500, %get3A_1727, %dot_general3A_1728 {dimension_numbers = #tpu.dot_dimension_numbers<[1], [0], [0], [1], [0, 0, 1, 1], [], []>, transpose_lhs_hint = false} : vector<256x128xf32>, vector<128x256xf32>, vector<256x256xf32> -> vector<256x256xf32>
    %get3A_1730 = arith.constant 0 : index
    %get3A_1731 = arith.constant 1280 : index
    %get3A_1732 = vector.load %arg6[%get3A_1730, %get3A_1731] : memref<1x3072xf32, #tpu.memory_space<vmem>>, vector<1x256xf32>
    %add3A_1733 = vector.broadcast %get3A_1732 : vector<1x256xf32> to vector<256x256xf32>
    %add3A_1734 = arith.addf %dot_general3A_1729, %add3A_1733 : vector<256x256xf32>
    %mul3A_1735 = arith.constant 5.000000e-01 : f32
    %mul3A_1736 = vector.broadcast %mul3A_1735 : f32 to vector<256x256xf32>
    %mul3A_1737 = arith.mulf %mul3A_1736, %add3A_1734 : vector<256x256xf32>
    %mul3A_1738 = arith.constant 0.707106769 : f32
    %mul3A_1739 = vector.broadcast %mul3A_1738 : f32 to vector<256x256xf32>
    %mul3A_1740 = arith.mulf %add3A_1734, %mul3A_1739 : vector<256x256xf32>
    %erf3A_1741 = math.erf %mul3A_1740 : vector<256x256xf32>
    %add3A_1742 = arith.constant 1.000000e+00 : f32
    %add3A_1743 = vector.broadcast %add3A_1742 : f32 to vector<256x256xf32>
    %add3A_1744 = arith.addf %add3A_1743, %erf3A_1741 : vector<256x256xf32>
    %mul3A_1745 = arith.mulf %mul3A_1737, %add3A_1744 : vector<256x256xf32>
    %get3A_1746 = arith.constant 5 : index
    %get3A_1747 = arith.constant 0 : index
    %get3A_1748 = arith.constant 0 : index
    %get3A_1749 = vector.load %arg7[%get3A_1746, %get3A_1747, %get3A_1748] : memref<12x256x13xf32, #tpu.memory_space<vmem>>, vector<1x256x13xf32>
    %get3A_1750 = vector.shape_cast %get3A_1749 : vector<1x256x13xf32> to vector<256x13xf32>
    %dot_general3A_1751 = arith.constant dense<0.000000e+00> : vector<256x13xf32>
    %dot_general3A_1752 = tpu.matmul %mul3A_1745, %get3A_1750, %dot_general3A_1751 {dimension_numbers = #tpu.dot_dimension_numbers<[1], [0], [0], [1], [0, 0, 1, 1], [], []>, transpose_lhs_hint = false} : vector<256x256xf32>, vector<256x13xf32>, vector<256x13xf32> -> vector<256x13xf32>
    %get3A_1753 = arith.constant 5 : index
    %get3A_1754 = arith.constant 0 : index
    %get3A_1755 = arith.constant 0 : index
    %get3A_1756 = vector.load %arg8[%get3A_1753, %get3A_1754, %get3A_1755] : memref<12x1x13xf32, #tpu.memory_space<vmem>>, vector<1x1x13xf32>
    %get3A_1757 = vector.shape_cast %get3A_1756 : vector<1x1x13xf32> to vector<1x13xf32>
    %add3A_1758 = vector.broadcast %get3A_1757 : vector<1x13xf32> to vector<256x13xf32>
    %add3A_1759 = arith.addf %dot_general3A_1752, %add3A_1758 : vector<256x13xf32>
    %swap3A_1760 = arith.constant 768 : index
    %swap3A_1761 = arith.constant 193 : index
    %swap3A_1762 = vector.load %arg10[%swap3A_1760, %swap3A_1761] : memref<1024x384xf32, #tpu.memory_space<vmem>>, vector<256x13xf32>
    tpu.vector_store %arg10[%swap3A_1760, %swap3A_1761], %add3A_1759 {strides = array<i32>} : memref<1024x384xf32, #tpu.memory_space<vmem>>, vector<256x13xf32>,
    %get3A_1763 = arith.constant 0 : index
    %get3A_1764 = arith.constant 1536 : index
    %get3A_1765 = vector.load %arg5[%get3A_1763, %get3A_1764] : memref<128x3072xf32, #tpu.memory_space<vmem>>, vector<128x256xf32>
    %dot_general3A_1766 = arith.constant dense<0.000000e+00> : vector<256x256xf32>
    %dot_general3A_1767 = tpu.matmul %add3A_1500, %get3A_1765, %dot_general3A_1766 {dimension_numbers = #tpu.dot_dimension_numbers<[1], [0], [0], [1], [0, 0, 1, 1], [], []>, transpose_lhs_hint = false} : vector<256x128xf32>, vector<128x256xf32>, vector<256x256xf32> -> vector<256x256xf32>
    %get3A_1768 = arith.constant 0 : index
    %get3A_1769 = arith.constant 1536 : index
    %get3A_1770 = vector.load %arg6[%get3A_1768, %get3A_1769] : memref<1x3072xf32, #tpu.memory_space<vmem>>, vector<1x256xf32>
    %add3A_1771 = vector.broadcast %get3A_1770 : vector<1x256xf32> to vector<256x256xf32>
    %add3A_1772 = arith.addf %dot_general3A_1767, %add3A_1771 : vector<256x256xf32>
    %mul3A_1773 = arith.constant 5.000000e-01 : f32
    %mul3A_1774 = vector.broadcast %mul3A_1773 : f32 to vector<256x256xf32>
    %mul3A_1775 = arith.mulf %mul3A_1774, %add3A_1772 : vector<256x256xf32>
    %mul3A_1776 = arith.constant 0.707106769 : f32
    %mul3A_1777 = vector.broadcast %mul3A_1776 : f32 to vector<256x256xf32>
    %mul3A_1778 = arith.mulf %add3A_1772, %mul3A_1777 : vector<256x256xf32>
    %erf3A_1779 = math.erf %mul3A_1778 : vector<256x256xf32>
    %add3A_1780 = arith.constant 1.000000e+00 : f32
    %add3A_1781 = vector.broadcast %add3A_1780 : f32 to vector<256x256xf32>
    %add3A_1782 = arith.addf %add3A_1781, %erf3A_1779 : vector<256x256xf32>
    %mul3A_1783 = arith.mulf %mul3A_1775, %add3A_1782 : vector<256x256xf32>
    %get3A_1784 = arith.constant 6 : index
    %get3A_1785 = arith.constant 0 : index
    %get3A_1786 = arith.constant 0 : index
    %get3A_1787 = vector.load %arg7[%get3A_1784, %get3A_1785, %get3A_1786] : memref<12x256x13xf32, #tpu.memory_space<vmem>>, vector<1x256x13xf32>
    %get3A_1788 = vector.shape_cast %get3A_1787 : vector<1x256x13xf32> to vector<256x13xf32>
    %dot_general3A_1789 = arith.constant dense<0.000000e+00> : vector<256x13xf32>
    %dot_general3A_1790 = tpu.matmul %mul3A_1783, %get3A_1788, %dot_general3A_1789 {dimension_numbers = #tpu.dot_dimension_numbers<[1], [0], [0], [1], [0, 0, 1, 1], [], []>, transpose_lhs_hint = false} : vector<256x256xf32>, vector<256x13xf32>, vector<256x13xf32> -> vector<256x13xf32>
    %get3A_1791 = arith.constant 6 : index
    %get3A_1792 = arith.constant 0 : index
    %get3A_1793 = arith.constant 0 : index
    %get3A_1794 = vector.load %arg8[%get3A_1791, %get3A_1792, %get3A_1793] : memref<12x1x13xf32, #tpu.memory_space<vmem>>, vector<1x1x13xf32>
    %get3A_1795 = vector.shape_cast %get3A_1794 : vector<1x1x13xf32> to vector<1x13xf32>
    %add3A_1796 = vector.broadcast %get3A_1795 : vector<1x13xf32> to vector<256x13xf32>
    %add3A_1797 = arith.addf %dot_general3A_1790, %add3A_1796 : vector<256x13xf32>
    %swap3A_1798 = arith.constant 768 : index
    %swap3A_1799 = arith.constant 206 : index
    %swap3A_1800 = vector.load %arg10[%swap3A_1798, %swap3A_1799] : memref<1024x384xf32, #tpu.memory_space<vmem>>, vector<256x13xf32>
    tpu.vector_store %arg10[%swap3A_1798, %swap3A_1799], %add3A_1797 {strides = array<i32>} : memref<1024x384xf32, #tpu.memory_space<vmem>>, vector<256x13xf32>,
    %get3A_1801 = arith.constant 0 : index
    %get3A_1802 = arith.constant 1792 : index
    %get3A_1803 = vector.load %arg5[%get3A_1801, %get3A_1802] : memref<128x3072xf32, #tpu.memory_space<vmem>>, vector<128x256xf32>
    %dot_general3A_1804 = arith.constant dense<0.000000e+00> : vector<256x256xf32>
    %dot_general3A_1805 = tpu.matmul %add3A_1500, %get3A_1803, %dot_general3A_1804 {dimension_numbers = #tpu.dot_dimension_numbers<[1], [0], [0], [1], [0, 0, 1, 1], [], []>, transpose_lhs_hint = false} : vector<256x128xf32>, vector<128x256xf32>, vector<256x256xf32> -> vector<256x256xf32>
    %get3A_1806 = arith.constant 0 : index
    %get3A_1807 = arith.constant 1792 : index
    %get3A_1808 = vector.load %arg6[%get3A_1806, %get3A_1807] : memref<1x3072xf32, #tpu.memory_space<vmem>>, vector<1x256xf32>
    %add3A_1809 = vector.broadcast %get3A_1808 : vector<1x256xf32> to vector<256x256xf32>
    %add3A_1810 = arith.addf %dot_general3A_1805, %add3A_1809 : vector<256x256xf32>
    %mul3A_1811 = arith.constant 5.000000e-01 : f32
    %mul3A_1812 = vector.broadcast %mul3A_1811 : f32 to vector<256x256xf32>
    %mul3A_1813 = arith.mulf %mul3A_1812, %add3A_1810 : vector<256x256xf32>
    %mul3A_1814 = arith.constant 0.707106769 : f32
    %mul3A_1815 = vector.broadcast %mul3A_1814 : f32 to vector<256x256xf32>
    %mul3A_1816 = arith.mulf %add3A_1810, %mul3A_1815 : vector<256x256xf32>
    %erf3A_1817 = math.erf %mul3A_1816 : vector<256x256xf32>
    %add3A_1818 = arith.constant 1.000000e+00 : f32
    %add3A_1819 = vector.broadcast %add3A_1818 : f32 to vector<256x256xf32>
    %add3A_1820 = arith.addf %add3A_1819, %erf3A_1817 : vector<256x256xf32>
    %mul3A_1821 = arith.mulf %mul3A_1813, %add3A_1820 : vector<256x256xf32>
    %get3A_1822 = arith.constant 7 : index
    %get3A_1823 = arith.constant 0 : index
    %get3A_1824 = arith.constant 0 : index
    %get3A_1825 = vector.load %arg7[%get3A_1822, %get3A_1823, %get3A_1824] : memref<12x256x13xf32, #tpu.memory_space<vmem>>, vector<1x256x13xf32>
    %get3A_1826 = vector.shape_cast %get3A_1825 : vector<1x256x13xf32> to vector<256x13xf32>
    %dot_general3A_1827 = arith.constant dense<0.000000e+00> : vector<256x13xf32>
    %dot_general3A_1828 = tpu.matmul %mul3A_1821, %get3A_1826, %dot_general3A_1827 {dimension_numbers = #tpu.dot_dimension_numbers<[1], [0], [0], [1], [0, 0, 1, 1], [], []>, transpose_lhs_hint = false} : vector<256x256xf32>, vector<256x13xf32>, vector<256x13xf32> -> vector<256x13xf32>
    %get3A_1829 = arith.constant 7 : index
    %get3A_1830 = arith.constant 0 : index
    %get3A_1831 = arith.constant 0 : index
    %get3A_1832 = vector.load %arg8[%get3A_1829, %get3A_1830, %get3A_1831] : memref<12x1x13xf32, #tpu.memory_space<vmem>>, vector<1x1x13xf32>
    %get3A_1833 = vector.shape_cast %get3A_1832 : vector<1x1x13xf32> to vector<1x13xf32>
    %add3A_1834 = vector.broadcast %get3A_1833 : vector<1x13xf32> to vector<256x13xf32>
    %add3A_1835 = arith.addf %dot_general3A_1828, %add3A_1834 : vector<256x13xf32>
    %swap3A_1836 = arith.constant 768 : index
    %swap3A_1837 = arith.constant 219 : index
    %swap3A_1838 = vector.load %arg10[%swap3A_1836, %swap3A_1837] : memref<1024x384xf32, #tpu.memory_space<vmem>>, vector<256x13xf32>
    tpu.vector_store %arg10[%swap3A_1836, %swap3A_1837], %add3A_1835 {strides = array<i32>} : memref<1024x384xf32, #tpu.memory_space<vmem>>, vector<256x13xf32>,
    %get3A_1839 = arith.constant 0 : index
    %get3A_1840 = arith.constant 2048 : index
    %get3A_1841 = vector.load %arg5[%get3A_1839, %get3A_1840] : memref<128x3072xf32, #tpu.memory_space<vmem>>, vector<128x256xf32>
    %dot_general3A_1842 = arith.constant dense<0.000000e+00> : vector<256x256xf32>
    %dot_general3A_1843 = tpu.matmul %add3A_1500, %get3A_1841, %dot_general3A_1842 {dimension_numbers = #tpu.dot_dimension_numbers<[1], [0], [0], [1], [0, 0, 1, 1], [], []>, transpose_lhs_hint = false} : vector<256x128xf32>, vector<128x256xf32>, vector<256x256xf32> -> vector<256x256xf32>
    %get3A_1844 = arith.constant 0 : index
    %get3A_1845 = arith.constant 2048 : index
    %get3A_1846 = vector.load %arg6[%get3A_1844, %get3A_1845] : memref<1x3072xf32, #tpu.memory_space<vmem>>, vector<1x256xf32>
    %add3A_1847 = vector.broadcast %get3A_1846 : vector<1x256xf32> to vector<256x256xf32>
    %add3A_1848 = arith.addf %dot_general3A_1843, %add3A_1847 : vector<256x256xf32>
    %mul3A_1849 = arith.constant 5.000000e-01 : f32
    %mul3A_1850 = vector.broadcast %mul3A_1849 : f32 to vector<256x256xf32>
    %mul3A_1851 = arith.mulf %mul3A_1850, %add3A_1848 : vector<256x256xf32>
    %mul3A_1852 = arith.constant 0.707106769 : f32
    %mul3A_1853 = vector.broadcast %mul3A_1852 : f32 to vector<256x256xf32>
    %mul3A_1854 = arith.mulf %add3A_1848, %mul3A_1853 : vector<256x256xf32>
    %erf3A_1855 = math.erf %mul3A_1854 : vector<256x256xf32>
    %add3A_1856 = arith.constant 1.000000e+00 : f32
    %add3A_1857 = vector.broadcast %add3A_1856 : f32 to vector<256x256xf32>
    %add3A_1858 = arith.addf %add3A_1857, %erf3A_1855 : vector<256x256xf32>
    %mul3A_1859 = arith.mulf %mul3A_1851, %add3A_1858 : vector<256x256xf32>
    %get3A_1860 = arith.constant 8 : index
    %get3A_1861 = arith.constant 0 : index
    %get3A_1862 = arith.constant 0 : index
    %get3A_1863 = vector.load %arg7[%get3A_1860, %get3A_1861, %get3A_1862] : memref<12x256x13xf32, #tpu.memory_space<vmem>>, vector<1x256x13xf32>
    %get3A_1864 = vector.shape_cast %get3A_1863 : vector<1x256x13xf32> to vector<256x13xf32>
    %dot_general3A_1865 = arith.constant dense<0.000000e+00> : vector<256x13xf32>
    %dot_general3A_1866 = tpu.matmul %mul3A_1859, %get3A_1864, %dot_general3A_1865 {dimension_numbers = #tpu.dot_dimension_numbers<[1], [0], [0], [1], [0, 0, 1, 1], [], []>, transpose_lhs_hint = false} : vector<256x256xf32>, vector<256x13xf32>, vector<256x13xf32> -> vector<256x13xf32>
    %get3A_1867 = arith.constant 8 : index
    %get3A_1868 = arith.constant 0 : index
    %get3A_1869 = arith.constant 0 : index
    %get3A_1870 = vector.load %arg8[%get3A_1867, %get3A_1868, %get3A_1869] : memref<12x1x13xf32, #tpu.memory_space<vmem>>, vector<1x1x13xf32>
    %get3A_1871 = vector.shape_cast %get3A_1870 : vector<1x1x13xf32> to vector<1x13xf32>
    %add3A_1872 = vector.broadcast %get3A_1871 : vector<1x13xf32> to vector<256x13xf32>
    %add3A_1873 = arith.addf %dot_general3A_1866, %add3A_1872 : vector<256x13xf32>
    %swap3A_1874 = arith.constant 768 : index
    %swap3A_1875 = arith.constant 232 : index
    %swap3A_1876 = vector.load %arg10[%swap3A_1874, %swap3A_1875] : memref<1024x384xf32, #tpu.memory_space<vmem>>, vector<256x13xf32>
    tpu.vector_store %arg10[%swap3A_1874, %swap3A_1875], %add3A_1873 {strides = array<i32>} : memref<1024x384xf32, #tpu.memory_space<vmem>>, vector<256x13xf32>,
    %get3A_1877 = arith.constant 0 : index
    %get3A_1878 = arith.constant 2304 : index
    %get3A_1879 = vector.load %arg5[%get3A_1877, %get3A_1878] : memref<128x3072xf32, #tpu.memory_space<vmem>>, vector<128x256xf32>
    %dot_general3A_1880 = arith.constant dense<0.000000e+00> : vector<256x256xf32>
    %dot_general3A_1881 = tpu.matmul %add3A_1500, %get3A_1879, %dot_general3A_1880 {dimension_numbers = #tpu.dot_dimension_numbers<[1], [0], [0], [1], [0, 0, 1, 1], [], []>, transpose_lhs_hint = false} : vector<256x128xf32>, vector<128x256xf32>, vector<256x256xf32> -> vector<256x256xf32>
    %get3A_1882 = arith.constant 0 : index
    %get3A_1883 = arith.constant 2304 : index
    %get3A_1884 = vector.load %arg6[%get3A_1882, %get3A_1883] : memref<1x3072xf32, #tpu.memory_space<vmem>>, vector<1x256xf32>
    %add3A_1885 = vector.broadcast %get3A_1884 : vector<1x256xf32> to vector<256x256xf32>
    %add3A_1886 = arith.addf %dot_general3A_1881, %add3A_1885 : vector<256x256xf32>
    %mul3A_1887 = arith.constant 5.000000e-01 : f32
    %mul3A_1888 = vector.broadcast %mul3A_1887 : f32 to vector<256x256xf32>
    %mul3A_1889 = arith.mulf %mul3A_1888, %add3A_1886 : vector<256x256xf32>
    %mul3A_1890 = arith.constant 0.707106769 : f32
    %mul3A_1891 = vector.broadcast %mul3A_1890 : f32 to vector<256x256xf32>
    %mul3A_1892 = arith.mulf %add3A_1886, %mul3A_1891 : vector<256x256xf32>
    %erf3A_1893 = math.erf %mul3A_1892 : vector<256x256xf32>
    %add3A_1894 = arith.constant 1.000000e+00 : f32
    %add3A_1895 = vector.broadcast %add3A_1894 : f32 to vector<256x256xf32>
    %add3A_1896 = arith.addf %add3A_1895, %erf3A_1893 : vector<256x256xf32>
    %mul3A_1897 = arith.mulf %mul3A_1889, %add3A_1896 : vector<256x256xf32>
    %get3A_1898 = arith.constant 9 : index
    %get3A_1899 = arith.constant 0 : index
    %get3A_1900 = arith.constant 0 : index
    %get3A_1901 = vector.load %arg7[%get3A_1898, %get3A_1899, %get3A_1900] : memref<12x256x13xf32, #tpu.memory_space<vmem>>, vector<1x256x13xf32>
    %get3A_1902 = vector.shape_cast %get3A_1901 : vector<1x256x13xf32> to vector<256x13xf32>
    %dot_general3A_1903 = arith.constant dense<0.000000e+00> : vector<256x13xf32>
    %dot_general3A_1904 = tpu.matmul %mul3A_1897, %get3A_1902, %dot_general3A_1903 {dimension_numbers = #tpu.dot_dimension_numbers<[1], [0], [0], [1], [0, 0, 1, 1], [], []>, transpose_lhs_hint = false} : vector<256x256xf32>, vector<256x13xf32>, vector<256x13xf32> -> vector<256x13xf32>
    %get3A_1905 = arith.constant 9 : index
    %get3A_1906 = arith.constant 0 : index
    %get3A_1907 = arith.constant 0 : index
    %get3A_1908 = vector.load %arg8[%get3A_1905, %get3A_1906, %get3A_1907] : memref<12x1x13xf32, #tpu.memory_space<vmem>>, vector<1x1x13xf32>
    %get3A_1909 = vector.shape_cast %get3A_1908 : vector<1x1x13xf32> to vector<1x13xf32>
    %add3A_1910 = vector.broadcast %get3A_1909 : vector<1x13xf32> to vector<256x13xf32>
    %add3A_1911 = arith.addf %dot_general3A_1904, %add3A_1910 : vector<256x13xf32>
    %swap3A_1912 = arith.constant 768 : index
    %swap3A_1913 = arith.constant 245 : index
    %swap3A_1914 = vector.load %arg10[%swap3A_1912, %swap3A_1913] : memref<1024x384xf32, #tpu.memory_space<vmem>>, vector<256x13xf32>
    tpu.vector_store %arg10[%swap3A_1912, %swap3A_1913], %add3A_1911 {strides = array<i32>} : memref<1024x384xf32, #tpu.memory_space<vmem>>, vector<256x13xf32>,
    %get3A_1915 = arith.constant 0 : index
    %get3A_1916 = arith.constant 2560 : index
    %get3A_1917 = vector.load %arg5[%get3A_1915, %get3A_1916] : memref<128x3072xf32, #tpu.memory_space<vmem>>, vector<128x256xf32>
    %dot_general3A_1918 = arith.constant dense<0.000000e+00> : vector<256x256xf32>
    %dot_general3A_1919 = tpu.matmul %add3A_1500, %get3A_1917, %dot_general3A_1918 {dimension_numbers = #tpu.dot_dimension_numbers<[1], [0], [0], [1], [0, 0, 1, 1], [], []>, transpose_lhs_hint = false} : vector<256x128xf32>, vector<128x256xf32>, vector<256x256xf32> -> vector<256x256xf32>
    %get3A_1920 = arith.constant 0 : index
    %get3A_1921 = arith.constant 2560 : index
    %get3A_1922 = vector.load %arg6[%get3A_1920, %get3A_1921] : memref<1x3072xf32, #tpu.memory_space<vmem>>, vector<1x256xf32>
    %add3A_1923 = vector.broadcast %get3A_1922 : vector<1x256xf32> to vector<256x256xf32>
    %add3A_1924 = arith.addf %dot_general3A_1919, %add3A_1923 : vector<256x256xf32>
    %mul3A_1925 = arith.constant 5.000000e-01 : f32
    %mul3A_1926 = vector.broadcast %mul3A_1925 : f32 to vector<256x256xf32>
    %mul3A_1927 = arith.mulf %mul3A_1926, %add3A_1924 : vector<256x256xf32>
    %mul3A_1928 = arith.constant 0.707106769 : f32
    %mul3A_1929 = vector.broadcast %mul3A_1928 : f32 to vector<256x256xf32>
    %mul3A_1930 = arith.mulf %add3A_1924, %mul3A_1929 : vector<256x256xf32>
    %erf3A_1931 = math.erf %mul3A_1930 : vector<256x256xf32>
    %add3A_1932 = arith.constant 1.000000e+00 : f32
    %add3A_1933 = vector.broadcast %add3A_1932 : f32 to vector<256x256xf32>
    %add3A_1934 = arith.addf %add3A_1933, %erf3A_1931 : vector<256x256xf32>
    %mul3A_1935 = arith.mulf %mul3A_1927, %add3A_1934 : vector<256x256xf32>
    %get3A_1936 = arith.constant 10 : index
    %get3A_1937 = arith.constant 0 : index
    %get3A_1938 = arith.constant 0 : index
    %get3A_1939 = vector.load %arg7[%get3A_1936, %get3A_1937, %get3A_1938] : memref<12x256x13xf32, #tpu.memory_space<vmem>>, vector<1x256x13xf32>
    %get3A_1940 = vector.shape_cast %get3A_1939 : vector<1x256x13xf32> to vector<256x13xf32>
    %dot_general3A_1941 = arith.constant dense<0.000000e+00> : vector<256x13xf32>
    %dot_general3A_1942 = tpu.matmul %mul3A_1935, %get3A_1940, %dot_general3A_1941 {dimension_numbers = #tpu.dot_dimension_numbers<[1], [0], [0], [1], [0, 0, 1, 1], [], []>, transpose_lhs_hint = false} : vector<256x256xf32>, vector<256x13xf32>, vector<256x13xf32> -> vector<256x13xf32>
    %get3A_1943 = arith.constant 10 : index
    %get3A_1944 = arith.constant 0 : index
    %get3A_1945 = arith.constant 0 : index
    %get3A_1946 = vector.load %arg8[%get3A_1943, %get3A_1944, %get3A_1945] : memref<12x1x13xf32, #tpu.memory_space<vmem>>, vector<1x1x13xf32>
    %get3A_1947 = vector.shape_cast %get3A_1946 : vector<1x1x13xf32> to vector<1x13xf32>
    %add3A_1948 = vector.broadcast %get3A_1947 : vector<1x13xf32> to vector<256x13xf32>
    %add3A_1949 = arith.addf %dot_general3A_1942, %add3A_1948 : vector<256x13xf32>
    %swap3A_1950 = arith.constant 768 : index
    %swap3A_1951 = arith.constant 258 : index
    %swap3A_1952 = vector.load %arg10[%swap3A_1950, %swap3A_1951] : memref<1024x384xf32, #tpu.memory_space<vmem>>, vector<256x13xf32>
    tpu.vector_store %arg10[%swap3A_1950, %swap3A_1951], %add3A_1949 {strides = array<i32>} : memref<1024x384xf32, #tpu.memory_space<vmem>>, vector<256x13xf32>,
    %get3A_1953 = arith.constant 0 : index
    %get3A_1954 = arith.constant 2816 : index
    %get3A_1955 = vector.load %arg5[%get3A_1953, %get3A_1954] : memref<128x3072xf32, #tpu.memory_space<vmem>>, vector<128x256xf32>
    %dot_general3A_1956 = arith.constant dense<0.000000e+00> : vector<256x256xf32>
    %dot_general3A_1957 = tpu.matmul %add3A_1500, %get3A_1955, %dot_general3A_1956 {dimension_numbers = #tpu.dot_dimension_numbers<[1], [0], [0], [1], [0, 0, 1, 1], [], []>, transpose_lhs_hint = false} : vector<256x128xf32>, vector<128x256xf32>, vector<256x256xf32> -> vector<256x256xf32>
    %get3A_1958 = arith.constant 0 : index
    %get3A_1959 = arith.constant 2816 : index
    %get3A_1960 = vector.load %arg6[%get3A_1958, %get3A_1959] : memref<1x3072xf32, #tpu.memory_space<vmem>>, vector<1x256xf32>
    %add3A_1961 = vector.broadcast %get3A_1960 : vector<1x256xf32> to vector<256x256xf32>
    %add3A_1962 = arith.addf %dot_general3A_1957, %add3A_1961 : vector<256x256xf32>
    %mul3A_1963 = arith.constant 5.000000e-01 : f32
    %mul3A_1964 = vector.broadcast %mul3A_1963 : f32 to vector<256x256xf32>
    %mul3A_1965 = arith.mulf %mul3A_1964, %add3A_1962 : vector<256x256xf32>
    %mul3A_1966 = arith.constant 0.707106769 : f32
    %mul3A_1967 = vector.broadcast %mul3A_1966 : f32 to vector<256x256xf32>
    %mul3A_1968 = arith.mulf %add3A_1962, %mul3A_1967 : vector<256x256xf32>
    %erf3A_1969 = math.erf %mul3A_1968 : vector<256x256xf32>
    %add3A_1970 = arith.constant 1.000000e+00 : f32
    %add3A_1971 = vector.broadcast %add3A_1970 : f32 to vector<256x256xf32>
    %add3A_1972 = arith.addf %add3A_1971, %erf3A_1969 : vector<256x256xf32>
    %mul3A_1973 = arith.mulf %mul3A_1965, %add3A_1972 : vector<256x256xf32>
    %get3A_1974 = arith.constant 11 : index
    %get3A_1975 = arith.constant 0 : index
    %get3A_1976 = arith.constant 0 : index
    %get3A_1977 = vector.load %arg7[%get3A_1974, %get3A_1975, %get3A_1976] : memref<12x256x13xf32, #tpu.memory_space<vmem>>, vector<1x256x13xf32>
    %get3A_1978 = vector.shape_cast %get3A_1977 : vector<1x256x13xf32> to vector<256x13xf32>
    %dot_general3A_1979 = arith.constant dense<0.000000e+00> : vector<256x13xf32>
    %dot_general3A_1980 = tpu.matmul %mul3A_1973, %get3A_1978, %dot_general3A_1979 {dimension_numbers = #tpu.dot_dimension_numbers<[1], [0], [0], [1], [0, 0, 1, 1], [], []>, transpose_lhs_hint = false} : vector<256x256xf32>, vector<256x13xf32>, vector<256x13xf32> -> vector<256x13xf32>
    %get3A_1981 = arith.constant 11 : index
    %get3A_1982 = arith.constant 0 : index
    %get3A_1983 = arith.constant 0 : index
    %get3A_1984 = vector.load %arg8[%get3A_1981, %get3A_1982, %get3A_1983] : memref<12x1x13xf32, #tpu.memory_space<vmem>>, vector<1x1x13xf32>
    %get3A_1985 = vector.shape_cast %get3A_1984 : vector<1x1x13xf32> to vector<1x13xf32>
    %add3A_1986 = vector.broadcast %get3A_1985 : vector<1x13xf32> to vector<256x13xf32>
    %add3A_1987 = arith.addf %dot_general3A_1980, %add3A_1986 : vector<256x13xf32>
    %swap3A_1988 = arith.constant 768 : index
    %swap3A_1989 = arith.constant 271 : index
    %swap3A_1990 = vector.load %arg10[%swap3A_1988, %swap3A_1989] : memref<1024x384xf32, #tpu.memory_space<vmem>>, vector<256x13xf32>
    tpu.vector_store %arg10[%swap3A_1988, %swap3A_1989], %add3A_1987 {strides = array<i32>} : memref<1024x384xf32, #tpu.memory_space<vmem>>, vector<256x13xf32>,
    %broadcast_in_dim3A_1991 = arith.constant 0.000000e+00 : f32
    %broadcast_in_dim3A_1992 = vector.broadcast %broadcast_in_dim3A_1991 : f32 to vector<256x100xf32>
    %swap3A_1993 = arith.constant 768 : index
    %swap3A_1994 = arith.constant 284 : index
    %swap3A_1995 = vector.load %arg10[%swap3A_1993, %swap3A_1994] : memref<1024x384xf32, #tpu.memory_space<vmem>>, vector<256x100xf32>
    tpu.vector_store %arg10[%swap3A_1993, %swap3A_1994], %broadcast_in_dim3A_1992 {strides = array<i32>} : memref<1024x384xf32, #tpu.memory_space<vmem>>, vector<256x100xf32>,
    return
  }
}

</mosaic_0001>

<sc_bundles>
// kernel: kernel.5.cloned.1.call-start
scs
__scs_entry_jumppad:
0x0: {  	(pc) =	sbr.rel $0x88, $3  }
0x1: {  	(tag) =	ssettag $0x0;
	lr =	simm.s32 $0x1  }
0x2: {  	[smem:$0x3F95] =	sst lr;
	_ =	strace $0xD0000000  }
0x3: {  	_ = 	snop  }
0x4: {  	_ = 	snop  }
0x5: {  	_ = 	snop  }
0x6: {  	_ = 	snop  }
0x7: {  	_ = 	snop  }
__scs_overlays_trampoline_lowered:
0x8: {  	[smem:$0x3FA4] =	sst s0  }
0x9: {  	[smem:$0x3FA5] =	sst s1  }
0xa: {  	[smem:$0x3FA6] =	sst s2  }
0xb: {  	[smem:$0x3FA7] =	sst s3  }
0xc: {  	[smem:$0x3FA8] =	sst s4  }
0xd: {  	[smem:$0x3FA9] =	sst s5  }
0xe: {  	[smem:$0x3FAA] =	sst s6  }
0xf: {  	[smem:$0x3FAB] =	sst s7  }
0x10: {  	[smem:$0x3FAC] =	sst s8  }
0x11: {  	[smem:$0x3FAD] =	sst s9;
	s0 =	simm.s32 @!p0 $0x0  }
0x12: {  	s1 =	sld [smem:$0x3F93];
	s0 =	simm.s32 @p0 $0x1  }
0x13: {  	[smem:$0x3FAE] =	sst s0;
	s0 =	simm.s32 @!p1 $0x0  }
0x14: {  	s2 =	sld [smem:$0x3F92];
	s0 =	simm.s32 @p1 $0x1  }
0x15: {  	[smem:$0x3FAF] =	sst s0;
	s0 =	simm.s32 @!p2 $0x0  }
0x16: {  	s3 =	sld [smem:$0x3FDB];
	s0 =	simm.s32 @p2 $0x1  }
0x17: {  	s4 =	simm.s32 $0x1BF5;
	[smem:$0x3FB1] =	sst s0  }
0x18: {  	s0 =	sld [smem:$0x3F94];
	_ =	swait.ge [sflag:s4], $0x0  }
0x19: {  	s7 =	sld [smem:$0x3F95]  }
0x1a: {  	s8 =	sadd.s32 $0xFFFFE003, lr  }
0x1b: {  	s9 =	sadd.s32 $0xFFFFFEF7, lr;
	s5 =	simm.s32 $0xFFFFFFFF;
	p2 =	slt.u32 s8, $0xFFFFF086  }
0x1c: {  	p1 =	slt.u32 s9, $0xF7A;
	s5 =	simm.s32 @!p2 $0x0  }
0x1d: {  	s5 =	simm.s32 @p1 $0x1;
	p0 =	seq.s32 s7, s2  }
0x1e: {  	s7 =	smul.u32 @!p0 $0xF7A, s2;
	p2 =	seq.s32 @!p0 s5, $0x0  }
0x1f: {  	s9 =	smul.u32 $0xF7A, s1;
	s8 =	simm.s32 @!p0 $0x1BF5;
	p2 =	por !p2, p0  }
0x20: {  	[sflag:s8] =	ssyncset.s32 @!p0 $0xFFFFF086;
	s6 =	sadd.s32 @!p0 s3, s7;
	s7 =	simm.s32 @!p0 $0x108  }
0x21: {  	s3 =	sadd.s32 s3, s9;
	s6 =	sadd.s32 @!p0 $0x88, s6;
	s7 =	simm.s32 @p2 $0x1082  }
0x22: {  	[simem:s7], [sflag:s8] =	dma.local @!p0 [hbm:s6], $0xF7A  }
0x23: {  	s9 =	sor.u32 $0xD0000000, s2;
	s6 =	simm.s32 $0x108;
	_ =	swait.ge @!p0 [sflag:s8], $0x0  }
0x24: {  	s3 =	sadd.s32 $0x88, s3;
	s6 =	simm.s32 @!p1 $0x1082;
	[sflag:s4] =	ssyncset.s32 $0xFFFFF086  }
0x25: {  	[simem:s6], [sflag:s4] =	dma.local [hbm:s3], $0xF7A  }
0x26: {  	[smem:$0x3F95] =	sst s1;
	(tag) =	ssettag s2;
	_ =	strace s9  }
0x27: {  	s1 =	sld [smem:$0x3FA5]  }
0x28: {  	s2 =	sld [smem:$0x3FA6]  }
0x29: {  	s4 =	sld [smem:$0x3FA8]  }
0x2a: {  	p0 =	seq.s32 s5, $0x0;
	s5 =	sld [smem:$0x3FA9]  }
0x2b: {  	s6 =	sld [smem:$0x3FAA]  }
0x2c: {  	s7 =	sld [smem:$0x3FAB]  }
0x2d: {  	s3 =	simm.s32 $0x108;
	s8 =	sld [smem:$0x3FAC]  }
0x2e: {  	s3 =	simm.s32 @!p0 $0x1082;
	s9 =	sld [smem:$0x3FAD]  }
0x2f: {  	lr =	sadd.s32 s0, s3;
	s0 =	sld [smem:$0x3FA4]  }
0x30: {  	s3 =	sld [smem:$0x3FA7]  }
0x31: {  	[smem:$0x3FB0] =	sst s10  }
0x32: {  	s10 =	sld [smem:$0x3FAE];
	_ =	sdelay $0x3  }
0x33: {  	p0 =	seq.s32 s10, $0x1;
	s10 =	sld [smem:$0x3FB0];
	_ =	sdelay $0x3  }
0x34: {  	[smem:$0x3FB0] =	sst s10  }
0x35: {  	s10 =	sld [smem:$0x3FAF];
	_ =	sdelay $0x3  }
0x36: {  	p1 =	seq.s32 s10, $0x1;
	s10 =	sld [smem:$0x3FB0];
	_ =	sdelay $0x3  }
0x37: {  	[smem:$0x3FB0] =	sst s10  }
0x38: {  	s10 =	sld [smem:$0x3FB1]  }
0x39: {  	_ = 	snop;
	(pc) =	sbr.ind lr, $3  }
0x3a: {  	_ = 	snop  }
0x3b: {  	_ = 	snop  }
0x3c: {  	p2 =	seq.s32 s10, $0x1;
	s10 =	sld [smem:$0x3FB0]  }
0x3d: {  	_ =	shalt  }
0x3e: {  	_ =	shalt  }
0x3f: {  	_ =	shalt  }
0x40: {  	_ =	shalt  }
0x41: {  	_ =	shalt  }
0x42: {  	_ =	shalt  }
0x43: {  	_ =	shalt  }
0x44: {  	_ =	shalt  }
0x45: {  	_ =	shalt  }
0x46: {  	_ =	shalt  }
0x47: {  	_ =	shalt  }
0x48: {  	_ =	shalt  }
0x49: {  	_ =	shalt  }
0x4a: {  	_ =	shalt  }
0x4b: {  	_ =	shalt  }
0x4c: {  	_ =	shalt  }
0x4d: {  	_ =	shalt  }
0x4e: {  	_ =	shalt  }
0x4f: {  	_ =	shalt  }
0x50: {  	_ =	shalt  }
0x51: {  	_ =	shalt  }
0x52: {  	_ =	shalt  }
0x53: {  	_ =	shalt  }
0x54: {  	_ =	shalt  }
0x55: {  	_ =	shalt  }
0x56: {  	_ =	shalt  }
0x57: {  	_ =	shalt  }
0x58: {  	_ =	shalt  }
0x59: {  	_ =	shalt  }
0x5a: {  	_ =	shalt  }
0x5b: {  	_ =	shalt  }
0x5c: {  	_ =	shalt  }
0x5d: {  	_ =	shalt  }
0x5e: {  	_ =	shalt  }
0x5f: {  	_ =	shalt  }
0x60: {  	_ =	shalt  }
0x61: {  	_ =	shalt  }
0x62: {  	_ =	shalt  }
0x63: {  	_ =	shalt  }
0x64: {  	_ =	shalt  }
0x65: {  	_ =	shalt  }
0x66: {  	_ =	shalt  }
0x67: {  	_ =	shalt  }
0x68: {  	_ =	shalt  }
0x69: {  	_ =	shalt  }
0x6a: {  	_ =	shalt  }
0x6b: {  	_ =	shalt  }
0x6c: {  	_ =	shalt  }
0x6d: {  	_ =	shalt  }
0x6e: {  	_ =	shalt  }
0x6f: {  	_ =	shalt  }
0x70: {  	_ =	shalt  }
0x71: {  	_ =	shalt  }
0x72: {  	_ =	shalt  }
0x73: {  	_ =	shalt  }
0x74: {  	_ =	shalt  }
0x75: {  	_ =	shalt  }
0x76: {  	_ =	shalt  }
0x77: {  	_ =	shalt  }
0x78: {  	_ =	shalt  }
0x79: {  	_ =	shalt  }
0x7a: {  	_ =	shalt  }
0x7b: {  	_ =	shalt  }
0x7c: {  	_ =	shalt  }
0x7d: {  	_ =	shalt  }
0x7e: {  	_ =	shalt  }
0x7f: {  	_ =	shalt  }
0x80: {  	_ =	shalt  }
0x81: {  	_ =	shalt  }
0x82: {  	_ =	shalt  }
0x83: {  	_ =	shalt  }
0x84: {  	_ =	shalt  }
0x85: {  	_ =	shalt  }
0x86: {  	_ =	shalt  }
0x87: {  	_ =	shalt  }
.Lfunc_end0:
.L_simem_size_0:
called_computation_lowered:
.L_overlay_start_0:
0x88: {  	s2 =	sld [smem:$0x3FD9]  }
0x89: {  	s3 =	sld [smem:$0x3FFE];
	_ =	sdelay $0x1  }
0x8a: {  	s1 =	srdreg.scid  }
0x8b: {  	s0 =	sand.u32 $0x1, s1  }
0x8c: {  	s16 =	sshll.u32 s0, $0xA;
	s2 =	sadd.s32 s3, s2  }
0x8d: {  	s2 =	sadd.s32 s2, s16  }
0x8e: {  	[smem:$0x3FBC] =	sst s2  }
0x8f: {  	_ = 	snop  }
0x90: {  	(tm) =	ssettm $0x1  }
0x91: {  	s17 =	sld [smem:$0x3FFB];
	_ =	sdelay $0x3  }
0x92: {  	_ =	strace s17  }
0x93: {  	s2 =	sld [smem:$0x3FFC];
	_ =	sdelay $0x3  }
0x94: {  	_ =	strace s2  }
0x95: {  	s2 =	sld [smem:$0x3FFD];
	_ =	sdelay $0x3  }
0x96: {  	_ =	strace s2  }
0x97: {  	_ =	strace $0x8FFFFFFF  }
0x98: {  	s18 =	sld [smem:$0x3FDB];
	_ =	sdelay $0x1  }
0x99: {  	s19 =	simm.s32 $_scs_section_size  }
0x9a: {  	s4 =	simm.s32 $_size__tile_overlayer_lowered;
	s5 =	simm.s32 $_tile_overlayer_lowered  }
0x9b: {  	s22 =	simm.s32 $0x1BFF;
	s21 =	sshll.u32 s5, $0x1;
	s2 =	sadd.s32 s19, s18  }
0x9c: {  	s6 =	simm.s32 $0x0;
	s20 =	sshll.u32 s4, $0x1;
	s4 =	sadd.s32 s21, s2  }
0x9d: {  	[timem:s6], [sflag:s22] =	dma.local [hbm:s4], s20  }
0x9e: {  	_ =	swait.ge [sflag:s22], s20  }
0x9f: {  	s3 =	ssub.s32 $0x0, s20;
	[sflag:s22] =	ssyncset.done $0x0  }
0xa0: {  	[sflag:s22] =	ssyncadd.s32 s3;
	_ =	sdelay $0x1  }
0xa1: {  	s23 =	simm.s32 $0x1B8B  }
0xa2: {  	_ =	swait.ge [sflag:s23], $0x1  }
0xa3: {  	[sflag:s23] =	ssyncset.done $0x0  }
0xa4: {  	s25 =	simm.s32 $0x1B8E;
	s24 =	sld [smem:$0x3FFE];
	[sflag:s23] =	ssyncadd.s32 $0xFFFFFFFF  }
0xa5: {  	s26 =	simm.s32 $execute0_lowered;
	[smem:$0x3FD2] =	sst s25  }
0xa6: {  	s4 =	sshll.u32 s26, $0x1;
	_ =	strace $0x80000046;
	[dreg:$0x1] =	wrdreg $0xFFFFFFFF  }
0xa7: {  	s28 =	simm.s32 $_size_execute0_lowered;
	s2 =	sadd.s32 s2, s4;
	[dreg:$0x0] =	wrdreg $0x0  }
0xa8: {  	s4 =	sshll.u32 s28, $0x1;
	[dreg:$0x2] =	wrdreg s2  }
0xa9: {  	[dreg:$0x3] =	wrdreg s4  }
0xaa: {  	[dreg:$0x4] =	wrdreg $0xC0  }
0xab: {  	_ =	task [dreg:s6], $0x5FFFF  }
0xac: {  	[dreg:$0x1] =	wrdreg $0xFFFFFFFF  }
0xad: {  	[dreg:$0x0] =	wrdreg $0x60  }
0xae: {  	[dreg:$0x2] =	wrdreg s24  }
0xaf: {  	[dreg:$0x3] =	wrdreg $0x9  }
0xb0: {  	_ =	task.clear_ibuf [dreg:s6], $0x4FFFF;
	_ =	strace $0x90000046  }
0xb1: {  	s29 =	simm.s32 $0x9;
	_ =	strace $0x80000048  }
0xb2: {  	_ =	swait.ge [sflag:s29], $0x1  }
0xb3: {  	[sflag:s29] =	ssyncadd.s32 $0xFFFFFFFF  }
0xb4: {  	_ =	strace $0x90000048  }
0xb5: {  	_ =	sfence  }
0xb6: {  	s30 =	sld [smem:$0x0];
	_ =	sdelay $0x2  }
0xb7: {  	s31 =	sshll.u32 s1, $0xD;
	s1 =	sshrl.u32 s1, $0x2  }
0xb8: {  	s3 =	sand.u32 $0x4000, s31;
	s1 =	sadd.s32 s1, s30  }
0xb9: {  	s0 =	sor.u32 s3, s0;
	s1 =	sshll.u32 s1, $0x11  }
0xba: {  	s0 =	sor.u32 s1, s0  }
0xbb: {  	s0 =	sadd.s32 $0x8F2B, s0  }
0xbc: {  	[sflag:s0] =	ssyncadd.remote.s32 $0x1  }
0xbd: {  	_ =	sfence.sel $0xFFFF  }
0xbe: {  	[dreg:$0x0] =	wrdreg $0xFFFFFFFF;
	(pc) =	sbr.abs _section_cstart, $3  }
0xbf: {  	[dreg:$0x1] =	wrdreg $0xFFFFFFFF  }
0xc0: {  	_ =	task.clear_ibuf [dreg:s6], $0x2FFFF;
	_ =	strace $0x9FFFFFFF  }
0xc1: {  	(tm) =	ssettm $0x7FFFFFFF  }
tec
execute0_lowered:
.L_overlay_start_1:
0x0: {  	(tag) =	ssettag $0x1  }
0x1: {  	s0 =	rddreg [dreg:$0x0];
	s2 =	simm.s32 $0x0  }
0x2: {  	s1 =	srdreg.scid;
	s3 =	stileid.u32;
	s14 =	simm.s32 $0x1  }
0x3: {  	[smem:$0x7FF] =	sst s2;
	s1 =	sand.u32 $0x1, s1;
	s4 =	sshll.u32 s3, $0x7  }
0x4: {  	s3 =	sadd.s32 $0x2600, s0;
	s6 =	sadd.s32 $0x1E00, s0;
	s5 =	sshll.u32 s1, $0x6  }
0x5: {  	s21 =	sadd.s32 $0xE600, s0;
	s1 =	ssub.s32 $0x2, s1;
	s4 =	sor.u32 s5, s4  }
0x6: {  	_ =	strace $0x80000047;
	s8 =	sshrl.u32 s1, $0x1;
	s7 =	smul.u32 $0x180, s4  }
0x7: {  	s9 =	sadd.s32 s6, s4;
	s10 =	sor.u32 $0x10, s4;
	s24 =	sor.u32 $0x20, s4  }
0x8: {  	s4 =	sor.u32 $0x30, s4;
	[dreg:$0x2] =	wrdreg s9;
	s23 =	sadd.s32 s6, s10  }
0x9: {  	s1 =	ssub.s32 s1, s8;
	s28 =	sadd.s32 s6, s24;
	[dreg:$0x4] =	wrdreg s23  }
0xa: {  	s22 =	smul.u32 $0x180, s10;
	s6 =	sadd.s32 s6, s4;
	[dreg:$0x6] =	wrdreg s28  }
0xb: {  	s26 =	smul.u32 $0x180, s24;
	s7 =	sadd.s32 s21, s7;
	[dreg:$0x8] =	wrdreg s6  }
0xc: {  	s30 =	smul.u32 $0x180, s4;
	[dreg:$0x3] =	wrdreg s7;
	s25 =	sadd.s32 s21, s22  }
0xd: {  	v2 =	vlaneseq.u32;
	s4 =	sadd.s32 $0x2700, s0;
	s29 =	sadd.s32 s21, s26;
	[dreg:$0x5] =	wrdreg s25  }
0xe: {  	vm0 =	vmmov $0xffff;
	vm1 =	vmmov $0xff;
	v1 =	vshrl.u32 v2, $0x3;
	s5 =	smax.u32 s1, $0x1;
	s31 =	sadd.s32 s21, s30;
	[dreg:$0x7] =	wrdreg s29  }
0xf: {  	v0 =	vand.u32 $0x7, v2;
	v2 =	vor.u32 $0x8, v2;
	v1 =	vmul.u32 $0x8, v1;
	s6 =	simm.s32 $0x2;
	[dreg:$0x9] =	wrdreg s31;
	s25 =	simm.s32 $0x80  }
.LBB2_1:
0x10: {  	s15 =	rddreg [dreg:$0x2]  }
0x11: {  	[tilespmem:s2], [sflag:$0x2] =	stream.linear.gather [hbm4b:s15+s2], $0x80, $0x38;
	[tilespmem:$0xC080] =	vst v63  }
0x12: {  	_ =	swait.ge [sflag:s6], $0x80  }
0x13: {  	[sflag:s6] =	ssyncset.done $0x0  }
0x14: {  	[sflag:s6] =	ssyncadd.s32 $0xFFFFFF80  }
0x15: {  	v3 =	vld [tilespmem:$0x0];
	_ =	sdelay $0x4  }
0x16: {  	v4 =	vshrl.u32 v3, $0x3  }
0x17: {  	v4 =	vmul.u32 $0x18, v4  }
0x18: {  	v3 =	vand.u32 $0x7, v3  }
0x19: {  	v3 =	vor.u32 v3, v4  }
0x1a: {  	v4 =	vperm.xlane v3, v0;
	_ =	sdelay $0x1  }
0x1b: {  	v4 =	vadd.s32 v1, v4;
	_ =	sdelay $0x1  }
0x1c: {  	v3 =	vperm.xlane v3, v2;
	_ =	sdelay $0x1  }
0x1d: {  	v3 =	vadd.s32 v1, v3  }
0x1e: {  	[tilespmem:s25], [sflag:$0x1] =	stream.indirect_vreg.gather [hbm4b:s3+s2], $0x80, v4, vm0, $0xb8;
	[tilespmem:$0xC080] =	vst v63  }
0x1f: {  	s0 =	simm.s32 $0x880  }
0x20: {  	[tilespmem:s0], [sflag:$0x1] =	stream.indirect_vreg.gather [hbm4b:s4+s2], $0x80, v4, vm1, $0xb8;
	[tilespmem:$0xC080] =	vst v63  }
0x21: {  	s7 =	simm.s32 $0xC80  }
0x22: {  	[tilespmem:s7], [sflag:$0x1] =	stream.indirect_vreg.gather [hbm4b:s3+s2], $0x80, v3, vm0, $0xb8;
	[tilespmem:$0xC080] =	vst v63  }
0x23: {  	s8 =	simm.s32 $0x1480  }
0x24: {  	[tilespmem:s8], [sflag:$0x1] =	stream.indirect_vreg.gather [hbm4b:s4+s2], $0x80, v3, vm1, $0xb8;
	[tilespmem:$0xC080] =	vst v63  }
0x25: {  	v3 =	vld [tilespmem:$0x10];
	_ =	sdelay $0x4  }
0x26: {  	v33 =	vshrl.u32 v3, $0x3  }
0x27: {  	v4 =	vmul.u32 $0x18, v33  }
0x28: {  	v3 =	vand.u32 $0x7, v3  }
0x29: {  	v3 =	vor.u32 v3, v4  }
0x2a: {  	v4 =	vperm.xlane v3, v0;
	_ =	sdelay $0x1  }
0x2b: {  	v4 =	vadd.s32 v1, v4;
	_ =	sdelay $0x1  }
0x2c: {  	v3 =	vperm.xlane v3, v2;
	_ =	sdelay $0x1  }
0x2d: {  	s9 =	simm.s32 $0x1880;
	v3 =	vadd.s32 v1, v3  }
0x2e: {  	[tilespmem:s9], [sflag:$0x1] =	stream.indirect_vreg.gather [hbm4b:s3+s2], $0x80, v4, vm0, $0xb8;
	[tilespmem:$0xC080] =	vst v63  }
0x2f: {  	s10 =	simm.s32 $0x2080  }
0x30: {  	[tilespmem:s10], [sflag:$0x1] =	stream.indirect_vreg.gather [hbm4b:s4+s2], $0x80, v4, vm1, $0xb8;
	[tilespmem:$0xC080] =	vst v63  }
0x31: {  	s11 =	simm.s32 $0x2480  }
0x32: {  	[tilespmem:s11], [sflag:$0x1] =	stream.indirect_vreg.gather [hbm4b:s3+s2], $0x80, v3, vm0, $0xb8;
	[tilespmem:$0xC080] =	vst v63  }
0x33: {  	s12 =	simm.s32 $0x2C80  }
0x34: {  	[tilespmem:s12], [sflag:$0x1] =	stream.indirect_vreg.gather [hbm4b:s4+s2], $0x80, v3, vm1, $0xb8;
	[tilespmem:$0xC080] =	vst v63  }
0x35: {  	v3 =	vld [tilespmem:$0x20];
	_ =	sdelay $0x4  }
0x36: {  	v34 =	vshrl.u32 v3, $0x3  }
0x37: {  	v4 =	vmul.u32 $0x18, v34  }
0x38: {  	v3 =	vand.u32 $0x7, v3  }
0x39: {  	v3 =	vor.u32 v3, v4  }
0x3a: {  	v4 =	vperm.xlane v3, v0;
	_ =	sdelay $0x1  }
0x3b: {  	v4 =	vadd.s32 v1, v4;
	_ =	sdelay $0x1  }
0x3c: {  	v3 =	vperm.xlane v3, v2;
	_ =	sdelay $0x1  }
0x3d: {  	s13 =	simm.s32 $0x3080;
	v3 =	vadd.s32 v1, v3  }
0x3e: {  	[tilespmem:s13], [sflag:$0x1] =	stream.indirect_vreg.gather [hbm4b:s3+s2], $0x80, v4, vm0, $0xb8;
	[tilespmem:$0xC080] =	vst v63  }
0x3f: {  	s15 =	simm.s32 $0x3880  }
0x40: {  	[tilespmem:s15], [sflag:$0x1] =	stream.indirect_vreg.gather [hbm4b:s4+s2], $0x80, v4, vm1, $0xb8;
	[tilespmem:$0xC080] =	vst v63  }
0x41: {  	s16 =	simm.s32 $0x3C80  }
0x42: {  	[tilespmem:s16], [sflag:$0x1] =	stream.indirect_vreg.gather [hbm4b:s3+s2], $0x80, v3, vm0, $0xb8;
	[tilespmem:$0xC080] =	vst v63  }
0x43: {  	s17 =	simm.s32 $0x4480  }
0x44: {  	[tilespmem:s17], [sflag:$0x1] =	stream.indirect_vreg.gather [hbm4b:s4+s2], $0x80, v3, vm1, $0xb8;
	[tilespmem:$0xC080] =	vst v63  }
0x45: {  	v3 =	vld [tilespmem:$0x30];
	_ =	sdelay $0x4  }
0x46: {  	v35 =	vshrl.u32 v3, $0x3  }
0x47: {  	v4 =	vmul.u32 $0x18, v35  }
0x48: {  	v3 =	vand.u32 $0x7, v3  }
0x49: {  	v3 =	vor.u32 v3, v4  }
0x4a: {  	v4 =	vperm.xlane v3, v0;
	_ =	sdelay $0x1  }
0x4b: {  	v4 =	vadd.s32 v1, v4;
	_ =	sdelay $0x1  }
0x4c: {  	v3 =	vperm.xlane v3, v2;
	_ =	sdelay $0x1  }
0x4d: {  	s18 =	simm.s32 $0x4880;
	v3 =	vadd.s32 v1, v3  }
0x4e: {  	[tilespmem:s18], [sflag:$0x1] =	stream.indirect_vreg.gather [hbm4b:s3+s2], $0x80, v4, vm0, $0xb8;
	[tilespmem:$0xC080] =	vst v63  }
0x4f: {  	s19 =	simm.s32 $0x5080  }
0x50: {  	[tilespmem:s19], [sflag:$0x1] =	stream.indirect_vreg.gather [hbm4b:s4+s2], $0x80, v4, vm1, $0xb8;
	[tilespmem:$0xC080] =	vst v63  }
0x51: {  	s20 =	simm.s32 $0x5480  }
0x52: {  	[tilespmem:s20], [sflag:$0x1] =	stream.indirect_vreg.gather [hbm4b:s3+s2], $0x80, v3, vm0, $0xb8;
	[tilespmem:$0xC080] =	vst v63  }
0x53: {  	s21 =	simm.s32 $0x5C80  }
0x54: {  	[tilespmem:s21], [sflag:$0x1] =	stream.indirect_vreg.gather [hbm4b:s4+s2], $0x80, v3, vm1, $0xb8;
	[tilespmem:$0xC080] =	vst v63  }
0x55: {  	v3 =	vld [tilespmem:$0x40];
	_ =	sdelay $0x4  }
0x56: {  	v36 =	vshrl.u32 v3, $0x3  }
0x57: {  	v4 =	vmul.u32 $0x18, v36  }
0x58: {  	v3 =	vand.u32 $0x7, v3  }
0x59: {  	v3 =	vor.u32 v3, v4  }
0x5a: {  	v4 =	vperm.xlane v3, v0;
	_ =	sdelay $0x1  }
0x5b: {  	v4 =	vadd.s32 v1, v4;
	_ =	sdelay $0x1  }
0x5c: {  	v3 =	vperm.xlane v3, v2;
	_ =	sdelay $0x1  }
0x5d: {  	s22 =	simm.s32 $0x6080;
	v3 =	vadd.s32 v1, v3  }
0x5e: {  	[tilespmem:s22], [sflag:$0x1] =	stream.indirect_vreg.gather [hbm4b:s3+s2], $0x80, v4, vm0, $0xb8;
	[tilespmem:$0xC080] =	vst v63  }
0x5f: {  	s23 =	simm.s32 $0x6880  }
0x60: {  	[tilespmem:s23], [sflag:$0x1] =	stream.indirect_vreg.gather [hbm4b:s4+s2], $0x80, v4, vm1, $0xb8;
	[tilespmem:$0xC080] =	vst v63  }
0x61: {  	s24 =	simm.s32 $0x6C80  }
0x62: {  	[tilespmem:s24], [sflag:$0x1] =	stream.indirect_vreg.gather [hbm4b:s3+s2], $0x80, v3, vm0, $0xb8;
	[tilespmem:$0xC080] =	vst v63  }
0x63: {  	s26 =	simm.s32 $0x7480  }
0x64: {  	[tilespmem:s26], [sflag:$0x1] =	stream.indirect_vreg.gather [hbm4b:s4+s2], $0x80, v3, vm1, $0xb8;
	[tilespmem:$0xC080] =	vst v63  }
0x65: {  	v3 =	vld [tilespmem:$0x50];
	_ =	sdelay $0x4  }
0x66: {  	v37 =	vshrl.u32 v3, $0x3  }
0x67: {  	v4 =	vmul.u32 $0x18, v37  }
0x68: {  	v3 =	vand.u32 $0x7, v3  }
0x69: {  	v3 =	vor.u32 v3, v4  }
0x6a: {  	v4 =	vperm.xlane v3, v0;
	_ =	sdelay $0x1  }
0x6b: {  	v4 =	vadd.s32 v1, v4;
	_ =	sdelay $0x1  }
0x6c: {  	v3 =	vperm.xlane v3, v2;
	_ =	sdelay $0x1  }
0x6d: {  	s28 =	simm.s32 $0x7880;
	v3 =	vadd.s32 v1, v3  }
0x6e: {  	[tilespmem:s28], [sflag:$0x1] =	stream.indirect_vreg.gather [hbm4b:s3+s2], $0x80, v4, vm0, $0xb8;
	[tilespmem:$0xC080] =	vst v63  }
0x6f: {  	s29 =	simm.s32 $0x8080  }
0x70: {  	[tilespmem:s29], [sflag:$0x1] =	stream.indirect_vreg.gather [hbm4b:s4+s2], $0x80, v4, vm1, $0xb8;
	[tilespmem:$0xC080] =	vst v63  }
0x71: {  	s30 =	simm.s32 $0x8480  }
0x72: {  	[tilespmem:s30], [sflag:$0x1] =	stream.indirect_vreg.gather [hbm4b:s3+s2], $0x80, v3, vm0, $0xb8;
	[tilespmem:$0xC080] =	vst v63  }
0x73: {  	s31 =	simm.s32 $0x8C80  }
0x74: {  	[tilespmem:s31], [sflag:$0x1] =	stream.indirect_vreg.gather [hbm4b:s4+s2], $0x80, v3, vm1, $0xb8;
	[tilespmem:$0xC080] =	vst v63  }
0x75: {  	v3 =	vld [tilespmem:$0x60];
	_ =	sdelay $0x4  }
0x76: {  	v38 =	vshrl.u32 v3, $0x3  }
0x77: {  	v4 =	vmul.u32 $0x18, v38  }
0x78: {  	v3 =	vand.u32 $0x7, v3  }
0x79: {  	v3 =	vor.u32 v3, v4  }
0x7a: {  	v4 =	vperm.xlane v3, v0;
	_ =	sdelay $0x1  }
0x7b: {  	v4 =	vadd.s32 v1, v4;
	_ =	sdelay $0x1  }
0x7c: {  	v3 =	vperm.xlane v3, v2;
	_ =	sdelay $0x1  }
0x7d: {  	s0 =	simm.s32 $0x9080;
	v3 =	vadd.s32 v1, v3  }
0x7e: {  	[tilespmem:s0], [sflag:$0x1] =	stream.indirect_vreg.gather [hbm4b:s3+s2], $0x80, v4, vm0, $0xb8;
	[tilespmem:$0xC080] =	vst v63  }
0x7f: {  	s13 =	simm.s32 $0x9880  }
0x80: {  	[tilespmem:s13], [sflag:$0x1] =	stream.indirect_vreg.gather [hbm4b:s4+s2], $0x80, v4, vm1, $0xb8;
	[tilespmem:$0xC080] =	vst v63  }
0x81: {  	s16 =	simm.s32 $0x9C80  }
0x82: {  	[tilespmem:s16], [sflag:$0x1] =	stream.indirect_vreg.gather [hbm4b:s3+s2], $0x80, v3, vm0, $0xb8;
	[tilespmem:$0xC080] =	vst v63  }
0x83: {  	s17 =	simm.s32 $0xA480  }
0x84: {  	[tilespmem:s17], [sflag:$0x1] =	stream.indirect_vreg.gather [hbm4b:s4+s2], $0x80, v3, vm1, $0xb8;
	[tilespmem:$0xC080] =	vst v63  }
0x85: {  	v3 =	vld [tilespmem:$0x70];
	_ =	sdelay $0x4  }
0x86: {  	v39 =	vshrl.u32 v3, $0x3  }
0x87: {  	v4 =	vmul.u32 $0x18, v39  }
0x88: {  	v3 =	vand.u32 $0x7, v3  }
0x89: {  	v3 =	vor.u32 v3, v4  }
0x8a: {  	v4 =	vperm.xlane v3, v0;
	_ =	sdelay $0x1  }
0x8b: {  	v4 =	vadd.s32 v1, v4;
	_ =	sdelay $0x1  }
0x8c: {  	v3 =	vperm.xlane v3, v2;
	_ =	sdelay $0x1  }
0x8d: {  	s18 =	simm.s32 $0xA880;
	v3 =	vadd.s32 v1, v3  }
0x8e: {  	[tilespmem:s18], [sflag:$0x1] =	stream.indirect_vreg.gather [hbm4b:s3+s2], $0x80, v4, vm0, $0xb8;
	[tilespmem:$0xC080] =	vst v63  }
0x8f: {  	s19 =	simm.s32 $0xB080  }
0x90: {  	[tilespmem:s19], [sflag:$0x1] =	stream.indirect_vreg.gather [hbm4b:s4+s2], $0x80, v4, vm1, $0xb8;
	[tilespmem:$0xC080] =	vst v63  }
0x91: {  	s20 =	simm.s32 $0xB480  }
0x92: {  	[tilespmem:s20], [sflag:$0x1] =	stream.indirect_vreg.gather [hbm4b:s3+s2], $0x80, v3, vm0, $0xb8;
	[tilespmem:$0xC080] =	vst v63  }
0x93: {  	s21 =	simm.s32 $0xBC80  }
0x94: {  	[tilespmem:s21], [sflag:$0x1] =	stream.indirect_vreg.gather [hbm4b:s4+s2], $0x80, v3, vm1, $0xb8;
	[tilespmem:$0xC080] =	vst v63  }
0x95: {  	_ =	swait.ge [sflag:s14], $0xC000  }
0x96: {  	[sflag:s14] =	ssyncset.done $0x0  }
0x97: {  	s24 =	rddreg [dreg:$0x3];
	[sflag:s14] =	ssyncadd.s32 $0xFFFF4000  }
0x98: {  	[hbm4b:s24+s2] =	stream.linear.scatter [tilespmem:s25], [sflag:$0x2], $0xC000, $0x38;
	[tilespmem:$0xC080] =	vst v63  }
0x99: {  	_ =	swait.ge [sflag:s6], $0xC000  }
0x9a: {  	[sflag:s6] =	ssyncset.done $0x0  }
0x9b: {  	s26 =	rddreg [dreg:$0x4];
	[sflag:s6] =	ssyncadd.s32 $0xFFFF4000  }
0x9c: {  	[tilespmem:s2], [sflag:$0x2] =	stream.linear.gather [hbm4b:s26+s2], $0x80, $0x38;
	[tilespmem:$0xC080] =	vst v63  }
0x9d: {  	_ =	swait.ge [sflag:s6], $0x80  }
0x9e: {  	[sflag:s6] =	ssyncset.done $0x0  }
0x9f: {  	[sflag:s6] =	ssyncadd.s32 $0xFFFFFF80  }
0xa0: {  	v3 =	vld [tilespmem:$0x0];
	_ =	sdelay $0x4  }
0xa1: {  	v40 =	vshrl.u32 v3, $0x3  }
0xa2: {  	v4 =	vmul.u32 $0x18, v40  }
0xa3: {  	v3 =	vand.u32 $0x7, v3  }
0xa4: {  	v3 =	vor.u32 v3, v4  }
0xa5: {  	v4 =	vperm.xlane v3, v0;
	_ =	sdelay $0x1  }
0xa6: {  	v4 =	vadd.s32 v1, v4;
	_ =	sdelay $0x1  }
0xa7: {  	v3 =	vperm.xlane v3, v2;
	_ =	sdelay $0x1  }
0xa8: {  	v3 =	vadd.s32 v1, v3  }
0xa9: {  	[tilespmem:s25], [sflag:$0x1] =	stream.indirect_vreg.gather [hbm4b:s3+s2], $0x80, v4, vm0, $0xb8;
	[tilespmem:$0xC080] =	vst v63  }
0xaa: {  	s1 =	simm.s32 $0x880  }
0xab: {  	[tilespmem:s1], [sflag:$0x1] =	stream.indirect_vreg.gather [hbm4b:s4+s2], $0x80, v4, vm1, $0xb8;
	[tilespmem:$0xC080] =	vst v63  }
0xac: {  	s7 =	simm.s32 $0xC80  }
0xad: {  	[tilespmem:s7], [sflag:$0x1] =	stream.indirect_vreg.gather [hbm4b:s3+s2], $0x80, v3, vm0, $0xb8;
	[tilespmem:$0xC080] =	vst v63  }
0xae: {  	s16 =	simm.s32 $0x1480  }
0xaf: {  	[tilespmem:s16], [sflag:$0x1] =	stream.indirect_vreg.gather [hbm4b:s4+s2], $0x80, v3, vm1, $0xb8;
	[tilespmem:$0xC080] =	vst v63  }
0xb0: {  	v3 =	vld [tilespmem:$0x10];
	_ =	sdelay $0x4  }
0xb1: {  	v41 =	vshrl.u32 v3, $0x3  }
0xb2: {  	v4 =	vmul.u32 $0x18, v41  }
0xb3: {  	v3 =	vand.u32 $0x7, v3  }
0xb4: {  	v3 =	vor.u32 v3, v4  }
0xb5: {  	v4 =	vperm.xlane v3, v0;
	_ =	sdelay $0x1  }
0xb6: {  	v4 =	vadd.s32 v1, v4;
	_ =	sdelay $0x1  }
0xb7: {  	v3 =	vperm.xlane v3, v2;
	_ =	sdelay $0x1  }
0xb8: {  	s8 =	simm.s32 $0x1880;
	v3 =	vadd.s32 v1, v3  }
0xb9: {  	[tilespmem:s8], [sflag:$0x1] =	stream.indirect_vreg.gather [hbm4b:s3+s2], $0x80, v4, vm0, $0xb8;
	[tilespmem:$0xC080] =	vst v63  }
0xba: {  	s9 =	simm.s32 $0x2080  }
0xbb: {  	[tilespmem:s9], [sflag:$0x1] =	stream.indirect_vreg.gather [hbm4b:s4+s2], $0x80, v4, vm1, $0xb8;
	[tilespmem:$0xC080] =	vst v63  }
0xbc: {  	s10 =	simm.s32 $0x2480  }
0xbd: {  	[tilespmem:s10], [sflag:$0x1] =	stream.indirect_vreg.gather [hbm4b:s3+s2], $0x80, v3, vm0, $0xb8;
	[tilespmem:$0xC080] =	vst v63  }
0xbe: {  	s12 =	simm.s32 $0x2C80  }
0xbf: {  	[tilespmem:s12], [sflag:$0x1] =	stream.indirect_vreg.gather [hbm4b:s4+s2], $0x80, v3, vm1, $0xb8;
	[tilespmem:$0xC080] =	vst v63  }
0xc0: {  	v3 =	vld [tilespmem:$0x20];
	_ =	sdelay $0x4  }
0xc1: {  	v42 =	vshrl.u32 v3, $0x3  }
0xc2: {  	v4 =	vmul.u32 $0x18, v42  }
0xc3: {  	v3 =	vand.u32 $0x7, v3  }
0xc4: {  	v3 =	vor.u32 v3, v4  }
0xc5: {  	v4 =	vperm.xlane v3, v0;
	_ =	sdelay $0x1  }
0xc6: {  	v4 =	vadd.s32 v1, v4;
	_ =	sdelay $0x1  }
0xc7: {  	v3 =	vperm.xlane v3, v2;
	_ =	sdelay $0x1  }
0xc8: {  	s11 =	simm.s32 $0x3080;
	v3 =	vadd.s32 v1, v3  }
0xc9: {  	[tilespmem:s11], [sflag:$0x1] =	stream.indirect_vreg.gather [hbm4b:s3+s2], $0x80, v4, vm0, $0xb8;
	[tilespmem:$0xC080] =	vst v63  }
0xca: {  	s24 =	simm.s32 $0x3880  }
0xcb: {  	[tilespmem:s24], [sflag:$0x1] =	stream.indirect_vreg.gather [hbm4b:s4+s2], $0x80, v4, vm1, $0xb8;
	[tilespmem:$0xC080] =	vst v63  }
0xcc: {  	s12 =	simm.s32 $0x3C80  }
0xcd: {  	[tilespmem:s12], [sflag:$0x1] =	stream.indirect_vreg.gather [hbm4b:s3+s2], $0x80, v3, vm0, $0xb8;
	[tilespmem:$0xC080] =	vst v63  }
0xce: {  	s13 =	simm.s32 $0x4480  }
0xcf: {  	[tilespmem:s13], [sflag:$0x1] =	stream.indirect_vreg.gather [hbm4b:s4+s2], $0x80, v3, vm1, $0xb8;
	[tilespmem:$0xC080] =	vst v63  }
0xd0: {  	v3 =	vld [tilespmem:$0x30];
	_ =	sdelay $0x4  }
0xd1: {  	v43 =	vshrl.u32 v3, $0x3  }
0xd2: {  	v4 =	vmul.u32 $0x18, v43  }
0xd3: {  	v3 =	vand.u32 $0x7, v3  }
0xd4: {  	v3 =	vor.u32 v3, v4  }
0xd5: {  	v4 =	vperm.xlane v3, v0;
	_ =	sdelay $0x1  }
0xd6: {  	v4 =	vadd.s32 v1, v4;
	_ =	sdelay $0x1  }
0xd7: {  	v3 =	vperm.xlane v3, v2;
	_ =	sdelay $0x1  }
0xd8: {  	s17 =	simm.s32 $0x4880;
	v3 =	vadd.s32 v1, v3  }
0xd9: {  	[tilespmem:s17], [sflag:$0x1] =	stream.indirect_vreg.gather [hbm4b:s3+s2], $0x80, v4, vm0, $0xb8;
	[tilespmem:$0xC080] =	vst v63  }
0xda: {  	s18 =	simm.s32 $0x5080  }
0xdb: {  	[tilespmem:s18], [sflag:$0x1] =	stream.indirect_vreg.gather [hbm4b:s4+s2], $0x80, v4, vm1, $0xb8;
	[tilespmem:$0xC080] =	vst v63  }
0xdc: {  	s19 =	simm.s32 $0x5480  }
0xdd: {  	[tilespmem:s19], [sflag:$0x1] =	stream.indirect_vreg.gather [hbm4b:s3+s2], $0x80, v3, vm0, $0xb8;
	[tilespmem:$0xC080] =	vst v63  }
0xde: {  	s20 =	simm.s32 $0x5C80  }
0xdf: {  	[tilespmem:s20], [sflag:$0x1] =	stream.indirect_vreg.gather [hbm4b:s4+s2], $0x80, v3, vm1, $0xb8;
	[tilespmem:$0xC080] =	vst v63  }
0xe0: {  	v3 =	vld [tilespmem:$0x40];
	_ =	sdelay $0x4  }
0xe1: {  	v44 =	vshrl.u32 v3, $0x3  }
0xe2: {  	v4 =	vmul.u32 $0x18, v44  }
0xe3: {  	v3 =	vand.u32 $0x7, v3  }
0xe4: {  	v3 =	vor.u32 v3, v4  }
0xe5: {  	v4 =	vperm.xlane v3, v0;
	_ =	sdelay $0x1  }
0xe6: {  	v4 =	vadd.s32 v1, v4;
	_ =	sdelay $0x1  }
0xe7: {  	v3 =	vperm.xlane v3, v2;
	_ =	sdelay $0x1  }
0xe8: {  	s0 =	simm.s32 $0x6080;
	v3 =	vadd.s32 v1, v3  }
0xe9: {  	[tilespmem:s0], [sflag:$0x1] =	stream.indirect_vreg.gather [hbm4b:s3+s2], $0x80, v4, vm0, $0xb8;
	[tilespmem:$0xC080] =	vst v63  }
0xea: {  	s1 =	simm.s32 $0x6880  }
0xeb: {  	[tilespmem:s1], [sflag:$0x1] =	stream.indirect_vreg.gather [hbm4b:s4+s2], $0x80, v4, vm1, $0xb8;
	[tilespmem:$0xC080] =	vst v63  }
0xec: {  	s7 =	simm.s32 $0x6C80  }
0xed: {  	[tilespmem:s7], [sflag:$0x1] =	stream.indirect_vreg.gather [hbm4b:s3+s2], $0x80, v3, vm0, $0xb8;
	[tilespmem:$0xC080] =	vst v63  }
0xee: {  	s11 =	simm.s32 $0x7480  }
0xef: {  	[tilespmem:s11], [sflag:$0x1] =	stream.indirect_vreg.gather [hbm4b:s4+s2], $0x80, v3, vm1, $0xb8;
	[tilespmem:$0xC080] =	vst v63  }
0xf0: {  	v3 =	vld [tilespmem:$0x50];
	_ =	sdelay $0x4  }
0xf1: {  	v45 =	vshrl.u32 v3, $0x3  }
0xf2: {  	v4 =	vmul.u32 $0x18, v45  }
0xf3: {  	v3 =	vand.u32 $0x7, v3  }
0xf4: {  	v3 =	vor.u32 v3, v4  }
0xf5: {  	v4 =	vperm.xlane v3, v0;
	_ =	sdelay $0x1  }
0xf6: {  	v4 =	vadd.s32 v1, v4;
	_ =	sdelay $0x1  }
0xf7: {  	v3 =	vperm.xlane v3, v2;
	_ =	sdelay $0x1  }
0xf8: {  	s8 =	simm.s32 $0x7880;
	v3 =	vadd.s32 v1, v3  }
0xf9: {  	[tilespmem:s8], [sflag:$0x1] =	stream.indirect_vreg.gather [hbm4b:s3+s2], $0x80, v4, vm0, $0xb8;
	[tilespmem:$0xC080] =	vst v63  }
0xfa: {  	s9 =	simm.s32 $0x8080  }
0xfb: {  	[tilespmem:s9], [sflag:$0x1] =	stream.indirect_vreg.gather [hbm4b:s4+s2], $0x80, v4, vm1, $0xb8;
	[tilespmem:$0xC080] =	vst v63  }
0xfc: {  	s10 =	simm.s32 $0x8480  }
0xfd: {  	[tilespmem:s10], [sflag:$0x1] =	stream.indirect_vreg.gather [hbm4b:s3+s2], $0x80, v3, vm0, $0xb8;
	[tilespmem:$0xC080] =	vst v63  }
0xfe: {  	s23 =	simm.s32 $0x8C80  }
0xff: {  	[tilespmem:s23], [sflag:$0x1] =	stream.indirect_vreg.gather [hbm4b:s4+s2], $0x80, v3, vm1, $0xb8;
	[tilespmem:$0xC080] =	vst v63  }
0x100: {  	v3 =	vld [tilespmem:$0x60];
	_ =	sdelay $0x4  }
0x101: {  	v46 =	vshrl.u32 v3, $0x3  }
0x102: {  	v4 =	vmul.u32 $0x18, v46  }
0x103: {  	v3 =	vand.u32 $0x7, v3  }
0x104: {  	v3 =	vor.u32 v3, v4  }
0x105: {  	v4 =	vperm.xlane v3, v0;
	_ =	sdelay $0x1  }
0x106: {  	v4 =	vadd.s32 v1, v4;
	_ =	sdelay $0x1  }
0x107: {  	v3 =	vperm.xlane v3, v2;
	_ =	sdelay $0x1  }
0x108: {  	s30 =	simm.s32 $0x9080;
	v3 =	vadd.s32 v1, v3  }
0x109: {  	[tilespmem:s30], [sflag:$0x1] =	stream.indirect_vreg.gather [hbm4b:s3+s2], $0x80, v4, vm0, $0xb8;
	[tilespmem:$0xC080] =	vst v63  }
0x10a: {  	s28 =	simm.s32 $0x9880  }
0x10b: {  	[tilespmem:s28], [sflag:$0x1] =	stream.indirect_vreg.gather [hbm4b:s4+s2], $0x80, v4, vm1, $0xb8;
	[tilespmem:$0xC080] =	vst v63  }
0x10c: {  	s29 =	simm.s32 $0x9C80  }
0x10d: {  	[tilespmem:s29], [sflag:$0x1] =	stream.indirect_vreg.gather [hbm4b:s3+s2], $0x80, v3, vm0, $0xb8;
	[tilespmem:$0xC080] =	vst v63  }
0x10e: {  	s22 =	simm.s32 $0xA480  }
0x10f: {  	[tilespmem:s22], [sflag:$0x1] =	stream.indirect_vreg.gather [hbm4b:s4+s2], $0x80, v3, vm1, $0xb8;
	[tilespmem:$0xC080] =	vst v63  }
0x110: {  	v3 =	vld [tilespmem:$0x70];
	_ =	sdelay $0x4  }
0x111: {  	v47 =	vshrl.u32 v3, $0x3  }
0x112: {  	v4 =	vmul.u32 $0x18, v47  }
0x113: {  	v3 =	vand.u32 $0x7, v3  }
0x114: {  	v3 =	vor.u32 v3, v4  }
0x115: {  	v4 =	vperm.xlane v3, v0;
	_ =	sdelay $0x1  }
0x116: {  	v4 =	vadd.s32 v1, v4;
	_ =	sdelay $0x1  }
0x117: {  	v3 =	vperm.xlane v3, v2;
	_ =	sdelay $0x1  }
0x118: {  	s28 =	simm.s32 $0xA880;
	v3 =	vadd.s32 v1, v3  }
0x119: {  	[tilespmem:s28], [sflag:$0x1] =	stream.indirect_vreg.gather [hbm4b:s3+s2], $0x80, v4, vm0, $0xb8;
	[tilespmem:$0xC080] =	vst v63  }
0x11a: {  	s29 =	simm.s32 $0xB080  }
0x11b: {  	[tilespmem:s29], [sflag:$0x1] =	stream.indirect_vreg.gather [hbm4b:s4+s2], $0x80, v4, vm1, $0xb8;
	[tilespmem:$0xC080] =	vst v63  }
0x11c: {  	s30 =	simm.s32 $0xB480  }
0x11d: {  	[tilespmem:s30], [sflag:$0x1] =	stream.indirect_vreg.gather [hbm4b:s3+s2], $0x80, v3, vm0, $0xb8;
	[tilespmem:$0xC080] =	vst v63  }
0x11e: {  	s21 =	simm.s32 $0xBC80  }
0x11f: {  	[tilespmem:s21], [sflag:$0x1] =	stream.indirect_vreg.gather [hbm4b:s4+s2], $0x80, v3, vm1, $0xb8;
	[tilespmem:$0xC080] =	vst v63  }
0x120: {  	_ =	swait.ge [sflag:s14], $0xC000  }
0x121: {  	[sflag:s14] =	ssyncset.done $0x0  }
0x122: {  	s21 =	rddreg [dreg:$0x5];
	[sflag:s14] =	ssyncadd.s32 $0xFFFF4000  }
0x123: {  	[hbm4b:s21+s2] =	stream.linear.scatter [tilespmem:s25], [sflag:$0x2], $0xC000, $0x38;
	[tilespmem:$0xC080] =	vst v63  }
0x124: {  	_ =	swait.ge [sflag:s6], $0xC000  }
0x125: {  	[sflag:s6] =	ssyncset.done $0x0  }
0x126: {  	s22 =	rddreg [dreg:$0x6];
	[sflag:s6] =	ssyncadd.s32 $0xFFFF4000  }
0x127: {  	[tilespmem:s2], [sflag:$0x2] =	stream.linear.gather [hbm4b:s22+s2], $0x80, $0x38;
	[tilespmem:$0xC080] =	vst v63  }
0x128: {  	_ =	swait.ge [sflag:s6], $0x80  }
0x129: {  	[sflag:s6] =	ssyncset.done $0x0  }
0x12a: {  	[sflag:s6] =	ssyncadd.s32 $0xFFFFFF80  }
0x12b: {  	v3 =	vld [tilespmem:$0x0];
	_ =	sdelay $0x4  }
0x12c: {  	v48 =	vshrl.u32 v3, $0x3  }
0x12d: {  	v4 =	vmul.u32 $0x18, v48  }
0x12e: {  	v3 =	vand.u32 $0x7, v3  }
0x12f: {  	v3 =	vor.u32 v3, v4  }
0x130: {  	v4 =	vperm.xlane v3, v0;
	_ =	sdelay $0x1  }
0x131: {  	v4 =	vadd.s32 v1, v4;
	_ =	sdelay $0x1  }
0x132: {  	v3 =	vperm.xlane v3, v2;
	_ =	sdelay $0x1  }
0x133: {  	v3 =	vadd.s32 v1, v3  }
0x134: {  	[tilespmem:s25], [sflag:$0x1] =	stream.indirect_vreg.gather [hbm4b:s3+s2], $0x80, v4, vm0, $0xb8;
	[tilespmem:$0xC080] =	vst v63  }
0x135: {  	s26 =	simm.s32 $0x880  }
0x136: {  	[tilespmem:s26], [sflag:$0x1] =	stream.indirect_vreg.gather [hbm4b:s4+s2], $0x80, v4, vm1, $0xb8;
	[tilespmem:$0xC080] =	vst v63  }
0x137: {  	s26 =	simm.s32 $0xC80  }
0x138: {  	[tilespmem:s26], [sflag:$0x1] =	stream.indirect_vreg.gather [hbm4b:s3+s2], $0x80, v3, vm0, $0xb8;
	[tilespmem:$0xC080] =	vst v63  }
0x139: {  	_ = 	snop  }
0x13a: {  	[tilespmem:s16], [sflag:$0x1] =	stream.indirect_vreg.gather [hbm4b:s4+s2], $0x80, v3, vm1, $0xb8;
	[tilespmem:$0xC080] =	vst v63  }
0x13b: {  	v3 =	vld [tilespmem:$0x10];
	_ =	sdelay $0x4  }
0x13c: {  	v49 =	vshrl.u32 v3, $0x3  }
0x13d: {  	v4 =	vmul.u32 $0x18, v49  }
0x13e: {  	v3 =	vand.u32 $0x7, v3  }
0x13f: {  	v3 =	vor.u32 v3, v4  }
0x140: {  	v4 =	vperm.xlane v3, v0;
	_ =	sdelay $0x1  }
0x141: {  	v4 =	vadd.s32 v1, v4;
	_ =	sdelay $0x1  }
0x142: {  	v3 =	vperm.xlane v3, v2;
	_ =	sdelay $0x1  }
0x143: {  	s16 =	simm.s32 $0x1880;
	v3 =	vadd.s32 v1, v3  }
0x144: {  	[tilespmem:s16], [sflag:$0x1] =	stream.indirect_vreg.gather [hbm4b:s3+s2], $0x80, v4, vm0, $0xb8;
	[tilespmem:$0xC080] =	vst v63  }
0x145: {  	s26 =	simm.s32 $0x2080  }
0x146: {  	[tilespmem:s26], [sflag:$0x1] =	stream.indirect_vreg.gather [hbm4b:s4+s2], $0x80, v4, vm1, $0xb8;
	[tilespmem:$0xC080] =	vst v63  }
0x147: {  	s16 =	simm.s32 $0x2480  }
0x148: {  	[tilespmem:s16], [sflag:$0x1] =	stream.indirect_vreg.gather [hbm4b:s3+s2], $0x80, v3, vm0, $0xb8;
	[tilespmem:$0xC080] =	vst v63  }
0x149: {  	s26 =	simm.s32 $0x2C80  }
0x14a: {  	[tilespmem:s26], [sflag:$0x1] =	stream.indirect_vreg.gather [hbm4b:s4+s2], $0x80, v3, vm1, $0xb8;
	[tilespmem:$0xC080] =	vst v63  }
0x14b: {  	v3 =	vld [tilespmem:$0x20];
	_ =	sdelay $0x4  }
0x14c: {  	v50 =	vshrl.u32 v3, $0x3  }
0x14d: {  	v4 =	vmul.u32 $0x18, v50  }
0x14e: {  	v3 =	vand.u32 $0x7, v3  }
0x14f: {  	v3 =	vor.u32 v3, v4  }
0x150: {  	v4 =	vperm.xlane v3, v0;
	_ =	sdelay $0x1  }
0x151: {  	v4 =	vadd.s32 v1, v4;
	_ =	sdelay $0x1  }
0x152: {  	v3 =	vperm.xlane v3, v2;
	_ =	sdelay $0x1  }
0x153: {  	s16 =	simm.s32 $0x3080;
	v3 =	vadd.s32 v1, v3  }
0x154: {  	[tilespmem:s16], [sflag:$0x1] =	stream.indirect_vreg.gather [hbm4b:s3+s2], $0x80, v4, vm0, $0xb8;
	[tilespmem:$0xC080] =	vst v63  }
0x155: {  	_ = 	snop  }
0x156: {  	[tilespmem:s24], [sflag:$0x1] =	stream.indirect_vreg.gather [hbm4b:s4+s2], $0x80, v4, vm1, $0xb8;
	[tilespmem:$0xC080] =	vst v63  }
0x157: {  	_ = 	snop  }
0x158: {  	[tilespmem:s12], [sflag:$0x1] =	stream.indirect_vreg.gather [hbm4b:s3+s2], $0x80, v3, vm0, $0xb8;
	[tilespmem:$0xC080] =	vst v63  }
0x159: {  	_ = 	snop  }
0x15a: {  	[tilespmem:s13], [sflag:$0x1] =	stream.indirect_vreg.gather [hbm4b:s4+s2], $0x80, v3, vm1, $0xb8;
	[tilespmem:$0xC080] =	vst v63  }
0x15b: {  	v3 =	vld [tilespmem:$0x30];
	_ =	sdelay $0x4  }
0x15c: {  	v51 =	vshrl.u32 v3, $0x3  }
0x15d: {  	v4 =	vmul.u32 $0x18, v51  }
0x15e: {  	v3 =	vand.u32 $0x7, v3  }
0x15f: {  	v3 =	vor.u32 v3, v4  }
0x160: {  	v4 =	vperm.xlane v3, v0;
	_ =	sdelay $0x1  }
0x161: {  	v4 =	vadd.s32 v1, v4;
	_ =	sdelay $0x1  }
0x162: {  	v3 =	vperm.xlane v3, v2;
	_ =	sdelay $0x1  }
0x163: {  	v3 =	vadd.s32 v1, v3  }
0x164: {  	[tilespmem:s17], [sflag:$0x1] =	stream.indirect_vreg.gather [hbm4b:s3+s2], $0x80, v4, vm0, $0xb8;
	[tilespmem:$0xC080] =	vst v63  }
0x165: {  	_ = 	snop  }
0x166: {  	[tilespmem:s18], [sflag:$0x1] =	stream.indirect_vreg.gather [hbm4b:s4+s2], $0x80, v4, vm1, $0xb8;
	[tilespmem:$0xC080] =	vst v63  }
0x167: {  	_ = 	snop  }
0x168: {  	[tilespmem:s19], [sflag:$0x1] =	stream.indirect_vreg.gather [hbm4b:s3+s2], $0x80, v3, vm0, $0xb8;
	[tilespmem:$0xC080] =	vst v63  }
0x169: {  	_ = 	snop  }
0x16a: {  	[tilespmem:s20], [sflag:$0x1] =	stream.indirect_vreg.gather [hbm4b:s4+s2], $0x80, v3, vm1, $0xb8;
	[tilespmem:$0xC080] =	vst v63  }
0x16b: {  	v3 =	vld [tilespmem:$0x40];
	_ =	sdelay $0x4  }
0x16c: {  	v52 =	vshrl.u32 v3, $0x3  }
0x16d: {  	v4 =	vmul.u32 $0x18, v52  }
0x16e: {  	v3 =	vand.u32 $0x7, v3  }
0x16f: {  	v3 =	vor.u32 v3, v4  }
0x170: {  	v4 =	vperm.xlane v3, v0;
	_ =	sdelay $0x1  }
0x171: {  	v4 =	vadd.s32 v1, v4;
	_ =	sdelay $0x1  }
0x172: {  	v3 =	vperm.xlane v3, v2;
	_ =	sdelay $0x1  }
0x173: {  	v3 =	vadd.s32 v1, v3  }
0x174: {  	[tilespmem:s0], [sflag:$0x1] =	stream.indirect_vreg.gather [hbm4b:s3+s2], $0x80, v4, vm0, $0xb8;
	[tilespmem:$0xC080] =	vst v63  }
0x175: {  	_ = 	snop  }
0x176: {  	[tilespmem:s1], [sflag:$0x1] =	stream.indirect_vreg.gather [hbm4b:s4+s2], $0x80, v4, vm1, $0xb8;
	[tilespmem:$0xC080] =	vst v63  }
0x177: {  	_ = 	snop  }
0x178: {  	[tilespmem:s7], [sflag:$0x1] =	stream.indirect_vreg.gather [hbm4b:s3+s2], $0x80, v3, vm0, $0xb8;
	[tilespmem:$0xC080] =	vst v63  }
0x179: {  	_ = 	snop  }
0x17a: {  	[tilespmem:s11], [sflag:$0x1] =	stream.indirect_vreg.gather [hbm4b:s4+s2], $0x80, v3, vm1, $0xb8;
	[tilespmem:$0xC080] =	vst v63  }
0x17b: {  	v3 =	vld [tilespmem:$0x50];
	_ =	sdelay $0x4  }
0x17c: {  	v53 =	vshrl.u32 v3, $0x3  }
0x17d: {  	v4 =	vmul.u32 $0x18, v53  }
0x17e: {  	v3 =	vand.u32 $0x7, v3  }
0x17f: {  	v3 =	vor.u32 v3, v4  }
0x180: {  	v4 =	vperm.xlane v3, v0;
	_ =	sdelay $0x1  }
0x181: {  	v4 =	vadd.s32 v1, v4;
	_ =	sdelay $0x1  }
0x182: {  	v3 =	vperm.xlane v3, v2;
	_ =	sdelay $0x1  }
0x183: {  	v3 =	vadd.s32 v1, v3  }
0x184: {  	[tilespmem:s8], [sflag:$0x1] =	stream.indirect_vreg.gather [hbm4b:s3+s2], $0x80, v4, vm0, $0xb8;
	[tilespmem:$0xC080] =	vst v63  }
0x185: {  	_ = 	snop  }
0x186: {  	[tilespmem:s9], [sflag:$0x1] =	stream.indirect_vreg.gather [hbm4b:s4+s2], $0x80, v4, vm1, $0xb8;
	[tilespmem:$0xC080] =	vst v63  }
0x187: {  	_ = 	snop  }
0x188: {  	[tilespmem:s10], [sflag:$0x1] =	stream.indirect_vreg.gather [hbm4b:s3+s2], $0x80, v3, vm0, $0xb8;
	[tilespmem:$0xC080] =	vst v63  }
0x189: {  	s26 =	simm.s32 $0x8C80  }
0x18a: {  	[tilespmem:s26], [sflag:$0x1] =	stream.indirect_vreg.gather [hbm4b:s4+s2], $0x80, v3, vm1, $0xb8;
	[tilespmem:$0xC080] =	vst v63  }
0x18b: {  	v3 =	vld [tilespmem:$0x60];
	_ =	sdelay $0x4  }
0x18c: {  	v54 =	vshrl.u32 v3, $0x3  }
0x18d: {  	v4 =	vmul.u32 $0x18, v54  }
0x18e: {  	v3 =	vand.u32 $0x7, v3  }
0x18f: {  	v3 =	vor.u32 v3, v4  }
0x190: {  	v4 =	vperm.xlane v3, v0;
	_ =	sdelay $0x1  }
0x191: {  	v4 =	vadd.s32 v1, v4;
	_ =	sdelay $0x1  }
0x192: {  	v3 =	vperm.xlane v3, v2;
	_ =	sdelay $0x1  }
0x193: {  	s31 =	simm.s32 $0x9080;
	v3 =	vadd.s32 v1, v3  }
0x194: {  	[tilespmem:s31], [sflag:$0x1] =	stream.indirect_vreg.gather [hbm4b:s3+s2], $0x80, v4, vm0, $0xb8;
	[tilespmem:$0xC080] =	vst v63  }
0x195: {  	s24 =	simm.s32 $0x9880  }
0x196: {  	[tilespmem:s24], [sflag:$0x1] =	stream.indirect_vreg.gather [hbm4b:s4+s2], $0x80, v4, vm1, $0xb8;
	[tilespmem:$0xC080] =	vst v63  }
0x197: {  	s23 =	simm.s32 $0x9C80  }
0x198: {  	[tilespmem:s23], [sflag:$0x1] =	stream.indirect_vreg.gather [hbm4b:s3+s2], $0x80, v3, vm0, $0xb8;
	[tilespmem:$0xC080] =	vst v63  }
0x199: {  	s26 =	simm.s32 $0xA480  }
0x19a: {  	[tilespmem:s26], [sflag:$0x1] =	stream.indirect_vreg.gather [hbm4b:s4+s2], $0x80, v3, vm1, $0xb8;
	[tilespmem:$0xC080] =	vst v63  }
0x19b: {  	v3 =	vld [tilespmem:$0x70];
	_ =	sdelay $0x4  }
0x19c: {  	v55 =	vshrl.u32 v3, $0x3  }
0x19d: {  	v4 =	vmul.u32 $0x18, v55  }
0x19e: {  	v3 =	vand.u32 $0x7, v3  }
0x19f: {  	v3 =	vor.u32 v3, v4  }
0x1a0: {  	v4 =	vperm.xlane v3, v0;
	_ =	sdelay $0x1  }
0x1a1: {  	v4 =	vadd.s32 v1, v4;
	_ =	sdelay $0x1  }
0x1a2: {  	v3 =	vperm.xlane v3, v2;
	_ =	sdelay $0x1  }
0x1a3: {  	s28 =	simm.s32 $0xA880;
	v3 =	vadd.s32 v1, v3  }
0x1a4: {  	[tilespmem:s28], [sflag:$0x1] =	stream.indirect_vreg.gather [hbm4b:s3+s2], $0x80, v4, vm0, $0xb8;
	[tilespmem:$0xC080] =	vst v63  }
0x1a5: {  	s29 =	simm.s32 $0xB080  }
0x1a6: {  	[tilespmem:s29], [sflag:$0x1] =	stream.indirect_vreg.gather [hbm4b:s4+s2], $0x80, v4, vm1, $0xb8;
	[tilespmem:$0xC080] =	vst v63  }
0x1a7: {  	s30 =	simm.s32 $0xB480  }
0x1a8: {  	[tilespmem:s30], [sflag:$0x1] =	stream.indirect_vreg.gather [hbm4b:s3+s2], $0x80, v3, vm0, $0xb8;
	[tilespmem:$0xC080] =	vst v63  }
0x1a9: {  	s29 =	simm.s32 $0xBC80  }
0x1aa: {  	[tilespmem:s29], [sflag:$0x1] =	stream.indirect_vreg.gather [hbm4b:s4+s2], $0x80, v3, vm1, $0xb8;
	[tilespmem:$0xC080] =	vst v63  }
0x1ab: {  	_ =	swait.ge [sflag:s14], $0xC000  }
0x1ac: {  	[sflag:s14] =	ssyncset.done $0x0  }
0x1ad: {  	s30 =	rddreg [dreg:$0x7];
	[sflag:s14] =	ssyncadd.s32 $0xFFFF4000  }
0x1ae: {  	[hbm4b:s30+s2] =	stream.linear.scatter [tilespmem:s25], [sflag:$0x2], $0xC000, $0x38;
	[tilespmem:$0xC080] =	vst v63  }
0x1af: {  	_ =	swait.ge [sflag:s6], $0xC000  }
0x1b0: {  	[sflag:s6] =	ssyncset.done $0x0  }
0x1b1: {  	s30 =	rddreg [dreg:$0x8];
	[sflag:s6] =	ssyncadd.s32 $0xFFFF4000  }
0x1b2: {  	[tilespmem:s2], [sflag:$0x2] =	stream.linear.gather [hbm4b:s30+s2], $0x80, $0x38;
	[tilespmem:$0xC080] =	vst v63  }
0x1b3: {  	_ =	swait.ge [sflag:s6], $0x80  }
0x1b4: {  	[sflag:s6] =	ssyncset.done $0x0  }
0x1b5: {  	[sflag:s6] =	ssyncadd.s32 $0xFFFFFF80  }
0x1b6: {  	v3 =	vld [tilespmem:$0x0];
	_ =	sdelay $0x4  }
0x1b7: {  	v56 =	vshrl.u32 v3, $0x3  }
0x1b8: {  	v4 =	vmul.u32 $0x18, v56  }
0x1b9: {  	v3 =	vand.u32 $0x7, v3  }
0x1ba: {  	v3 =	vor.u32 v3, v4  }
0x1bb: {  	v4 =	vperm.xlane v3, v0;
	_ =	sdelay $0x1  }
0x1bc: {  	v4 =	vadd.s32 v1, v4;
	_ =	sdelay $0x1  }
0x1bd: {  	v3 =	vperm.xlane v3, v2;
	_ =	sdelay $0x1  }
0x1be: {  	v3 =	vadd.s32 v1, v3  }
0x1bf: {  	[tilespmem:s25], [sflag:$0x1] =	stream.indirect_vreg.gather [hbm4b:s3+s2], $0x80, v4, vm0, $0xb8;
	[tilespmem:$0xC080] =	vst v63  }
0x1c0: {  	s22 =	simm.s32 $0x880  }
0x1c1: {  	[tilespmem:s22], [sflag:$0x1] =	stream.indirect_vreg.gather [hbm4b:s4+s2], $0x80, v4, vm1, $0xb8;
	[tilespmem:$0xC080] =	vst v63  }
0x1c2: {  	s30 =	simm.s32 $0xC80  }
0x1c3: {  	[tilespmem:s30], [sflag:$0x1] =	stream.indirect_vreg.gather [hbm4b:s3+s2], $0x80, v3, vm0, $0xb8;
	[tilespmem:$0xC080] =	vst v63  }
0x1c4: {  	s21 =	simm.s32 $0x1480  }
0x1c5: {  	[tilespmem:s21], [sflag:$0x1] =	stream.indirect_vreg.gather [hbm4b:s4+s2], $0x80, v3, vm1, $0xb8;
	[tilespmem:$0xC080] =	vst v63  }
0x1c6: {  	v3 =	vld [tilespmem:$0x10];
	_ =	sdelay $0x4  }
0x1c7: {  	v57 =	vshrl.u32 v3, $0x3  }
0x1c8: {  	v4 =	vmul.u32 $0x18, v57  }
0x1c9: {  	v3 =	vand.u32 $0x7, v3  }
0x1ca: {  	v3 =	vor.u32 v3, v4  }
0x1cb: {  	v4 =	vperm.xlane v3, v0;
	_ =	sdelay $0x1  }
0x1cc: {  	v4 =	vadd.s32 v1, v4;
	_ =	sdelay $0x1  }
0x1cd: {  	v3 =	vperm.xlane v3, v2;
	_ =	sdelay $0x1  }
0x1ce: {  	s22 =	simm.s32 $0x1880;
	v3 =	vadd.s32 v1, v3  }
0x1cf: {  	[tilespmem:s22], [sflag:$0x1] =	stream.indirect_vreg.gather [hbm4b:s3+s2], $0x80, v4, vm0, $0xb8;
	[tilespmem:$0xC080] =	vst v63  }
0x1d0: {  	s30 =	simm.s32 $0x2080  }
0x1d1: {  	[tilespmem:s30], [sflag:$0x1] =	stream.indirect_vreg.gather [hbm4b:s4+s2], $0x80, v4, vm1, $0xb8;
	[tilespmem:$0xC080] =	vst v63  }
0x1d2: {  	s21 =	simm.s32 $0x2480  }
0x1d3: {  	[tilespmem:s21], [sflag:$0x1] =	stream.indirect_vreg.gather [hbm4b:s3+s2], $0x80, v3, vm0, $0xb8;
	[tilespmem:$0xC080] =	vst v63  }
0x1d4: {  	s22 =	simm.s32 $0x2C80  }
0x1d5: {  	[tilespmem:s22], [sflag:$0x1] =	stream.indirect_vreg.gather [hbm4b:s4+s2], $0x80, v3, vm1, $0xb8;
	[tilespmem:$0xC080] =	vst v63  }
0x1d6: {  	v3 =	vld [tilespmem:$0x20];
	_ =	sdelay $0x4  }
0x1d7: {  	v58 =	vshrl.u32 v3, $0x3  }
0x1d8: {  	v4 =	vmul.u32 $0x18, v58  }
0x1d9: {  	v3 =	vand.u32 $0x7, v3  }
0x1da: {  	v3 =	vor.u32 v3, v4  }
0x1db: {  	v4 =	vperm.xlane v3, v0;
	_ =	sdelay $0x1  }
0x1dc: {  	v4 =	vadd.s32 v1, v4;
	_ =	sdelay $0x1  }
0x1dd: {  	v3 =	vperm.xlane v3, v2;
	_ =	sdelay $0x1  }
0x1de: {  	s30 =	simm.s32 $0x3080;
	v3 =	vadd.s32 v1, v3  }
0x1df: {  	[tilespmem:s30], [sflag:$0x1] =	stream.indirect_vreg.gather [hbm4b:s3+s2], $0x80, v4, vm0, $0xb8;
	[tilespmem:$0xC080] =	vst v63  }
0x1e0: {  	s16 =	simm.s32 $0x3880  }
0x1e1: {  	[tilespmem:s16], [sflag:$0x1] =	stream.indirect_vreg.gather [hbm4b:s4+s2], $0x80, v4, vm1, $0xb8;
	[tilespmem:$0xC080] =	vst v63  }
0x1e2: {  	s12 =	simm.s32 $0x3C80  }
0x1e3: {  	[tilespmem:s12], [sflag:$0x1] =	stream.indirect_vreg.gather [hbm4b:s3+s2], $0x80, v3, vm0, $0xb8;
	[tilespmem:$0xC080] =	vst v63  }
0x1e4: {  	s13 =	simm.s32 $0x4480  }
0x1e5: {  	[tilespmem:s13], [sflag:$0x1] =	stream.indirect_vreg.gather [hbm4b:s4+s2], $0x80, v3, vm1, $0xb8;
	[tilespmem:$0xC080] =	vst v63  }
0x1e6: {  	v3 =	vld [tilespmem:$0x30];
	_ =	sdelay $0x4  }
0x1e7: {  	v59 =	vshrl.u32 v3, $0x3  }
0x1e8: {  	v4 =	vmul.u32 $0x18, v59  }
0x1e9: {  	v3 =	vand.u32 $0x7, v3  }
0x1ea: {  	v3 =	vor.u32 v3, v4  }
0x1eb: {  	v4 =	vperm.xlane v3, v0;
	_ =	sdelay $0x1  }
0x1ec: {  	v4 =	vadd.s32 v1, v4;
	_ =	sdelay $0x1  }
0x1ed: {  	v3 =	vperm.xlane v3, v2;
	_ =	sdelay $0x1  }
0x1ee: {  	s17 =	simm.s32 $0x4880;
	v3 =	vadd.s32 v1, v3  }
0x1ef: {  	[tilespmem:s17], [sflag:$0x1] =	stream.indirect_vreg.gather [hbm4b:s3+s2], $0x80, v4, vm0, $0xb8;
	[tilespmem:$0xC080] =	vst v63  }
0x1f0: {  	s18 =	simm.s32 $0x5080  }
0x1f1: {  	[tilespmem:s18], [sflag:$0x1] =	stream.indirect_vreg.gather [hbm4b:s4+s2], $0x80, v4, vm1, $0xb8;
	[tilespmem:$0xC080] =	vst v63  }
0x1f2: {  	s19 =	simm.s32 $0x5480  }
0x1f3: {  	[tilespmem:s19], [sflag:$0x1] =	stream.indirect_vreg.gather [hbm4b:s3+s2], $0x80, v3, vm0, $0xb8;
	[tilespmem:$0xC080] =	vst v63  }
0x1f4: {  	s20 =	simm.s32 $0x5C80  }
0x1f5: {  	[tilespmem:s20], [sflag:$0x1] =	stream.indirect_vreg.gather [hbm4b:s4+s2], $0x80, v3, vm1, $0xb8;
	[tilespmem:$0xC080] =	vst v63  }
0x1f6: {  	v3 =	vld [tilespmem:$0x40];
	_ =	sdelay $0x4  }
0x1f7: {  	v60 =	vshrl.u32 v3, $0x3  }
0x1f8: {  	v4 =	vmul.u32 $0x18, v60  }
0x1f9: {  	v3 =	vand.u32 $0x7, v3  }
0x1fa: {  	v3 =	vor.u32 v3, v4  }
0x1fb: {  	v4 =	vperm.xlane v3, v0;
	_ =	sdelay $0x1  }
0x1fc: {  	v4 =	vadd.s32 v1, v4;
	_ =	sdelay $0x1  }
0x1fd: {  	v3 =	vperm.xlane v3, v2;
	_ =	sdelay $0x1  }
0x1fe: {  	s0 =	simm.s32 $0x6080;
	v3 =	vadd.s32 v1, v3  }
0x1ff: {  	[tilespmem:s0], [sflag:$0x1] =	stream.indirect_vreg.gather [hbm4b:s3+s2], $0x80, v4, vm0, $0xb8;
	[tilespmem:$0xC080] =	vst v63  }
0x200: {  	s1 =	simm.s32 $0x6880  }
0x201: {  	[tilespmem:s1], [sflag:$0x1] =	stream.indirect_vreg.gather [hbm4b:s4+s2], $0x80, v4, vm1, $0xb8;
	[tilespmem:$0xC080] =	vst v63  }
0x202: {  	s7 =	simm.s32 $0x6C80  }
0x203: {  	[tilespmem:s7], [sflag:$0x1] =	stream.indirect_vreg.gather [hbm4b:s3+s2], $0x80, v3, vm0, $0xb8;
	[tilespmem:$0xC080] =	vst v63  }
0x204: {  	s11 =	simm.s32 $0x7480  }
0x205: {  	[tilespmem:s11], [sflag:$0x1] =	stream.indirect_vreg.gather [hbm4b:s4+s2], $0x80, v3, vm1, $0xb8;
	[tilespmem:$0xC080] =	vst v63  }
0x206: {  	v3 =	vld [tilespmem:$0x50];
	_ =	sdelay $0x4  }
0x207: {  	v61 =	vshrl.u32 v3, $0x3  }
0x208: {  	v4 =	vmul.u32 $0x18, v61  }
0x209: {  	v3 =	vand.u32 $0x7, v3  }
0x20a: {  	v3 =	vor.u32 v3, v4  }
0x20b: {  	v4 =	vperm.xlane v3, v0;
	_ =	sdelay $0x1  }
0x20c: {  	v4 =	vadd.s32 v1, v4;
	_ =	sdelay $0x1  }
0x20d: {  	v3 =	vperm.xlane v3, v2;
	_ =	sdelay $0x1  }
0x20e: {  	s8 =	simm.s32 $0x7880;
	v3 =	vadd.s32 v1, v3  }
0x20f: {  	[tilespmem:s8], [sflag:$0x1] =	stream.indirect_vreg.gather [hbm4b:s3+s2], $0x80, v4, vm0, $0xb8;
	[tilespmem:$0xC080] =	vst v63  }
0x210: {  	s9 =	simm.s32 $0x8080  }
0x211: {  	[tilespmem:s9], [sflag:$0x1] =	stream.indirect_vreg.gather [hbm4b:s4+s2], $0x80, v4, vm1, $0xb8;
	[tilespmem:$0xC080] =	vst v63  }
0x212: {  	s10 =	simm.s32 $0x8480  }
0x213: {  	[tilespmem:s10], [sflag:$0x1] =	stream.indirect_vreg.gather [hbm4b:s3+s2], $0x80, v3, vm0, $0xb8;
	[tilespmem:$0xC080] =	vst v63  }
0x214: {  	s21 =	simm.s32 $0x8C80  }
0x215: {  	[tilespmem:s21], [sflag:$0x1] =	stream.indirect_vreg.gather [hbm4b:s4+s2], $0x80, v3, vm1, $0xb8;
	[tilespmem:$0xC080] =	vst v63  }
0x216: {  	v3 =	vld [tilespmem:$0x60];
	_ =	sdelay $0x4  }
0x217: {  	v62 =	vshrl.u32 v3, $0x3  }
0x218: {  	v4 =	vmul.u32 $0x18, v62  }
0x219: {  	v3 =	vand.u32 $0x7, v3  }
0x21a: {  	v3 =	vor.u32 v3, v4  }
0x21b: {  	v4 =	vperm.xlane v3, v0;
	_ =	sdelay $0x1  }
0x21c: {  	v4 =	vadd.s32 v1, v4;
	_ =	sdelay $0x1  }
0x21d: {  	v3 =	vperm.xlane v3, v2;
	_ =	sdelay $0x1  }
0x21e: {  	s31 =	simm.s32 $0x9080;
	v3 =	vadd.s32 v1, v3  }
0x21f: {  	[tilespmem:s31], [sflag:$0x1] =	stream.indirect_vreg.gather [hbm4b:s3+s2], $0x80, v4, vm0, $0xb8;
	[tilespmem:$0xC080] =	vst v63  }
0x220: {  	s22 =	simm.s32 $0x9880  }
0x221: {  	[tilespmem:s22], [sflag:$0x1] =	stream.indirect_vreg.gather [hbm4b:s4+s2], $0x80, v4, vm1, $0xb8;
	[tilespmem:$0xC080] =	vst v63  }
0x222: {  	s24 =	simm.s32 $0x9C80  }
0x223: {  	[tilespmem:s24], [sflag:$0x1] =	stream.indirect_vreg.gather [hbm4b:s3+s2], $0x80, v3, vm0, $0xb8;
	[tilespmem:$0xC080] =	vst v63  }
0x224: {  	s30 =	simm.s32 $0xA480  }
0x225: {  	[tilespmem:s30], [sflag:$0x1] =	stream.indirect_vreg.gather [hbm4b:s4+s2], $0x80, v3, vm1, $0xb8;
	[tilespmem:$0xC080] =	vst v63  }
0x226: {  	v3 =	vld [tilespmem:$0x70];
	_ =	sdelay $0x4  }
0x227: {  	v63 =	vshrl.u32 v3, $0x3  }
0x228: {  	v4 =	vmul.u32 $0x18, v63  }
0x229: {  	v3 =	vand.u32 $0x7, v3  }
0x22a: {  	v3 =	vor.u32 v3, v4  }
0x22b: {  	v4 =	vperm.xlane v3, v0;
	_ =	sdelay $0x1  }
0x22c: {  	v4 =	vadd.s32 v1, v4;
	_ =	sdelay $0x1  }
0x22d: {  	v3 =	vperm.xlane v3, v2;
	_ =	sdelay $0x1  }
0x22e: {  	s23 =	simm.s32 $0xA880;
	v3 =	vadd.s32 v1, v3  }
0x22f: {  	[tilespmem:s23], [sflag:$0x1] =	stream.indirect_vreg.gather [hbm4b:s3+s2], $0x80, v4, vm0, $0xb8;
	[tilespmem:$0xC080] =	vst v63  }
0x230: {  	s26 =	simm.s32 $0xB080  }
0x231: {  	[tilespmem:s26], [sflag:$0x1] =	stream.indirect_vreg.gather [hbm4b:s4+s2], $0x80, v4, vm1, $0xb8;
	[tilespmem:$0xC080] =	vst v63  }
0x232: {  	s28 =	simm.s32 $0xB480  }
0x233: {  	[tilespmem:s28], [sflag:$0x1] =	stream.indirect_vreg.gather [hbm4b:s3+s2], $0x80, v3, vm0, $0xb8;
	[tilespmem:$0xC080] =	vst v63  }
0x234: {  	s29 =	simm.s32 $0xBC80  }
0x235: {  	[tilespmem:s29], [sflag:$0x1] =	stream.indirect_vreg.gather [hbm4b:s4+s2], $0x80, v3, vm1, $0xb8;
	[tilespmem:$0xC080] =	vst v63  }
0x236: {  	_ =	swait.ge [sflag:s14], $0xC000  }
0x237: {  	p0 =	sne.s32 s5, $0x1;
	[sflag:s14] =	ssyncset.done $0x0  }
.Ltmp0:
0x238: {  	s31 =	rddreg [dreg:$0x9];
	[sflag:s14] =	ssyncadd.s32 $0xFFFF4000;
	(pc) =	sbr.rel @p0 .LBB2_1-.Ltmp0, $4  }
0x239: {  	[hbm4b:s31+s2] =	stream.linear.scatter [tilespmem:s25], [sflag:$0x2], $0xC000, $0x38;
	[tilespmem:$0xC080] =	vst v63  }
0x23a: {  	_ =	swait.ge [sflag:s6], $0xC000  }
0x23b: {  	[sflag:s6] =	ssyncset.done $0x0  }
0x23c: {  	s5 =	sadd.s32 $0xFFFFFFFF, s5;
	[sflag:s6] =	ssyncadd.s32 $0xFFFF4000  }
0x23d: {  	_ =	sfence.sel $0x180000  }
0x23e: {  	[bflag:$0x0] =	sbarrier.arrive $0xFFFF  }
0x23f: {  	_ =	strace $0x90000047  }
0x240: {  	s0 =	stileid.u32;
	[bflag:$0x2] =	sbarrier.arrive $0xFFFF  }
0x241: {  	p0 =	sne.s32 s0, $0x0;
	s0 =	rddreg [dreg:$0x1]  }
0x242: {  	s0 =	sadd.s32 @!p0 $0x100000, s0  }
0x243: {  	[sflag:s0] =	ssyncadd.tile.s32 @!p0 $0x1;
	_ =	shalt  }
.Lfunc_end2:
_tile_overlayer_lowered:
.L_overlay_start_2:
0x244: {  	(tag) =	ssettag $0x2  }
0x245: {  	s0 =	rddreg [dreg:$0x0];
	s2 =	stileid.u32  }
0x246: {  	s1 =	rddreg [dreg:$0x1];
	p0 =	sne.s32 s2, $0x0  }
0x247: {  	s3 =	rddreg [dreg:$0x2];
	[bflag:$0x3] =	sbarrier.arrive $0xFFFF;
	s2 =	simm.s32 @!p0 $0x1C02  }
0x248: {  	[timem:s3], [sflag:s2] =	dma.local @!p0 [hbm:s0], s1  }
0x249: {  	s0 =	simm.s32 @!p0 $0x2  }
0x24a: {  	_ =	swait.ge @!p0 [sflag:s0], s1  }
0x24b: {  	s1 =	ssub.s32 @!p0 $0x0, s1;
	[sflag:s0] =	ssyncset.done @!p0 $0x0  }
0x24c: {  	[sflag:s0] =	ssyncadd.s32 @!p0 s1  }
0x24d: {  	[bflag:$0x3] =	sbarrier.arrive $0xFFFF  }
0x24e: {  	_ =	shalt  }

</sc_bundles>
